<compile_context>
chip_gen: v7x
topology: tpu7x:2x2x1
jax: 0.10.2.dev20260603
libtpu: 0.0.44.dev20260713+nightly
codegen_flags: <defaults>
</compile_context>

<pallas_src>
import functools
import numpy as np
import jax
import jax.numpy as jnp
from jax import lax
from jax.experimental import pallas as pl
from jax.experimental.pallas import tpu as pltpu
from jax.experimental.pallas import tpu_sc as plsc

NUM_ACT = 3
IHT = 65536
T = 32
B = 2048
LANES = 16
NC = 2
NW = 32
BPW = B // NW
CH = BPW // LANES
CT = 4096
NTILE = 16
CT3 = NUM_ACT * CT
CT_SLICE = CT3 // NTILE

_ct3 = np.zeros((CT3,), dtype=np.int64)
for _a in range(NUM_ACT):
    for _j in range(CT):
        _t = _j >> 7
        _c0 = (_j >> 4) & 7
        _c1 = (_j & 15) - 8
        _h = (_t * 2654435761 + _c0 * 1013904223 + _c1 * 1664525) % (1 << 32) % IHT
        _ct3[_a * CT + _j] = _a * IHT + _h
_CT3_IDX = _ct3.astype(np.int32)

_KT8 = [np.int32((_t << 7) + 8) for _t in range(T)]


def _ifloor(x):
    t = x.astype(jnp.int32)
    return jnp.where(t.astype(jnp.float32) > x, t - np.int32(1), t)


def _body(state_hbm, wflat_hbm, ct_hbm, out_hbm,
          ang_v, vel_v, ctl_v, gw_v, ctw_v, accst, out_stage, shared, sem):
    cid = lax.axis_index("c")
    sid = lax.axis_index("s")
    wid = sid * NC + cid
    base = wid * BPW

    pltpu.sync_copy(ct_hbm.at[pl.ds(sid * CT_SLICE, CT_SLICE)], ctl_v)
    cp = pltpu.async_copy(wflat_hbm.at[ctl_v], gw_v, sem)
    pltpu.sync_copy(state_hbm.at[0, pl.ds(base, BPW)], ang_v)
    pltpu.sync_copy(state_hbm.at[1, pl.ds(base, BPW)], vel_v)
    cp.wait()
    pltpu.sync_copy(gw_v, shared.at[pl.ds(sid * CT_SLICE, CT_SLICE)])

    plsc.subcore_barrier()

    pltpu.sync_copy(shared, ctw_v)

    lane = lax.iota(jnp.int32, LANES)
    tsel = (lane % np.int32(3)) * np.int32(LANES)
    for c in range(CH):
        a = ang_v[pl.ds(c * LANES, LANES)]
        v = vel_v[pl.ds(c * LANES, LANES)]
        a_s = (a + np.float32(-np.pi)) / np.float32(np.pi * 2.0) * np.float32(8)
        v_s = (v + np.float32(-np.pi * 2.0)) / np.float32(4.0 * np.pi) * np.float32(8)
        q0 = _ifloor(a_s * np.float32(32))
        q1 = _ifloor(v_s * np.float32(32))
        acc0 = acc1 = acc2 = None
        for t in range(T):
            kp = jnp.bitwise_and((q0 + np.int32(t)) >> 1, np.int32(0x70))
            c1 = (q1 + np.int32((3 * t) & 31)) >> 5
            key = (_KT8[t] + kp) + c1
            g0v = plsc.load_gather(ctw_v, [key])
            g1v = plsc.load_gather(ctw_v, [key + np.int32(CT)])
            g2v = plsc.load_gather(ctw_v, [key + np.int32(2 * CT)])
            acc0 = g0v if acc0 is None else acc0 + g0v
            acc1 = g1v if acc1 is None else acc1 + g1v
            acc2 = g2v if acc2 is None else acc2 + g2v
        accst[pl.ds(0, LANES)] = acc0
        accst[pl.ds(LANES, LANES)] = acc1
        accst[pl.ds(2 * LANES, LANES)] = acc2
        for i in range(LANES):
            row = plsc.load_gather(accst, [tsel + np.int32(i)])
            out_stage[pl.ds((c * LANES + i) * LANES, LANES)] = row

    pltpu.sync_copy(out_stage, out_hbm.at[pl.ds(base * LANES, BPW * LANES)])


@functools.cache
def _make_sc_call():
    mesh = plsc.VectorSubcoreMesh(core_axis_name="c", subcore_axis_name="s")
    return pl.kernel(
        _body,
        out_type=jax.ShapeDtypeStruct((B * LANES,), jnp.float32),
        mesh=mesh,
        compiler_params=pltpu.CompilerParams(use_tc_tiling_on_sc=False,
                                             needs_layout_passes=False),
        scratch_types=[
            pltpu.VMEM((BPW,), jnp.float32),
            pltpu.VMEM((BPW,), jnp.float32),
            pltpu.VMEM((CT_SLICE,), jnp.int32),
            pltpu.VMEM((CT_SLICE,), jnp.float32),
            pltpu.VMEM((CT3,), jnp.float32),
            pltpu.VMEM((NUM_ACT * LANES,), jnp.float32),
            pltpu.VMEM((BPW * LANES,), jnp.float32),
            pltpu.VMEM_SHARED((CT3,), jnp.float32),
            pltpu.SemaphoreType.DMA,
        ],
    )


def kernel(state, W, b):
    out = _make_sc_call()(state, W.reshape(NUM_ACT * IHT), jnp.asarray(_CT3_IDX))
    return out.reshape(B, LANES)[:, :NUM_ACT] + b

# --- scband reference (transcript-rebuilt; emitter-appended) ---
"""Pipeline reference for scband-pendulum-tile-coder-py-torch-76596446756969 (READ-ONLY COPY).

The authoritative reference and input builder live on the scoring server;
editing this copy changes nothing except your own understanding.
"""

import jax, jax.numpy as jnp
import numpy as np

NUM_ACTIONS = 3
IHT_SIZE = 65536
NUM_TILINGS = 32
NUM_TILES = 8
BATCH = 2048


def setup_inputs(seed: int = 0) -> dict:
    key = jax.random.key(seed)
    k1, k2, k3 = jax.random.split(key, 3)
    # angle in [-pi, pi], angular velocity in [-2*pi, 2*pi], batched
    angle = jax.random.uniform(k1, (BATCH,), minval=-np.pi, maxval=np.pi, dtype=jnp.float32)
    ang_vel = jax.random.uniform(k2, (BATCH,), minval=-2.0 * np.pi, maxval=2.0 * np.pi, dtype=jnp.float32)
    state = jnp.stack([angle, ang_vel], axis=0)  # [2, B], unpacks as angle, ang_vel = state
    W = jax.random.normal(k3, (NUM_ACTIONS, IHT_SIZE), dtype=jnp.float32) * 0.01
    b = jnp.zeros((NUM_ACTIONS,), dtype=jnp.float32)
    return {"state": state, "W": W, "b": b}


def _get_tiles(angle, ang_vel):
    # Faithful vectorized port of tiles3.tileswrap with wrapwidths=[num_tiles, False].
    # The index-hash-table (IHT) hash is replaced by a deterministic multiplicative
    # hash of the (tiling, c0, c1) coordinate tuple into iht_size buckets.
    min_angle = -np.pi
    min_vel = -np.pi * 2.0
    angle_range = np.pi * 2.0
    vel_range = 4.0 * np.pi
    angle_scaled = (angle + min_angle) / angle_range * NUM_TILES
    ang_vel_scaled = (ang_vel + min_vel) / vel_range * NUM_TILES
    q0 = jnp.floor(angle_scaled * NUM_TILINGS).astype(jnp.int32)  # [B]
    q1 = jnp.floor(ang_vel_scaled * NUM_TILINGS).astype(jnp.int32)  # [B]
    tilings = jnp.arange(NUM_TILINGS, dtype=jnp.int32)[:, None]  # [T, 1]
    # tiles3: b starts at tiling, increments by 2*tiling per coordinate
    c0 = jnp.floor_divide(q0[None, :] + (tilings % NUM_TILINGS), NUM_TILINGS) % NUM_TILES  # wrapped dim
    c1 = jnp.floor_divide(q1[None, :] + ((3 * tilings) % NUM_TILINGS), NUM_TILINGS)  # unwrapped dim
    idx = (tilings.astype(jnp.uint32) * jnp.uint32(2654435761)
           + c0.astype(jnp.uint32) * jnp.uint32(1013904223)
           + c1.astype(jnp.uint32) * jnp.uint32(1664525)) % jnp.uint32(IHT_SIZE)
    return idx.astype(jnp.int32)  # [T, B] active tile indices per state


def reference(state, W, b):
    angle, ang_vel = state[0], state[1]
    tiles = jax.lax.stop_gradient(_get_tiles(angle, ang_vel))  # [T, B]
    B = state.shape[1]
    batch_idx = jnp.broadcast_to(jnp.arange(B, dtype=jnp.int32)[None, :], tiles.shape)
    # one-hot encoding: scatter-overwrite 1.0 at active tiles
    x = jnp.zeros((B, IHT_SIZE), dtype=jnp.float32).at[batch_idx.reshape(-1), tiles.reshape(-1)].set(1.0)
    # linear layer: x @ W^T + b
    return x @ W.T + b

if __name__ == "__main__":
    import jax
    _d = setup_inputs()
    print(jax.jit(kernel)(*tuple(_d.values())))

</pallas_src>

<mosaic_0001>
#map = affine_map<(d0, d1) -> (0, 0)>
#map1 = affine_map<(d0, d1) -> (0)>
module attributes {stable_mosaic.version = 14 : i64} {
  func.func @_body(%arg0: i32, %arg1: i32, %arg2: memref<2x2048xf32, #tpu.memory_space<hbm>>, %arg3: memref<196608xf32, #tpu.memory_space<hbm>>, %arg4: memref<12288xi32, #tpu.memory_space<hbm>>, %arg5: memref<32768xf32, #tpu.memory_space<hbm>>, %arg6: memref<64xf32, #tpu.memory_space<vmem>>, %arg7: memref<64xf32, #tpu.memory_space<vmem>>, %arg8: memref<768xi32, #tpu.memory_space<vmem>>, %arg9: memref<768xf32, #tpu.memory_space<vmem>>, %arg10: memref<12288xf32, #tpu.memory_space<vmem>>, %arg11: memref<48xf32, #tpu.memory_space<vmem>>, %arg12: memref<1024xf32, #tpu.memory_space<vmem>>, %arg13: memref<12288xf32, #tpu.memory_space<vmem_shared>>, %arg14: memref<!tpu.dma_semaphore, #tpu.memory_space<semaphore_mem>>) attributes {dimension_semantics = [#tpu.dimension_semantics<core_parallel>, #tpu.dimension_semantics<subcore_parallel>], iteration_bounds = array<i64: 2, 16>, scalar_prefetch = 0 : i64, scratch_operands = 9 : i64, tpu.core_type = #tpu.core_type<sc_vector_subcore>, window_params = [{transform_indices = #map}, {transform_indices = #map1}, {transform_indices = #map1}, {transform_indices = #map1}]} {
    %mul3A = arith.constant 2 : i32
    %mul3A_0 = arith.muli %arg1, %mul3A : i32
    %add3A = arith.addi %mul3A_0, %arg0 : i32
    %mul3A_1 = arith.constant 64 : i32
    %mul3A_2 = arith.muli %add3A, %mul3A_1 : i32
    %mul3A_3 = arith.constant 768 : i32
    %mul3A_4 = arith.muli %arg1, %mul3A_3 : i32
    "tpu.region"() ({
      %run_scoped3A_4554 = tpu.sem_alloc : memref<!tpu.dma_semaphore, #tpu.memory_space<semaphore_mem>>
      %dma_start3A_4555 = tpu.memref_slice %arg4[%mul3A_4] : memref<12288xi32, #tpu.memory_space<hbm>> -> memref<768xi32, #tpu.memory_space<hbm>>
      %dma_start3A_4556 = tpu.memref_slice %arg4[%mul3A_4] : memref<12288xi32, #tpu.memory_space<hbm>> -> memref<768xi32, #tpu.memory_space<hbm>>
      tpu.enqueue_dma source(%dma_start3A_4556 : memref<768xi32, #tpu.memory_space<hbm>>) target(%arg8 : memref<768xi32, #tpu.memory_space<vmem>>) target_semaphore(%run_scoped3A_4554 : memref<!tpu.dma_semaphore, #tpu.memory_space<semaphore_mem>>)
      %dma_wait3A_4557 = tpu.memref_slice %arg4[%mul3A_4] : memref<12288xi32, #tpu.memory_space<hbm>> -> memref<768xi32, #tpu.memory_space<hbm>>
      %dma_wait3A_4558 = tpu.memref_slice %arg4[%mul3A_4] : memref<12288xi32, #tpu.memory_space<hbm>> -> memref<768xi32, #tpu.memory_space<hbm>>
      tpu.wait_dma2 semaphore(%run_scoped3A_4554 : memref<!tpu.dma_semaphore, #tpu.memory_space<semaphore_mem>>) src(%dma_wait3A_4558 : memref<768xi32, #tpu.memory_space<hbm>>) dst(%arg8 : memref<768xi32, #tpu.memory_space<vmem>>)
      tpu.yield
    }) : () -> ()
    %dma_start3A = arith.constant 0 : i32
    %dma_start3A_5 = tpu.memref_slice %arg3[%dma_start3A] : memref<196608xf32, #tpu.memory_space<hbm>> -> memref<196608xf32, #tpu.memory_space<hbm>>
    tpu.enqueue_indirect_dma source(%dma_start3A_5 : memref<196608xf32, #tpu.memory_space<hbm>>) target(%arg9 : memref<768xf32, #tpu.memory_space<vmem>>) offsets(%arg8 : memref<768xi32, #tpu.memory_space<vmem>>) semaphore(%arg14 : memref<!tpu.dma_semaphore, #tpu.memory_space<semaphore_mem>>)
    %run_scoped3A = arith.constant 0 : i32
    "tpu.region"() ({
      %run_scoped3A_4554 = tpu.sem_alloc : memref<!tpu.dma_semaphore, #tpu.memory_space<semaphore_mem>>
      %dma_start3A_4555 = tpu.memref_slice %arg2[%run_scoped3A, %mul3A_2] : memref<2x2048xf32, #tpu.memory_space<hbm>> -> memref<1x64xf32, #tpu.memory_space<hbm>>
      %dma_start3A_4556 = tpu.memref_squeeze %dma_start3A_4555 : memref<1x64xf32, #tpu.memory_space<hbm>> -> memref<64xf32, #tpu.memory_space<hbm>>
      %dma_start3A_4557 = tpu.memref_slice %arg2[%run_scoped3A, %mul3A_2] : memref<2x2048xf32, #tpu.memory_space<hbm>> -> memref<1x64xf32, #tpu.memory_space<hbm>>
      %dma_start3A_4558 = tpu.memref_squeeze %dma_start3A_4557 : memref<1x64xf32, #tpu.memory_space<hbm>> -> memref<64xf32, #tpu.memory_space<hbm>>
      tpu.enqueue_dma source(%dma_start3A_4558 : memref<64xf32, #tpu.memory_space<hbm>>) target(%arg6 : memref<64xf32, #tpu.memory_space<vmem>>) target_semaphore(%run_scoped3A_4554 : memref<!tpu.dma_semaphore, #tpu.memory_space<semaphore_mem>>)
      %dma_wait3A_4559 = tpu.memref_slice %arg2[%run_scoped3A, %mul3A_2] : memref<2x2048xf32, #tpu.memory_space<hbm>> -> memref<1x64xf32, #tpu.memory_space<hbm>>
      %dma_wait3A_4560 = tpu.memref_squeeze %dma_wait3A_4559 : memref<1x64xf32, #tpu.memory_space<hbm>> -> memref<64xf32, #tpu.memory_space<hbm>>
      %dma_wait3A_4561 = tpu.memref_slice %arg2[%run_scoped3A, %mul3A_2] : memref<2x2048xf32, #tpu.memory_space<hbm>> -> memref<1x64xf32, #tpu.memory_space<hbm>>
      %dma_wait3A_4562 = tpu.memref_squeeze %dma_wait3A_4561 : memref<1x64xf32, #tpu.memory_space<hbm>> -> memref<64xf32, #tpu.memory_space<hbm>>
      tpu.wait_dma2 semaphore(%run_scoped3A_4554 : memref<!tpu.dma_semaphore, #tpu.memory_space<semaphore_mem>>) src(%dma_wait3A_4562 : memref<64xf32, #tpu.memory_space<hbm>>) dst(%arg6 : memref<64xf32, #tpu.memory_space<vmem>>)
      tpu.yield
    }) : () -> ()
    %run_scoped3A_6 = arith.constant 1 : i32
    "tpu.region"() ({
      %run_scoped3A_4554 = tpu.sem_alloc : memref<!tpu.dma_semaphore, #tpu.memory_space<semaphore_mem>>
      %dma_start3A_4555 = tpu.memref_slice %arg2[%run_scoped3A_6, %mul3A_2] : memref<2x2048xf32, #tpu.memory_space<hbm>> -> memref<1x64xf32, #tpu.memory_space<hbm>>
      %dma_start3A_4556 = tpu.memref_squeeze %dma_start3A_4555 : memref<1x64xf32, #tpu.memory_space<hbm>> -> memref<64xf32, #tpu.memory_space<hbm>>
      %dma_start3A_4557 = tpu.memref_slice %arg2[%run_scoped3A_6, %mul3A_2] : memref<2x2048xf32, #tpu.memory_space<hbm>> -> memref<1x64xf32, #tpu.memory_space<hbm>>
      %dma_start3A_4558 = tpu.memref_squeeze %dma_start3A_4557 : memref<1x64xf32, #tpu.memory_space<hbm>> -> memref<64xf32, #tpu.memory_space<hbm>>
      tpu.enqueue_dma source(%dma_start3A_4558 : memref<64xf32, #tpu.memory_space<hbm>>) target(%arg7 : memref<64xf32, #tpu.memory_space<vmem>>) target_semaphore(%run_scoped3A_4554 : memref<!tpu.dma_semaphore, #tpu.memory_space<semaphore_mem>>)
      %dma_wait3A_4559 = tpu.memref_slice %arg2[%run_scoped3A_6, %mul3A_2] : memref<2x2048xf32, #tpu.memory_space<hbm>> -> memref<1x64xf32, #tpu.memory_space<hbm>>
      %dma_wait3A_4560 = tpu.memref_squeeze %dma_wait3A_4559 : memref<1x64xf32, #tpu.memory_space<hbm>> -> memref<64xf32, #tpu.memory_space<hbm>>
      %dma_wait3A_4561 = tpu.memref_slice %arg2[%run_scoped3A_6, %mul3A_2] : memref<2x2048xf32, #tpu.memory_space<hbm>> -> memref<1x64xf32, #tpu.memory_space<hbm>>
      %dma_wait3A_4562 = tpu.memref_squeeze %dma_wait3A_4561 : memref<1x64xf32, #tpu.memory_space<hbm>> -> memref<64xf32, #tpu.memory_space<hbm>>
      tpu.wait_dma2 semaphore(%run_scoped3A_4554 : memref<!tpu.dma_semaphore, #tpu.memory_space<semaphore_mem>>) src(%dma_wait3A_4562 : memref<64xf32, #tpu.memory_space<hbm>>) dst(%arg7 : memref<64xf32, #tpu.memory_space<vmem>>)
      tpu.yield
    }) : () -> ()
    %dma_wait3A = arith.constant 0 : i32
    %dma_wait3A_7 = tpu.memref_slice %arg3[%dma_wait3A] : memref<196608xf32, #tpu.memory_space<hbm>> -> memref<196608xf32, #tpu.memory_space<hbm>>
    tpu.wait_indirect_dma semaphore(%arg14 : memref<!tpu.dma_semaphore, #tpu.memory_space<semaphore_mem>>) src(%dma_wait3A_7 : memref<196608xf32, #tpu.memory_space<hbm>>) dst(%arg9 : memref<768xf32, #tpu.memory_space<vmem>>)
    %mul3A_8 = arith.constant 768 : i32
    %mul3A_9 = arith.muli %arg1, %mul3A_8 : i32
    "tpu.region"() ({
      %run_scoped3A_4554 = tpu.sem_alloc : memref<!tpu.dma_semaphore, #tpu.memory_space<semaphore_mem>>
      %dma_start3A_4555 = tpu.memref_slice %arg13[%mul3A_9] : memref<12288xf32, #tpu.memory_space<vmem_shared>> -> memref<768xf32, #tpu.memory_space<vmem_shared>>
      %dma_start3A_4556 = tpu.memref_slice %arg13[%mul3A_9] : memref<12288xf32, #tpu.memory_space<vmem_shared>> -> memref<768xf32, #tpu.memory_space<vmem_shared>>
      tpu.enqueue_dma source(%arg9 : memref<768xf32, #tpu.memory_space<vmem>>) target(%dma_start3A_4556 : memref<768xf32, #tpu.memory_space<vmem_shared>>) target_semaphore(%run_scoped3A_4554 : memref<!tpu.dma_semaphore, #tpu.memory_space<semaphore_mem>>)
      %dma_wait3A_4557 = tpu.memref_slice %arg13[%mul3A_9] : memref<12288xf32, #tpu.memory_space<vmem_shared>> -> memref<768xf32, #tpu.memory_space<vmem_shared>>
      %dma_wait3A_4558 = tpu.memref_slice %arg13[%mul3A_9] : memref<12288xf32, #tpu.memory_space<vmem_shared>> -> memref<768xf32, #tpu.memory_space<vmem_shared>>
      tpu.wait_dma2 semaphore(%run_scoped3A_4554 : memref<!tpu.dma_semaphore, #tpu.memory_space<semaphore_mem>>) src(%arg9 : memref<768xf32, #tpu.memory_space<vmem>>) dst(%dma_wait3A_4558 : memref<768xf32, #tpu.memory_space<vmem_shared>>)
      tpu.yield
    }) : () -> ()
    %barrier3A = arith.constant 0 : index
    tpu.barrier barrier_id(%barrier3A)
    "tpu.region"() ({
      %run_scoped3A_4554 = tpu.sem_alloc : memref<!tpu.dma_semaphore, #tpu.memory_space<semaphore_mem>>
      tpu.enqueue_dma source(%arg13 : memref<12288xf32, #tpu.memory_space<vmem_shared>>) target(%arg10 : memref<12288xf32, #tpu.memory_space<vmem>>) target_semaphore(%run_scoped3A_4554 : memref<!tpu.dma_semaphore, #tpu.memory_space<semaphore_mem>>)
      tpu.wait_dma2 semaphore(%run_scoped3A_4554 : memref<!tpu.dma_semaphore, #tpu.memory_space<semaphore_mem>>) src(%arg13 : memref<12288xf32, #tpu.memory_space<vmem_shared>>) dst(%arg10 : memref<12288xf32, #tpu.memory_space<vmem>>)
      tpu.yield
    }) : () -> ()
    %iota3A = tpu.iota {dimensions = array<i32: 0>} : vector<16xi32>
    %jit3A = arith.constant 3 : i32
    %eq3A = arith.constant 0 : i32
    %eq3A_10 = arith.cmpi eq, %jit3A, %eq3A : i32
    %jit3A_11 = arith.constant 1 : i32
    %select_n3A = arith.select %eq3A_10, %jit3A_11, %jit3A : i32
    %rem3A = vector.broadcast %select_n3A : i32 to vector<16xi32>
    %rem3A_12 = arith.remsi %iota3A, %rem3A : vector<16xi32>
    %ne3A = arith.constant 0 : i32
    %ne3A_13 = vector.broadcast %ne3A : i32 to vector<16xi32>
    %ne3A_14 = arith.cmpi ne, %rem3A_12, %ne3A_13 : vector<16xi32>
    %lt3A = arith.constant 0 : i32
    %lt3A_15 = vector.broadcast %lt3A : i32 to vector<16xi32>
    %lt3A_16 = arith.cmpi slt, %rem3A_12, %lt3A_15 : vector<16xi32>
    %lt3A_17 = arith.constant 0 : i32
    %lt3A_18 = arith.cmpi slt, %select_n3A, %lt3A_17 : i32
    %ne3A_19 = vector.broadcast %lt3A_18 : i1 to vector<16xi1>
    %ne3A_20 = vector.broadcast %ne3A_19 : vector<16xi1> to vector<16xi1>
    %ne3A_21 = arith.xori %lt3A_16, %ne3A_20 : vector<16xi1>
    %and3A = arith.andi %ne3A_21, %ne3A_14 : vector<16xi1>
    %add3A_22 = vector.broadcast %select_n3A : i32 to vector<16xi32>
    %add3A_23 = arith.addi %rem3A_12, %add3A_22 : vector<16xi32>
    %select_n3A_24 = arith.select %and3A, %add3A_23, %rem3A_12 : vector<16xi1>, vector<16xi32>
    %mul3A_25 = arith.constant 16 : i32
    %mul3A_26 = vector.broadcast %mul3A_25 : i32 to vector<16xi32>
    %mul3A_27 = arith.muli %select_n3A_24, %mul3A_26 : vector<16xi32>
    %get3A = arith.constant 0 : index
    %get3A_28 = tpu.vector_load %arg6[%get3A] {strides = array<i32>} : memref<64xf32, #tpu.memory_space<vmem>>, vector<16xf32>,
    %get3A_29 = arith.constant 0 : index
    %get3A_30 = tpu.vector_load %arg7[%get3A_29] {strides = array<i32>} : memref<64xf32, #tpu.memory_space<vmem>>, vector<16xf32>,
    %add3A_31 = arith.constant -3.14159274 : f32
    %add3A_32 = vector.broadcast %add3A_31 : f32 to vector<16xf32>
    %add3A_33 = arith.addf %get3A_28, %add3A_32 : vector<16xf32>
    %div3A = arith.constant 6.28318548 : f32
    %div3A_34 = vector.broadcast %div3A : f32 to vector<16xf32>
    %div3A_35 = arith.divf %add3A_33, %div3A_34 : vector<16xf32>
    %mul3A_36 = arith.constant 8.000000e+00 : f32
    %mul3A_37 = vector.broadcast %mul3A_36 : f32 to vector<16xf32>
    %mul3A_38 = arith.mulf %div3A_35, %mul3A_37 : vector<16xf32>
    %add3A_39 = arith.constant -6.28318548 : f32
    %add3A_40 = vector.broadcast %add3A_39 : f32 to vector<16xf32>
    %add3A_41 = arith.addf %get3A_30, %add3A_40 : vector<16xf32>
    %div3A_42 = arith.constant 12.566371 : f32
    %div3A_43 = vector.broadcast %div3A_42 : f32 to vector<16xf32>
    %div3A_44 = arith.divf %add3A_41, %div3A_43 : vector<16xf32>
    %mul3A_45 = arith.constant 8.000000e+00 : f32
    %mul3A_46 = vector.broadcast %mul3A_45 : f32 to vector<16xf32>
    %mul3A_47 = arith.mulf %div3A_44, %mul3A_46 : vector<16xf32>
    %mul3A_48 = arith.constant 3.200000e+01 : f32
    %mul3A_49 = vector.broadcast %mul3A_48 : f32 to vector<16xf32>
    %mul3A_50 = arith.mulf %mul3A_38, %mul3A_49 : vector<16xf32>
    %convert_element_type3A = arith.fptosi %mul3A_50 : vector<16xf32> to vector<16xi32>
    %convert_element_type3A_51 = arith.sitofp %convert_element_type3A : vector<16xi32> to vector<16xf32>
    %gt3A = arith.cmpf ogt, %convert_element_type3A_51, %mul3A_50 : vector<16xf32>
    %sub3A = arith.constant 1 : i32
    %sub3A_52 = vector.broadcast %sub3A : i32 to vector<16xi32>
    %sub3A_53 = arith.subi %convert_element_type3A, %sub3A_52 : vector<16xi32>
    %select_n3A_54 = arith.select %gt3A, %sub3A_53, %convert_element_type3A : vector<16xi1>, vector<16xi32>
    %mul3A_55 = arith.constant 3.200000e+01 : f32
    %mul3A_56 = vector.broadcast %mul3A_55 : f32 to vector<16xf32>
    %mul3A_57 = arith.mulf %mul3A_47, %mul3A_56 : vector<16xf32>
    %convert_element_type3A_58 = arith.fptosi %mul3A_57 : vector<16xf32> to vector<16xi32>
    %convert_element_type3A_59 = arith.sitofp %convert_element_type3A_58 : vector<16xi32> to vector<16xf32>
    %gt3A_60 = arith.cmpf ogt, %convert_element_type3A_59, %mul3A_57 : vector<16xf32>
    %sub3A_61 = arith.constant 1 : i32
    %sub3A_62 = vector.broadcast %sub3A_61 : i32 to vector<16xi32>
    %sub3A_63 = arith.subi %convert_element_type3A_58, %sub3A_62 : vector<16xi32>
    %select_n3A_64 = arith.select %gt3A_60, %sub3A_63, %convert_element_type3A_58 : vector<16xi1>, vector<16xi32>
    %add3A_65 = arith.constant 0 : i32
    %add3A_66 = vector.broadcast %add3A_65 : i32 to vector<16xi32>
    %add3A_67 = arith.addi %select_n3A_54, %add3A_66 : vector<16xi32>
    %shift_right_arithmetic3A = arith.constant 1 : i32
    %shift_right_arithmetic3A_68 = vector.broadcast %shift_right_arithmetic3A : i32 to vector<16xi32>
    %shift_right_arithmetic3A_69 = arith.shrsi %add3A_67, %shift_right_arithmetic3A_68 : vector<16xi32>
    %and3A_70 = arith.constant 112 : i32
    %and3A_71 = vector.broadcast %and3A_70 : i32 to vector<16xi32>
    %and3A_72 = arith.andi %shift_right_arithmetic3A_69, %and3A_71 : vector<16xi32>
    %add3A_73 = arith.constant 0 : i32
    %add3A_74 = vector.broadcast %add3A_73 : i32 to vector<16xi32>
    %add3A_75 = arith.addi %select_n3A_64, %add3A_74 : vector<16xi32>
    %shift_right_arithmetic3A_76 = arith.constant 5 : i32
    %shift_right_arithmetic3A_77 = vector.broadcast %shift_right_arithmetic3A_76 : i32 to vector<16xi32>
    %shift_right_arithmetic3A_78 = arith.shrsi %add3A_75, %shift_right_arithmetic3A_77 : vector<16xi32>
    %add3A_79 = arith.constant 8 : i32
    %add3A_80 = vector.broadcast %add3A_79 : i32 to vector<16xi32>
    %add3A_81 = arith.addi %add3A_80, %and3A_72 : vector<16xi32>
    %add3A_82 = arith.addi %add3A_81, %shift_right_arithmetic3A_78 : vector<16xi32>
    %gather3A = tpu.vector_load_idx %arg10[%add3A_82] : memref<12288xf32, #tpu.memory_space<vmem>>[vector<16xi32>], vector<16xf32>,
    %add3A_83 = arith.constant 4096 : i32
    %add3A_84 = vector.broadcast %add3A_83 : i32 to vector<16xi32>
    %add3A_85 = arith.addi %add3A_82, %add3A_84 : vector<16xi32>
    %gather3A_86 = tpu.vector_load_idx %arg10[%add3A_85] : memref<12288xf32, #tpu.memory_space<vmem>>[vector<16xi32>], vector<16xf32>,
    %add3A_87 = arith.constant 8192 : i32
    %add3A_88 = vector.broadcast %add3A_87 : i32 to vector<16xi32>
    %add3A_89 = arith.addi %add3A_82, %add3A_88 : vector<16xi32>
    %gather3A_90 = tpu.vector_load_idx %arg10[%add3A_89] : memref<12288xf32, #tpu.memory_space<vmem>>[vector<16xi32>], vector<16xf32>,
    %add3A_91 = arith.constant 1 : i32
    %add3A_92 = vector.broadcast %add3A_91 : i32 to vector<16xi32>
    %add3A_93 = arith.addi %select_n3A_54, %add3A_92 : vector<16xi32>
    %shift_right_arithmetic3A_94 = arith.constant 1 : i32
    %shift_right_arithmetic3A_95 = vector.broadcast %shift_right_arithmetic3A_94 : i32 to vector<16xi32>
    %shift_right_arithmetic3A_96 = arith.shrsi %add3A_93, %shift_right_arithmetic3A_95 : vector<16xi32>
    %and3A_97 = arith.constant 112 : i32
    %and3A_98 = vector.broadcast %and3A_97 : i32 to vector<16xi32>
    %and3A_99 = arith.andi %shift_right_arithmetic3A_96, %and3A_98 : vector<16xi32>
    %add3A_100 = arith.constant 3 : i32
    %add3A_101 = vector.broadcast %add3A_100 : i32 to vector<16xi32>
    %add3A_102 = arith.addi %select_n3A_64, %add3A_101 : vector<16xi32>
    %shift_right_arithmetic3A_103 = arith.constant 5 : i32
    %shift_right_arithmetic3A_104 = vector.broadcast %shift_right_arithmetic3A_103 : i32 to vector<16xi32>
    %shift_right_arithmetic3A_105 = arith.shrsi %add3A_102, %shift_right_arithmetic3A_104 : vector<16xi32>
    %add3A_106 = arith.constant 136 : i32
    %add3A_107 = vector.broadcast %add3A_106 : i32 to vector<16xi32>
    %add3A_108 = arith.addi %add3A_107, %and3A_99 : vector<16xi32>
    %add3A_109 = arith.addi %add3A_108, %shift_right_arithmetic3A_105 : vector<16xi32>
    %gather3A_110 = tpu.vector_load_idx %arg10[%add3A_109] : memref<12288xf32, #tpu.memory_space<vmem>>[vector<16xi32>], vector<16xf32>,
    %add3A_111 = arith.constant 4096 : i32
    %add3A_112 = vector.broadcast %add3A_111 : i32 to vector<16xi32>
    %add3A_113 = arith.addi %add3A_109, %add3A_112 : vector<16xi32>
    %gather3A_114 = tpu.vector_load_idx %arg10[%add3A_113] : memref<12288xf32, #tpu.memory_space<vmem>>[vector<16xi32>], vector<16xf32>,
    %add3A_115 = arith.constant 8192 : i32
    %add3A_116 = vector.broadcast %add3A_115 : i32 to vector<16xi32>
    %add3A_117 = arith.addi %add3A_109, %add3A_116 : vector<16xi32>
    %gather3A_118 = tpu.vector_load_idx %arg10[%add3A_117] : memref<12288xf32, #tpu.memory_space<vmem>>[vector<16xi32>], vector<16xf32>,
    %add3A_119 = arith.addf %gather3A, %gather3A_110 : vector<16xf32>
    %add3A_120 = arith.addf %gather3A_86, %gather3A_114 : vector<16xf32>
    %add3A_121 = arith.addf %gather3A_90, %gather3A_118 : vector<16xf32>
    %add3A_122 = arith.constant 2 : i32
    %add3A_123 = vector.broadcast %add3A_122 : i32 to vector<16xi32>
    %add3A_124 = arith.addi %select_n3A_54, %add3A_123 : vector<16xi32>
    %shift_right_arithmetic3A_125 = arith.constant 1 : i32
    %shift_right_arithmetic3A_126 = vector.broadcast %shift_right_arithmetic3A_125 : i32 to vector<16xi32>
    %shift_right_arithmetic3A_127 = arith.shrsi %add3A_124, %shift_right_arithmetic3A_126 : vector<16xi32>
    %and3A_128 = arith.constant 112 : i32
    %and3A_129 = vector.broadcast %and3A_128 : i32 to vector<16xi32>
    %and3A_130 = arith.andi %shift_right_arithmetic3A_127, %and3A_129 : vector<16xi32>
    %add3A_131 = arith.constant 6 : i32
    %add3A_132 = vector.broadcast %add3A_131 : i32 to vector<16xi32>
    %add3A_133 = arith.addi %select_n3A_64, %add3A_132 : vector<16xi32>
    %shift_right_arithmetic3A_134 = arith.constant 5 : i32
    %shift_right_arithmetic3A_135 = vector.broadcast %shift_right_arithmetic3A_134 : i32 to vector<16xi32>
    %shift_right_arithmetic3A_136 = arith.shrsi %add3A_133, %shift_right_arithmetic3A_135 : vector<16xi32>
    %add3A_137 = arith.constant 264 : i32
    %add3A_138 = vector.broadcast %add3A_137 : i32 to vector<16xi32>
    %add3A_139 = arith.addi %add3A_138, %and3A_130 : vector<16xi32>
    %add3A_140 = arith.addi %add3A_139, %shift_right_arithmetic3A_136 : vector<16xi32>
    %gather3A_141 = tpu.vector_load_idx %arg10[%add3A_140] : memref<12288xf32, #tpu.memory_space<vmem>>[vector<16xi32>], vector<16xf32>,
    %add3A_142 = arith.constant 4096 : i32
    %add3A_143 = vector.broadcast %add3A_142 : i32 to vector<16xi32>
    %add3A_144 = arith.addi %add3A_140, %add3A_143 : vector<16xi32>
    %gather3A_145 = tpu.vector_load_idx %arg10[%add3A_144] : memref<12288xf32, #tpu.memory_space<vmem>>[vector<16xi32>], vector<16xf32>,
    %add3A_146 = arith.constant 8192 : i32
    %add3A_147 = vector.broadcast %add3A_146 : i32 to vector<16xi32>
    %add3A_148 = arith.addi %add3A_140, %add3A_147 : vector<16xi32>
    %gather3A_149 = tpu.vector_load_idx %arg10[%add3A_148] : memref<12288xf32, #tpu.memory_space<vmem>>[vector<16xi32>], vector<16xf32>,
    %add3A_150 = arith.addf %add3A_119, %gather3A_141 : vector<16xf32>
    %add3A_151 = arith.addf %add3A_120, %gather3A_145 : vector<16xf32>
    %add3A_152 = arith.addf %add3A_121, %gather3A_149 : vector<16xf32>
    %add3A_153 = arith.constant 3 : i32
    %add3A_154 = vector.broadcast %add3A_153 : i32 to vector<16xi32>
    %add3A_155 = arith.addi %select_n3A_54, %add3A_154 : vector<16xi32>
    %shift_right_arithmetic3A_156 = arith.constant 1 : i32
    %shift_right_arithmetic3A_157 = vector.broadcast %shift_right_arithmetic3A_156 : i32 to vector<16xi32>
    %shift_right_arithmetic3A_158 = arith.shrsi %add3A_155, %shift_right_arithmetic3A_157 : vector<16xi32>
    %and3A_159 = arith.constant 112 : i32
    %and3A_160 = vector.broadcast %and3A_159 : i32 to vector<16xi32>
    %and3A_161 = arith.andi %shift_right_arithmetic3A_158, %and3A_160 : vector<16xi32>
    %add3A_162 = arith.constant 9 : i32
    %add3A_163 = vector.broadcast %add3A_162 : i32 to vector<16xi32>
    %add3A_164 = arith.addi %select_n3A_64, %add3A_163 : vector<16xi32>
    %shift_right_arithmetic3A_165 = arith.constant 5 : i32
    %shift_right_arithmetic3A_166 = vector.broadcast %shift_right_arithmetic3A_165 : i32 to vector<16xi32>
    %shift_right_arithmetic3A_167 = arith.shrsi %add3A_164, %shift_right_arithmetic3A_166 : vector<16xi32>
    %add3A_168 = arith.constant 392 : i32
    %add3A_169 = vector.broadcast %add3A_168 : i32 to vector<16xi32>
    %add3A_170 = arith.addi %add3A_169, %and3A_161 : vector<16xi32>
    %add3A_171 = arith.addi %add3A_170, %shift_right_arithmetic3A_167 : vector<16xi32>
    %gather3A_172 = tpu.vector_load_idx %arg10[%add3A_171] : memref<12288xf32, #tpu.memory_space<vmem>>[vector<16xi32>], vector<16xf32>,
    %add3A_173 = arith.constant 4096 : i32
    %add3A_174 = vector.broadcast %add3A_173 : i32 to vector<16xi32>
    %add3A_175 = arith.addi %add3A_171, %add3A_174 : vector<16xi32>
    %gather3A_176 = tpu.vector_load_idx %arg10[%add3A_175] : memref<12288xf32, #tpu.memory_space<vmem>>[vector<16xi32>], vector<16xf32>,
    %add3A_177 = arith.constant 8192 : i32
    %add3A_178 = vector.broadcast %add3A_177 : i32 to vector<16xi32>
    %add3A_179 = arith.addi %add3A_171, %add3A_178 : vector<16xi32>
    %gather3A_180 = tpu.vector_load_idx %arg10[%add3A_179] : memref<12288xf32, #tpu.memory_space<vmem>>[vector<16xi32>], vector<16xf32>,
    %add3A_181 = arith.addf %add3A_150, %gather3A_172 : vector<16xf32>
    %add3A_182 = arith.addf %add3A_151, %gather3A_176 : vector<16xf32>
    %add3A_183 = arith.addf %add3A_152, %gather3A_180 : vector<16xf32>
    %add3A_184 = arith.constant 4 : i32
    %add3A_185 = vector.broadcast %add3A_184 : i32 to vector<16xi32>
    %add3A_186 = arith.addi %select_n3A_54, %add3A_185 : vector<16xi32>
    %shift_right_arithmetic3A_187 = arith.constant 1 : i32
    %shift_right_arithmetic3A_188 = vector.broadcast %shift_right_arithmetic3A_187 : i32 to vector<16xi32>
    %shift_right_arithmetic3A_189 = arith.shrsi %add3A_186, %shift_right_arithmetic3A_188 : vector<16xi32>
    %and3A_190 = arith.constant 112 : i32
    %and3A_191 = vector.broadcast %and3A_190 : i32 to vector<16xi32>
    %and3A_192 = arith.andi %shift_right_arithmetic3A_189, %and3A_191 : vector<16xi32>
    %add3A_193 = arith.constant 12 : i32
    %add3A_194 = vector.broadcast %add3A_193 : i32 to vector<16xi32>
    %add3A_195 = arith.addi %select_n3A_64, %add3A_194 : vector<16xi32>
    %shift_right_arithmetic3A_196 = arith.constant 5 : i32
    %shift_right_arithmetic3A_197 = vector.broadcast %shift_right_arithmetic3A_196 : i32 to vector<16xi32>
    %shift_right_arithmetic3A_198 = arith.shrsi %add3A_195, %shift_right_arithmetic3A_197 : vector<16xi32>
    %add3A_199 = arith.constant 520 : i32
    %add3A_200 = vector.broadcast %add3A_199 : i32 to vector<16xi32>
    %add3A_201 = arith.addi %add3A_200, %and3A_192 : vector<16xi32>
    %add3A_202 = arith.addi %add3A_201, %shift_right_arithmetic3A_198 : vector<16xi32>
    %gather3A_203 = tpu.vector_load_idx %arg10[%add3A_202] : memref<12288xf32, #tpu.memory_space<vmem>>[vector<16xi32>], vector<16xf32>,
    %add3A_204 = arith.constant 4096 : i32
    %add3A_205 = vector.broadcast %add3A_204 : i32 to vector<16xi32>
    %add3A_206 = arith.addi %add3A_202, %add3A_205 : vector<16xi32>
    %gather3A_207 = tpu.vector_load_idx %arg10[%add3A_206] : memref<12288xf32, #tpu.memory_space<vmem>>[vector<16xi32>], vector<16xf32>,
    %add3A_208 = arith.constant 8192 : i32
    %add3A_209 = vector.broadcast %add3A_208 : i32 to vector<16xi32>
    %add3A_210 = arith.addi %add3A_202, %add3A_209 : vector<16xi32>
    %gather3A_211 = tpu.vector_load_idx %arg10[%add3A_210] : memref<12288xf32, #tpu.memory_space<vmem>>[vector<16xi32>], vector<16xf32>,
    %add3A_212 = arith.addf %add3A_181, %gather3A_203 : vector<16xf32>
    %add3A_213 = arith.addf %add3A_182, %gather3A_207 : vector<16xf32>
    %add3A_214 = arith.addf %add3A_183, %gather3A_211 : vector<16xf32>
    %add3A_215 = arith.constant 5 : i32
    %add3A_216 = vector.broadcast %add3A_215 : i32 to vector<16xi32>
    %add3A_217 = arith.addi %select_n3A_54, %add3A_216 : vector<16xi32>
    %shift_right_arithmetic3A_218 = arith.constant 1 : i32
    %shift_right_arithmetic3A_219 = vector.broadcast %shift_right_arithmetic3A_218 : i32 to vector<16xi32>
    %shift_right_arithmetic3A_220 = arith.shrsi %add3A_217, %shift_right_arithmetic3A_219 : vector<16xi32>
    %and3A_221 = arith.constant 112 : i32
    %and3A_222 = vector.broadcast %and3A_221 : i32 to vector<16xi32>
    %and3A_223 = arith.andi %shift_right_arithmetic3A_220, %and3A_222 : vector<16xi32>
    %add3A_224 = arith.constant 15 : i32
    %add3A_225 = vector.broadcast %add3A_224 : i32 to vector<16xi32>
    %add3A_226 = arith.addi %select_n3A_64, %add3A_225 : vector<16xi32>
    %shift_right_arithmetic3A_227 = arith.constant 5 : i32
    %shift_right_arithmetic3A_228 = vector.broadcast %shift_right_arithmetic3A_227 : i32 to vector<16xi32>
    %shift_right_arithmetic3A_229 = arith.shrsi %add3A_226, %shift_right_arithmetic3A_228 : vector<16xi32>
    %add3A_230 = arith.constant 648 : i32
    %add3A_231 = vector.broadcast %add3A_230 : i32 to vector<16xi32>
    %add3A_232 = arith.addi %add3A_231, %and3A_223 : vector<16xi32>
    %add3A_233 = arith.addi %add3A_232, %shift_right_arithmetic3A_229 : vector<16xi32>
    %gather3A_234 = tpu.vector_load_idx %arg10[%add3A_233] : memref<12288xf32, #tpu.memory_space<vmem>>[vector<16xi32>], vector<16xf32>,
    %add3A_235 = arith.constant 4096 : i32
    %add3A_236 = vector.broadcast %add3A_235 : i32 to vector<16xi32>
    %add3A_237 = arith.addi %add3A_233, %add3A_236 : vector<16xi32>
    %gather3A_238 = tpu.vector_load_idx %arg10[%add3A_237] : memref<12288xf32, #tpu.memory_space<vmem>>[vector<16xi32>], vector<16xf32>,
    %add3A_239 = arith.constant 8192 : i32
    %add3A_240 = vector.broadcast %add3A_239 : i32 to vector<16xi32>
    %add3A_241 = arith.addi %add3A_233, %add3A_240 : vector<16xi32>
    %gather3A_242 = tpu.vector_load_idx %arg10[%add3A_241] : memref<12288xf32, #tpu.memory_space<vmem>>[vector<16xi32>], vector<16xf32>,
    %add3A_243 = arith.addf %add3A_212, %gather3A_234 : vector<16xf32>
    %add3A_244 = arith.addf %add3A_213, %gather3A_238 : vector<16xf32>
    %add3A_245 = arith.addf %add3A_214, %gather3A_242 : vector<16xf32>
    %add3A_246 = arith.constant 6 : i32
    %add3A_247 = vector.broadcast %add3A_246 : i32 to vector<16xi32>
    %add3A_248 = arith.addi %select_n3A_54, %add3A_247 : vector<16xi32>
    %shift_right_arithmetic3A_249 = arith.constant 1 : i32
    %shift_right_arithmetic3A_250 = vector.broadcast %shift_right_arithmetic3A_249 : i32 to vector<16xi32>
    %shift_right_arithmetic3A_251 = arith.shrsi %add3A_248, %shift_right_arithmetic3A_250 : vector<16xi32>
    %and3A_252 = arith.constant 112 : i32
    %and3A_253 = vector.broadcast %and3A_252 : i32 to vector<16xi32>
    %and3A_254 = arith.andi %shift_right_arithmetic3A_251, %and3A_253 : vector<16xi32>
    %add3A_255 = arith.constant 18 : i32
    %add3A_256 = vector.broadcast %add3A_255 : i32 to vector<16xi32>
    %add3A_257 = arith.addi %select_n3A_64, %add3A_256 : vector<16xi32>
    %shift_right_arithmetic3A_258 = arith.constant 5 : i32
    %shift_right_arithmetic3A_259 = vector.broadcast %shift_right_arithmetic3A_258 : i32 to vector<16xi32>
    %shift_right_arithmetic3A_260 = arith.shrsi %add3A_257, %shift_right_arithmetic3A_259 : vector<16xi32>
    %add3A_261 = arith.constant 776 : i32
    %add3A_262 = vector.broadcast %add3A_261 : i32 to vector<16xi32>
    %add3A_263 = arith.addi %add3A_262, %and3A_254 : vector<16xi32>
    %add3A_264 = arith.addi %add3A_263, %shift_right_arithmetic3A_260 : vector<16xi32>
    %gather3A_265 = tpu.vector_load_idx %arg10[%add3A_264] : memref<12288xf32, #tpu.memory_space<vmem>>[vector<16xi32>], vector<16xf32>,
    %add3A_266 = arith.constant 4096 : i32
    %add3A_267 = vector.broadcast %add3A_266 : i32 to vector<16xi32>
    %add3A_268 = arith.addi %add3A_264, %add3A_267 : vector<16xi32>
    %gather3A_269 = tpu.vector_load_idx %arg10[%add3A_268] : memref<12288xf32, #tpu.memory_space<vmem>>[vector<16xi32>], vector<16xf32>,
    %add3A_270 = arith.constant 8192 : i32
    %add3A_271 = vector.broadcast %add3A_270 : i32 to vector<16xi32>
    %add3A_272 = arith.addi %add3A_264, %add3A_271 : vector<16xi32>
    %gather3A_273 = tpu.vector_load_idx %arg10[%add3A_272] : memref<12288xf32, #tpu.memory_space<vmem>>[vector<16xi32>], vector<16xf32>,
    %add3A_274 = arith.addf %add3A_243, %gather3A_265 : vector<16xf32>
    %add3A_275 = arith.addf %add3A_244, %gather3A_269 : vector<16xf32>
    %add3A_276 = arith.addf %add3A_245, %gather3A_273 : vector<16xf32>
    %add3A_277 = arith.constant 7 : i32
    %add3A_278 = vector.broadcast %add3A_277 : i32 to vector<16xi32>
    %add3A_279 = arith.addi %select_n3A_54, %add3A_278 : vector<16xi32>
    %shift_right_arithmetic3A_280 = arith.constant 1 : i32
    %shift_right_arithmetic3A_281 = vector.broadcast %shift_right_arithmetic3A_280 : i32 to vector<16xi32>
    %shift_right_arithmetic3A_282 = arith.shrsi %add3A_279, %shift_right_arithmetic3A_281 : vector<16xi32>
    %and3A_283 = arith.constant 112 : i32
    %and3A_284 = vector.broadcast %and3A_283 : i32 to vector<16xi32>
    %and3A_285 = arith.andi %shift_right_arithmetic3A_282, %and3A_284 : vector<16xi32>
    %add3A_286 = arith.constant 21 : i32
    %add3A_287 = vector.broadcast %add3A_286 : i32 to vector<16xi32>
    %add3A_288 = arith.addi %select_n3A_64, %add3A_287 : vector<16xi32>
    %shift_right_arithmetic3A_289 = arith.constant 5 : i32
    %shift_right_arithmetic3A_290 = vector.broadcast %shift_right_arithmetic3A_289 : i32 to vector<16xi32>
    %shift_right_arithmetic3A_291 = arith.shrsi %add3A_288, %shift_right_arithmetic3A_290 : vector<16xi32>
    %add3A_292 = arith.constant 904 : i32
    %add3A_293 = vector.broadcast %add3A_292 : i32 to vector<16xi32>
    %add3A_294 = arith.addi %add3A_293, %and3A_285 : vector<16xi32>
    %add3A_295 = arith.addi %add3A_294, %shift_right_arithmetic3A_291 : vector<16xi32>
    %gather3A_296 = tpu.vector_load_idx %arg10[%add3A_295] : memref<12288xf32, #tpu.memory_space<vmem>>[vector<16xi32>], vector<16xf32>,
    %add3A_297 = arith.constant 4096 : i32
    %add3A_298 = vector.broadcast %add3A_297 : i32 to vector<16xi32>
    %add3A_299 = arith.addi %add3A_295, %add3A_298 : vector<16xi32>
    %gather3A_300 = tpu.vector_load_idx %arg10[%add3A_299] : memref<12288xf32, #tpu.memory_space<vmem>>[vector<16xi32>], vector<16xf32>,
    %add3A_301 = arith.constant 8192 : i32
    %add3A_302 = vector.broadcast %add3A_301 : i32 to vector<16xi32>
    %add3A_303 = arith.addi %add3A_295, %add3A_302 : vector<16xi32>
    %gather3A_304 = tpu.vector_load_idx %arg10[%add3A_303] : memref<12288xf32, #tpu.memory_space<vmem>>[vector<16xi32>], vector<16xf32>,
    %add3A_305 = arith.addf %add3A_274, %gather3A_296 : vector<16xf32>
    %add3A_306 = arith.addf %add3A_275, %gather3A_300 : vector<16xf32>
    %add3A_307 = arith.addf %add3A_276, %gather3A_304 : vector<16xf32>
    %add3A_308 = arith.constant 8 : i32
    %add3A_309 = vector.broadcast %add3A_308 : i32 to vector<16xi32>
    %add3A_310 = arith.addi %select_n3A_54, %add3A_309 : vector<16xi32>
    %shift_right_arithmetic3A_311 = arith.constant 1 : i32
    %shift_right_arithmetic3A_312 = vector.broadcast %shift_right_arithmetic3A_311 : i32 to vector<16xi32>
    %shift_right_arithmetic3A_313 = arith.shrsi %add3A_310, %shift_right_arithmetic3A_312 : vector<16xi32>
    %and3A_314 = arith.constant 112 : i32
    %and3A_315 = vector.broadcast %and3A_314 : i32 to vector<16xi32>
    %and3A_316 = arith.andi %shift_right_arithmetic3A_313, %and3A_315 : vector<16xi32>
    %add3A_317 = arith.constant 24 : i32
    %add3A_318 = vector.broadcast %add3A_317 : i32 to vector<16xi32>
    %add3A_319 = arith.addi %select_n3A_64, %add3A_318 : vector<16xi32>
    %shift_right_arithmetic3A_320 = arith.constant 5 : i32
    %shift_right_arithmetic3A_321 = vector.broadcast %shift_right_arithmetic3A_320 : i32 to vector<16xi32>
    %shift_right_arithmetic3A_322 = arith.shrsi %add3A_319, %shift_right_arithmetic3A_321 : vector<16xi32>
    %add3A_323 = arith.constant 1032 : i32
    %add3A_324 = vector.broadcast %add3A_323 : i32 to vector<16xi32>
    %add3A_325 = arith.addi %add3A_324, %and3A_316 : vector<16xi32>
    %add3A_326 = arith.addi %add3A_325, %shift_right_arithmetic3A_322 : vector<16xi32>
    %gather3A_327 = tpu.vector_load_idx %arg10[%add3A_326] : memref<12288xf32, #tpu.memory_space<vmem>>[vector<16xi32>], vector<16xf32>,
    %add3A_328 = arith.constant 4096 : i32
    %add3A_329 = vector.broadcast %add3A_328 : i32 to vector<16xi32>
    %add3A_330 = arith.addi %add3A_326, %add3A_329 : vector<16xi32>
    %gather3A_331 = tpu.vector_load_idx %arg10[%add3A_330] : memref<12288xf32, #tpu.memory_space<vmem>>[vector<16xi32>], vector<16xf32>,
    %add3A_332 = arith.constant 8192 : i32
    %add3A_333 = vector.broadcast %add3A_332 : i32 to vector<16xi32>
    %add3A_334 = arith.addi %add3A_326, %add3A_333 : vector<16xi32>
    %gather3A_335 = tpu.vector_load_idx %arg10[%add3A_334] : memref<12288xf32, #tpu.memory_space<vmem>>[vector<16xi32>], vector<16xf32>,
    %add3A_336 = arith.addf %add3A_305, %gather3A_327 : vector<16xf32>
    %add3A_337 = arith.addf %add3A_306, %gather3A_331 : vector<16xf32>
    %add3A_338 = arith.addf %add3A_307, %gather3A_335 : vector<16xf32>
    %add3A_339 = arith.constant 9 : i32
    %add3A_340 = vector.broadcast %add3A_339 : i32 to vector<16xi32>
    %add3A_341 = arith.addi %select_n3A_54, %add3A_340 : vector<16xi32>
    %shift_right_arithmetic3A_342 = arith.constant 1 : i32
    %shift_right_arithmetic3A_343 = vector.broadcast %shift_right_arithmetic3A_342 : i32 to vector<16xi32>
    %shift_right_arithmetic3A_344 = arith.shrsi %add3A_341, %shift_right_arithmetic3A_343 : vector<16xi32>
    %and3A_345 = arith.constant 112 : i32
    %and3A_346 = vector.broadcast %and3A_345 : i32 to vector<16xi32>
    %and3A_347 = arith.andi %shift_right_arithmetic3A_344, %and3A_346 : vector<16xi32>
    %add3A_348 = arith.constant 27 : i32
    %add3A_349 = vector.broadcast %add3A_348 : i32 to vector<16xi32>
    %add3A_350 = arith.addi %select_n3A_64, %add3A_349 : vector<16xi32>
    %shift_right_arithmetic3A_351 = arith.constant 5 : i32
    %shift_right_arithmetic3A_352 = vector.broadcast %shift_right_arithmetic3A_351 : i32 to vector<16xi32>
    %shift_right_arithmetic3A_353 = arith.shrsi %add3A_350, %shift_right_arithmetic3A_352 : vector<16xi32>
    %add3A_354 = arith.constant 1160 : i32
    %add3A_355 = vector.broadcast %add3A_354 : i32 to vector<16xi32>
    %add3A_356 = arith.addi %add3A_355, %and3A_347 : vector<16xi32>
    %add3A_357 = arith.addi %add3A_356, %shift_right_arithmetic3A_353 : vector<16xi32>
    %gather3A_358 = tpu.vector_load_idx %arg10[%add3A_357] : memref<12288xf32, #tpu.memory_space<vmem>>[vector<16xi32>], vector<16xf32>,
    %add3A_359 = arith.constant 4096 : i32
    %add3A_360 = vector.broadcast %add3A_359 : i32 to vector<16xi32>
    %add3A_361 = arith.addi %add3A_357, %add3A_360 : vector<16xi32>
    %gather3A_362 = tpu.vector_load_idx %arg10[%add3A_361] : memref<12288xf32, #tpu.memory_space<vmem>>[vector<16xi32>], vector<16xf32>,
    %add3A_363 = arith.constant 8192 : i32
    %add3A_364 = vector.broadcast %add3A_363 : i32 to vector<16xi32>
    %add3A_365 = arith.addi %add3A_357, %add3A_364 : vector<16xi32>
    %gather3A_366 = tpu.vector_load_idx %arg10[%add3A_365] : memref<12288xf32, #tpu.memory_space<vmem>>[vector<16xi32>], vector<16xf32>,
    %add3A_367 = arith.addf %add3A_336, %gather3A_358 : vector<16xf32>
    %add3A_368 = arith.addf %add3A_337, %gather3A_362 : vector<16xf32>
    %add3A_369 = arith.addf %add3A_338, %gather3A_366 : vector<16xf32>
    %add3A_370 = arith.constant 10 : i32
    %add3A_371 = vector.broadcast %add3A_370 : i32 to vector<16xi32>
    %add3A_372 = arith.addi %select_n3A_54, %add3A_371 : vector<16xi32>
    %shift_right_arithmetic3A_373 = arith.constant 1 : i32
    %shift_right_arithmetic3A_374 = vector.broadcast %shift_right_arithmetic3A_373 : i32 to vector<16xi32>
    %shift_right_arithmetic3A_375 = arith.shrsi %add3A_372, %shift_right_arithmetic3A_374 : vector<16xi32>
    %and3A_376 = arith.constant 112 : i32
    %and3A_377 = vector.broadcast %and3A_376 : i32 to vector<16xi32>
    %and3A_378 = arith.andi %shift_right_arithmetic3A_375, %and3A_377 : vector<16xi32>
    %add3A_379 = arith.constant 30 : i32
    %add3A_380 = vector.broadcast %add3A_379 : i32 to vector<16xi32>
    %add3A_381 = arith.addi %select_n3A_64, %add3A_380 : vector<16xi32>
    %shift_right_arithmetic3A_382 = arith.constant 5 : i32
    %shift_right_arithmetic3A_383 = vector.broadcast %shift_right_arithmetic3A_382 : i32 to vector<16xi32>
    %shift_right_arithmetic3A_384 = arith.shrsi %add3A_381, %shift_right_arithmetic3A_383 : vector<16xi32>
    %add3A_385 = arith.constant 1288 : i32
    %add3A_386 = vector.broadcast %add3A_385 : i32 to vector<16xi32>
    %add3A_387 = arith.addi %add3A_386, %and3A_378 : vector<16xi32>
    %add3A_388 = arith.addi %add3A_387, %shift_right_arithmetic3A_384 : vector<16xi32>
    %gather3A_389 = tpu.vector_load_idx %arg10[%add3A_388] : memref<12288xf32, #tpu.memory_space<vmem>>[vector<16xi32>], vector<16xf32>,
    %add3A_390 = arith.constant 4096 : i32
    %add3A_391 = vector.broadcast %add3A_390 : i32 to vector<16xi32>
    %add3A_392 = arith.addi %add3A_388, %add3A_391 : vector<16xi32>
    %gather3A_393 = tpu.vector_load_idx %arg10[%add3A_392] : memref<12288xf32, #tpu.memory_space<vmem>>[vector<16xi32>], vector<16xf32>,
    %add3A_394 = arith.constant 8192 : i32
    %add3A_395 = vector.broadcast %add3A_394 : i32 to vector<16xi32>
    %add3A_396 = arith.addi %add3A_388, %add3A_395 : vector<16xi32>
    %gather3A_397 = tpu.vector_load_idx %arg10[%add3A_396] : memref<12288xf32, #tpu.memory_space<vmem>>[vector<16xi32>], vector<16xf32>,
    %add3A_398 = arith.addf %add3A_367, %gather3A_389 : vector<16xf32>
    %add3A_399 = arith.addf %add3A_368, %gather3A_393 : vector<16xf32>
    %add3A_400 = arith.addf %add3A_369, %gather3A_397 : vector<16xf32>
    %add3A_401 = arith.constant 11 : i32
    %add3A_402 = vector.broadcast %add3A_401 : i32 to vector<16xi32>
    %add3A_403 = arith.addi %select_n3A_54, %add3A_402 : vector<16xi32>
    %shift_right_arithmetic3A_404 = arith.constant 1 : i32
    %shift_right_arithmetic3A_405 = vector.broadcast %shift_right_arithmetic3A_404 : i32 to vector<16xi32>
    %shift_right_arithmetic3A_406 = arith.shrsi %add3A_403, %shift_right_arithmetic3A_405 : vector<16xi32>
    %and3A_407 = arith.constant 112 : i32
    %and3A_408 = vector.broadcast %and3A_407 : i32 to vector<16xi32>
    %and3A_409 = arith.andi %shift_right_arithmetic3A_406, %and3A_408 : vector<16xi32>
    %add3A_410 = arith.constant 1 : i32
    %add3A_411 = vector.broadcast %add3A_410 : i32 to vector<16xi32>
    %add3A_412 = arith.addi %select_n3A_64, %add3A_411 : vector<16xi32>
    %shift_right_arithmetic3A_413 = arith.constant 5 : i32
    %shift_right_arithmetic3A_414 = vector.broadcast %shift_right_arithmetic3A_413 : i32 to vector<16xi32>
    %shift_right_arithmetic3A_415 = arith.shrsi %add3A_412, %shift_right_arithmetic3A_414 : vector<16xi32>
    %add3A_416 = arith.constant 1416 : i32
    %add3A_417 = vector.broadcast %add3A_416 : i32 to vector<16xi32>
    %add3A_418 = arith.addi %add3A_417, %and3A_409 : vector<16xi32>
    %add3A_419 = arith.addi %add3A_418, %shift_right_arithmetic3A_415 : vector<16xi32>
    %gather3A_420 = tpu.vector_load_idx %arg10[%add3A_419] : memref<12288xf32, #tpu.memory_space<vmem>>[vector<16xi32>], vector<16xf32>,
    %add3A_421 = arith.constant 4096 : i32
    %add3A_422 = vector.broadcast %add3A_421 : i32 to vector<16xi32>
    %add3A_423 = arith.addi %add3A_419, %add3A_422 : vector<16xi32>
    %gather3A_424 = tpu.vector_load_idx %arg10[%add3A_423] : memref<12288xf32, #tpu.memory_space<vmem>>[vector<16xi32>], vector<16xf32>,
    %add3A_425 = arith.constant 8192 : i32
    %add3A_426 = vector.broadcast %add3A_425 : i32 to vector<16xi32>
    %add3A_427 = arith.addi %add3A_419, %add3A_426 : vector<16xi32>
    %gather3A_428 = tpu.vector_load_idx %arg10[%add3A_427] : memref<12288xf32, #tpu.memory_space<vmem>>[vector<16xi32>], vector<16xf32>,
    %add3A_429 = arith.addf %add3A_398, %gather3A_420 : vector<16xf32>
    %add3A_430 = arith.addf %add3A_399, %gather3A_424 : vector<16xf32>
    %add3A_431 = arith.addf %add3A_400, %gather3A_428 : vector<16xf32>
    %add3A_432 = arith.constant 12 : i32
    %add3A_433 = vector.broadcast %add3A_432 : i32 to vector<16xi32>
    %add3A_434 = arith.addi %select_n3A_54, %add3A_433 : vector<16xi32>
    %shift_right_arithmetic3A_435 = arith.constant 1 : i32
    %shift_right_arithmetic3A_436 = vector.broadcast %shift_right_arithmetic3A_435 : i32 to vector<16xi32>
    %shift_right_arithmetic3A_437 = arith.shrsi %add3A_434, %shift_right_arithmetic3A_436 : vector<16xi32>
    %and3A_438 = arith.constant 112 : i32
    %and3A_439 = vector.broadcast %and3A_438 : i32 to vector<16xi32>
    %and3A_440 = arith.andi %shift_right_arithmetic3A_437, %and3A_439 : vector<16xi32>
    %add3A_441 = arith.constant 4 : i32
    %add3A_442 = vector.broadcast %add3A_441 : i32 to vector<16xi32>
    %add3A_443 = arith.addi %select_n3A_64, %add3A_442 : vector<16xi32>
    %shift_right_arithmetic3A_444 = arith.constant 5 : i32
    %shift_right_arithmetic3A_445 = vector.broadcast %shift_right_arithmetic3A_444 : i32 to vector<16xi32>
    %shift_right_arithmetic3A_446 = arith.shrsi %add3A_443, %shift_right_arithmetic3A_445 : vector<16xi32>
    %add3A_447 = arith.constant 1544 : i32
    %add3A_448 = vector.broadcast %add3A_447 : i32 to vector<16xi32>
    %add3A_449 = arith.addi %add3A_448, %and3A_440 : vector<16xi32>
    %add3A_450 = arith.addi %add3A_449, %shift_right_arithmetic3A_446 : vector<16xi32>
    %gather3A_451 = tpu.vector_load_idx %arg10[%add3A_450] : memref<12288xf32, #tpu.memory_space<vmem>>[vector<16xi32>], vector<16xf32>,
    %add3A_452 = arith.constant 4096 : i32
    %add3A_453 = vector.broadcast %add3A_452 : i32 to vector<16xi32>
    %add3A_454 = arith.addi %add3A_450, %add3A_453 : vector<16xi32>
    %gather3A_455 = tpu.vector_load_idx %arg10[%add3A_454] : memref<12288xf32, #tpu.memory_space<vmem>>[vector<16xi32>], vector<16xf32>,
    %add3A_456 = arith.constant 8192 : i32
    %add3A_457 = vector.broadcast %add3A_456 : i32 to vector<16xi32>
    %add3A_458 = arith.addi %add3A_450, %add3A_457 : vector<16xi32>
    %gather3A_459 = tpu.vector_load_idx %arg10[%add3A_458] : memref<12288xf32, #tpu.memory_space<vmem>>[vector<16xi32>], vector<16xf32>,
    %add3A_460 = arith.addf %add3A_429, %gather3A_451 : vector<16xf32>
    %add3A_461 = arith.addf %add3A_430, %gather3A_455 : vector<16xf32>
    %add3A_462 = arith.addf %add3A_431, %gather3A_459 : vector<16xf32>
    %add3A_463 = arith.constant 13 : i32
    %add3A_464 = vector.broadcast %add3A_463 : i32 to vector<16xi32>
    %add3A_465 = arith.addi %select_n3A_54, %add3A_464 : vector<16xi32>
    %shift_right_arithmetic3A_466 = arith.constant 1 : i32
    %shift_right_arithmetic3A_467 = vector.broadcast %shift_right_arithmetic3A_466 : i32 to vector<16xi32>
    %shift_right_arithmetic3A_468 = arith.shrsi %add3A_465, %shift_right_arithmetic3A_467 : vector<16xi32>
    %and3A_469 = arith.constant 112 : i32
    %and3A_470 = vector.broadcast %and3A_469 : i32 to vector<16xi32>
    %and3A_471 = arith.andi %shift_right_arithmetic3A_468, %and3A_470 : vector<16xi32>
    %add3A_472 = arith.constant 7 : i32
    %add3A_473 = vector.broadcast %add3A_472 : i32 to vector<16xi32>
    %add3A_474 = arith.addi %select_n3A_64, %add3A_473 : vector<16xi32>
    %shift_right_arithmetic3A_475 = arith.constant 5 : i32
    %shift_right_arithmetic3A_476 = vector.broadcast %shift_right_arithmetic3A_475 : i32 to vector<16xi32>
    %shift_right_arithmetic3A_477 = arith.shrsi %add3A_474, %shift_right_arithmetic3A_476 : vector<16xi32>
    %add3A_478 = arith.constant 1672 : i32
    %add3A_479 = vector.broadcast %add3A_478 : i32 to vector<16xi32>
    %add3A_480 = arith.addi %add3A_479, %and3A_471 : vector<16xi32>
    %add3A_481 = arith.addi %add3A_480, %shift_right_arithmetic3A_477 : vector<16xi32>
    %gather3A_482 = tpu.vector_load_idx %arg10[%add3A_481] : memref<12288xf32, #tpu.memory_space<vmem>>[vector<16xi32>], vector<16xf32>,
    %add3A_483 = arith.constant 4096 : i32
    %add3A_484 = vector.broadcast %add3A_483 : i32 to vector<16xi32>
    %add3A_485 = arith.addi %add3A_481, %add3A_484 : vector<16xi32>
    %gather3A_486 = tpu.vector_load_idx %arg10[%add3A_485] : memref<12288xf32, #tpu.memory_space<vmem>>[vector<16xi32>], vector<16xf32>,
    %add3A_487 = arith.constant 8192 : i32
    %add3A_488 = vector.broadcast %add3A_487 : i32 to vector<16xi32>
    %add3A_489 = arith.addi %add3A_481, %add3A_488 : vector<16xi32>
    %gather3A_490 = tpu.vector_load_idx %arg10[%add3A_489] : memref<12288xf32, #tpu.memory_space<vmem>>[vector<16xi32>], vector<16xf32>,
    %add3A_491 = arith.addf %add3A_460, %gather3A_482 : vector<16xf32>
    %add3A_492 = arith.addf %add3A_461, %gather3A_486 : vector<16xf32>
    %add3A_493 = arith.addf %add3A_462, %gather3A_490 : vector<16xf32>
    %add3A_494 = arith.constant 14 : i32
    %add3A_495 = vector.broadcast %add3A_494 : i32 to vector<16xi32>
    %add3A_496 = arith.addi %select_n3A_54, %add3A_495 : vector<16xi32>
    %shift_right_arithmetic3A_497 = arith.constant 1 : i32
    %shift_right_arithmetic3A_498 = vector.broadcast %shift_right_arithmetic3A_497 : i32 to vector<16xi32>
    %shift_right_arithmetic3A_499 = arith.shrsi %add3A_496, %shift_right_arithmetic3A_498 : vector<16xi32>
    %and3A_500 = arith.constant 112 : i32
    %and3A_501 = vector.broadcast %and3A_500 : i32 to vector<16xi32>
    %and3A_502 = arith.andi %shift_right_arithmetic3A_499, %and3A_501 : vector<16xi32>
    %add3A_503 = arith.constant 10 : i32
    %add3A_504 = vector.broadcast %add3A_503 : i32 to vector<16xi32>
    %add3A_505 = arith.addi %select_n3A_64, %add3A_504 : vector<16xi32>
    %shift_right_arithmetic3A_506 = arith.constant 5 : i32
    %shift_right_arithmetic3A_507 = vector.broadcast %shift_right_arithmetic3A_506 : i32 to vector<16xi32>
    %shift_right_arithmetic3A_508 = arith.shrsi %add3A_505, %shift_right_arithmetic3A_507 : vector<16xi32>
    %add3A_509 = arith.constant 1800 : i32
    %add3A_510 = vector.broadcast %add3A_509 : i32 to vector<16xi32>
    %add3A_511 = arith.addi %add3A_510, %and3A_502 : vector<16xi32>
    %add3A_512 = arith.addi %add3A_511, %shift_right_arithmetic3A_508 : vector<16xi32>
    %gather3A_513 = tpu.vector_load_idx %arg10[%add3A_512] : memref<12288xf32, #tpu.memory_space<vmem>>[vector<16xi32>], vector<16xf32>,
    %add3A_514 = arith.constant 4096 : i32
    %add3A_515 = vector.broadcast %add3A_514 : i32 to vector<16xi32>
    %add3A_516 = arith.addi %add3A_512, %add3A_515 : vector<16xi32>
    %gather3A_517 = tpu.vector_load_idx %arg10[%add3A_516] : memref<12288xf32, #tpu.memory_space<vmem>>[vector<16xi32>], vector<16xf32>,
    %add3A_518 = arith.constant 8192 : i32
    %add3A_519 = vector.broadcast %add3A_518 : i32 to vector<16xi32>
    %add3A_520 = arith.addi %add3A_512, %add3A_519 : vector<16xi32>
    %gather3A_521 = tpu.vector_load_idx %arg10[%add3A_520] : memref<12288xf32, #tpu.memory_space<vmem>>[vector<16xi32>], vector<16xf32>,
    %add3A_522 = arith.addf %add3A_491, %gather3A_513 : vector<16xf32>
    %add3A_523 = arith.addf %add3A_492, %gather3A_517 : vector<16xf32>
    %add3A_524 = arith.addf %add3A_493, %gather3A_521 : vector<16xf32>
    %add3A_525 = arith.constant 15 : i32
    %add3A_526 = vector.broadcast %add3A_525 : i32 to vector<16xi32>
    %add3A_527 = arith.addi %select_n3A_54, %add3A_526 : vector<16xi32>
    %shift_right_arithmetic3A_528 = arith.constant 1 : i32
    %shift_right_arithmetic3A_529 = vector.broadcast %shift_right_arithmetic3A_528 : i32 to vector<16xi32>
    %shift_right_arithmetic3A_530 = arith.shrsi %add3A_527, %shift_right_arithmetic3A_529 : vector<16xi32>
    %and3A_531 = arith.constant 112 : i32
    %and3A_532 = vector.broadcast %and3A_531 : i32 to vector<16xi32>
    %and3A_533 = arith.andi %shift_right_arithmetic3A_530, %and3A_532 : vector<16xi32>
    %add3A_534 = arith.constant 13 : i32
    %add3A_535 = vector.broadcast %add3A_534 : i32 to vector<16xi32>
    %add3A_536 = arith.addi %select_n3A_64, %add3A_535 : vector<16xi32>
    %shift_right_arithmetic3A_537 = arith.constant 5 : i32
    %shift_right_arithmetic3A_538 = vector.broadcast %shift_right_arithmetic3A_537 : i32 to vector<16xi32>
    %shift_right_arithmetic3A_539 = arith.shrsi %add3A_536, %shift_right_arithmetic3A_538 : vector<16xi32>
    %add3A_540 = arith.constant 1928 : i32
    %add3A_541 = vector.broadcast %add3A_540 : i32 to vector<16xi32>
    %add3A_542 = arith.addi %add3A_541, %and3A_533 : vector<16xi32>
    %add3A_543 = arith.addi %add3A_542, %shift_right_arithmetic3A_539 : vector<16xi32>
    %gather3A_544 = tpu.vector_load_idx %arg10[%add3A_543] : memref<12288xf32, #tpu.memory_space<vmem>>[vector<16xi32>], vector<16xf32>,
    %add3A_545 = arith.constant 4096 : i32
    %add3A_546 = vector.broadcast %add3A_545 : i32 to vector<16xi32>
    %add3A_547 = arith.addi %add3A_543, %add3A_546 : vector<16xi32>
    %gather3A_548 = tpu.vector_load_idx %arg10[%add3A_547] : memref<12288xf32, #tpu.memory_space<vmem>>[vector<16xi32>], vector<16xf32>,
    %add3A_549 = arith.constant 8192 : i32
    %add3A_550 = vector.broadcast %add3A_549 : i32 to vector<16xi32>
    %add3A_551 = arith.addi %add3A_543, %add3A_550 : vector<16xi32>
    %gather3A_552 = tpu.vector_load_idx %arg10[%add3A_551] : memref<12288xf32, #tpu.memory_space<vmem>>[vector<16xi32>], vector<16xf32>,
    %add3A_553 = arith.addf %add3A_522, %gather3A_544 : vector<16xf32>
    %add3A_554 = arith.addf %add3A_523, %gather3A_548 : vector<16xf32>
    %add3A_555 = arith.addf %add3A_524, %gather3A_552 : vector<16xf32>
    %add3A_556 = arith.constant 16 : i32
    %add3A_557 = vector.broadcast %add3A_556 : i32 to vector<16xi32>
    %add3A_558 = arith.addi %select_n3A_54, %add3A_557 : vector<16xi32>
    %shift_right_arithmetic3A_559 = arith.constant 1 : i32
    %shift_right_arithmetic3A_560 = vector.broadcast %shift_right_arithmetic3A_559 : i32 to vector<16xi32>
    %shift_right_arithmetic3A_561 = arith.shrsi %add3A_558, %shift_right_arithmetic3A_560 : vector<16xi32>
    %and3A_562 = arith.constant 112 : i32
    %and3A_563 = vector.broadcast %and3A_562 : i32 to vector<16xi32>
    %and3A_564 = arith.andi %shift_right_arithmetic3A_561, %and3A_563 : vector<16xi32>
    %add3A_565 = arith.constant 16 : i32
    %add3A_566 = vector.broadcast %add3A_565 : i32 to vector<16xi32>
    %add3A_567 = arith.addi %select_n3A_64, %add3A_566 : vector<16xi32>
    %shift_right_arithmetic3A_568 = arith.constant 5 : i32
    %shift_right_arithmetic3A_569 = vector.broadcast %shift_right_arithmetic3A_568 : i32 to vector<16xi32>
    %shift_right_arithmetic3A_570 = arith.shrsi %add3A_567, %shift_right_arithmetic3A_569 : vector<16xi32>
    %add3A_571 = arith.constant 2056 : i32
    %add3A_572 = vector.broadcast %add3A_571 : i32 to vector<16xi32>
    %add3A_573 = arith.addi %add3A_572, %and3A_564 : vector<16xi32>
    %add3A_574 = arith.addi %add3A_573, %shift_right_arithmetic3A_570 : vector<16xi32>
    %gather3A_575 = tpu.vector_load_idx %arg10[%add3A_574] : memref<12288xf32, #tpu.memory_space<vmem>>[vector<16xi32>], vector<16xf32>,
    %add3A_576 = arith.constant 4096 : i32
    %add3A_577 = vector.broadcast %add3A_576 : i32 to vector<16xi32>
    %add3A_578 = arith.addi %add3A_574, %add3A_577 : vector<16xi32>
    %gather3A_579 = tpu.vector_load_idx %arg10[%add3A_578] : memref<12288xf32, #tpu.memory_space<vmem>>[vector<16xi32>], vector<16xf32>,
    %add3A_580 = arith.constant 8192 : i32
    %add3A_581 = vector.broadcast %add3A_580 : i32 to vector<16xi32>
    %add3A_582 = arith.addi %add3A_574, %add3A_581 : vector<16xi32>
    %gather3A_583 = tpu.vector_load_idx %arg10[%add3A_582] : memref<12288xf32, #tpu.memory_space<vmem>>[vector<16xi32>], vector<16xf32>,
    %add3A_584 = arith.addf %add3A_553, %gather3A_575 : vector<16xf32>
    %add3A_585 = arith.addf %add3A_554, %gather3A_579 : vector<16xf32>
    %add3A_586 = arith.addf %add3A_555, %gather3A_583 : vector<16xf32>
    %add3A_587 = arith.constant 17 : i32
    %add3A_588 = vector.broadcast %add3A_587 : i32 to vector<16xi32>
    %add3A_589 = arith.addi %select_n3A_54, %add3A_588 : vector<16xi32>
    %shift_right_arithmetic3A_590 = arith.constant 1 : i32
    %shift_right_arithmetic3A_591 = vector.broadcast %shift_right_arithmetic3A_590 : i32 to vector<16xi32>
    %shift_right_arithmetic3A_592 = arith.shrsi %add3A_589, %shift_right_arithmetic3A_591 : vector<16xi32>
    %and3A_593 = arith.constant 112 : i32
    %and3A_594 = vector.broadcast %and3A_593 : i32 to vector<16xi32>
    %and3A_595 = arith.andi %shift_right_arithmetic3A_592, %and3A_594 : vector<16xi32>
    %add3A_596 = arith.constant 19 : i32
    %add3A_597 = vector.broadcast %add3A_596 : i32 to vector<16xi32>
    %add3A_598 = arith.addi %select_n3A_64, %add3A_597 : vector<16xi32>
    %shift_right_arithmetic3A_599 = arith.constant 5 : i32
    %shift_right_arithmetic3A_600 = vector.broadcast %shift_right_arithmetic3A_599 : i32 to vector<16xi32>
    %shift_right_arithmetic3A_601 = arith.shrsi %add3A_598, %shift_right_arithmetic3A_600 : vector<16xi32>
    %add3A_602 = arith.constant 2184 : i32
    %add3A_603 = vector.broadcast %add3A_602 : i32 to vector<16xi32>
    %add3A_604 = arith.addi %add3A_603, %and3A_595 : vector<16xi32>
    %add3A_605 = arith.addi %add3A_604, %shift_right_arithmetic3A_601 : vector<16xi32>
    %gather3A_606 = tpu.vector_load_idx %arg10[%add3A_605] : memref<12288xf32, #tpu.memory_space<vmem>>[vector<16xi32>], vector<16xf32>,
    %add3A_607 = arith.constant 4096 : i32
    %add3A_608 = vector.broadcast %add3A_607 : i32 to vector<16xi32>
    %add3A_609 = arith.addi %add3A_605, %add3A_608 : vector<16xi32>
    %gather3A_610 = tpu.vector_load_idx %arg10[%add3A_609] : memref<12288xf32, #tpu.memory_space<vmem>>[vector<16xi32>], vector<16xf32>,
    %add3A_611 = arith.constant 8192 : i32
    %add3A_612 = vector.broadcast %add3A_611 : i32 to vector<16xi32>
    %add3A_613 = arith.addi %add3A_605, %add3A_612 : vector<16xi32>
    %gather3A_614 = tpu.vector_load_idx %arg10[%add3A_613] : memref<12288xf32, #tpu.memory_space<vmem>>[vector<16xi32>], vector<16xf32>,
    %add3A_615 = arith.addf %add3A_584, %gather3A_606 : vector<16xf32>
    %add3A_616 = arith.addf %add3A_585, %gather3A_610 : vector<16xf32>
    %add3A_617 = arith.addf %add3A_586, %gather3A_614 : vector<16xf32>
    %add3A_618 = arith.constant 18 : i32
    %add3A_619 = vector.broadcast %add3A_618 : i32 to vector<16xi32>
    %add3A_620 = arith.addi %select_n3A_54, %add3A_619 : vector<16xi32>
    %shift_right_arithmetic3A_621 = arith.constant 1 : i32
    %shift_right_arithmetic3A_622 = vector.broadcast %shift_right_arithmetic3A_621 : i32 to vector<16xi32>
    %shift_right_arithmetic3A_623 = arith.shrsi %add3A_620, %shift_right_arithmetic3A_622 : vector<16xi32>
    %and3A_624 = arith.constant 112 : i32
    %and3A_625 = vector.broadcast %and3A_624 : i32 to vector<16xi32>
    %and3A_626 = arith.andi %shift_right_arithmetic3A_623, %and3A_625 : vector<16xi32>
    %add3A_627 = arith.constant 22 : i32
    %add3A_628 = vector.broadcast %add3A_627 : i32 to vector<16xi32>
    %add3A_629 = arith.addi %select_n3A_64, %add3A_628 : vector<16xi32>
    %shift_right_arithmetic3A_630 = arith.constant 5 : i32
    %shift_right_arithmetic3A_631 = vector.broadcast %shift_right_arithmetic3A_630 : i32 to vector<16xi32>
    %shift_right_arithmetic3A_632 = arith.shrsi %add3A_629, %shift_right_arithmetic3A_631 : vector<16xi32>
    %add3A_633 = arith.constant 2312 : i32
    %add3A_634 = vector.broadcast %add3A_633 : i32 to vector<16xi32>
    %add3A_635 = arith.addi %add3A_634, %and3A_626 : vector<16xi32>
    %add3A_636 = arith.addi %add3A_635, %shift_right_arithmetic3A_632 : vector<16xi32>
    %gather3A_637 = tpu.vector_load_idx %arg10[%add3A_636] : memref<12288xf32, #tpu.memory_space<vmem>>[vector<16xi32>], vector<16xf32>,
    %add3A_638 = arith.constant 4096 : i32
    %add3A_639 = vector.broadcast %add3A_638 : i32 to vector<16xi32>
    %add3A_640 = arith.addi %add3A_636, %add3A_639 : vector<16xi32>
    %gather3A_641 = tpu.vector_load_idx %arg10[%add3A_640] : memref<12288xf32, #tpu.memory_space<vmem>>[vector<16xi32>], vector<16xf32>,
    %add3A_642 = arith.constant 8192 : i32
    %add3A_643 = vector.broadcast %add3A_642 : i32 to vector<16xi32>
    %add3A_644 = arith.addi %add3A_636, %add3A_643 : vector<16xi32>
    %gather3A_645 = tpu.vector_load_idx %arg10[%add3A_644] : memref<12288xf32, #tpu.memory_space<vmem>>[vector<16xi32>], vector<16xf32>,
    %add3A_646 = arith.addf %add3A_615, %gather3A_637 : vector<16xf32>
    %add3A_647 = arith.addf %add3A_616, %gather3A_641 : vector<16xf32>
    %add3A_648 = arith.addf %add3A_617, %gather3A_645 : vector<16xf32>
    %add3A_649 = arith.constant 19 : i32
    %add3A_650 = vector.broadcast %add3A_649 : i32 to vector<16xi32>
    %add3A_651 = arith.addi %select_n3A_54, %add3A_650 : vector<16xi32>
    %shift_right_arithmetic3A_652 = arith.constant 1 : i32
    %shift_right_arithmetic3A_653 = vector.broadcast %shift_right_arithmetic3A_652 : i32 to vector<16xi32>
    %shift_right_arithmetic3A_654 = arith.shrsi %add3A_651, %shift_right_arithmetic3A_653 : vector<16xi32>
    %and3A_655 = arith.constant 112 : i32
    %and3A_656 = vector.broadcast %and3A_655 : i32 to vector<16xi32>
    %and3A_657 = arith.andi %shift_right_arithmetic3A_654, %and3A_656 : vector<16xi32>
    %add3A_658 = arith.constant 25 : i32
    %add3A_659 = vector.broadcast %add3A_658 : i32 to vector<16xi32>
    %add3A_660 = arith.addi %select_n3A_64, %add3A_659 : vector<16xi32>
    %shift_right_arithmetic3A_661 = arith.constant 5 : i32
    %shift_right_arithmetic3A_662 = vector.broadcast %shift_right_arithmetic3A_661 : i32 to vector<16xi32>
    %shift_right_arithmetic3A_663 = arith.shrsi %add3A_660, %shift_right_arithmetic3A_662 : vector<16xi32>
    %add3A_664 = arith.constant 2440 : i32
    %add3A_665 = vector.broadcast %add3A_664 : i32 to vector<16xi32>
    %add3A_666 = arith.addi %add3A_665, %and3A_657 : vector<16xi32>
    %add3A_667 = arith.addi %add3A_666, %shift_right_arithmetic3A_663 : vector<16xi32>
    %gather3A_668 = tpu.vector_load_idx %arg10[%add3A_667] : memref<12288xf32, #tpu.memory_space<vmem>>[vector<16xi32>], vector<16xf32>,
    %add3A_669 = arith.constant 4096 : i32
    %add3A_670 = vector.broadcast %add3A_669 : i32 to vector<16xi32>
    %add3A_671 = arith.addi %add3A_667, %add3A_670 : vector<16xi32>
    %gather3A_672 = tpu.vector_load_idx %arg10[%add3A_671] : memref<12288xf32, #tpu.memory_space<vmem>>[vector<16xi32>], vector<16xf32>,
    %add3A_673 = arith.constant 8192 : i32
    %add3A_674 = vector.broadcast %add3A_673 : i32 to vector<16xi32>
    %add3A_675 = arith.addi %add3A_667, %add3A_674 : vector<16xi32>
    %gather3A_676 = tpu.vector_load_idx %arg10[%add3A_675] : memref<12288xf32, #tpu.memory_space<vmem>>[vector<16xi32>], vector<16xf32>,
    %add3A_677 = arith.addf %add3A_646, %gather3A_668 : vector<16xf32>
    %add3A_678 = arith.addf %add3A_647, %gather3A_672 : vector<16xf32>
    %add3A_679 = arith.addf %add3A_648, %gather3A_676 : vector<16xf32>
    %add3A_680 = arith.constant 20 : i32
    %add3A_681 = vector.broadcast %add3A_680 : i32 to vector<16xi32>
    %add3A_682 = arith.addi %select_n3A_54, %add3A_681 : vector<16xi32>
    %shift_right_arithmetic3A_683 = arith.constant 1 : i32
    %shift_right_arithmetic3A_684 = vector.broadcast %shift_right_arithmetic3A_683 : i32 to vector<16xi32>
    %shift_right_arithmetic3A_685 = arith.shrsi %add3A_682, %shift_right_arithmetic3A_684 : vector<16xi32>
    %and3A_686 = arith.constant 112 : i32
    %and3A_687 = vector.broadcast %and3A_686 : i32 to vector<16xi32>
    %and3A_688 = arith.andi %shift_right_arithmetic3A_685, %and3A_687 : vector<16xi32>
    %add3A_689 = arith.constant 28 : i32
    %add3A_690 = vector.broadcast %add3A_689 : i32 to vector<16xi32>
    %add3A_691 = arith.addi %select_n3A_64, %add3A_690 : vector<16xi32>
    %shift_right_arithmetic3A_692 = arith.constant 5 : i32
    %shift_right_arithmetic3A_693 = vector.broadcast %shift_right_arithmetic3A_692 : i32 to vector<16xi32>
    %shift_right_arithmetic3A_694 = arith.shrsi %add3A_691, %shift_right_arithmetic3A_693 : vector<16xi32>
    %add3A_695 = arith.constant 2568 : i32
    %add3A_696 = vector.broadcast %add3A_695 : i32 to vector<16xi32>
    %add3A_697 = arith.addi %add3A_696, %and3A_688 : vector<16xi32>
    %add3A_698 = arith.addi %add3A_697, %shift_right_arithmetic3A_694 : vector<16xi32>
    %gather3A_699 = tpu.vector_load_idx %arg10[%add3A_698] : memref<12288xf32, #tpu.memory_space<vmem>>[vector<16xi32>], vector<16xf32>,
    %add3A_700 = arith.constant 4096 : i32
    %add3A_701 = vector.broadcast %add3A_700 : i32 to vector<16xi32>
    %add3A_702 = arith.addi %add3A_698, %add3A_701 : vector<16xi32>
    %gather3A_703 = tpu.vector_load_idx %arg10[%add3A_702] : memref<12288xf32, #tpu.memory_space<vmem>>[vector<16xi32>], vector<16xf32>,
    %add3A_704 = arith.constant 8192 : i32
    %add3A_705 = vector.broadcast %add3A_704 : i32 to vector<16xi32>
    %add3A_706 = arith.addi %add3A_698, %add3A_705 : vector<16xi32>
    %gather3A_707 = tpu.vector_load_idx %arg10[%add3A_706] : memref<12288xf32, #tpu.memory_space<vmem>>[vector<16xi32>], vector<16xf32>,
    %add3A_708 = arith.addf %add3A_677, %gather3A_699 : vector<16xf32>
    %add3A_709 = arith.addf %add3A_678, %gather3A_703 : vector<16xf32>
    %add3A_710 = arith.addf %add3A_679, %gather3A_707 : vector<16xf32>
    %add3A_711 = arith.constant 21 : i32
    %add3A_712 = vector.broadcast %add3A_711 : i32 to vector<16xi32>
    %add3A_713 = arith.addi %select_n3A_54, %add3A_712 : vector<16xi32>
    %shift_right_arithmetic3A_714 = arith.constant 1 : i32
    %shift_right_arithmetic3A_715 = vector.broadcast %shift_right_arithmetic3A_714 : i32 to vector<16xi32>
    %shift_right_arithmetic3A_716 = arith.shrsi %add3A_713, %shift_right_arithmetic3A_715 : vector<16xi32>
    %and3A_717 = arith.constant 112 : i32
    %and3A_718 = vector.broadcast %and3A_717 : i32 to vector<16xi32>
    %and3A_719 = arith.andi %shift_right_arithmetic3A_716, %and3A_718 : vector<16xi32>
    %add3A_720 = arith.constant 31 : i32
    %add3A_721 = vector.broadcast %add3A_720 : i32 to vector<16xi32>
    %add3A_722 = arith.addi %select_n3A_64, %add3A_721 : vector<16xi32>
    %shift_right_arithmetic3A_723 = arith.constant 5 : i32
    %shift_right_arithmetic3A_724 = vector.broadcast %shift_right_arithmetic3A_723 : i32 to vector<16xi32>
    %shift_right_arithmetic3A_725 = arith.shrsi %add3A_722, %shift_right_arithmetic3A_724 : vector<16xi32>
    %add3A_726 = arith.constant 2696 : i32
    %add3A_727 = vector.broadcast %add3A_726 : i32 to vector<16xi32>
    %add3A_728 = arith.addi %add3A_727, %and3A_719 : vector<16xi32>
    %add3A_729 = arith.addi %add3A_728, %shift_right_arithmetic3A_725 : vector<16xi32>
    %gather3A_730 = tpu.vector_load_idx %arg10[%add3A_729] : memref<12288xf32, #tpu.memory_space<vmem>>[vector<16xi32>], vector<16xf32>,
    %add3A_731 = arith.constant 4096 : i32
    %add3A_732 = vector.broadcast %add3A_731 : i32 to vector<16xi32>
    %add3A_733 = arith.addi %add3A_729, %add3A_732 : vector<16xi32>
    %gather3A_734 = tpu.vector_load_idx %arg10[%add3A_733] : memref<12288xf32, #tpu.memory_space<vmem>>[vector<16xi32>], vector<16xf32>,
    %add3A_735 = arith.constant 8192 : i32
    %add3A_736 = vector.broadcast %add3A_735 : i32 to vector<16xi32>
    %add3A_737 = arith.addi %add3A_729, %add3A_736 : vector<16xi32>
    %gather3A_738 = tpu.vector_load_idx %arg10[%add3A_737] : memref<12288xf32, #tpu.memory_space<vmem>>[vector<16xi32>], vector<16xf32>,
    %add3A_739 = arith.addf %add3A_708, %gather3A_730 : vector<16xf32>
    %add3A_740 = arith.addf %add3A_709, %gather3A_734 : vector<16xf32>
    %add3A_741 = arith.addf %add3A_710, %gather3A_738 : vector<16xf32>
    %add3A_742 = arith.constant 22 : i32
    %add3A_743 = vector.broadcast %add3A_742 : i32 to vector<16xi32>
    %add3A_744 = arith.addi %select_n3A_54, %add3A_743 : vector<16xi32>
    %shift_right_arithmetic3A_745 = arith.constant 1 : i32
    %shift_right_arithmetic3A_746 = vector.broadcast %shift_right_arithmetic3A_745 : i32 to vector<16xi32>
    %shift_right_arithmetic3A_747 = arith.shrsi %add3A_744, %shift_right_arithmetic3A_746 : vector<16xi32>
    %and3A_748 = arith.constant 112 : i32
    %and3A_749 = vector.broadcast %and3A_748 : i32 to vector<16xi32>
    %and3A_750 = arith.andi %shift_right_arithmetic3A_747, %and3A_749 : vector<16xi32>
    %add3A_751 = arith.constant 2 : i32
    %add3A_752 = vector.broadcast %add3A_751 : i32 to vector<16xi32>
    %add3A_753 = arith.addi %select_n3A_64, %add3A_752 : vector<16xi32>
    %shift_right_arithmetic3A_754 = arith.constant 5 : i32
    %shift_right_arithmetic3A_755 = vector.broadcast %shift_right_arithmetic3A_754 : i32 to vector<16xi32>
    %shift_right_arithmetic3A_756 = arith.shrsi %add3A_753, %shift_right_arithmetic3A_755 : vector<16xi32>
    %add3A_757 = arith.constant 2824 : i32
    %add3A_758 = vector.broadcast %add3A_757 : i32 to vector<16xi32>
    %add3A_759 = arith.addi %add3A_758, %and3A_750 : vector<16xi32>
    %add3A_760 = arith.addi %add3A_759, %shift_right_arithmetic3A_756 : vector<16xi32>
    %gather3A_761 = tpu.vector_load_idx %arg10[%add3A_760] : memref<12288xf32, #tpu.memory_space<vmem>>[vector<16xi32>], vector<16xf32>,
    %add3A_762 = arith.constant 4096 : i32
    %add3A_763 = vector.broadcast %add3A_762 : i32 to vector<16xi32>
    %add3A_764 = arith.addi %add3A_760, %add3A_763 : vector<16xi32>
    %gather3A_765 = tpu.vector_load_idx %arg10[%add3A_764] : memref<12288xf32, #tpu.memory_space<vmem>>[vector<16xi32>], vector<16xf32>,
    %add3A_766 = arith.constant 8192 : i32
    %add3A_767 = vector.broadcast %add3A_766 : i32 to vector<16xi32>
    %add3A_768 = arith.addi %add3A_760, %add3A_767 : vector<16xi32>
    %gather3A_769 = tpu.vector_load_idx %arg10[%add3A_768] : memref<12288xf32, #tpu.memory_space<vmem>>[vector<16xi32>], vector<16xf32>,
    %add3A_770 = arith.addf %add3A_739, %gather3A_761 : vector<16xf32>
    %add3A_771 = arith.addf %add3A_740, %gather3A_765 : vector<16xf32>
    %add3A_772 = arith.addf %add3A_741, %gather3A_769 : vector<16xf32>
    %add3A_773 = arith.constant 23 : i32
    %add3A_774 = vector.broadcast %add3A_773 : i32 to vector<16xi32>
    %add3A_775 = arith.addi %select_n3A_54, %add3A_774 : vector<16xi32>
    %shift_right_arithmetic3A_776 = arith.constant 1 : i32
    %shift_right_arithmetic3A_777 = vector.broadcast %shift_right_arithmetic3A_776 : i32 to vector<16xi32>
    %shift_right_arithmetic3A_778 = arith.shrsi %add3A_775, %shift_right_arithmetic3A_777 : vector<16xi32>
    %and3A_779 = arith.constant 112 : i32
    %and3A_780 = vector.broadcast %and3A_779 : i32 to vector<16xi32>
    %and3A_781 = arith.andi %shift_right_arithmetic3A_778, %and3A_780 : vector<16xi32>
    %add3A_782 = arith.constant 5 : i32
    %add3A_783 = vector.broadcast %add3A_782 : i32 to vector<16xi32>
    %add3A_784 = arith.addi %select_n3A_64, %add3A_783 : vector<16xi32>
    %shift_right_arithmetic3A_785 = arith.constant 5 : i32
    %shift_right_arithmetic3A_786 = vector.broadcast %shift_right_arithmetic3A_785 : i32 to vector<16xi32>
    %shift_right_arithmetic3A_787 = arith.shrsi %add3A_784, %shift_right_arithmetic3A_786 : vector<16xi32>
    %add3A_788 = arith.constant 2952 : i32
    %add3A_789 = vector.broadcast %add3A_788 : i32 to vector<16xi32>
    %add3A_790 = arith.addi %add3A_789, %and3A_781 : vector<16xi32>
    %add3A_791 = arith.addi %add3A_790, %shift_right_arithmetic3A_787 : vector<16xi32>
    %gather3A_792 = tpu.vector_load_idx %arg10[%add3A_791] : memref<12288xf32, #tpu.memory_space<vmem>>[vector<16xi32>], vector<16xf32>,
    %add3A_793 = arith.constant 4096 : i32
    %add3A_794 = vector.broadcast %add3A_793 : i32 to vector<16xi32>
    %add3A_795 = arith.addi %add3A_791, %add3A_794 : vector<16xi32>
    %gather3A_796 = tpu.vector_load_idx %arg10[%add3A_795] : memref<12288xf32, #tpu.memory_space<vmem>>[vector<16xi32>], vector<16xf32>,
    %add3A_797 = arith.constant 8192 : i32
    %add3A_798 = vector.broadcast %add3A_797 : i32 to vector<16xi32>
    %add3A_799 = arith.addi %add3A_791, %add3A_798 : vector<16xi32>
    %gather3A_800 = tpu.vector_load_idx %arg10[%add3A_799] : memref<12288xf32, #tpu.memory_space<vmem>>[vector<16xi32>], vector<16xf32>,
    %add3A_801 = arith.addf %add3A_770, %gather3A_792 : vector<16xf32>
    %add3A_802 = arith.addf %add3A_771, %gather3A_796 : vector<16xf32>
    %add3A_803 = arith.addf %add3A_772, %gather3A_800 : vector<16xf32>
    %add3A_804 = arith.constant 24 : i32
    %add3A_805 = vector.broadcast %add3A_804 : i32 to vector<16xi32>
    %add3A_806 = arith.addi %select_n3A_54, %add3A_805 : vector<16xi32>
    %shift_right_arithmetic3A_807 = arith.constant 1 : i32
    %shift_right_arithmetic3A_808 = vector.broadcast %shift_right_arithmetic3A_807 : i32 to vector<16xi32>
    %shift_right_arithmetic3A_809 = arith.shrsi %add3A_806, %shift_right_arithmetic3A_808 : vector<16xi32>
    %and3A_810 = arith.constant 112 : i32
    %and3A_811 = vector.broadcast %and3A_810 : i32 to vector<16xi32>
    %and3A_812 = arith.andi %shift_right_arithmetic3A_809, %and3A_811 : vector<16xi32>
    %add3A_813 = arith.constant 8 : i32
    %add3A_814 = vector.broadcast %add3A_813 : i32 to vector<16xi32>
    %add3A_815 = arith.addi %select_n3A_64, %add3A_814 : vector<16xi32>
    %shift_right_arithmetic3A_816 = arith.constant 5 : i32
    %shift_right_arithmetic3A_817 = vector.broadcast %shift_right_arithmetic3A_816 : i32 to vector<16xi32>
    %shift_right_arithmetic3A_818 = arith.shrsi %add3A_815, %shift_right_arithmetic3A_817 : vector<16xi32>
    %add3A_819 = arith.constant 3080 : i32
    %add3A_820 = vector.broadcast %add3A_819 : i32 to vector<16xi32>
    %add3A_821 = arith.addi %add3A_820, %and3A_812 : vector<16xi32>
    %add3A_822 = arith.addi %add3A_821, %shift_right_arithmetic3A_818 : vector<16xi32>
    %gather3A_823 = tpu.vector_load_idx %arg10[%add3A_822] : memref<12288xf32, #tpu.memory_space<vmem>>[vector<16xi32>], vector<16xf32>,
    %add3A_824 = arith.constant 4096 : i32
    %add3A_825 = vector.broadcast %add3A_824 : i32 to vector<16xi32>
    %add3A_826 = arith.addi %add3A_822, %add3A_825 : vector<16xi32>
    %gather3A_827 = tpu.vector_load_idx %arg10[%add3A_826] : memref<12288xf32, #tpu.memory_space<vmem>>[vector<16xi32>], vector<16xf32>,
    %add3A_828 = arith.constant 8192 : i32
    %add3A_829 = vector.broadcast %add3A_828 : i32 to vector<16xi32>
    %add3A_830 = arith.addi %add3A_822, %add3A_829 : vector<16xi32>
    %gather3A_831 = tpu.vector_load_idx %arg10[%add3A_830] : memref<12288xf32, #tpu.memory_space<vmem>>[vector<16xi32>], vector<16xf32>,
    %add3A_832 = arith.addf %add3A_801, %gather3A_823 : vector<16xf32>
    %add3A_833 = arith.addf %add3A_802, %gather3A_827 : vector<16xf32>
    %add3A_834 = arith.addf %add3A_803, %gather3A_831 : vector<16xf32>
    %add3A_835 = arith.constant 25 : i32
    %add3A_836 = vector.broadcast %add3A_835 : i32 to vector<16xi32>
    %add3A_837 = arith.addi %select_n3A_54, %add3A_836 : vector<16xi32>
    %shift_right_arithmetic3A_838 = arith.constant 1 : i32
    %shift_right_arithmetic3A_839 = vector.broadcast %shift_right_arithmetic3A_838 : i32 to vector<16xi32>
    %shift_right_arithmetic3A_840 = arith.shrsi %add3A_837, %shift_right_arithmetic3A_839 : vector<16xi32>
    %and3A_841 = arith.constant 112 : i32
    %and3A_842 = vector.broadcast %and3A_841 : i32 to vector<16xi32>
    %and3A_843 = arith.andi %shift_right_arithmetic3A_840, %and3A_842 : vector<16xi32>
    %add3A_844 = arith.constant 11 : i32
    %add3A_845 = vector.broadcast %add3A_844 : i32 to vector<16xi32>
    %add3A_846 = arith.addi %select_n3A_64, %add3A_845 : vector<16xi32>
    %shift_right_arithmetic3A_847 = arith.constant 5 : i32
    %shift_right_arithmetic3A_848 = vector.broadcast %shift_right_arithmetic3A_847 : i32 to vector<16xi32>
    %shift_right_arithmetic3A_849 = arith.shrsi %add3A_846, %shift_right_arithmetic3A_848 : vector<16xi32>
    %add3A_850 = arith.constant 3208 : i32
    %add3A_851 = vector.broadcast %add3A_850 : i32 to vector<16xi32>
    %add3A_852 = arith.addi %add3A_851, %and3A_843 : vector<16xi32>
    %add3A_853 = arith.addi %add3A_852, %shift_right_arithmetic3A_849 : vector<16xi32>
    %gather3A_854 = tpu.vector_load_idx %arg10[%add3A_853] : memref<12288xf32, #tpu.memory_space<vmem>>[vector<16xi32>], vector<16xf32>,
    %add3A_855 = arith.constant 4096 : i32
    %add3A_856 = vector.broadcast %add3A_855 : i32 to vector<16xi32>
    %add3A_857 = arith.addi %add3A_853, %add3A_856 : vector<16xi32>
    %gather3A_858 = tpu.vector_load_idx %arg10[%add3A_857] : memref<12288xf32, #tpu.memory_space<vmem>>[vector<16xi32>], vector<16xf32>,
    %add3A_859 = arith.constant 8192 : i32
    %add3A_860 = vector.broadcast %add3A_859 : i32 to vector<16xi32>
    %add3A_861 = arith.addi %add3A_853, %add3A_860 : vector<16xi32>
    %gather3A_862 = tpu.vector_load_idx %arg10[%add3A_861] : memref<12288xf32, #tpu.memory_space<vmem>>[vector<16xi32>], vector<16xf32>,
    %add3A_863 = arith.addf %add3A_832, %gather3A_854 : vector<16xf32>
    %add3A_864 = arith.addf %add3A_833, %gather3A_858 : vector<16xf32>
    %add3A_865 = arith.addf %add3A_834, %gather3A_862 : vector<16xf32>
    %add3A_866 = arith.constant 26 : i32
    %add3A_867 = vector.broadcast %add3A_866 : i32 to vector<16xi32>
    %add3A_868 = arith.addi %select_n3A_54, %add3A_867 : vector<16xi32>
    %shift_right_arithmetic3A_869 = arith.constant 1 : i32
    %shift_right_arithmetic3A_870 = vector.broadcast %shift_right_arithmetic3A_869 : i32 to vector<16xi32>
    %shift_right_arithmetic3A_871 = arith.shrsi %add3A_868, %shift_right_arithmetic3A_870 : vector<16xi32>
    %and3A_872 = arith.constant 112 : i32
    %and3A_873 = vector.broadcast %and3A_872 : i32 to vector<16xi32>
    %and3A_874 = arith.andi %shift_right_arithmetic3A_871, %and3A_873 : vector<16xi32>
    %add3A_875 = arith.constant 14 : i32
    %add3A_876 = vector.broadcast %add3A_875 : i32 to vector<16xi32>
    %add3A_877 = arith.addi %select_n3A_64, %add3A_876 : vector<16xi32>
    %shift_right_arithmetic3A_878 = arith.constant 5 : i32
    %shift_right_arithmetic3A_879 = vector.broadcast %shift_right_arithmetic3A_878 : i32 to vector<16xi32>
    %shift_right_arithmetic3A_880 = arith.shrsi %add3A_877, %shift_right_arithmetic3A_879 : vector<16xi32>
    %add3A_881 = arith.constant 3336 : i32
    %add3A_882 = vector.broadcast %add3A_881 : i32 to vector<16xi32>
    %add3A_883 = arith.addi %add3A_882, %and3A_874 : vector<16xi32>
    %add3A_884 = arith.addi %add3A_883, %shift_right_arithmetic3A_880 : vector<16xi32>
    %gather3A_885 = tpu.vector_load_idx %arg10[%add3A_884] : memref<12288xf32, #tpu.memory_space<vmem>>[vector<16xi32>], vector<16xf32>,
    %add3A_886 = arith.constant 4096 : i32
    %add3A_887 = vector.broadcast %add3A_886 : i32 to vector<16xi32>
    %add3A_888 = arith.addi %add3A_884, %add3A_887 : vector<16xi32>
    %gather3A_889 = tpu.vector_load_idx %arg10[%add3A_888] : memref<12288xf32, #tpu.memory_space<vmem>>[vector<16xi32>], vector<16xf32>,
    %add3A_890 = arith.constant 8192 : i32
    %add3A_891 = vector.broadcast %add3A_890 : i32 to vector<16xi32>
    %add3A_892 = arith.addi %add3A_884, %add3A_891 : vector<16xi32>
    %gather3A_893 = tpu.vector_load_idx %arg10[%add3A_892] : memref<12288xf32, #tpu.memory_space<vmem>>[vector<16xi32>], vector<16xf32>,
    %add3A_894 = arith.addf %add3A_863, %gather3A_885 : vector<16xf32>
    %add3A_895 = arith.addf %add3A_864, %gather3A_889 : vector<16xf32>
    %add3A_896 = arith.addf %add3A_865, %gather3A_893 : vector<16xf32>
    %add3A_897 = arith.constant 27 : i32
    %add3A_898 = vector.broadcast %add3A_897 : i32 to vector<16xi32>
    %add3A_899 = arith.addi %select_n3A_54, %add3A_898 : vector<16xi32>
    %shift_right_arithmetic3A_900 = arith.constant 1 : i32
    %shift_right_arithmetic3A_901 = vector.broadcast %shift_right_arithmetic3A_900 : i32 to vector<16xi32>
    %shift_right_arithmetic3A_902 = arith.shrsi %add3A_899, %shift_right_arithmetic3A_901 : vector<16xi32>
    %and3A_903 = arith.constant 112 : i32
    %and3A_904 = vector.broadcast %and3A_903 : i32 to vector<16xi32>
    %and3A_905 = arith.andi %shift_right_arithmetic3A_902, %and3A_904 : vector<16xi32>
    %add3A_906 = arith.constant 17 : i32
    %add3A_907 = vector.broadcast %add3A_906 : i32 to vector<16xi32>
    %add3A_908 = arith.addi %select_n3A_64, %add3A_907 : vector<16xi32>
    %shift_right_arithmetic3A_909 = arith.constant 5 : i32
    %shift_right_arithmetic3A_910 = vector.broadcast %shift_right_arithmetic3A_909 : i32 to vector<16xi32>
    %shift_right_arithmetic3A_911 = arith.shrsi %add3A_908, %shift_right_arithmetic3A_910 : vector<16xi32>
    %add3A_912 = arith.constant 3464 : i32
    %add3A_913 = vector.broadcast %add3A_912 : i32 to vector<16xi32>
    %add3A_914 = arith.addi %add3A_913, %and3A_905 : vector<16xi32>
    %add3A_915 = arith.addi %add3A_914, %shift_right_arithmetic3A_911 : vector<16xi32>
    %gather3A_916 = tpu.vector_load_idx %arg10[%add3A_915] : memref<12288xf32, #tpu.memory_space<vmem>>[vector<16xi32>], vector<16xf32>,
    %add3A_917 = arith.constant 4096 : i32
    %add3A_918 = vector.broadcast %add3A_917 : i32 to vector<16xi32>
    %add3A_919 = arith.addi %add3A_915, %add3A_918 : vector<16xi32>
    %gather3A_920 = tpu.vector_load_idx %arg10[%add3A_919] : memref<12288xf32, #tpu.memory_space<vmem>>[vector<16xi32>], vector<16xf32>,
    %add3A_921 = arith.constant 8192 : i32
    %add3A_922 = vector.broadcast %add3A_921 : i32 to vector<16xi32>
    %add3A_923 = arith.addi %add3A_915, %add3A_922 : vector<16xi32>
    %gather3A_924 = tpu.vector_load_idx %arg10[%add3A_923] : memref<12288xf32, #tpu.memory_space<vmem>>[vector<16xi32>], vector<16xf32>,
    %add3A_925 = arith.addf %add3A_894, %gather3A_916 : vector<16xf32>
    %add3A_926 = arith.addf %add3A_895, %gather3A_920 : vector<16xf32>
    %add3A_927 = arith.addf %add3A_896, %gather3A_924 : vector<16xf32>
    %add3A_928 = arith.constant 28 : i32
    %add3A_929 = vector.broadcast %add3A_928 : i32 to vector<16xi32>
    %add3A_930 = arith.addi %select_n3A_54, %add3A_929 : vector<16xi32>
    %shift_right_arithmetic3A_931 = arith.constant 1 : i32
    %shift_right_arithmetic3A_932 = vector.broadcast %shift_right_arithmetic3A_931 : i32 to vector<16xi32>
    %shift_right_arithmetic3A_933 = arith.shrsi %add3A_930, %shift_right_arithmetic3A_932 : vector<16xi32>
    %and3A_934 = arith.constant 112 : i32
    %and3A_935 = vector.broadcast %and3A_934 : i32 to vector<16xi32>
    %and3A_936 = arith.andi %shift_right_arithmetic3A_933, %and3A_935 : vector<16xi32>
    %add3A_937 = arith.constant 20 : i32
    %add3A_938 = vector.broadcast %add3A_937 : i32 to vector<16xi32>
    %add3A_939 = arith.addi %select_n3A_64, %add3A_938 : vector<16xi32>
    %shift_right_arithmetic3A_940 = arith.constant 5 : i32
    %shift_right_arithmetic3A_941 = vector.broadcast %shift_right_arithmetic3A_940 : i32 to vector<16xi32>
    %shift_right_arithmetic3A_942 = arith.shrsi %add3A_939, %shift_right_arithmetic3A_941 : vector<16xi32>
    %add3A_943 = arith.constant 3592 : i32
    %add3A_944 = vector.broadcast %add3A_943 : i32 to vector<16xi32>
    %add3A_945 = arith.addi %add3A_944, %and3A_936 : vector<16xi32>
    %add3A_946 = arith.addi %add3A_945, %shift_right_arithmetic3A_942 : vector<16xi32>
    %gather3A_947 = tpu.vector_load_idx %arg10[%add3A_946] : memref<12288xf32, #tpu.memory_space<vmem>>[vector<16xi32>], vector<16xf32>,
    %add3A_948 = arith.constant 4096 : i32
    %add3A_949 = vector.broadcast %add3A_948 : i32 to vector<16xi32>
    %add3A_950 = arith.addi %add3A_946, %add3A_949 : vector<16xi32>
    %gather3A_951 = tpu.vector_load_idx %arg10[%add3A_950] : memref<12288xf32, #tpu.memory_space<vmem>>[vector<16xi32>], vector<16xf32>,
    %add3A_952 = arith.constant 8192 : i32
    %add3A_953 = vector.broadcast %add3A_952 : i32 to vector<16xi32>
    %add3A_954 = arith.addi %add3A_946, %add3A_953 : vector<16xi32>
    %gather3A_955 = tpu.vector_load_idx %arg10[%add3A_954] : memref<12288xf32, #tpu.memory_space<vmem>>[vector<16xi32>], vector<16xf32>,
    %add3A_956 = arith.addf %add3A_925, %gather3A_947 : vector<16xf32>
    %add3A_957 = arith.addf %add3A_926, %gather3A_951 : vector<16xf32>
    %add3A_958 = arith.addf %add3A_927, %gather3A_955 : vector<16xf32>
    %add3A_959 = arith.constant 29 : i32
    %add3A_960 = vector.broadcast %add3A_959 : i32 to vector<16xi32>
    %add3A_961 = arith.addi %select_n3A_54, %add3A_960 : vector<16xi32>
    %shift_right_arithmetic3A_962 = arith.constant 1 : i32
    %shift_right_arithmetic3A_963 = vector.broadcast %shift_right_arithmetic3A_962 : i32 to vector<16xi32>
    %shift_right_arithmetic3A_964 = arith.shrsi %add3A_961, %shift_right_arithmetic3A_963 : vector<16xi32>
    %and3A_965 = arith.constant 112 : i32
    %and3A_966 = vector.broadcast %and3A_965 : i32 to vector<16xi32>
    %and3A_967 = arith.andi %shift_right_arithmetic3A_964, %and3A_966 : vector<16xi32>
    %add3A_968 = arith.constant 23 : i32
    %add3A_969 = vector.broadcast %add3A_968 : i32 to vector<16xi32>
    %add3A_970 = arith.addi %select_n3A_64, %add3A_969 : vector<16xi32>
    %shift_right_arithmetic3A_971 = arith.constant 5 : i32
    %shift_right_arithmetic3A_972 = vector.broadcast %shift_right_arithmetic3A_971 : i32 to vector<16xi32>
    %shift_right_arithmetic3A_973 = arith.shrsi %add3A_970, %shift_right_arithmetic3A_972 : vector<16xi32>
    %add3A_974 = arith.constant 3720 : i32
    %add3A_975 = vector.broadcast %add3A_974 : i32 to vector<16xi32>
    %add3A_976 = arith.addi %add3A_975, %and3A_967 : vector<16xi32>
    %add3A_977 = arith.addi %add3A_976, %shift_right_arithmetic3A_973 : vector<16xi32>
    %gather3A_978 = tpu.vector_load_idx %arg10[%add3A_977] : memref<12288xf32, #tpu.memory_space<vmem>>[vector<16xi32>], vector<16xf32>,
    %add3A_979 = arith.constant 4096 : i32
    %add3A_980 = vector.broadcast %add3A_979 : i32 to vector<16xi32>
    %add3A_981 = arith.addi %add3A_977, %add3A_980 : vector<16xi32>
    %gather3A_982 = tpu.vector_load_idx %arg10[%add3A_981] : memref<12288xf32, #tpu.memory_space<vmem>>[vector<16xi32>], vector<16xf32>,
    %add3A_983 = arith.constant 8192 : i32
    %add3A_984 = vector.broadcast %add3A_983 : i32 to vector<16xi32>
    %add3A_985 = arith.addi %add3A_977, %add3A_984 : vector<16xi32>
    %gather3A_986 = tpu.vector_load_idx %arg10[%add3A_985] : memref<12288xf32, #tpu.memory_space<vmem>>[vector<16xi32>], vector<16xf32>,
    %add3A_987 = arith.addf %add3A_956, %gather3A_978 : vector<16xf32>
    %add3A_988 = arith.addf %add3A_957, %gather3A_982 : vector<16xf32>
    %add3A_989 = arith.addf %add3A_958, %gather3A_986 : vector<16xf32>
    %add3A_990 = arith.constant 30 : i32
    %add3A_991 = vector.broadcast %add3A_990 : i32 to vector<16xi32>
    %add3A_992 = arith.addi %select_n3A_54, %add3A_991 : vector<16xi32>
    %shift_right_arithmetic3A_993 = arith.constant 1 : i32
    %shift_right_arithmetic3A_994 = vector.broadcast %shift_right_arithmetic3A_993 : i32 to vector<16xi32>
    %shift_right_arithmetic3A_995 = arith.shrsi %add3A_992, %shift_right_arithmetic3A_994 : vector<16xi32>
    %and3A_996 = arith.constant 112 : i32
    %and3A_997 = vector.broadcast %and3A_996 : i32 to vector<16xi32>
    %and3A_998 = arith.andi %shift_right_arithmetic3A_995, %and3A_997 : vector<16xi32>
    %add3A_999 = arith.constant 26 : i32
    %add3A_1000 = vector.broadcast %add3A_999 : i32 to vector<16xi32>
    %add3A_1001 = arith.addi %select_n3A_64, %add3A_1000 : vector<16xi32>
    %shift_right_arithmetic3A_1002 = arith.constant 5 : i32
    %shift_right_arithmetic3A_1003 = vector.broadcast %shift_right_arithmetic3A_1002 : i32 to vector<16xi32>
    %shift_right_arithmetic3A_1004 = arith.shrsi %add3A_1001, %shift_right_arithmetic3A_1003 : vector<16xi32>
    %add3A_1005 = arith.constant 3848 : i32
    %add3A_1006 = vector.broadcast %add3A_1005 : i32 to vector<16xi32>
    %add3A_1007 = arith.addi %add3A_1006, %and3A_998 : vector<16xi32>
    %add3A_1008 = arith.addi %add3A_1007, %shift_right_arithmetic3A_1004 : vector<16xi32>
    %gather3A_1009 = tpu.vector_load_idx %arg10[%add3A_1008] : memref<12288xf32, #tpu.memory_space<vmem>>[vector<16xi32>], vector<16xf32>,
    %add3A_1010 = arith.constant 4096 : i32
    %add3A_1011 = vector.broadcast %add3A_1010 : i32 to vector<16xi32>
    %add3A_1012 = arith.addi %add3A_1008, %add3A_1011 : vector<16xi32>
    %gather3A_1013 = tpu.vector_load_idx %arg10[%add3A_1012] : memref<12288xf32, #tpu.memory_space<vmem>>[vector<16xi32>], vector<16xf32>,
    %add3A_1014 = arith.constant 8192 : i32
    %add3A_1015 = vector.broadcast %add3A_1014 : i32 to vector<16xi32>
    %add3A_1016 = arith.addi %add3A_1008, %add3A_1015 : vector<16xi32>
    %gather3A_1017 = tpu.vector_load_idx %arg10[%add3A_1016] : memref<12288xf32, #tpu.memory_space<vmem>>[vector<16xi32>], vector<16xf32>,
    %add3A_1018 = arith.addf %add3A_987, %gather3A_1009 : vector<16xf32>
    %add3A_1019 = arith.addf %add3A_988, %gather3A_1013 : vector<16xf32>
    %add3A_1020 = arith.addf %add3A_989, %gather3A_1017 : vector<16xf32>
    %add3A_1021 = arith.constant 31 : i32
    %add3A_1022 = vector.broadcast %add3A_1021 : i32 to vector<16xi32>
    %add3A_1023 = arith.addi %select_n3A_54, %add3A_1022 : vector<16xi32>
    %shift_right_arithmetic3A_1024 = arith.constant 1 : i32
    %shift_right_arithmetic3A_1025 = vector.broadcast %shift_right_arithmetic3A_1024 : i32 to vector<16xi32>
    %shift_right_arithmetic3A_1026 = arith.shrsi %add3A_1023, %shift_right_arithmetic3A_1025 : vector<16xi32>
    %and3A_1027 = arith.constant 112 : i32
    %and3A_1028 = vector.broadcast %and3A_1027 : i32 to vector<16xi32>
    %and3A_1029 = arith.andi %shift_right_arithmetic3A_1026, %and3A_1028 : vector<16xi32>
    %add3A_1030 = arith.constant 29 : i32
    %add3A_1031 = vector.broadcast %add3A_1030 : i32 to vector<16xi32>
    %add3A_1032 = arith.addi %select_n3A_64, %add3A_1031 : vector<16xi32>
    %shift_right_arithmetic3A_1033 = arith.constant 5 : i32
    %shift_right_arithmetic3A_1034 = vector.broadcast %shift_right_arithmetic3A_1033 : i32 to vector<16xi32>
    %shift_right_arithmetic3A_1035 = arith.shrsi %add3A_1032, %shift_right_arithmetic3A_1034 : vector<16xi32>
    %add3A_1036 = arith.constant 3976 : i32
    %add3A_1037 = vector.broadcast %add3A_1036 : i32 to vector<16xi32>
    %add3A_1038 = arith.addi %add3A_1037, %and3A_1029 : vector<16xi32>
    %add3A_1039 = arith.addi %add3A_1038, %shift_right_arithmetic3A_1035 : vector<16xi32>
    %gather3A_1040 = tpu.vector_load_idx %arg10[%add3A_1039] : memref<12288xf32, #tpu.memory_space<vmem>>[vector<16xi32>], vector<16xf32>,
    %add3A_1041 = arith.constant 4096 : i32
    %add3A_1042 = vector.broadcast %add3A_1041 : i32 to vector<16xi32>
    %add3A_1043 = arith.addi %add3A_1039, %add3A_1042 : vector<16xi32>
    %gather3A_1044 = tpu.vector_load_idx %arg10[%add3A_1043] : memref<12288xf32, #tpu.memory_space<vmem>>[vector<16xi32>], vector<16xf32>,
    %add3A_1045 = arith.constant 8192 : i32
    %add3A_1046 = vector.broadcast %add3A_1045 : i32 to vector<16xi32>
    %add3A_1047 = arith.addi %add3A_1039, %add3A_1046 : vector<16xi32>
    %gather3A_1048 = tpu.vector_load_idx %arg10[%add3A_1047] : memref<12288xf32, #tpu.memory_space<vmem>>[vector<16xi32>], vector<16xf32>,
    %add3A_1049 = arith.addf %add3A_1018, %gather3A_1040 : vector<16xf32>
    %add3A_1050 = arith.addf %add3A_1019, %gather3A_1044 : vector<16xf32>
    %add3A_1051 = arith.addf %add3A_1020, %gather3A_1048 : vector<16xf32>
    %swap3A = arith.constant 0 : index
    %swap3A_1052 = tpu.vector_load %arg11[%swap3A] {strides = array<i32>} : memref<48xf32, #tpu.memory_space<vmem>>, vector<16xf32>,
    tpu.vector_store %arg11[%swap3A], %add3A_1049 {strides = array<i32>} : memref<48xf32, #tpu.memory_space<vmem>>, vector<16xf32>,
    %swap3A_1053 = arith.constant 16 : index
    %swap3A_1054 = tpu.vector_load %arg11[%swap3A_1053] {strides = array<i32>} : memref<48xf32, #tpu.memory_space<vmem>>, vector<16xf32>,
    tpu.vector_store %arg11[%swap3A_1053], %add3A_1050 {strides = array<i32>} : memref<48xf32, #tpu.memory_space<vmem>>, vector<16xf32>,
    %swap3A_1055 = arith.constant 32 : index
    %swap3A_1056 = tpu.vector_load %arg11[%swap3A_1055] {strides = array<i32>} : memref<48xf32, #tpu.memory_space<vmem>>, vector<16xf32>,
    tpu.vector_store %arg11[%swap3A_1055], %add3A_1051 {strides = array<i32>} : memref<48xf32, #tpu.memory_space<vmem>>, vector<16xf32>,
    %add3A_1057 = arith.constant 0 : i32
    %add3A_1058 = vector.broadcast %add3A_1057 : i32 to vector<16xi32>
    %add3A_1059 = arith.addi %mul3A_27, %add3A_1058 : vector<16xi32>
    %gather3A_1060 = tpu.vector_load_idx %arg11[%add3A_1059] : memref<48xf32, #tpu.memory_space<vmem>>[vector<16xi32>], vector<16xf32>,
    %swap3A_1061 = arith.constant 0 : index
    %swap3A_1062 = tpu.vector_load %arg12[%swap3A_1061] {strides = array<i32>} : memref<1024xf32, #tpu.memory_space<vmem>>, vector<16xf32>,
    tpu.vector_store %arg12[%swap3A_1061], %gather3A_1060 {strides = array<i32>} : memref<1024xf32, #tpu.memory_space<vmem>>, vector<16xf32>,
    %add3A_1063 = arith.constant 1 : i32
    %add3A_1064 = vector.broadcast %add3A_1063 : i32 to vector<16xi32>
    %add3A_1065 = arith.addi %mul3A_27, %add3A_1064 : vector<16xi32>
    %gather3A_1066 = tpu.vector_load_idx %arg11[%add3A_1065] : memref<48xf32, #tpu.memory_space<vmem>>[vector<16xi32>], vector<16xf32>,
    %swap3A_1067 = arith.constant 16 : index
    %swap3A_1068 = tpu.vector_load %arg12[%swap3A_1067] {strides = array<i32>} : memref<1024xf32, #tpu.memory_space<vmem>>, vector<16xf32>,
    tpu.vector_store %arg12[%swap3A_1067], %gather3A_1066 {strides = array<i32>} : memref<1024xf32, #tpu.memory_space<vmem>>, vector<16xf32>,
    %add3A_1069 = arith.constant 2 : i32
    %add3A_1070 = vector.broadcast %add3A_1069 : i32 to vector<16xi32>
    %add3A_1071 = arith.addi %mul3A_27, %add3A_1070 : vector<16xi32>
    %gather3A_1072 = tpu.vector_load_idx %arg11[%add3A_1071] : memref<48xf32, #tpu.memory_space<vmem>>[vector<16xi32>], vector<16xf32>,
    %swap3A_1073 = arith.constant 32 : index
    %swap3A_1074 = tpu.vector_load %arg12[%swap3A_1073] {strides = array<i32>} : memref<1024xf32, #tpu.memory_space<vmem>>, vector<16xf32>,
    tpu.vector_store %arg12[%swap3A_1073], %gather3A_1072 {strides = array<i32>} : memref<1024xf32, #tpu.memory_space<vmem>>, vector<16xf32>,
    %add3A_1075 = arith.constant 3 : i32
    %add3A_1076 = vector.broadcast %add3A_1075 : i32 to vector<16xi32>
    %add3A_1077 = arith.addi %mul3A_27, %add3A_1076 : vector<16xi32>
    %gather3A_1078 = tpu.vector_load_idx %arg11[%add3A_1077] : memref<48xf32, #tpu.memory_space<vmem>>[vector<16xi32>], vector<16xf32>,
    %swap3A_1079 = arith.constant 48 : index
    %swap3A_1080 = tpu.vector_load %arg12[%swap3A_1079] {strides = array<i32>} : memref<1024xf32, #tpu.memory_space<vmem>>, vector<16xf32>,
    tpu.vector_store %arg12[%swap3A_1079], %gather3A_1078 {strides = array<i32>} : memref<1024xf32, #tpu.memory_space<vmem>>, vector<16xf32>,
    %add3A_1081 = arith.constant 4 : i32
    %add3A_1082 = vector.broadcast %add3A_1081 : i32 to vector<16xi32>
    %add3A_1083 = arith.addi %mul3A_27, %add3A_1082 : vector<16xi32>
    %gather3A_1084 = tpu.vector_load_idx %arg11[%add3A_1083] : memref<48xf32, #tpu.memory_space<vmem>>[vector<16xi32>], vector<16xf32>,
    %swap3A_1085 = arith.constant 64 : index
    %swap3A_1086 = tpu.vector_load %arg12[%swap3A_1085] {strides = array<i32>} : memref<1024xf32, #tpu.memory_space<vmem>>, vector<16xf32>,
    tpu.vector_store %arg12[%swap3A_1085], %gather3A_1084 {strides = array<i32>} : memref<1024xf32, #tpu.memory_space<vmem>>, vector<16xf32>,
    %add3A_1087 = arith.constant 5 : i32
    %add3A_1088 = vector.broadcast %add3A_1087 : i32 to vector<16xi32>
    %add3A_1089 = arith.addi %mul3A_27, %add3A_1088 : vector<16xi32>
    %gather3A_1090 = tpu.vector_load_idx %arg11[%add3A_1089] : memref<48xf32, #tpu.memory_space<vmem>>[vector<16xi32>], vector<16xf32>,
    %swap3A_1091 = arith.constant 80 : index
    %swap3A_1092 = tpu.vector_load %arg12[%swap3A_1091] {strides = array<i32>} : memref<1024xf32, #tpu.memory_space<vmem>>, vector<16xf32>,
    tpu.vector_store %arg12[%swap3A_1091], %gather3A_1090 {strides = array<i32>} : memref<1024xf32, #tpu.memory_space<vmem>>, vector<16xf32>,
    %add3A_1093 = arith.constant 6 : i32
    %add3A_1094 = vector.broadcast %add3A_1093 : i32 to vector<16xi32>
    %add3A_1095 = arith.addi %mul3A_27, %add3A_1094 : vector<16xi32>
    %gather3A_1096 = tpu.vector_load_idx %arg11[%add3A_1095] : memref<48xf32, #tpu.memory_space<vmem>>[vector<16xi32>], vector<16xf32>,
    %swap3A_1097 = arith.constant 96 : index
    %swap3A_1098 = tpu.vector_load %arg12[%swap3A_1097] {strides = array<i32>} : memref<1024xf32, #tpu.memory_space<vmem>>, vector<16xf32>,
    tpu.vector_store %arg12[%swap3A_1097], %gather3A_1096 {strides = array<i32>} : memref<1024xf32, #tpu.memory_space<vmem>>, vector<16xf32>,
    %add3A_1099 = arith.constant 7 : i32
    %add3A_1100 = vector.broadcast %add3A_1099 : i32 to vector<16xi32>
    %add3A_1101 = arith.addi %mul3A_27, %add3A_1100 : vector<16xi32>
    %gather3A_1102 = tpu.vector_load_idx %arg11[%add3A_1101] : memref<48xf32, #tpu.memory_space<vmem>>[vector<16xi32>], vector<16xf32>,
    %swap3A_1103 = arith.constant 112 : index
    %swap3A_1104 = tpu.vector_load %arg12[%swap3A_1103] {strides = array<i32>} : memref<1024xf32, #tpu.memory_space<vmem>>, vector<16xf32>,
    tpu.vector_store %arg12[%swap3A_1103], %gather3A_1102 {strides = array<i32>} : memref<1024xf32, #tpu.memory_space<vmem>>, vector<16xf32>,
    %add3A_1105 = arith.constant 8 : i32
    %add3A_1106 = vector.broadcast %add3A_1105 : i32 to vector<16xi32>
    %add3A_1107 = arith.addi %mul3A_27, %add3A_1106 : vector<16xi32>
    %gather3A_1108 = tpu.vector_load_idx %arg11[%add3A_1107] : memref<48xf32, #tpu.memory_space<vmem>>[vector<16xi32>], vector<16xf32>,
    %swap3A_1109 = arith.constant 128 : index
    %swap3A_1110 = tpu.vector_load %arg12[%swap3A_1109] {strides = array<i32>} : memref<1024xf32, #tpu.memory_space<vmem>>, vector<16xf32>,
    tpu.vector_store %arg12[%swap3A_1109], %gather3A_1108 {strides = array<i32>} : memref<1024xf32, #tpu.memory_space<vmem>>, vector<16xf32>,
    %add3A_1111 = arith.constant 9 : i32
    %add3A_1112 = vector.broadcast %add3A_1111 : i32 to vector<16xi32>
    %add3A_1113 = arith.addi %mul3A_27, %add3A_1112 : vector<16xi32>
    %gather3A_1114 = tpu.vector_load_idx %arg11[%add3A_1113] : memref<48xf32, #tpu.memory_space<vmem>>[vector<16xi32>], vector<16xf32>,
    %swap3A_1115 = arith.constant 144 : index
    %swap3A_1116 = tpu.vector_load %arg12[%swap3A_1115] {strides = array<i32>} : memref<1024xf32, #tpu.memory_space<vmem>>, vector<16xf32>,
    tpu.vector_store %arg12[%swap3A_1115], %gather3A_1114 {strides = array<i32>} : memref<1024xf32, #tpu.memory_space<vmem>>, vector<16xf32>,
    %add3A_1117 = arith.constant 10 : i32
    %add3A_1118 = vector.broadcast %add3A_1117 : i32 to vector<16xi32>
    %add3A_1119 = arith.addi %mul3A_27, %add3A_1118 : vector<16xi32>
    %gather3A_1120 = tpu.vector_load_idx %arg11[%add3A_1119] : memref<48xf32, #tpu.memory_space<vmem>>[vector<16xi32>], vector<16xf32>,
    %swap3A_1121 = arith.constant 160 : index
    %swap3A_1122 = tpu.vector_load %arg12[%swap3A_1121] {strides = array<i32>} : memref<1024xf32, #tpu.memory_space<vmem>>, vector<16xf32>,
    tpu.vector_store %arg12[%swap3A_1121], %gather3A_1120 {strides = array<i32>} : memref<1024xf32, #tpu.memory_space<vmem>>, vector<16xf32>,
    %add3A_1123 = arith.constant 11 : i32
    %add3A_1124 = vector.broadcast %add3A_1123 : i32 to vector<16xi32>
    %add3A_1125 = arith.addi %mul3A_27, %add3A_1124 : vector<16xi32>
    %gather3A_1126 = tpu.vector_load_idx %arg11[%add3A_1125] : memref<48xf32, #tpu.memory_space<vmem>>[vector<16xi32>], vector<16xf32>,
    %swap3A_1127 = arith.constant 176 : index
    %swap3A_1128 = tpu.vector_load %arg12[%swap3A_1127] {strides = array<i32>} : memref<1024xf32, #tpu.memory_space<vmem>>, vector<16xf32>,
    tpu.vector_store %arg12[%swap3A_1127], %gather3A_1126 {strides = array<i32>} : memref<1024xf32, #tpu.memory_space<vmem>>, vector<16xf32>,
    %add3A_1129 = arith.constant 12 : i32
    %add3A_1130 = vector.broadcast %add3A_1129 : i32 to vector<16xi32>
    %add3A_1131 = arith.addi %mul3A_27, %add3A_1130 : vector<16xi32>
    %gather3A_1132 = tpu.vector_load_idx %arg11[%add3A_1131] : memref<48xf32, #tpu.memory_space<vmem>>[vector<16xi32>], vector<16xf32>,
    %swap3A_1133 = arith.constant 192 : index
    %swap3A_1134 = tpu.vector_load %arg12[%swap3A_1133] {strides = array<i32>} : memref<1024xf32, #tpu.memory_space<vmem>>, vector<16xf32>,
    tpu.vector_store %arg12[%swap3A_1133], %gather3A_1132 {strides = array<i32>} : memref<1024xf32, #tpu.memory_space<vmem>>, vector<16xf32>,
    %add3A_1135 = arith.constant 13 : i32
    %add3A_1136 = vector.broadcast %add3A_1135 : i32 to vector<16xi32>
    %add3A_1137 = arith.addi %mul3A_27, %add3A_1136 : vector<16xi32>
    %gather3A_1138 = tpu.vector_load_idx %arg11[%add3A_1137] : memref<48xf32, #tpu.memory_space<vmem>>[vector<16xi32>], vector<16xf32>,
    %swap3A_1139 = arith.constant 208 : index
    %swap3A_1140 = tpu.vector_load %arg12[%swap3A_1139] {strides = array<i32>} : memref<1024xf32, #tpu.memory_space<vmem>>, vector<16xf32>,
    tpu.vector_store %arg12[%swap3A_1139], %gather3A_1138 {strides = array<i32>} : memref<1024xf32, #tpu.memory_space<vmem>>, vector<16xf32>,
    %add3A_1141 = arith.constant 14 : i32
    %add3A_1142 = vector.broadcast %add3A_1141 : i32 to vector<16xi32>
    %add3A_1143 = arith.addi %mul3A_27, %add3A_1142 : vector<16xi32>
    %gather3A_1144 = tpu.vector_load_idx %arg11[%add3A_1143] : memref<48xf32, #tpu.memory_space<vmem>>[vector<16xi32>], vector<16xf32>,
    %swap3A_1145 = arith.constant 224 : index
    %swap3A_1146 = tpu.vector_load %arg12[%swap3A_1145] {strides = array<i32>} : memref<1024xf32, #tpu.memory_space<vmem>>, vector<16xf32>,
    tpu.vector_store %arg12[%swap3A_1145], %gather3A_1144 {strides = array<i32>} : memref<1024xf32, #tpu.memory_space<vmem>>, vector<16xf32>,
    %add3A_1147 = arith.constant 15 : i32
    %add3A_1148 = vector.broadcast %add3A_1147 : i32 to vector<16xi32>
    %add3A_1149 = arith.addi %mul3A_27, %add3A_1148 : vector<16xi32>
    %gather3A_1150 = tpu.vector_load_idx %arg11[%add3A_1149] : memref<48xf32, #tpu.memory_space<vmem>>[vector<16xi32>], vector<16xf32>,
    %swap3A_1151 = arith.constant 240 : index
    %swap3A_1152 = tpu.vector_load %arg12[%swap3A_1151] {strides = array<i32>} : memref<1024xf32, #tpu.memory_space<vmem>>, vector<16xf32>,
    tpu.vector_store %arg12[%swap3A_1151], %gather3A_1150 {strides = array<i32>} : memref<1024xf32, #tpu.memory_space<vmem>>, vector<16xf32>,
    %get3A_1153 = arith.constant 16 : index
    %get3A_1154 = tpu.vector_load %arg6[%get3A_1153] {strides = array<i32>} : memref<64xf32, #tpu.memory_space<vmem>>, vector<16xf32>,
    %get3A_1155 = arith.constant 16 : index
    %get3A_1156 = tpu.vector_load %arg7[%get3A_1155] {strides = array<i32>} : memref<64xf32, #tpu.memory_space<vmem>>, vector<16xf32>,
    %add3A_1157 = arith.constant -3.14159274 : f32
    %add3A_1158 = vector.broadcast %add3A_1157 : f32 to vector<16xf32>
    %add3A_1159 = arith.addf %get3A_1154, %add3A_1158 : vector<16xf32>
    %div3A_1160 = arith.constant 6.28318548 : f32
    %div3A_1161 = vector.broadcast %div3A_1160 : f32 to vector<16xf32>
    %div3A_1162 = arith.divf %add3A_1159, %div3A_1161 : vector<16xf32>
    %mul3A_1163 = arith.constant 8.000000e+00 : f32
    %mul3A_1164 = vector.broadcast %mul3A_1163 : f32 to vector<16xf32>
    %mul3A_1165 = arith.mulf %div3A_1162, %mul3A_1164 : vector<16xf32>
    %add3A_1166 = arith.constant -6.28318548 : f32
    %add3A_1167 = vector.broadcast %add3A_1166 : f32 to vector<16xf32>
    %add3A_1168 = arith.addf %get3A_1156, %add3A_1167 : vector<16xf32>
    %div3A_1169 = arith.constant 12.566371 : f32
    %div3A_1170 = vector.broadcast %div3A_1169 : f32 to vector<16xf32>
    %div3A_1171 = arith.divf %add3A_1168, %div3A_1170 : vector<16xf32>
    %mul3A_1172 = arith.constant 8.000000e+00 : f32
    %mul3A_1173 = vector.broadcast %mul3A_1172 : f32 to vector<16xf32>
    %mul3A_1174 = arith.mulf %div3A_1171, %mul3A_1173 : vector<16xf32>
    %mul3A_1175 = arith.constant 3.200000e+01 : f32
    %mul3A_1176 = vector.broadcast %mul3A_1175 : f32 to vector<16xf32>
    %mul3A_1177 = arith.mulf %mul3A_1165, %mul3A_1176 : vector<16xf32>
    %convert_element_type3A_1178 = arith.fptosi %mul3A_1177 : vector<16xf32> to vector<16xi32>
    %convert_element_type3A_1179 = arith.sitofp %convert_element_type3A_1178 : vector<16xi32> to vector<16xf32>
    %gt3A_1180 = arith.cmpf ogt, %convert_element_type3A_1179, %mul3A_1177 : vector<16xf32>
    %sub3A_1181 = arith.constant 1 : i32
    %sub3A_1182 = vector.broadcast %sub3A_1181 : i32 to vector<16xi32>
    %sub3A_1183 = arith.subi %convert_element_type3A_1178, %sub3A_1182 : vector<16xi32>
    %select_n3A_1184 = arith.select %gt3A_1180, %sub3A_1183, %convert_element_type3A_1178 : vector<16xi1>, vector<16xi32>
    %mul3A_1185 = arith.constant 3.200000e+01 : f32
    %mul3A_1186 = vector.broadcast %mul3A_1185 : f32 to vector<16xf32>
    %mul3A_1187 = arith.mulf %mul3A_1174, %mul3A_1186 : vector<16xf32>
    %convert_element_type3A_1188 = arith.fptosi %mul3A_1187 : vector<16xf32> to vector<16xi32>
    %convert_element_type3A_1189 = arith.sitofp %convert_element_type3A_1188 : vector<16xi32> to vector<16xf32>
    %gt3A_1190 = arith.cmpf ogt, %convert_element_type3A_1189, %mul3A_1187 : vector<16xf32>
    %sub3A_1191 = arith.constant 1 : i32
    %sub3A_1192 = vector.broadcast %sub3A_1191 : i32 to vector<16xi32>
    %sub3A_1193 = arith.subi %convert_element_type3A_1188, %sub3A_1192 : vector<16xi32>
    %select_n3A_1194 = arith.select %gt3A_1190, %sub3A_1193, %convert_element_type3A_1188 : vector<16xi1>, vector<16xi32>
    %add3A_1195 = arith.constant 0 : i32
    %add3A_1196 = vector.broadcast %add3A_1195 : i32 to vector<16xi32>
    %add3A_1197 = arith.addi %select_n3A_1184, %add3A_1196 : vector<16xi32>
    %shift_right_arithmetic3A_1198 = arith.constant 1 : i32
    %shift_right_arithmetic3A_1199 = vector.broadcast %shift_right_arithmetic3A_1198 : i32 to vector<16xi32>
    %shift_right_arithmetic3A_1200 = arith.shrsi %add3A_1197, %shift_right_arithmetic3A_1199 : vector<16xi32>
    %and3A_1201 = arith.constant 112 : i32
    %and3A_1202 = vector.broadcast %and3A_1201 : i32 to vector<16xi32>
    %and3A_1203 = arith.andi %shift_right_arithmetic3A_1200, %and3A_1202 : vector<16xi32>
    %add3A_1204 = arith.constant 0 : i32
    %add3A_1205 = vector.broadcast %add3A_1204 : i32 to vector<16xi32>
    %add3A_1206 = arith.addi %select_n3A_1194, %add3A_1205 : vector<16xi32>
    %shift_right_arithmetic3A_1207 = arith.constant 5 : i32
    %shift_right_arithmetic3A_1208 = vector.broadcast %shift_right_arithmetic3A_1207 : i32 to vector<16xi32>
    %shift_right_arithmetic3A_1209 = arith.shrsi %add3A_1206, %shift_right_arithmetic3A_1208 : vector<16xi32>
    %add3A_1210 = arith.constant 8 : i32
    %add3A_1211 = vector.broadcast %add3A_1210 : i32 to vector<16xi32>
    %add3A_1212 = arith.addi %add3A_1211, %and3A_1203 : vector<16xi32>
    %add3A_1213 = arith.addi %add3A_1212, %shift_right_arithmetic3A_1209 : vector<16xi32>
    %gather3A_1214 = tpu.vector_load_idx %arg10[%add3A_1213] : memref<12288xf32, #tpu.memory_space<vmem>>[vector<16xi32>], vector<16xf32>,
    %add3A_1215 = arith.constant 4096 : i32
    %add3A_1216 = vector.broadcast %add3A_1215 : i32 to vector<16xi32>
    %add3A_1217 = arith.addi %add3A_1213, %add3A_1216 : vector<16xi32>
    %gather3A_1218 = tpu.vector_load_idx %arg10[%add3A_1217] : memref<12288xf32, #tpu.memory_space<vmem>>[vector<16xi32>], vector<16xf32>,
    %add3A_1219 = arith.constant 8192 : i32
    %add3A_1220 = vector.broadcast %add3A_1219 : i32 to vector<16xi32>
    %add3A_1221 = arith.addi %add3A_1213, %add3A_1220 : vector<16xi32>
    %gather3A_1222 = tpu.vector_load_idx %arg10[%add3A_1221] : memref<12288xf32, #tpu.memory_space<vmem>>[vector<16xi32>], vector<16xf32>,
    %add3A_1223 = arith.constant 1 : i32
    %add3A_1224 = vector.broadcast %add3A_1223 : i32 to vector<16xi32>
    %add3A_1225 = arith.addi %select_n3A_1184, %add3A_1224 : vector<16xi32>
    %shift_right_arithmetic3A_1226 = arith.constant 1 : i32
    %shift_right_arithmetic3A_1227 = vector.broadcast %shift_right_arithmetic3A_1226 : i32 to vector<16xi32>
    %shift_right_arithmetic3A_1228 = arith.shrsi %add3A_1225, %shift_right_arithmetic3A_1227 : vector<16xi32>
    %and3A_1229 = arith.constant 112 : i32
    %and3A_1230 = vector.broadcast %and3A_1229 : i32 to vector<16xi32>
    %and3A_1231 = arith.andi %shift_right_arithmetic3A_1228, %and3A_1230 : vector<16xi32>
    %add3A_1232 = arith.constant 3 : i32
    %add3A_1233 = vector.broadcast %add3A_1232 : i32 to vector<16xi32>
    %add3A_1234 = arith.addi %select_n3A_1194, %add3A_1233 : vector<16xi32>
    %shift_right_arithmetic3A_1235 = arith.constant 5 : i32
    %shift_right_arithmetic3A_1236 = vector.broadcast %shift_right_arithmetic3A_1235 : i32 to vector<16xi32>
    %shift_right_arithmetic3A_1237 = arith.shrsi %add3A_1234, %shift_right_arithmetic3A_1236 : vector<16xi32>
    %add3A_1238 = arith.constant 136 : i32
    %add3A_1239 = vector.broadcast %add3A_1238 : i32 to vector<16xi32>
    %add3A_1240 = arith.addi %add3A_1239, %and3A_1231 : vector<16xi32>
    %add3A_1241 = arith.addi %add3A_1240, %shift_right_arithmetic3A_1237 : vector<16xi32>
    %gather3A_1242 = tpu.vector_load_idx %arg10[%add3A_1241] : memref<12288xf32, #tpu.memory_space<vmem>>[vector<16xi32>], vector<16xf32>,
    %add3A_1243 = arith.constant 4096 : i32
    %add3A_1244 = vector.broadcast %add3A_1243 : i32 to vector<16xi32>
    %add3A_1245 = arith.addi %add3A_1241, %add3A_1244 : vector<16xi32>
    %gather3A_1246 = tpu.vector_load_idx %arg10[%add3A_1245] : memref<12288xf32, #tpu.memory_space<vmem>>[vector<16xi32>], vector<16xf32>,
    %add3A_1247 = arith.constant 8192 : i32
    %add3A_1248 = vector.broadcast %add3A_1247 : i32 to vector<16xi32>
    %add3A_1249 = arith.addi %add3A_1241, %add3A_1248 : vector<16xi32>
    %gather3A_1250 = tpu.vector_load_idx %arg10[%add3A_1249] : memref<12288xf32, #tpu.memory_space<vmem>>[vector<16xi32>], vector<16xf32>,
    %add3A_1251 = arith.addf %gather3A_1214, %gather3A_1242 : vector<16xf32>
    %add3A_1252 = arith.addf %gather3A_1218, %gather3A_1246 : vector<16xf32>
    %add3A_1253 = arith.addf %gather3A_1222, %gather3A_1250 : vector<16xf32>
    %add3A_1254 = arith.constant 2 : i32
    %add3A_1255 = vector.broadcast %add3A_1254 : i32 to vector<16xi32>
    %add3A_1256 = arith.addi %select_n3A_1184, %add3A_1255 : vector<16xi32>
    %shift_right_arithmetic3A_1257 = arith.constant 1 : i32
    %shift_right_arithmetic3A_1258 = vector.broadcast %shift_right_arithmetic3A_1257 : i32 to vector<16xi32>
    %shift_right_arithmetic3A_1259 = arith.shrsi %add3A_1256, %shift_right_arithmetic3A_1258 : vector<16xi32>
    %and3A_1260 = arith.constant 112 : i32
    %and3A_1261 = vector.broadcast %and3A_1260 : i32 to vector<16xi32>
    %and3A_1262 = arith.andi %shift_right_arithmetic3A_1259, %and3A_1261 : vector<16xi32>
    %add3A_1263 = arith.constant 6 : i32
    %add3A_1264 = vector.broadcast %add3A_1263 : i32 to vector<16xi32>
    %add3A_1265 = arith.addi %select_n3A_1194, %add3A_1264 : vector<16xi32>
    %shift_right_arithmetic3A_1266 = arith.constant 5 : i32
    %shift_right_arithmetic3A_1267 = vector.broadcast %shift_right_arithmetic3A_1266 : i32 to vector<16xi32>
    %shift_right_arithmetic3A_1268 = arith.shrsi %add3A_1265, %shift_right_arithmetic3A_1267 : vector<16xi32>
    %add3A_1269 = arith.constant 264 : i32
    %add3A_1270 = vector.broadcast %add3A_1269 : i32 to vector<16xi32>
    %add3A_1271 = arith.addi %add3A_1270, %and3A_1262 : vector<16xi32>
    %add3A_1272 = arith.addi %add3A_1271, %shift_right_arithmetic3A_1268 : vector<16xi32>
    %gather3A_1273 = tpu.vector_load_idx %arg10[%add3A_1272] : memref<12288xf32, #tpu.memory_space<vmem>>[vector<16xi32>], vector<16xf32>,
    %add3A_1274 = arith.constant 4096 : i32
    %add3A_1275 = vector.broadcast %add3A_1274 : i32 to vector<16xi32>
    %add3A_1276 = arith.addi %add3A_1272, %add3A_1275 : vector<16xi32>
    %gather3A_1277 = tpu.vector_load_idx %arg10[%add3A_1276] : memref<12288xf32, #tpu.memory_space<vmem>>[vector<16xi32>], vector<16xf32>,
    %add3A_1278 = arith.constant 8192 : i32
    %add3A_1279 = vector.broadcast %add3A_1278 : i32 to vector<16xi32>
    %add3A_1280 = arith.addi %add3A_1272, %add3A_1279 : vector<16xi32>
    %gather3A_1281 = tpu.vector_load_idx %arg10[%add3A_1280] : memref<12288xf32, #tpu.memory_space<vmem>>[vector<16xi32>], vector<16xf32>,
    %add3A_1282 = arith.addf %add3A_1251, %gather3A_1273 : vector<16xf32>
    %add3A_1283 = arith.addf %add3A_1252, %gather3A_1277 : vector<16xf32>
    %add3A_1284 = arith.addf %add3A_1253, %gather3A_1281 : vector<16xf32>
    %add3A_1285 = arith.constant 3 : i32
    %add3A_1286 = vector.broadcast %add3A_1285 : i32 to vector<16xi32>
    %add3A_1287 = arith.addi %select_n3A_1184, %add3A_1286 : vector<16xi32>
    %shift_right_arithmetic3A_1288 = arith.constant 1 : i32
    %shift_right_arithmetic3A_1289 = vector.broadcast %shift_right_arithmetic3A_1288 : i32 to vector<16xi32>
    %shift_right_arithmetic3A_1290 = arith.shrsi %add3A_1287, %shift_right_arithmetic3A_1289 : vector<16xi32>
    %and3A_1291 = arith.constant 112 : i32
    %and3A_1292 = vector.broadcast %and3A_1291 : i32 to vector<16xi32>
    %and3A_1293 = arith.andi %shift_right_arithmetic3A_1290, %and3A_1292 : vector<16xi32>
    %add3A_1294 = arith.constant 9 : i32
    %add3A_1295 = vector.broadcast %add3A_1294 : i32 to vector<16xi32>
    %add3A_1296 = arith.addi %select_n3A_1194, %add3A_1295 : vector<16xi32>
    %shift_right_arithmetic3A_1297 = arith.constant 5 : i32
    %shift_right_arithmetic3A_1298 = vector.broadcast %shift_right_arithmetic3A_1297 : i32 to vector<16xi32>
    %shift_right_arithmetic3A_1299 = arith.shrsi %add3A_1296, %shift_right_arithmetic3A_1298 : vector<16xi32>
    %add3A_1300 = arith.constant 392 : i32
    %add3A_1301 = vector.broadcast %add3A_1300 : i32 to vector<16xi32>
    %add3A_1302 = arith.addi %add3A_1301, %and3A_1293 : vector<16xi32>
    %add3A_1303 = arith.addi %add3A_1302, %shift_right_arithmetic3A_1299 : vector<16xi32>
    %gather3A_1304 = tpu.vector_load_idx %arg10[%add3A_1303] : memref<12288xf32, #tpu.memory_space<vmem>>[vector<16xi32>], vector<16xf32>,
    %add3A_1305 = arith.constant 4096 : i32
    %add3A_1306 = vector.broadcast %add3A_1305 : i32 to vector<16xi32>
    %add3A_1307 = arith.addi %add3A_1303, %add3A_1306 : vector<16xi32>
    %gather3A_1308 = tpu.vector_load_idx %arg10[%add3A_1307] : memref<12288xf32, #tpu.memory_space<vmem>>[vector<16xi32>], vector<16xf32>,
    %add3A_1309 = arith.constant 8192 : i32
    %add3A_1310 = vector.broadcast %add3A_1309 : i32 to vector<16xi32>
    %add3A_1311 = arith.addi %add3A_1303, %add3A_1310 : vector<16xi32>
    %gather3A_1312 = tpu.vector_load_idx %arg10[%add3A_1311] : memref<12288xf32, #tpu.memory_space<vmem>>[vector<16xi32>], vector<16xf32>,
    %add3A_1313 = arith.addf %add3A_1282, %gather3A_1304 : vector<16xf32>
    %add3A_1314 = arith.addf %add3A_1283, %gather3A_1308 : vector<16xf32>
    %add3A_1315 = arith.addf %add3A_1284, %gather3A_1312 : vector<16xf32>
    %add3A_1316 = arith.constant 4 : i32
    %add3A_1317 = vector.broadcast %add3A_1316 : i32 to vector<16xi32>
    %add3A_1318 = arith.addi %select_n3A_1184, %add3A_1317 : vector<16xi32>
    %shift_right_arithmetic3A_1319 = arith.constant 1 : i32
    %shift_right_arithmetic3A_1320 = vector.broadcast %shift_right_arithmetic3A_1319 : i32 to vector<16xi32>
    %shift_right_arithmetic3A_1321 = arith.shrsi %add3A_1318, %shift_right_arithmetic3A_1320 : vector<16xi32>
    %and3A_1322 = arith.constant 112 : i32
    %and3A_1323 = vector.broadcast %and3A_1322 : i32 to vector<16xi32>
    %and3A_1324 = arith.andi %shift_right_arithmetic3A_1321, %and3A_1323 : vector<16xi32>
    %add3A_1325 = arith.constant 12 : i32
    %add3A_1326 = vector.broadcast %add3A_1325 : i32 to vector<16xi32>
    %add3A_1327 = arith.addi %select_n3A_1194, %add3A_1326 : vector<16xi32>
    %shift_right_arithmetic3A_1328 = arith.constant 5 : i32
    %shift_right_arithmetic3A_1329 = vector.broadcast %shift_right_arithmetic3A_1328 : i32 to vector<16xi32>
    %shift_right_arithmetic3A_1330 = arith.shrsi %add3A_1327, %shift_right_arithmetic3A_1329 : vector<16xi32>
    %add3A_1331 = arith.constant 520 : i32
    %add3A_1332 = vector.broadcast %add3A_1331 : i32 to vector<16xi32>
    %add3A_1333 = arith.addi %add3A_1332, %and3A_1324 : vector<16xi32>
    %add3A_1334 = arith.addi %add3A_1333, %shift_right_arithmetic3A_1330 : vector<16xi32>
    %gather3A_1335 = tpu.vector_load_idx %arg10[%add3A_1334] : memref<12288xf32, #tpu.memory_space<vmem>>[vector<16xi32>], vector<16xf32>,
    %add3A_1336 = arith.constant 4096 : i32
    %add3A_1337 = vector.broadcast %add3A_1336 : i32 to vector<16xi32>
    %add3A_1338 = arith.addi %add3A_1334, %add3A_1337 : vector<16xi32>
    %gather3A_1339 = tpu.vector_load_idx %arg10[%add3A_1338] : memref<12288xf32, #tpu.memory_space<vmem>>[vector<16xi32>], vector<16xf32>,
    %add3A_1340 = arith.constant 8192 : i32
    %add3A_1341 = vector.broadcast %add3A_1340 : i32 to vector<16xi32>
    %add3A_1342 = arith.addi %add3A_1334, %add3A_1341 : vector<16xi32>
    %gather3A_1343 = tpu.vector_load_idx %arg10[%add3A_1342] : memref<12288xf32, #tpu.memory_space<vmem>>[vector<16xi32>], vector<16xf32>,
    %add3A_1344 = arith.addf %add3A_1313, %gather3A_1335 : vector<16xf32>
    %add3A_1345 = arith.addf %add3A_1314, %gather3A_1339 : vector<16xf32>
    %add3A_1346 = arith.addf %add3A_1315, %gather3A_1343 : vector<16xf32>
    %add3A_1347 = arith.constant 5 : i32
    %add3A_1348 = vector.broadcast %add3A_1347 : i32 to vector<16xi32>
    %add3A_1349 = arith.addi %select_n3A_1184, %add3A_1348 : vector<16xi32>
    %shift_right_arithmetic3A_1350 = arith.constant 1 : i32
    %shift_right_arithmetic3A_1351 = vector.broadcast %shift_right_arithmetic3A_1350 : i32 to vector<16xi32>
    %shift_right_arithmetic3A_1352 = arith.shrsi %add3A_1349, %shift_right_arithmetic3A_1351 : vector<16xi32>
    %and3A_1353 = arith.constant 112 : i32
    %and3A_1354 = vector.broadcast %and3A_1353 : i32 to vector<16xi32>
    %and3A_1355 = arith.andi %shift_right_arithmetic3A_1352, %and3A_1354 : vector<16xi32>
    %add3A_1356 = arith.constant 15 : i32
    %add3A_1357 = vector.broadcast %add3A_1356 : i32 to vector<16xi32>
    %add3A_1358 = arith.addi %select_n3A_1194, %add3A_1357 : vector<16xi32>
    %shift_right_arithmetic3A_1359 = arith.constant 5 : i32
    %shift_right_arithmetic3A_1360 = vector.broadcast %shift_right_arithmetic3A_1359 : i32 to vector<16xi32>
    %shift_right_arithmetic3A_1361 = arith.shrsi %add3A_1358, %shift_right_arithmetic3A_1360 : vector<16xi32>
    %add3A_1362 = arith.constant 648 : i32
    %add3A_1363 = vector.broadcast %add3A_1362 : i32 to vector<16xi32>
    %add3A_1364 = arith.addi %add3A_1363, %and3A_1355 : vector<16xi32>
    %add3A_1365 = arith.addi %add3A_1364, %shift_right_arithmetic3A_1361 : vector<16xi32>
    %gather3A_1366 = tpu.vector_load_idx %arg10[%add3A_1365] : memref<12288xf32, #tpu.memory_space<vmem>>[vector<16xi32>], vector<16xf32>,
    %add3A_1367 = arith.constant 4096 : i32
    %add3A_1368 = vector.broadcast %add3A_1367 : i32 to vector<16xi32>
    %add3A_1369 = arith.addi %add3A_1365, %add3A_1368 : vector<16xi32>
    %gather3A_1370 = tpu.vector_load_idx %arg10[%add3A_1369] : memref<12288xf32, #tpu.memory_space<vmem>>[vector<16xi32>], vector<16xf32>,
    %add3A_1371 = arith.constant 8192 : i32
    %add3A_1372 = vector.broadcast %add3A_1371 : i32 to vector<16xi32>
    %add3A_1373 = arith.addi %add3A_1365, %add3A_1372 : vector<16xi32>
    %gather3A_1374 = tpu.vector_load_idx %arg10[%add3A_1373] : memref<12288xf32, #tpu.memory_space<vmem>>[vector<16xi32>], vector<16xf32>,
    %add3A_1375 = arith.addf %add3A_1344, %gather3A_1366 : vector<16xf32>
    %add3A_1376 = arith.addf %add3A_1345, %gather3A_1370 : vector<16xf32>
    %add3A_1377 = arith.addf %add3A_1346, %gather3A_1374 : vector<16xf32>
    %add3A_1378 = arith.constant 6 : i32
    %add3A_1379 = vector.broadcast %add3A_1378 : i32 to vector<16xi32>
    %add3A_1380 = arith.addi %select_n3A_1184, %add3A_1379 : vector<16xi32>
    %shift_right_arithmetic3A_1381 = arith.constant 1 : i32
    %shift_right_arithmetic3A_1382 = vector.broadcast %shift_right_arithmetic3A_1381 : i32 to vector<16xi32>
    %shift_right_arithmetic3A_1383 = arith.shrsi %add3A_1380, %shift_right_arithmetic3A_1382 : vector<16xi32>
    %and3A_1384 = arith.constant 112 : i32
    %and3A_1385 = vector.broadcast %and3A_1384 : i32 to vector<16xi32>
    %and3A_1386 = arith.andi %shift_right_arithmetic3A_1383, %and3A_1385 : vector<16xi32>
    %add3A_1387 = arith.constant 18 : i32
    %add3A_1388 = vector.broadcast %add3A_1387 : i32 to vector<16xi32>
    %add3A_1389 = arith.addi %select_n3A_1194, %add3A_1388 : vector<16xi32>
    %shift_right_arithmetic3A_1390 = arith.constant 5 : i32
    %shift_right_arithmetic3A_1391 = vector.broadcast %shift_right_arithmetic3A_1390 : i32 to vector<16xi32>
    %shift_right_arithmetic3A_1392 = arith.shrsi %add3A_1389, %shift_right_arithmetic3A_1391 : vector<16xi32>
    %add3A_1393 = arith.constant 776 : i32
    %add3A_1394 = vector.broadcast %add3A_1393 : i32 to vector<16xi32>
    %add3A_1395 = arith.addi %add3A_1394, %and3A_1386 : vector<16xi32>
    %add3A_1396 = arith.addi %add3A_1395, %shift_right_arithmetic3A_1392 : vector<16xi32>
    %gather3A_1397 = tpu.vector_load_idx %arg10[%add3A_1396] : memref<12288xf32, #tpu.memory_space<vmem>>[vector<16xi32>], vector<16xf32>,
    %add3A_1398 = arith.constant 4096 : i32
    %add3A_1399 = vector.broadcast %add3A_1398 : i32 to vector<16xi32>
    %add3A_1400 = arith.addi %add3A_1396, %add3A_1399 : vector<16xi32>
    %gather3A_1401 = tpu.vector_load_idx %arg10[%add3A_1400] : memref<12288xf32, #tpu.memory_space<vmem>>[vector<16xi32>], vector<16xf32>,
    %add3A_1402 = arith.constant 8192 : i32
    %add3A_1403 = vector.broadcast %add3A_1402 : i32 to vector<16xi32>
    %add3A_1404 = arith.addi %add3A_1396, %add3A_1403 : vector<16xi32>
    %gather3A_1405 = tpu.vector_load_idx %arg10[%add3A_1404] : memref<12288xf32, #tpu.memory_space<vmem>>[vector<16xi32>], vector<16xf32>,
    %add3A_1406 = arith.addf %add3A_1375, %gather3A_1397 : vector<16xf32>
    %add3A_1407 = arith.addf %add3A_1376, %gather3A_1401 : vector<16xf32>
    %add3A_1408 = arith.addf %add3A_1377, %gather3A_1405 : vector<16xf32>
    %add3A_1409 = arith.constant 7 : i32
    %add3A_1410 = vector.broadcast %add3A_1409 : i32 to vector<16xi32>
    %add3A_1411 = arith.addi %select_n3A_1184, %add3A_1410 : vector<16xi32>
    %shift_right_arithmetic3A_1412 = arith.constant 1 : i32
    %shift_right_arithmetic3A_1413 = vector.broadcast %shift_right_arithmetic3A_1412 : i32 to vector<16xi32>
    %shift_right_arithmetic3A_1414 = arith.shrsi %add3A_1411, %shift_right_arithmetic3A_1413 : vector<16xi32>
    %and3A_1415 = arith.constant 112 : i32
    %and3A_1416 = vector.broadcast %and3A_1415 : i32 to vector<16xi32>
    %and3A_1417 = arith.andi %shift_right_arithmetic3A_1414, %and3A_1416 : vector<16xi32>
    %add3A_1418 = arith.constant 21 : i32
    %add3A_1419 = vector.broadcast %add3A_1418 : i32 to vector<16xi32>
    %add3A_1420 = arith.addi %select_n3A_1194, %add3A_1419 : vector<16xi32>
    %shift_right_arithmetic3A_1421 = arith.constant 5 : i32
    %shift_right_arithmetic3A_1422 = vector.broadcast %shift_right_arithmetic3A_1421 : i32 to vector<16xi32>
    %shift_right_arithmetic3A_1423 = arith.shrsi %add3A_1420, %shift_right_arithmetic3A_1422 : vector<16xi32>
    %add3A_1424 = arith.constant 904 : i32
    %add3A_1425 = vector.broadcast %add3A_1424 : i32 to vector<16xi32>
    %add3A_1426 = arith.addi %add3A_1425, %and3A_1417 : vector<16xi32>
    %add3A_1427 = arith.addi %add3A_1426, %shift_right_arithmetic3A_1423 : vector<16xi32>
    %gather3A_1428 = tpu.vector_load_idx %arg10[%add3A_1427] : memref<12288xf32, #tpu.memory_space<vmem>>[vector<16xi32>], vector<16xf32>,
    %add3A_1429 = arith.constant 4096 : i32
    %add3A_1430 = vector.broadcast %add3A_1429 : i32 to vector<16xi32>
    %add3A_1431 = arith.addi %add3A_1427, %add3A_1430 : vector<16xi32>
    %gather3A_1432 = tpu.vector_load_idx %arg10[%add3A_1431] : memref<12288xf32, #tpu.memory_space<vmem>>[vector<16xi32>], vector<16xf32>,
    %add3A_1433 = arith.constant 8192 : i32
    %add3A_1434 = vector.broadcast %add3A_1433 : i32 to vector<16xi32>
    %add3A_1435 = arith.addi %add3A_1427, %add3A_1434 : vector<16xi32>
    %gather3A_1436 = tpu.vector_load_idx %arg10[%add3A_1435] : memref<12288xf32, #tpu.memory_space<vmem>>[vector<16xi32>], vector<16xf32>,
    %add3A_1437 = arith.addf %add3A_1406, %gather3A_1428 : vector<16xf32>
    %add3A_1438 = arith.addf %add3A_1407, %gather3A_1432 : vector<16xf32>
    %add3A_1439 = arith.addf %add3A_1408, %gather3A_1436 : vector<16xf32>
    %add3A_1440 = arith.constant 8 : i32
    %add3A_1441 = vector.broadcast %add3A_1440 : i32 to vector<16xi32>
    %add3A_1442 = arith.addi %select_n3A_1184, %add3A_1441 : vector<16xi32>
    %shift_right_arithmetic3A_1443 = arith.constant 1 : i32
    %shift_right_arithmetic3A_1444 = vector.broadcast %shift_right_arithmetic3A_1443 : i32 to vector<16xi32>
    %shift_right_arithmetic3A_1445 = arith.shrsi %add3A_1442, %shift_right_arithmetic3A_1444 : vector<16xi32>
    %and3A_1446 = arith.constant 112 : i32
    %and3A_1447 = vector.broadcast %and3A_1446 : i32 to vector<16xi32>
    %and3A_1448 = arith.andi %shift_right_arithmetic3A_1445, %and3A_1447 : vector<16xi32>
    %add3A_1449 = arith.constant 24 : i32
    %add3A_1450 = vector.broadcast %add3A_1449 : i32 to vector<16xi32>
    %add3A_1451 = arith.addi %select_n3A_1194, %add3A_1450 : vector<16xi32>
    %shift_right_arithmetic3A_1452 = arith.constant 5 : i32
    %shift_right_arithmetic3A_1453 = vector.broadcast %shift_right_arithmetic3A_1452 : i32 to vector<16xi32>
    %shift_right_arithmetic3A_1454 = arith.shrsi %add3A_1451, %shift_right_arithmetic3A_1453 : vector<16xi32>
    %add3A_1455 = arith.constant 1032 : i32
    %add3A_1456 = vector.broadcast %add3A_1455 : i32 to vector<16xi32>
    %add3A_1457 = arith.addi %add3A_1456, %and3A_1448 : vector<16xi32>
    %add3A_1458 = arith.addi %add3A_1457, %shift_right_arithmetic3A_1454 : vector<16xi32>
    %gather3A_1459 = tpu.vector_load_idx %arg10[%add3A_1458] : memref<12288xf32, #tpu.memory_space<vmem>>[vector<16xi32>], vector<16xf32>,
    %add3A_1460 = arith.constant 4096 : i32
    %add3A_1461 = vector.broadcast %add3A_1460 : i32 to vector<16xi32>
    %add3A_1462 = arith.addi %add3A_1458, %add3A_1461 : vector<16xi32>
    %gather3A_1463 = tpu.vector_load_idx %arg10[%add3A_1462] : memref<12288xf32, #tpu.memory_space<vmem>>[vector<16xi32>], vector<16xf32>,
    %add3A_1464 = arith.constant 8192 : i32
    %add3A_1465 = vector.broadcast %add3A_1464 : i32 to vector<16xi32>
    %add3A_1466 = arith.addi %add3A_1458, %add3A_1465 : vector<16xi32>
    %gather3A_1467 = tpu.vector_load_idx %arg10[%add3A_1466] : memref<12288xf32, #tpu.memory_space<vmem>>[vector<16xi32>], vector<16xf32>,
    %add3A_1468 = arith.addf %add3A_1437, %gather3A_1459 : vector<16xf32>
    %add3A_1469 = arith.addf %add3A_1438, %gather3A_1463 : vector<16xf32>
    %add3A_1470 = arith.addf %add3A_1439, %gather3A_1467 : vector<16xf32>
    %add3A_1471 = arith.constant 9 : i32
    %add3A_1472 = vector.broadcast %add3A_1471 : i32 to vector<16xi32>
    %add3A_1473 = arith.addi %select_n3A_1184, %add3A_1472 : vector<16xi32>
    %shift_right_arithmetic3A_1474 = arith.constant 1 : i32
    %shift_right_arithmetic3A_1475 = vector.broadcast %shift_right_arithmetic3A_1474 : i32 to vector<16xi32>
    %shift_right_arithmetic3A_1476 = arith.shrsi %add3A_1473, %shift_right_arithmetic3A_1475 : vector<16xi32>
    %and3A_1477 = arith.constant 112 : i32
    %and3A_1478 = vector.broadcast %and3A_1477 : i32 to vector<16xi32>
    %and3A_1479 = arith.andi %shift_right_arithmetic3A_1476, %and3A_1478 : vector<16xi32>
    %add3A_1480 = arith.constant 27 : i32
    %add3A_1481 = vector.broadcast %add3A_1480 : i32 to vector<16xi32>
    %add3A_1482 = arith.addi %select_n3A_1194, %add3A_1481 : vector<16xi32>
    %shift_right_arithmetic3A_1483 = arith.constant 5 : i32
    %shift_right_arithmetic3A_1484 = vector.broadcast %shift_right_arithmetic3A_1483 : i32 to vector<16xi32>
    %shift_right_arithmetic3A_1485 = arith.shrsi %add3A_1482, %shift_right_arithmetic3A_1484 : vector<16xi32>
    %add3A_1486 = arith.constant 1160 : i32
    %add3A_1487 = vector.broadcast %add3A_1486 : i32 to vector<16xi32>
    %add3A_1488 = arith.addi %add3A_1487, %and3A_1479 : vector<16xi32>
    %add3A_1489 = arith.addi %add3A_1488, %shift_right_arithmetic3A_1485 : vector<16xi32>
    %gather3A_1490 = tpu.vector_load_idx %arg10[%add3A_1489] : memref<12288xf32, #tpu.memory_space<vmem>>[vector<16xi32>], vector<16xf32>,
    %add3A_1491 = arith.constant 4096 : i32
    %add3A_1492 = vector.broadcast %add3A_1491 : i32 to vector<16xi32>
    %add3A_1493 = arith.addi %add3A_1489, %add3A_1492 : vector<16xi32>
    %gather3A_1494 = tpu.vector_load_idx %arg10[%add3A_1493] : memref<12288xf32, #tpu.memory_space<vmem>>[vector<16xi32>], vector<16xf32>,
    %add3A_1495 = arith.constant 8192 : i32
    %add3A_1496 = vector.broadcast %add3A_1495 : i32 to vector<16xi32>
    %add3A_1497 = arith.addi %add3A_1489, %add3A_1496 : vector<16xi32>
    %gather3A_1498 = tpu.vector_load_idx %arg10[%add3A_1497] : memref<12288xf32, #tpu.memory_space<vmem>>[vector<16xi32>], vector<16xf32>,
    %add3A_1499 = arith.addf %add3A_1468, %gather3A_1490 : vector<16xf32>
    %add3A_1500 = arith.addf %add3A_1469, %gather3A_1494 : vector<16xf32>
    %add3A_1501 = arith.addf %add3A_1470, %gather3A_1498 : vector<16xf32>
    %add3A_1502 = arith.constant 10 : i32
    %add3A_1503 = vector.broadcast %add3A_1502 : i32 to vector<16xi32>
    %add3A_1504 = arith.addi %select_n3A_1184, %add3A_1503 : vector<16xi32>
    %shift_right_arithmetic3A_1505 = arith.constant 1 : i32
    %shift_right_arithmetic3A_1506 = vector.broadcast %shift_right_arithmetic3A_1505 : i32 to vector<16xi32>
    %shift_right_arithmetic3A_1507 = arith.shrsi %add3A_1504, %shift_right_arithmetic3A_1506 : vector<16xi32>
    %and3A_1508 = arith.constant 112 : i32
    %and3A_1509 = vector.broadcast %and3A_1508 : i32 to vector<16xi32>
    %and3A_1510 = arith.andi %shift_right_arithmetic3A_1507, %and3A_1509 : vector<16xi32>
    %add3A_1511 = arith.constant 30 : i32
    %add3A_1512 = vector.broadcast %add3A_1511 : i32 to vector<16xi32>
    %add3A_1513 = arith.addi %select_n3A_1194, %add3A_1512 : vector<16xi32>
    %shift_right_arithmetic3A_1514 = arith.constant 5 : i32
    %shift_right_arithmetic3A_1515 = vector.broadcast %shift_right_arithmetic3A_1514 : i32 to vector<16xi32>
    %shift_right_arithmetic3A_1516 = arith.shrsi %add3A_1513, %shift_right_arithmetic3A_1515 : vector<16xi32>
    %add3A_1517 = arith.constant 1288 : i32
    %add3A_1518 = vector.broadcast %add3A_1517 : i32 to vector<16xi32>
    %add3A_1519 = arith.addi %add3A_1518, %and3A_1510 : vector<16xi32>
    %add3A_1520 = arith.addi %add3A_1519, %shift_right_arithmetic3A_1516 : vector<16xi32>
    %gather3A_1521 = tpu.vector_load_idx %arg10[%add3A_1520] : memref<12288xf32, #tpu.memory_space<vmem>>[vector<16xi32>], vector<16xf32>,
    %add3A_1522 = arith.constant 4096 : i32
    %add3A_1523 = vector.broadcast %add3A_1522 : i32 to vector<16xi32>
    %add3A_1524 = arith.addi %add3A_1520, %add3A_1523 : vector<16xi32>
    %gather3A_1525 = tpu.vector_load_idx %arg10[%add3A_1524] : memref<12288xf32, #tpu.memory_space<vmem>>[vector<16xi32>], vector<16xf32>,
    %add3A_1526 = arith.constant 8192 : i32
    %add3A_1527 = vector.broadcast %add3A_1526 : i32 to vector<16xi32>
    %add3A_1528 = arith.addi %add3A_1520, %add3A_1527 : vector<16xi32>
    %gather3A_1529 = tpu.vector_load_idx %arg10[%add3A_1528] : memref<12288xf32, #tpu.memory_space<vmem>>[vector<16xi32>], vector<16xf32>,
    %add3A_1530 = arith.addf %add3A_1499, %gather3A_1521 : vector<16xf32>
    %add3A_1531 = arith.addf %add3A_1500, %gather3A_1525 : vector<16xf32>
    %add3A_1532 = arith.addf %add3A_1501, %gather3A_1529 : vector<16xf32>
    %add3A_1533 = arith.constant 11 : i32
    %add3A_1534 = vector.broadcast %add3A_1533 : i32 to vector<16xi32>
    %add3A_1535 = arith.addi %select_n3A_1184, %add3A_1534 : vector<16xi32>
    %shift_right_arithmetic3A_1536 = arith.constant 1 : i32
    %shift_right_arithmetic3A_1537 = vector.broadcast %shift_right_arithmetic3A_1536 : i32 to vector<16xi32>
    %shift_right_arithmetic3A_1538 = arith.shrsi %add3A_1535, %shift_right_arithmetic3A_1537 : vector<16xi32>
    %and3A_1539 = arith.constant 112 : i32
    %and3A_1540 = vector.broadcast %and3A_1539 : i32 to vector<16xi32>
    %and3A_1541 = arith.andi %shift_right_arithmetic3A_1538, %and3A_1540 : vector<16xi32>
    %add3A_1542 = arith.constant 1 : i32
    %add3A_1543 = vector.broadcast %add3A_1542 : i32 to vector<16xi32>
    %add3A_1544 = arith.addi %select_n3A_1194, %add3A_1543 : vector<16xi32>
    %shift_right_arithmetic3A_1545 = arith.constant 5 : i32
    %shift_right_arithmetic3A_1546 = vector.broadcast %shift_right_arithmetic3A_1545 : i32 to vector<16xi32>
    %shift_right_arithmetic3A_1547 = arith.shrsi %add3A_1544, %shift_right_arithmetic3A_1546 : vector<16xi32>
    %add3A_1548 = arith.constant 1416 : i32
    %add3A_1549 = vector.broadcast %add3A_1548 : i32 to vector<16xi32>
    %add3A_1550 = arith.addi %add3A_1549, %and3A_1541 : vector<16xi32>
    %add3A_1551 = arith.addi %add3A_1550, %shift_right_arithmetic3A_1547 : vector<16xi32>
    %gather3A_1552 = tpu.vector_load_idx %arg10[%add3A_1551] : memref<12288xf32, #tpu.memory_space<vmem>>[vector<16xi32>], vector<16xf32>,
    %add3A_1553 = arith.constant 4096 : i32
    %add3A_1554 = vector.broadcast %add3A_1553 : i32 to vector<16xi32>
    %add3A_1555 = arith.addi %add3A_1551, %add3A_1554 : vector<16xi32>
    %gather3A_1556 = tpu.vector_load_idx %arg10[%add3A_1555] : memref<12288xf32, #tpu.memory_space<vmem>>[vector<16xi32>], vector<16xf32>,
    %add3A_1557 = arith.constant 8192 : i32
    %add3A_1558 = vector.broadcast %add3A_1557 : i32 to vector<16xi32>
    %add3A_1559 = arith.addi %add3A_1551, %add3A_1558 : vector<16xi32>
    %gather3A_1560 = tpu.vector_load_idx %arg10[%add3A_1559] : memref<12288xf32, #tpu.memory_space<vmem>>[vector<16xi32>], vector<16xf32>,
    %add3A_1561 = arith.addf %add3A_1530, %gather3A_1552 : vector<16xf32>
    %add3A_1562 = arith.addf %add3A_1531, %gather3A_1556 : vector<16xf32>
    %add3A_1563 = arith.addf %add3A_1532, %gather3A_1560 : vector<16xf32>
    %add3A_1564 = arith.constant 12 : i32
    %add3A_1565 = vector.broadcast %add3A_1564 : i32 to vector<16xi32>
    %add3A_1566 = arith.addi %select_n3A_1184, %add3A_1565 : vector<16xi32>
    %shift_right_arithmetic3A_1567 = arith.constant 1 : i32
    %shift_right_arithmetic3A_1568 = vector.broadcast %shift_right_arithmetic3A_1567 : i32 to vector<16xi32>
    %shift_right_arithmetic3A_1569 = arith.shrsi %add3A_1566, %shift_right_arithmetic3A_1568 : vector<16xi32>
    %and3A_1570 = arith.constant 112 : i32
    %and3A_1571 = vector.broadcast %and3A_1570 : i32 to vector<16xi32>
    %and3A_1572 = arith.andi %shift_right_arithmetic3A_1569, %and3A_1571 : vector<16xi32>
    %add3A_1573 = arith.constant 4 : i32
    %add3A_1574 = vector.broadcast %add3A_1573 : i32 to vector<16xi32>
    %add3A_1575 = arith.addi %select_n3A_1194, %add3A_1574 : vector<16xi32>
    %shift_right_arithmetic3A_1576 = arith.constant 5 : i32
    %shift_right_arithmetic3A_1577 = vector.broadcast %shift_right_arithmetic3A_1576 : i32 to vector<16xi32>
    %shift_right_arithmetic3A_1578 = arith.shrsi %add3A_1575, %shift_right_arithmetic3A_1577 : vector<16xi32>
    %add3A_1579 = arith.constant 1544 : i32
    %add3A_1580 = vector.broadcast %add3A_1579 : i32 to vector<16xi32>
    %add3A_1581 = arith.addi %add3A_1580, %and3A_1572 : vector<16xi32>
    %add3A_1582 = arith.addi %add3A_1581, %shift_right_arithmetic3A_1578 : vector<16xi32>
    %gather3A_1583 = tpu.vector_load_idx %arg10[%add3A_1582] : memref<12288xf32, #tpu.memory_space<vmem>>[vector<16xi32>], vector<16xf32>,
    %add3A_1584 = arith.constant 4096 : i32
    %add3A_1585 = vector.broadcast %add3A_1584 : i32 to vector<16xi32>
    %add3A_1586 = arith.addi %add3A_1582, %add3A_1585 : vector<16xi32>
    %gather3A_1587 = tpu.vector_load_idx %arg10[%add3A_1586] : memref<12288xf32, #tpu.memory_space<vmem>>[vector<16xi32>], vector<16xf32>,
    %add3A_1588 = arith.constant 8192 : i32
    %add3A_1589 = vector.broadcast %add3A_1588 : i32 to vector<16xi32>
    %add3A_1590 = arith.addi %add3A_1582, %add3A_1589 : vector<16xi32>
    %gather3A_1591 = tpu.vector_load_idx %arg10[%add3A_1590] : memref<12288xf32, #tpu.memory_space<vmem>>[vector<16xi32>], vector<16xf32>,
    %add3A_1592 = arith.addf %add3A_1561, %gather3A_1583 : vector<16xf32>
    %add3A_1593 = arith.addf %add3A_1562, %gather3A_1587 : vector<16xf32>
    %add3A_1594 = arith.addf %add3A_1563, %gather3A_1591 : vector<16xf32>
    %add3A_1595 = arith.constant 13 : i32
    %add3A_1596 = vector.broadcast %add3A_1595 : i32 to vector<16xi32>
    %add3A_1597 = arith.addi %select_n3A_1184, %add3A_1596 : vector<16xi32>
    %shift_right_arithmetic3A_1598 = arith.constant 1 : i32
    %shift_right_arithmetic3A_1599 = vector.broadcast %shift_right_arithmetic3A_1598 : i32 to vector<16xi32>
    %shift_right_arithmetic3A_1600 = arith.shrsi %add3A_1597, %shift_right_arithmetic3A_1599 : vector<16xi32>
    %and3A_1601 = arith.constant 112 : i32
    %and3A_1602 = vector.broadcast %and3A_1601 : i32 to vector<16xi32>
    %and3A_1603 = arith.andi %shift_right_arithmetic3A_1600, %and3A_1602 : vector<16xi32>
    %add3A_1604 = arith.constant 7 : i32
    %add3A_1605 = vector.broadcast %add3A_1604 : i32 to vector<16xi32>
    %add3A_1606 = arith.addi %select_n3A_1194, %add3A_1605 : vector<16xi32>
    %shift_right_arithmetic3A_1607 = arith.constant 5 : i32
    %shift_right_arithmetic3A_1608 = vector.broadcast %shift_right_arithmetic3A_1607 : i32 to vector<16xi32>
    %shift_right_arithmetic3A_1609 = arith.shrsi %add3A_1606, %shift_right_arithmetic3A_1608 : vector<16xi32>
    %add3A_1610 = arith.constant 1672 : i32
    %add3A_1611 = vector.broadcast %add3A_1610 : i32 to vector<16xi32>
    %add3A_1612 = arith.addi %add3A_1611, %and3A_1603 : vector<16xi32>
    %add3A_1613 = arith.addi %add3A_1612, %shift_right_arithmetic3A_1609 : vector<16xi32>
    %gather3A_1614 = tpu.vector_load_idx %arg10[%add3A_1613] : memref<12288xf32, #tpu.memory_space<vmem>>[vector<16xi32>], vector<16xf32>,
    %add3A_1615 = arith.constant 4096 : i32
    %add3A_1616 = vector.broadcast %add3A_1615 : i32 to vector<16xi32>
    %add3A_1617 = arith.addi %add3A_1613, %add3A_1616 : vector<16xi32>
    %gather3A_1618 = tpu.vector_load_idx %arg10[%add3A_1617] : memref<12288xf32, #tpu.memory_space<vmem>>[vector<16xi32>], vector<16xf32>,
    %add3A_1619 = arith.constant 8192 : i32
    %add3A_1620 = vector.broadcast %add3A_1619 : i32 to vector<16xi32>
    %add3A_1621 = arith.addi %add3A_1613, %add3A_1620 : vector<16xi32>
    %gather3A_1622 = tpu.vector_load_idx %arg10[%add3A_1621] : memref<12288xf32, #tpu.memory_space<vmem>>[vector<16xi32>], vector<16xf32>,
    %add3A_1623 = arith.addf %add3A_1592, %gather3A_1614 : vector<16xf32>
    %add3A_1624 = arith.addf %add3A_1593, %gather3A_1618 : vector<16xf32>
    %add3A_1625 = arith.addf %add3A_1594, %gather3A_1622 : vector<16xf32>
    %add3A_1626 = arith.constant 14 : i32
    %add3A_1627 = vector.broadcast %add3A_1626 : i32 to vector<16xi32>
    %add3A_1628 = arith.addi %select_n3A_1184, %add3A_1627 : vector<16xi32>
    %shift_right_arithmetic3A_1629 = arith.constant 1 : i32
    %shift_right_arithmetic3A_1630 = vector.broadcast %shift_right_arithmetic3A_1629 : i32 to vector<16xi32>
    %shift_right_arithmetic3A_1631 = arith.shrsi %add3A_1628, %shift_right_arithmetic3A_1630 : vector<16xi32>
    %and3A_1632 = arith.constant 112 : i32
    %and3A_1633 = vector.broadcast %and3A_1632 : i32 to vector<16xi32>
    %and3A_1634 = arith.andi %shift_right_arithmetic3A_1631, %and3A_1633 : vector<16xi32>
    %add3A_1635 = arith.constant 10 : i32
    %add3A_1636 = vector.broadcast %add3A_1635 : i32 to vector<16xi32>
    %add3A_1637 = arith.addi %select_n3A_1194, %add3A_1636 : vector<16xi32>
    %shift_right_arithmetic3A_1638 = arith.constant 5 : i32
    %shift_right_arithmetic3A_1639 = vector.broadcast %shift_right_arithmetic3A_1638 : i32 to vector<16xi32>
    %shift_right_arithmetic3A_1640 = arith.shrsi %add3A_1637, %shift_right_arithmetic3A_1639 : vector<16xi32>
    %add3A_1641 = arith.constant 1800 : i32
    %add3A_1642 = vector.broadcast %add3A_1641 : i32 to vector<16xi32>
    %add3A_1643 = arith.addi %add3A_1642, %and3A_1634 : vector<16xi32>
    %add3A_1644 = arith.addi %add3A_1643, %shift_right_arithmetic3A_1640 : vector<16xi32>
    %gather3A_1645 = tpu.vector_load_idx %arg10[%add3A_1644] : memref<12288xf32, #tpu.memory_space<vmem>>[vector<16xi32>], vector<16xf32>,
    %add3A_1646 = arith.constant 4096 : i32
    %add3A_1647 = vector.broadcast %add3A_1646 : i32 to vector<16xi32>
    %add3A_1648 = arith.addi %add3A_1644, %add3A_1647 : vector<16xi32>
    %gather3A_1649 = tpu.vector_load_idx %arg10[%add3A_1648] : memref<12288xf32, #tpu.memory_space<vmem>>[vector<16xi32>], vector<16xf32>,
    %add3A_1650 = arith.constant 8192 : i32
    %add3A_1651 = vector.broadcast %add3A_1650 : i32 to vector<16xi32>
    %add3A_1652 = arith.addi %add3A_1644, %add3A_1651 : vector<16xi32>
    %gather3A_1653 = tpu.vector_load_idx %arg10[%add3A_1652] : memref<12288xf32, #tpu.memory_space<vmem>>[vector<16xi32>], vector<16xf32>,
    %add3A_1654 = arith.addf %add3A_1623, %gather3A_1645 : vector<16xf32>
    %add3A_1655 = arith.addf %add3A_1624, %gather3A_1649 : vector<16xf32>
    %add3A_1656 = arith.addf %add3A_1625, %gather3A_1653 : vector<16xf32>
    %add3A_1657 = arith.constant 15 : i32
    %add3A_1658 = vector.broadcast %add3A_1657 : i32 to vector<16xi32>
    %add3A_1659 = arith.addi %select_n3A_1184, %add3A_1658 : vector<16xi32>
    %shift_right_arithmetic3A_1660 = arith.constant 1 : i32
    %shift_right_arithmetic3A_1661 = vector.broadcast %shift_right_arithmetic3A_1660 : i32 to vector<16xi32>
    %shift_right_arithmetic3A_1662 = arith.shrsi %add3A_1659, %shift_right_arithmetic3A_1661 : vector<16xi32>
    %and3A_1663 = arith.constant 112 : i32
    %and3A_1664 = vector.broadcast %and3A_1663 : i32 to vector<16xi32>
    %and3A_1665 = arith.andi %shift_right_arithmetic3A_1662, %and3A_1664 : vector<16xi32>
    %add3A_1666 = arith.constant 13 : i32
    %add3A_1667 = vector.broadcast %add3A_1666 : i32 to vector<16xi32>
    %add3A_1668 = arith.addi %select_n3A_1194, %add3A_1667 : vector<16xi32>
    %shift_right_arithmetic3A_1669 = arith.constant 5 : i32
    %shift_right_arithmetic3A_1670 = vector.broadcast %shift_right_arithmetic3A_1669 : i32 to vector<16xi32>
    %shift_right_arithmetic3A_1671 = arith.shrsi %add3A_1668, %shift_right_arithmetic3A_1670 : vector<16xi32>
    %add3A_1672 = arith.constant 1928 : i32
    %add3A_1673 = vector.broadcast %add3A_1672 : i32 to vector<16xi32>
    %add3A_1674 = arith.addi %add3A_1673, %and3A_1665 : vector<16xi32>
    %add3A_1675 = arith.addi %add3A_1674, %shift_right_arithmetic3A_1671 : vector<16xi32>
    %gather3A_1676 = tpu.vector_load_idx %arg10[%add3A_1675] : memref<12288xf32, #tpu.memory_space<vmem>>[vector<16xi32>], vector<16xf32>,
    %add3A_1677 = arith.constant 4096 : i32
    %add3A_1678 = vector.broadcast %add3A_1677 : i32 to vector<16xi32>
    %add3A_1679 = arith.addi %add3A_1675, %add3A_1678 : vector<16xi32>
    %gather3A_1680 = tpu.vector_load_idx %arg10[%add3A_1679] : memref<12288xf32, #tpu.memory_space<vmem>>[vector<16xi32>], vector<16xf32>,
    %add3A_1681 = arith.constant 8192 : i32
    %add3A_1682 = vector.broadcast %add3A_1681 : i32 to vector<16xi32>
    %add3A_1683 = arith.addi %add3A_1675, %add3A_1682 : vector<16xi32>
    %gather3A_1684 = tpu.vector_load_idx %arg10[%add3A_1683] : memref<12288xf32, #tpu.memory_space<vmem>>[vector<16xi32>], vector<16xf32>,
    %add3A_1685 = arith.addf %add3A_1654, %gather3A_1676 : vector<16xf32>
    %add3A_1686 = arith.addf %add3A_1655, %gather3A_1680 : vector<16xf32>
    %add3A_1687 = arith.addf %add3A_1656, %gather3A_1684 : vector<16xf32>
    %add3A_1688 = arith.constant 16 : i32
    %add3A_1689 = vector.broadcast %add3A_1688 : i32 to vector<16xi32>
    %add3A_1690 = arith.addi %select_n3A_1184, %add3A_1689 : vector<16xi32>
    %shift_right_arithmetic3A_1691 = arith.constant 1 : i32
    %shift_right_arithmetic3A_1692 = vector.broadcast %shift_right_arithmetic3A_1691 : i32 to vector<16xi32>
    %shift_right_arithmetic3A_1693 = arith.shrsi %add3A_1690, %shift_right_arithmetic3A_1692 : vector<16xi32>
    %and3A_1694 = arith.constant 112 : i32
    %and3A_1695 = vector.broadcast %and3A_1694 : i32 to vector<16xi32>
    %and3A_1696 = arith.andi %shift_right_arithmetic3A_1693, %and3A_1695 : vector<16xi32>
    %add3A_1697 = arith.constant 16 : i32
    %add3A_1698 = vector.broadcast %add3A_1697 : i32 to vector<16xi32>
    %add3A_1699 = arith.addi %select_n3A_1194, %add3A_1698 : vector<16xi32>
    %shift_right_arithmetic3A_1700 = arith.constant 5 : i32
    %shift_right_arithmetic3A_1701 = vector.broadcast %shift_right_arithmetic3A_1700 : i32 to vector<16xi32>
    %shift_right_arithmetic3A_1702 = arith.shrsi %add3A_1699, %shift_right_arithmetic3A_1701 : vector<16xi32>
    %add3A_1703 = arith.constant 2056 : i32
    %add3A_1704 = vector.broadcast %add3A_1703 : i32 to vector<16xi32>
    %add3A_1705 = arith.addi %add3A_1704, %and3A_1696 : vector<16xi32>
    %add3A_1706 = arith.addi %add3A_1705, %shift_right_arithmetic3A_1702 : vector<16xi32>
    %gather3A_1707 = tpu.vector_load_idx %arg10[%add3A_1706] : memref<12288xf32, #tpu.memory_space<vmem>>[vector<16xi32>], vector<16xf32>,
    %add3A_1708 = arith.constant 4096 : i32
    %add3A_1709 = vector.broadcast %add3A_1708 : i32 to vector<16xi32>
    %add3A_1710 = arith.addi %add3A_1706, %add3A_1709 : vector<16xi32>
    %gather3A_1711 = tpu.vector_load_idx %arg10[%add3A_1710] : memref<12288xf32, #tpu.memory_space<vmem>>[vector<16xi32>], vector<16xf32>,
    %add3A_1712 = arith.constant 8192 : i32
    %add3A_1713 = vector.broadcast %add3A_1712 : i32 to vector<16xi32>
    %add3A_1714 = arith.addi %add3A_1706, %add3A_1713 : vector<16xi32>
    %gather3A_1715 = tpu.vector_load_idx %arg10[%add3A_1714] : memref<12288xf32, #tpu.memory_space<vmem>>[vector<16xi32>], vector<16xf32>,
    %add3A_1716 = arith.addf %add3A_1685, %gather3A_1707 : vector<16xf32>
    %add3A_1717 = arith.addf %add3A_1686, %gather3A_1711 : vector<16xf32>
    %add3A_1718 = arith.addf %add3A_1687, %gather3A_1715 : vector<16xf32>
    %add3A_1719 = arith.constant 17 : i32
    %add3A_1720 = vector.broadcast %add3A_1719 : i32 to vector<16xi32>
    %add3A_1721 = arith.addi %select_n3A_1184, %add3A_1720 : vector<16xi32>
    %shift_right_arithmetic3A_1722 = arith.constant 1 : i32
    %shift_right_arithmetic3A_1723 = vector.broadcast %shift_right_arithmetic3A_1722 : i32 to vector<16xi32>
    %shift_right_arithmetic3A_1724 = arith.shrsi %add3A_1721, %shift_right_arithmetic3A_1723 : vector<16xi32>
    %and3A_1725 = arith.constant 112 : i32
    %and3A_1726 = vector.broadcast %and3A_1725 : i32 to vector<16xi32>
    %and3A_1727 = arith.andi %shift_right_arithmetic3A_1724, %and3A_1726 : vector<16xi32>
    %add3A_1728 = arith.constant 19 : i32
    %add3A_1729 = vector.broadcast %add3A_1728 : i32 to vector<16xi32>
    %add3A_1730 = arith.addi %select_n3A_1194, %add3A_1729 : vector<16xi32>
    %shift_right_arithmetic3A_1731 = arith.constant 5 : i32
    %shift_right_arithmetic3A_1732 = vector.broadcast %shift_right_arithmetic3A_1731 : i32 to vector<16xi32>
    %shift_right_arithmetic3A_1733 = arith.shrsi %add3A_1730, %shift_right_arithmetic3A_1732 : vector<16xi32>
    %add3A_1734 = arith.constant 2184 : i32
    %add3A_1735 = vector.broadcast %add3A_1734 : i32 to vector<16xi32>
    %add3A_1736 = arith.addi %add3A_1735, %and3A_1727 : vector<16xi32>
    %add3A_1737 = arith.addi %add3A_1736, %shift_right_arithmetic3A_1733 : vector<16xi32>
    %gather3A_1738 = tpu.vector_load_idx %arg10[%add3A_1737] : memref<12288xf32, #tpu.memory_space<vmem>>[vector<16xi32>], vector<16xf32>,
    %add3A_1739 = arith.constant 4096 : i32
    %add3A_1740 = vector.broadcast %add3A_1739 : i32 to vector<16xi32>
    %add3A_1741 = arith.addi %add3A_1737, %add3A_1740 : vector<16xi32>
    %gather3A_1742 = tpu.vector_load_idx %arg10[%add3A_1741] : memref<12288xf32, #tpu.memory_space<vmem>>[vector<16xi32>], vector<16xf32>,
    %add3A_1743 = arith.constant 8192 : i32
    %add3A_1744 = vector.broadcast %add3A_1743 : i32 to vector<16xi32>
    %add3A_1745 = arith.addi %add3A_1737, %add3A_1744 : vector<16xi32>
    %gather3A_1746 = tpu.vector_load_idx %arg10[%add3A_1745] : memref<12288xf32, #tpu.memory_space<vmem>>[vector<16xi32>], vector<16xf32>,
    %add3A_1747 = arith.addf %add3A_1716, %gather3A_1738 : vector<16xf32>
    %add3A_1748 = arith.addf %add3A_1717, %gather3A_1742 : vector<16xf32>
    %add3A_1749 = arith.addf %add3A_1718, %gather3A_1746 : vector<16xf32>
    %add3A_1750 = arith.constant 18 : i32
    %add3A_1751 = vector.broadcast %add3A_1750 : i32 to vector<16xi32>
    %add3A_1752 = arith.addi %select_n3A_1184, %add3A_1751 : vector<16xi32>
    %shift_right_arithmetic3A_1753 = arith.constant 1 : i32
    %shift_right_arithmetic3A_1754 = vector.broadcast %shift_right_arithmetic3A_1753 : i32 to vector<16xi32>
    %shift_right_arithmetic3A_1755 = arith.shrsi %add3A_1752, %shift_right_arithmetic3A_1754 : vector<16xi32>
    %and3A_1756 = arith.constant 112 : i32
    %and3A_1757 = vector.broadcast %and3A_1756 : i32 to vector<16xi32>
    %and3A_1758 = arith.andi %shift_right_arithmetic3A_1755, %and3A_1757 : vector<16xi32>
    %add3A_1759 = arith.constant 22 : i32
    %add3A_1760 = vector.broadcast %add3A_1759 : i32 to vector<16xi32>
    %add3A_1761 = arith.addi %select_n3A_1194, %add3A_1760 : vector<16xi32>
    %shift_right_arithmetic3A_1762 = arith.constant 5 : i32
    %shift_right_arithmetic3A_1763 = vector.broadcast %shift_right_arithmetic3A_1762 : i32 to vector<16xi32>
    %shift_right_arithmetic3A_1764 = arith.shrsi %add3A_1761, %shift_right_arithmetic3A_1763 : vector<16xi32>
    %add3A_1765 = arith.constant 2312 : i32
    %add3A_1766 = vector.broadcast %add3A_1765 : i32 to vector<16xi32>
    %add3A_1767 = arith.addi %add3A_1766, %and3A_1758 : vector<16xi32>
    %add3A_1768 = arith.addi %add3A_1767, %shift_right_arithmetic3A_1764 : vector<16xi32>
    %gather3A_1769 = tpu.vector_load_idx %arg10[%add3A_1768] : memref<12288xf32, #tpu.memory_space<vmem>>[vector<16xi32>], vector<16xf32>,
    %add3A_1770 = arith.constant 4096 : i32
    %add3A_1771 = vector.broadcast %add3A_1770 : i32 to vector<16xi32>
    %add3A_1772 = arith.addi %add3A_1768, %add3A_1771 : vector<16xi32>
    %gather3A_1773 = tpu.vector_load_idx %arg10[%add3A_1772] : memref<12288xf32, #tpu.memory_space<vmem>>[vector<16xi32>], vector<16xf32>,
    %add3A_1774 = arith.constant 8192 : i32
    %add3A_1775 = vector.broadcast %add3A_1774 : i32 to vector<16xi32>
    %add3A_1776 = arith.addi %add3A_1768, %add3A_1775 : vector<16xi32>
    %gather3A_1777 = tpu.vector_load_idx %arg10[%add3A_1776] : memref<12288xf32, #tpu.memory_space<vmem>>[vector<16xi32>], vector<16xf32>,
    %add3A_1778 = arith.addf %add3A_1747, %gather3A_1769 : vector<16xf32>
    %add3A_1779 = arith.addf %add3A_1748, %gather3A_1773 : vector<16xf32>
    %add3A_1780 = arith.addf %add3A_1749, %gather3A_1777 : vector<16xf32>
    %add3A_1781 = arith.constant 19 : i32
    %add3A_1782 = vector.broadcast %add3A_1781 : i32 to vector<16xi32>
    %add3A_1783 = arith.addi %select_n3A_1184, %add3A_1782 : vector<16xi32>
    %shift_right_arithmetic3A_1784 = arith.constant 1 : i32
    %shift_right_arithmetic3A_1785 = vector.broadcast %shift_right_arithmetic3A_1784 : i32 to vector<16xi32>
    %shift_right_arithmetic3A_1786 = arith.shrsi %add3A_1783, %shift_right_arithmetic3A_1785 : vector<16xi32>
    %and3A_1787 = arith.constant 112 : i32
    %and3A_1788 = vector.broadcast %and3A_1787 : i32 to vector<16xi32>
    %and3A_1789 = arith.andi %shift_right_arithmetic3A_1786, %and3A_1788 : vector<16xi32>
    %add3A_1790 = arith.constant 25 : i32
    %add3A_1791 = vector.broadcast %add3A_1790 : i32 to vector<16xi32>
    %add3A_1792 = arith.addi %select_n3A_1194, %add3A_1791 : vector<16xi32>
    %shift_right_arithmetic3A_1793 = arith.constant 5 : i32
    %shift_right_arithmetic3A_1794 = vector.broadcast %shift_right_arithmetic3A_1793 : i32 to vector<16xi32>
    %shift_right_arithmetic3A_1795 = arith.shrsi %add3A_1792, %shift_right_arithmetic3A_1794 : vector<16xi32>
    %add3A_1796 = arith.constant 2440 : i32
    %add3A_1797 = vector.broadcast %add3A_1796 : i32 to vector<16xi32>
    %add3A_1798 = arith.addi %add3A_1797, %and3A_1789 : vector<16xi32>
    %add3A_1799 = arith.addi %add3A_1798, %shift_right_arithmetic3A_1795 : vector<16xi32>
    %gather3A_1800 = tpu.vector_load_idx %arg10[%add3A_1799] : memref<12288xf32, #tpu.memory_space<vmem>>[vector<16xi32>], vector<16xf32>,
    %add3A_1801 = arith.constant 4096 : i32
    %add3A_1802 = vector.broadcast %add3A_1801 : i32 to vector<16xi32>
    %add3A_1803 = arith.addi %add3A_1799, %add3A_1802 : vector<16xi32>
    %gather3A_1804 = tpu.vector_load_idx %arg10[%add3A_1803] : memref<12288xf32, #tpu.memory_space<vmem>>[vector<16xi32>], vector<16xf32>,
    %add3A_1805 = arith.constant 8192 : i32
    %add3A_1806 = vector.broadcast %add3A_1805 : i32 to vector<16xi32>
    %add3A_1807 = arith.addi %add3A_1799, %add3A_1806 : vector<16xi32>
    %gather3A_1808 = tpu.vector_load_idx %arg10[%add3A_1807] : memref<12288xf32, #tpu.memory_space<vmem>>[vector<16xi32>], vector<16xf32>,
    %add3A_1809 = arith.addf %add3A_1778, %gather3A_1800 : vector<16xf32>
    %add3A_1810 = arith.addf %add3A_1779, %gather3A_1804 : vector<16xf32>
    %add3A_1811 = arith.addf %add3A_1780, %gather3A_1808 : vector<16xf32>
    %add3A_1812 = arith.constant 20 : i32
    %add3A_1813 = vector.broadcast %add3A_1812 : i32 to vector<16xi32>
    %add3A_1814 = arith.addi %select_n3A_1184, %add3A_1813 : vector<16xi32>
    %shift_right_arithmetic3A_1815 = arith.constant 1 : i32
    %shift_right_arithmetic3A_1816 = vector.broadcast %shift_right_arithmetic3A_1815 : i32 to vector<16xi32>
    %shift_right_arithmetic3A_1817 = arith.shrsi %add3A_1814, %shift_right_arithmetic3A_1816 : vector<16xi32>
    %and3A_1818 = arith.constant 112 : i32
    %and3A_1819 = vector.broadcast %and3A_1818 : i32 to vector<16xi32>
    %and3A_1820 = arith.andi %shift_right_arithmetic3A_1817, %and3A_1819 : vector<16xi32>
    %add3A_1821 = arith.constant 28 : i32
    %add3A_1822 = vector.broadcast %add3A_1821 : i32 to vector<16xi32>
    %add3A_1823 = arith.addi %select_n3A_1194, %add3A_1822 : vector<16xi32>
    %shift_right_arithmetic3A_1824 = arith.constant 5 : i32
    %shift_right_arithmetic3A_1825 = vector.broadcast %shift_right_arithmetic3A_1824 : i32 to vector<16xi32>
    %shift_right_arithmetic3A_1826 = arith.shrsi %add3A_1823, %shift_right_arithmetic3A_1825 : vector<16xi32>
    %add3A_1827 = arith.constant 2568 : i32
    %add3A_1828 = vector.broadcast %add3A_1827 : i32 to vector<16xi32>
    %add3A_1829 = arith.addi %add3A_1828, %and3A_1820 : vector<16xi32>
    %add3A_1830 = arith.addi %add3A_1829, %shift_right_arithmetic3A_1826 : vector<16xi32>
    %gather3A_1831 = tpu.vector_load_idx %arg10[%add3A_1830] : memref<12288xf32, #tpu.memory_space<vmem>>[vector<16xi32>], vector<16xf32>,
    %add3A_1832 = arith.constant 4096 : i32
    %add3A_1833 = vector.broadcast %add3A_1832 : i32 to vector<16xi32>
    %add3A_1834 = arith.addi %add3A_1830, %add3A_1833 : vector<16xi32>
    %gather3A_1835 = tpu.vector_load_idx %arg10[%add3A_1834] : memref<12288xf32, #tpu.memory_space<vmem>>[vector<16xi32>], vector<16xf32>,
    %add3A_1836 = arith.constant 8192 : i32
    %add3A_1837 = vector.broadcast %add3A_1836 : i32 to vector<16xi32>
    %add3A_1838 = arith.addi %add3A_1830, %add3A_1837 : vector<16xi32>
    %gather3A_1839 = tpu.vector_load_idx %arg10[%add3A_1838] : memref<12288xf32, #tpu.memory_space<vmem>>[vector<16xi32>], vector<16xf32>,
    %add3A_1840 = arith.addf %add3A_1809, %gather3A_1831 : vector<16xf32>
    %add3A_1841 = arith.addf %add3A_1810, %gather3A_1835 : vector<16xf32>
    %add3A_1842 = arith.addf %add3A_1811, %gather3A_1839 : vector<16xf32>
    %add3A_1843 = arith.constant 21 : i32
    %add3A_1844 = vector.broadcast %add3A_1843 : i32 to vector<16xi32>
    %add3A_1845 = arith.addi %select_n3A_1184, %add3A_1844 : vector<16xi32>
    %shift_right_arithmetic3A_1846 = arith.constant 1 : i32
    %shift_right_arithmetic3A_1847 = vector.broadcast %shift_right_arithmetic3A_1846 : i32 to vector<16xi32>
    %shift_right_arithmetic3A_1848 = arith.shrsi %add3A_1845, %shift_right_arithmetic3A_1847 : vector<16xi32>
    %and3A_1849 = arith.constant 112 : i32
    %and3A_1850 = vector.broadcast %and3A_1849 : i32 to vector<16xi32>
    %and3A_1851 = arith.andi %shift_right_arithmetic3A_1848, %and3A_1850 : vector<16xi32>
    %add3A_1852 = arith.constant 31 : i32
    %add3A_1853 = vector.broadcast %add3A_1852 : i32 to vector<16xi32>
    %add3A_1854 = arith.addi %select_n3A_1194, %add3A_1853 : vector<16xi32>
    %shift_right_arithmetic3A_1855 = arith.constant 5 : i32
    %shift_right_arithmetic3A_1856 = vector.broadcast %shift_right_arithmetic3A_1855 : i32 to vector<16xi32>
    %shift_right_arithmetic3A_1857 = arith.shrsi %add3A_1854, %shift_right_arithmetic3A_1856 : vector<16xi32>
    %add3A_1858 = arith.constant 2696 : i32
    %add3A_1859 = vector.broadcast %add3A_1858 : i32 to vector<16xi32>
    %add3A_1860 = arith.addi %add3A_1859, %and3A_1851 : vector<16xi32>
    %add3A_1861 = arith.addi %add3A_1860, %shift_right_arithmetic3A_1857 : vector<16xi32>
    %gather3A_1862 = tpu.vector_load_idx %arg10[%add3A_1861] : memref<12288xf32, #tpu.memory_space<vmem>>[vector<16xi32>], vector<16xf32>,
    %add3A_1863 = arith.constant 4096 : i32
    %add3A_1864 = vector.broadcast %add3A_1863 : i32 to vector<16xi32>
    %add3A_1865 = arith.addi %add3A_1861, %add3A_1864 : vector<16xi32>
    %gather3A_1866 = tpu.vector_load_idx %arg10[%add3A_1865] : memref<12288xf32, #tpu.memory_space<vmem>>[vector<16xi32>], vector<16xf32>,
    %add3A_1867 = arith.constant 8192 : i32
    %add3A_1868 = vector.broadcast %add3A_1867 : i32 to vector<16xi32>
    %add3A_1869 = arith.addi %add3A_1861, %add3A_1868 : vector<16xi32>
    %gather3A_1870 = tpu.vector_load_idx %arg10[%add3A_1869] : memref<12288xf32, #tpu.memory_space<vmem>>[vector<16xi32>], vector<16xf32>,
    %add3A_1871 = arith.addf %add3A_1840, %gather3A_1862 : vector<16xf32>
    %add3A_1872 = arith.addf %add3A_1841, %gather3A_1866 : vector<16xf32>
    %add3A_1873 = arith.addf %add3A_1842, %gather3A_1870 : vector<16xf32>
    %add3A_1874 = arith.constant 22 : i32
    %add3A_1875 = vector.broadcast %add3A_1874 : i32 to vector<16xi32>
    %add3A_1876 = arith.addi %select_n3A_1184, %add3A_1875 : vector<16xi32>
    %shift_right_arithmetic3A_1877 = arith.constant 1 : i32
    %shift_right_arithmetic3A_1878 = vector.broadcast %shift_right_arithmetic3A_1877 : i32 to vector<16xi32>
    %shift_right_arithmetic3A_1879 = arith.shrsi %add3A_1876, %shift_right_arithmetic3A_1878 : vector<16xi32>
    %and3A_1880 = arith.constant 112 : i32
    %and3A_1881 = vector.broadcast %and3A_1880 : i32 to vector<16xi32>
    %and3A_1882 = arith.andi %shift_right_arithmetic3A_1879, %and3A_1881 : vector<16xi32>
    %add3A_1883 = arith.constant 2 : i32
    %add3A_1884 = vector.broadcast %add3A_1883 : i32 to vector<16xi32>
    %add3A_1885 = arith.addi %select_n3A_1194, %add3A_1884 : vector<16xi32>
    %shift_right_arithmetic3A_1886 = arith.constant 5 : i32
    %shift_right_arithmetic3A_1887 = vector.broadcast %shift_right_arithmetic3A_1886 : i32 to vector<16xi32>
    %shift_right_arithmetic3A_1888 = arith.shrsi %add3A_1885, %shift_right_arithmetic3A_1887 : vector<16xi32>
    %add3A_1889 = arith.constant 2824 : i32
    %add3A_1890 = vector.broadcast %add3A_1889 : i32 to vector<16xi32>
    %add3A_1891 = arith.addi %add3A_1890, %and3A_1882 : vector<16xi32>
    %add3A_1892 = arith.addi %add3A_1891, %shift_right_arithmetic3A_1888 : vector<16xi32>
    %gather3A_1893 = tpu.vector_load_idx %arg10[%add3A_1892] : memref<12288xf32, #tpu.memory_space<vmem>>[vector<16xi32>], vector<16xf32>,
    %add3A_1894 = arith.constant 4096 : i32
    %add3A_1895 = vector.broadcast %add3A_1894 : i32 to vector<16xi32>
    %add3A_1896 = arith.addi %add3A_1892, %add3A_1895 : vector<16xi32>
    %gather3A_1897 = tpu.vector_load_idx %arg10[%add3A_1896] : memref<12288xf32, #tpu.memory_space<vmem>>[vector<16xi32>], vector<16xf32>,
    %add3A_1898 = arith.constant 8192 : i32
    %add3A_1899 = vector.broadcast %add3A_1898 : i32 to vector<16xi32>
    %add3A_1900 = arith.addi %add3A_1892, %add3A_1899 : vector<16xi32>
    %gather3A_1901 = tpu.vector_load_idx %arg10[%add3A_1900] : memref<12288xf32, #tpu.memory_space<vmem>>[vector<16xi32>], vector<16xf32>,
    %add3A_1902 = arith.addf %add3A_1871, %gather3A_1893 : vector<16xf32>
    %add3A_1903 = arith.addf %add3A_1872, %gather3A_1897 : vector<16xf32>
    %add3A_1904 = arith.addf %add3A_1873, %gather3A_1901 : vector<16xf32>
    %add3A_1905 = arith.constant 23 : i32
    %add3A_1906 = vector.broadcast %add3A_1905 : i32 to vector<16xi32>
    %add3A_1907 = arith.addi %select_n3A_1184, %add3A_1906 : vector<16xi32>
    %shift_right_arithmetic3A_1908 = arith.constant 1 : i32
    %shift_right_arithmetic3A_1909 = vector.broadcast %shift_right_arithmetic3A_1908 : i32 to vector<16xi32>
    %shift_right_arithmetic3A_1910 = arith.shrsi %add3A_1907, %shift_right_arithmetic3A_1909 : vector<16xi32>
    %and3A_1911 = arith.constant 112 : i32
    %and3A_1912 = vector.broadcast %and3A_1911 : i32 to vector<16xi32>
    %and3A_1913 = arith.andi %shift_right_arithmetic3A_1910, %and3A_1912 : vector<16xi32>
    %add3A_1914 = arith.constant 5 : i32
    %add3A_1915 = vector.broadcast %add3A_1914 : i32 to vector<16xi32>
    %add3A_1916 = arith.addi %select_n3A_1194, %add3A_1915 : vector<16xi32>
    %shift_right_arithmetic3A_1917 = arith.constant 5 : i32
    %shift_right_arithmetic3A_1918 = vector.broadcast %shift_right_arithmetic3A_1917 : i32 to vector<16xi32>
    %shift_right_arithmetic3A_1919 = arith.shrsi %add3A_1916, %shift_right_arithmetic3A_1918 : vector<16xi32>
    %add3A_1920 = arith.constant 2952 : i32
    %add3A_1921 = vector.broadcast %add3A_1920 : i32 to vector<16xi32>
    %add3A_1922 = arith.addi %add3A_1921, %and3A_1913 : vector<16xi32>
    %add3A_1923 = arith.addi %add3A_1922, %shift_right_arithmetic3A_1919 : vector<16xi32>
    %gather3A_1924 = tpu.vector_load_idx %arg10[%add3A_1923] : memref<12288xf32, #tpu.memory_space<vmem>>[vector<16xi32>], vector<16xf32>,
    %add3A_1925 = arith.constant 4096 : i32
    %add3A_1926 = vector.broadcast %add3A_1925 : i32 to vector<16xi32>
    %add3A_1927 = arith.addi %add3A_1923, %add3A_1926 : vector<16xi32>
    %gather3A_1928 = tpu.vector_load_idx %arg10[%add3A_1927] : memref<12288xf32, #tpu.memory_space<vmem>>[vector<16xi32>], vector<16xf32>,
    %add3A_1929 = arith.constant 8192 : i32
    %add3A_1930 = vector.broadcast %add3A_1929 : i32 to vector<16xi32>
    %add3A_1931 = arith.addi %add3A_1923, %add3A_1930 : vector<16xi32>
    %gather3A_1932 = tpu.vector_load_idx %arg10[%add3A_1931] : memref<12288xf32, #tpu.memory_space<vmem>>[vector<16xi32>], vector<16xf32>,
    %add3A_1933 = arith.addf %add3A_1902, %gather3A_1924 : vector<16xf32>
    %add3A_1934 = arith.addf %add3A_1903, %gather3A_1928 : vector<16xf32>
    %add3A_1935 = arith.addf %add3A_1904, %gather3A_1932 : vector<16xf32>
    %add3A_1936 = arith.constant 24 : i32
    %add3A_1937 = vector.broadcast %add3A_1936 : i32 to vector<16xi32>
    %add3A_1938 = arith.addi %select_n3A_1184, %add3A_1937 : vector<16xi32>
    %shift_right_arithmetic3A_1939 = arith.constant 1 : i32
    %shift_right_arithmetic3A_1940 = vector.broadcast %shift_right_arithmetic3A_1939 : i32 to vector<16xi32>
    %shift_right_arithmetic3A_1941 = arith.shrsi %add3A_1938, %shift_right_arithmetic3A_1940 : vector<16xi32>
    %and3A_1942 = arith.constant 112 : i32
    %and3A_1943 = vector.broadcast %and3A_1942 : i32 to vector<16xi32>
    %and3A_1944 = arith.andi %shift_right_arithmetic3A_1941, %and3A_1943 : vector<16xi32>
    %add3A_1945 = arith.constant 8 : i32
    %add3A_1946 = vector.broadcast %add3A_1945 : i32 to vector<16xi32>
    %add3A_1947 = arith.addi %select_n3A_1194, %add3A_1946 : vector<16xi32>
    %shift_right_arithmetic3A_1948 = arith.constant 5 : i32
    %shift_right_arithmetic3A_1949 = vector.broadcast %shift_right_arithmetic3A_1948 : i32 to vector<16xi32>
    %shift_right_arithmetic3A_1950 = arith.shrsi %add3A_1947, %shift_right_arithmetic3A_1949 : vector<16xi32>
    %add3A_1951 = arith.constant 3080 : i32
    %add3A_1952 = vector.broadcast %add3A_1951 : i32 to vector<16xi32>
    %add3A_1953 = arith.addi %add3A_1952, %and3A_1944 : vector<16xi32>
    %add3A_1954 = arith.addi %add3A_1953, %shift_right_arithmetic3A_1950 : vector<16xi32>
    %gather3A_1955 = tpu.vector_load_idx %arg10[%add3A_1954] : memref<12288xf32, #tpu.memory_space<vmem>>[vector<16xi32>], vector<16xf32>,
    %add3A_1956 = arith.constant 4096 : i32
    %add3A_1957 = vector.broadcast %add3A_1956 : i32 to vector<16xi32>
    %add3A_1958 = arith.addi %add3A_1954, %add3A_1957 : vector<16xi32>
    %gather3A_1959 = tpu.vector_load_idx %arg10[%add3A_1958] : memref<12288xf32, #tpu.memory_space<vmem>>[vector<16xi32>], vector<16xf32>,
    %add3A_1960 = arith.constant 8192 : i32
    %add3A_1961 = vector.broadcast %add3A_1960 : i32 to vector<16xi32>
    %add3A_1962 = arith.addi %add3A_1954, %add3A_1961 : vector<16xi32>
    %gather3A_1963 = tpu.vector_load_idx %arg10[%add3A_1962] : memref<12288xf32, #tpu.memory_space<vmem>>[vector<16xi32>], vector<16xf32>,
    %add3A_1964 = arith.addf %add3A_1933, %gather3A_1955 : vector<16xf32>
    %add3A_1965 = arith.addf %add3A_1934, %gather3A_1959 : vector<16xf32>
    %add3A_1966 = arith.addf %add3A_1935, %gather3A_1963 : vector<16xf32>
    %add3A_1967 = arith.constant 25 : i32
    %add3A_1968 = vector.broadcast %add3A_1967 : i32 to vector<16xi32>
    %add3A_1969 = arith.addi %select_n3A_1184, %add3A_1968 : vector<16xi32>
    %shift_right_arithmetic3A_1970 = arith.constant 1 : i32
    %shift_right_arithmetic3A_1971 = vector.broadcast %shift_right_arithmetic3A_1970 : i32 to vector<16xi32>
    %shift_right_arithmetic3A_1972 = arith.shrsi %add3A_1969, %shift_right_arithmetic3A_1971 : vector<16xi32>
    %and3A_1973 = arith.constant 112 : i32
    %and3A_1974 = vector.broadcast %and3A_1973 : i32 to vector<16xi32>
    %and3A_1975 = arith.andi %shift_right_arithmetic3A_1972, %and3A_1974 : vector<16xi32>
    %add3A_1976 = arith.constant 11 : i32
    %add3A_1977 = vector.broadcast %add3A_1976 : i32 to vector<16xi32>
    %add3A_1978 = arith.addi %select_n3A_1194, %add3A_1977 : vector<16xi32>
    %shift_right_arithmetic3A_1979 = arith.constant 5 : i32
    %shift_right_arithmetic3A_1980 = vector.broadcast %shift_right_arithmetic3A_1979 : i32 to vector<16xi32>
    %shift_right_arithmetic3A_1981 = arith.shrsi %add3A_1978, %shift_right_arithmetic3A_1980 : vector<16xi32>
    %add3A_1982 = arith.constant 3208 : i32
    %add3A_1983 = vector.broadcast %add3A_1982 : i32 to vector<16xi32>
    %add3A_1984 = arith.addi %add3A_1983, %and3A_1975 : vector<16xi32>
    %add3A_1985 = arith.addi %add3A_1984, %shift_right_arithmetic3A_1981 : vector<16xi32>
    %gather3A_1986 = tpu.vector_load_idx %arg10[%add3A_1985] : memref<12288xf32, #tpu.memory_space<vmem>>[vector<16xi32>], vector<16xf32>,
    %add3A_1987 = arith.constant 4096 : i32
    %add3A_1988 = vector.broadcast %add3A_1987 : i32 to vector<16xi32>
    %add3A_1989 = arith.addi %add3A_1985, %add3A_1988 : vector<16xi32>
    %gather3A_1990 = tpu.vector_load_idx %arg10[%add3A_1989] : memref<12288xf32, #tpu.memory_space<vmem>>[vector<16xi32>], vector<16xf32>,
    %add3A_1991 = arith.constant 8192 : i32
    %add3A_1992 = vector.broadcast %add3A_1991 : i32 to vector<16xi32>
    %add3A_1993 = arith.addi %add3A_1985, %add3A_1992 : vector<16xi32>
    %gather3A_1994 = tpu.vector_load_idx %arg10[%add3A_1993] : memref<12288xf32, #tpu.memory_space<vmem>>[vector<16xi32>], vector<16xf32>,
    %add3A_1995 = arith.addf %add3A_1964, %gather3A_1986 : vector<16xf32>
    %add3A_1996 = arith.addf %add3A_1965, %gather3A_1990 : vector<16xf32>
    %add3A_1997 = arith.addf %add3A_1966, %gather3A_1994 : vector<16xf32>
    %add3A_1998 = arith.constant 26 : i32
    %add3A_1999 = vector.broadcast %add3A_1998 : i32 to vector<16xi32>
    %add3A_2000 = arith.addi %select_n3A_1184, %add3A_1999 : vector<16xi32>
    %shift_right_arithmetic3A_2001 = arith.constant 1 : i32
    %shift_right_arithmetic3A_2002 = vector.broadcast %shift_right_arithmetic3A_2001 : i32 to vector<16xi32>
    %shift_right_arithmetic3A_2003 = arith.shrsi %add3A_2000, %shift_right_arithmetic3A_2002 : vector<16xi32>
    %and3A_2004 = arith.constant 112 : i32
    %and3A_2005 = vector.broadcast %and3A_2004 : i32 to vector<16xi32>
    %and3A_2006 = arith.andi %shift_right_arithmetic3A_2003, %and3A_2005 : vector<16xi32>
    %add3A_2007 = arith.constant 14 : i32
    %add3A_2008 = vector.broadcast %add3A_2007 : i32 to vector<16xi32>
    %add3A_2009 = arith.addi %select_n3A_1194, %add3A_2008 : vector<16xi32>
    %shift_right_arithmetic3A_2010 = arith.constant 5 : i32
    %shift_right_arithmetic3A_2011 = vector.broadcast %shift_right_arithmetic3A_2010 : i32 to vector<16xi32>
    %shift_right_arithmetic3A_2012 = arith.shrsi %add3A_2009, %shift_right_arithmetic3A_2011 : vector<16xi32>
    %add3A_2013 = arith.constant 3336 : i32
    %add3A_2014 = vector.broadcast %add3A_2013 : i32 to vector<16xi32>
    %add3A_2015 = arith.addi %add3A_2014, %and3A_2006 : vector<16xi32>
    %add3A_2016 = arith.addi %add3A_2015, %shift_right_arithmetic3A_2012 : vector<16xi32>
    %gather3A_2017 = tpu.vector_load_idx %arg10[%add3A_2016] : memref<12288xf32, #tpu.memory_space<vmem>>[vector<16xi32>], vector<16xf32>,
    %add3A_2018 = arith.constant 4096 : i32
    %add3A_2019 = vector.broadcast %add3A_2018 : i32 to vector<16xi32>
    %add3A_2020 = arith.addi %add3A_2016, %add3A_2019 : vector<16xi32>
    %gather3A_2021 = tpu.vector_load_idx %arg10[%add3A_2020] : memref<12288xf32, #tpu.memory_space<vmem>>[vector<16xi32>], vector<16xf32>,
    %add3A_2022 = arith.constant 8192 : i32
    %add3A_2023 = vector.broadcast %add3A_2022 : i32 to vector<16xi32>
    %add3A_2024 = arith.addi %add3A_2016, %add3A_2023 : vector<16xi32>
    %gather3A_2025 = tpu.vector_load_idx %arg10[%add3A_2024] : memref<12288xf32, #tpu.memory_space<vmem>>[vector<16xi32>], vector<16xf32>,
    %add3A_2026 = arith.addf %add3A_1995, %gather3A_2017 : vector<16xf32>
    %add3A_2027 = arith.addf %add3A_1996, %gather3A_2021 : vector<16xf32>
    %add3A_2028 = arith.addf %add3A_1997, %gather3A_2025 : vector<16xf32>
    %add3A_2029 = arith.constant 27 : i32
    %add3A_2030 = vector.broadcast %add3A_2029 : i32 to vector<16xi32>
    %add3A_2031 = arith.addi %select_n3A_1184, %add3A_2030 : vector<16xi32>
    %shift_right_arithmetic3A_2032 = arith.constant 1 : i32
    %shift_right_arithmetic3A_2033 = vector.broadcast %shift_right_arithmetic3A_2032 : i32 to vector<16xi32>
    %shift_right_arithmetic3A_2034 = arith.shrsi %add3A_2031, %shift_right_arithmetic3A_2033 : vector<16xi32>
    %and3A_2035 = arith.constant 112 : i32
    %and3A_2036 = vector.broadcast %and3A_2035 : i32 to vector<16xi32>
    %and3A_2037 = arith.andi %shift_right_arithmetic3A_2034, %and3A_2036 : vector<16xi32>
    %add3A_2038 = arith.constant 17 : i32
    %add3A_2039 = vector.broadcast %add3A_2038 : i32 to vector<16xi32>
    %add3A_2040 = arith.addi %select_n3A_1194, %add3A_2039 : vector<16xi32>
    %shift_right_arithmetic3A_2041 = arith.constant 5 : i32
    %shift_right_arithmetic3A_2042 = vector.broadcast %shift_right_arithmetic3A_2041 : i32 to vector<16xi32>
    %shift_right_arithmetic3A_2043 = arith.shrsi %add3A_2040, %shift_right_arithmetic3A_2042 : vector<16xi32>
    %add3A_2044 = arith.constant 3464 : i32
    %add3A_2045 = vector.broadcast %add3A_2044 : i32 to vector<16xi32>
    %add3A_2046 = arith.addi %add3A_2045, %and3A_2037 : vector<16xi32>
    %add3A_2047 = arith.addi %add3A_2046, %shift_right_arithmetic3A_2043 : vector<16xi32>
    %gather3A_2048 = tpu.vector_load_idx %arg10[%add3A_2047] : memref<12288xf32, #tpu.memory_space<vmem>>[vector<16xi32>], vector<16xf32>,
    %add3A_2049 = arith.constant 4096 : i32
    %add3A_2050 = vector.broadcast %add3A_2049 : i32 to vector<16xi32>
    %add3A_2051 = arith.addi %add3A_2047, %add3A_2050 : vector<16xi32>
    %gather3A_2052 = tpu.vector_load_idx %arg10[%add3A_2051] : memref<12288xf32, #tpu.memory_space<vmem>>[vector<16xi32>], vector<16xf32>,
    %add3A_2053 = arith.constant 8192 : i32
    %add3A_2054 = vector.broadcast %add3A_2053 : i32 to vector<16xi32>
    %add3A_2055 = arith.addi %add3A_2047, %add3A_2054 : vector<16xi32>
    %gather3A_2056 = tpu.vector_load_idx %arg10[%add3A_2055] : memref<12288xf32, #tpu.memory_space<vmem>>[vector<16xi32>], vector<16xf32>,
    %add3A_2057 = arith.addf %add3A_2026, %gather3A_2048 : vector<16xf32>
    %add3A_2058 = arith.addf %add3A_2027, %gather3A_2052 : vector<16xf32>
    %add3A_2059 = arith.addf %add3A_2028, %gather3A_2056 : vector<16xf32>
    %add3A_2060 = arith.constant 28 : i32
    %add3A_2061 = vector.broadcast %add3A_2060 : i32 to vector<16xi32>
    %add3A_2062 = arith.addi %select_n3A_1184, %add3A_2061 : vector<16xi32>
    %shift_right_arithmetic3A_2063 = arith.constant 1 : i32
    %shift_right_arithmetic3A_2064 = vector.broadcast %shift_right_arithmetic3A_2063 : i32 to vector<16xi32>
    %shift_right_arithmetic3A_2065 = arith.shrsi %add3A_2062, %shift_right_arithmetic3A_2064 : vector<16xi32>
    %and3A_2066 = arith.constant 112 : i32
    %and3A_2067 = vector.broadcast %and3A_2066 : i32 to vector<16xi32>
    %and3A_2068 = arith.andi %shift_right_arithmetic3A_2065, %and3A_2067 : vector<16xi32>
    %add3A_2069 = arith.constant 20 : i32
    %add3A_2070 = vector.broadcast %add3A_2069 : i32 to vector<16xi32>
    %add3A_2071 = arith.addi %select_n3A_1194, %add3A_2070 : vector<16xi32>
    %shift_right_arithmetic3A_2072 = arith.constant 5 : i32
    %shift_right_arithmetic3A_2073 = vector.broadcast %shift_right_arithmetic3A_2072 : i32 to vector<16xi32>
    %shift_right_arithmetic3A_2074 = arith.shrsi %add3A_2071, %shift_right_arithmetic3A_2073 : vector<16xi32>
    %add3A_2075 = arith.constant 3592 : i32
    %add3A_2076 = vector.broadcast %add3A_2075 : i32 to vector<16xi32>
    %add3A_2077 = arith.addi %add3A_2076, %and3A_2068 : vector<16xi32>
    %add3A_2078 = arith.addi %add3A_2077, %shift_right_arithmetic3A_2074 : vector<16xi32>
    %gather3A_2079 = tpu.vector_load_idx %arg10[%add3A_2078] : memref<12288xf32, #tpu.memory_space<vmem>>[vector<16xi32>], vector<16xf32>,
    %add3A_2080 = arith.constant 4096 : i32
    %add3A_2081 = vector.broadcast %add3A_2080 : i32 to vector<16xi32>
    %add3A_2082 = arith.addi %add3A_2078, %add3A_2081 : vector<16xi32>
    %gather3A_2083 = tpu.vector_load_idx %arg10[%add3A_2082] : memref<12288xf32, #tpu.memory_space<vmem>>[vector<16xi32>], vector<16xf32>,
    %add3A_2084 = arith.constant 8192 : i32
    %add3A_2085 = vector.broadcast %add3A_2084 : i32 to vector<16xi32>
    %add3A_2086 = arith.addi %add3A_2078, %add3A_2085 : vector<16xi32>
    %gather3A_2087 = tpu.vector_load_idx %arg10[%add3A_2086] : memref<12288xf32, #tpu.memory_space<vmem>>[vector<16xi32>], vector<16xf32>,
    %add3A_2088 = arith.addf %add3A_2057, %gather3A_2079 : vector<16xf32>
    %add3A_2089 = arith.addf %add3A_2058, %gather3A_2083 : vector<16xf32>
    %add3A_2090 = arith.addf %add3A_2059, %gather3A_2087 : vector<16xf32>
    %add3A_2091 = arith.constant 29 : i32
    %add3A_2092 = vector.broadcast %add3A_2091 : i32 to vector<16xi32>
    %add3A_2093 = arith.addi %select_n3A_1184, %add3A_2092 : vector<16xi32>
    %shift_right_arithmetic3A_2094 = arith.constant 1 : i32
    %shift_right_arithmetic3A_2095 = vector.broadcast %shift_right_arithmetic3A_2094 : i32 to vector<16xi32>
    %shift_right_arithmetic3A_2096 = arith.shrsi %add3A_2093, %shift_right_arithmetic3A_2095 : vector<16xi32>
    %and3A_2097 = arith.constant 112 : i32
    %and3A_2098 = vector.broadcast %and3A_2097 : i32 to vector<16xi32>
    %and3A_2099 = arith.andi %shift_right_arithmetic3A_2096, %and3A_2098 : vector<16xi32>
    %add3A_2100 = arith.constant 23 : i32
    %add3A_2101 = vector.broadcast %add3A_2100 : i32 to vector<16xi32>
    %add3A_2102 = arith.addi %select_n3A_1194, %add3A_2101 : vector<16xi32>
    %shift_right_arithmetic3A_2103 = arith.constant 5 : i32
    %shift_right_arithmetic3A_2104 = vector.broadcast %shift_right_arithmetic3A_2103 : i32 to vector<16xi32>
    %shift_right_arithmetic3A_2105 = arith.shrsi %add3A_2102, %shift_right_arithmetic3A_2104 : vector<16xi32>
    %add3A_2106 = arith.constant 3720 : i32
    %add3A_2107 = vector.broadcast %add3A_2106 : i32 to vector<16xi32>
    %add3A_2108 = arith.addi %add3A_2107, %and3A_2099 : vector<16xi32>
    %add3A_2109 = arith.addi %add3A_2108, %shift_right_arithmetic3A_2105 : vector<16xi32>
    %gather3A_2110 = tpu.vector_load_idx %arg10[%add3A_2109] : memref<12288xf32, #tpu.memory_space<vmem>>[vector<16xi32>], vector<16xf32>,
    %add3A_2111 = arith.constant 4096 : i32
    %add3A_2112 = vector.broadcast %add3A_2111 : i32 to vector<16xi32>
    %add3A_2113 = arith.addi %add3A_2109, %add3A_2112 : vector<16xi32>
    %gather3A_2114 = tpu.vector_load_idx %arg10[%add3A_2113] : memref<12288xf32, #tpu.memory_space<vmem>>[vector<16xi32>], vector<16xf32>,
    %add3A_2115 = arith.constant 8192 : i32
    %add3A_2116 = vector.broadcast %add3A_2115 : i32 to vector<16xi32>
    %add3A_2117 = arith.addi %add3A_2109, %add3A_2116 : vector<16xi32>
    %gather3A_2118 = tpu.vector_load_idx %arg10[%add3A_2117] : memref<12288xf32, #tpu.memory_space<vmem>>[vector<16xi32>], vector<16xf32>,
    %add3A_2119 = arith.addf %add3A_2088, %gather3A_2110 : vector<16xf32>
    %add3A_2120 = arith.addf %add3A_2089, %gather3A_2114 : vector<16xf32>
    %add3A_2121 = arith.addf %add3A_2090, %gather3A_2118 : vector<16xf32>
    %add3A_2122 = arith.constant 30 : i32
    %add3A_2123 = vector.broadcast %add3A_2122 : i32 to vector<16xi32>
    %add3A_2124 = arith.addi %select_n3A_1184, %add3A_2123 : vector<16xi32>
    %shift_right_arithmetic3A_2125 = arith.constant 1 : i32
    %shift_right_arithmetic3A_2126 = vector.broadcast %shift_right_arithmetic3A_2125 : i32 to vector<16xi32>
    %shift_right_arithmetic3A_2127 = arith.shrsi %add3A_2124, %shift_right_arithmetic3A_2126 : vector<16xi32>
    %and3A_2128 = arith.constant 112 : i32
    %and3A_2129 = vector.broadcast %and3A_2128 : i32 to vector<16xi32>
    %and3A_2130 = arith.andi %shift_right_arithmetic3A_2127, %and3A_2129 : vector<16xi32>
    %add3A_2131 = arith.constant 26 : i32
    %add3A_2132 = vector.broadcast %add3A_2131 : i32 to vector<16xi32>
    %add3A_2133 = arith.addi %select_n3A_1194, %add3A_2132 : vector<16xi32>
    %shift_right_arithmetic3A_2134 = arith.constant 5 : i32
    %shift_right_arithmetic3A_2135 = vector.broadcast %shift_right_arithmetic3A_2134 : i32 to vector<16xi32>
    %shift_right_arithmetic3A_2136 = arith.shrsi %add3A_2133, %shift_right_arithmetic3A_2135 : vector<16xi32>
    %add3A_2137 = arith.constant 3848 : i32
    %add3A_2138 = vector.broadcast %add3A_2137 : i32 to vector<16xi32>
    %add3A_2139 = arith.addi %add3A_2138, %and3A_2130 : vector<16xi32>
    %add3A_2140 = arith.addi %add3A_2139, %shift_right_arithmetic3A_2136 : vector<16xi32>
    %gather3A_2141 = tpu.vector_load_idx %arg10[%add3A_2140] : memref<12288xf32, #tpu.memory_space<vmem>>[vector<16xi32>], vector<16xf32>,
    %add3A_2142 = arith.constant 4096 : i32
    %add3A_2143 = vector.broadcast %add3A_2142 : i32 to vector<16xi32>
    %add3A_2144 = arith.addi %add3A_2140, %add3A_2143 : vector<16xi32>
    %gather3A_2145 = tpu.vector_load_idx %arg10[%add3A_2144] : memref<12288xf32, #tpu.memory_space<vmem>>[vector<16xi32>], vector<16xf32>,
    %add3A_2146 = arith.constant 8192 : i32
    %add3A_2147 = vector.broadcast %add3A_2146 : i32 to vector<16xi32>
    %add3A_2148 = arith.addi %add3A_2140, %add3A_2147 : vector<16xi32>
    %gather3A_2149 = tpu.vector_load_idx %arg10[%add3A_2148] : memref<12288xf32, #tpu.memory_space<vmem>>[vector<16xi32>], vector<16xf32>,
    %add3A_2150 = arith.addf %add3A_2119, %gather3A_2141 : vector<16xf32>
    %add3A_2151 = arith.addf %add3A_2120, %gather3A_2145 : vector<16xf32>
    %add3A_2152 = arith.addf %add3A_2121, %gather3A_2149 : vector<16xf32>
    %add3A_2153 = arith.constant 31 : i32
    %add3A_2154 = vector.broadcast %add3A_2153 : i32 to vector<16xi32>
    %add3A_2155 = arith.addi %select_n3A_1184, %add3A_2154 : vector<16xi32>
    %shift_right_arithmetic3A_2156 = arith.constant 1 : i32
    %shift_right_arithmetic3A_2157 = vector.broadcast %shift_right_arithmetic3A_2156 : i32 to vector<16xi32>
    %shift_right_arithmetic3A_2158 = arith.shrsi %add3A_2155, %shift_right_arithmetic3A_2157 : vector<16xi32>
    %and3A_2159 = arith.constant 112 : i32
    %and3A_2160 = vector.broadcast %and3A_2159 : i32 to vector<16xi32>
    %and3A_2161 = arith.andi %shift_right_arithmetic3A_2158, %and3A_2160 : vector<16xi32>
    %add3A_2162 = arith.constant 29 : i32
    %add3A_2163 = vector.broadcast %add3A_2162 : i32 to vector<16xi32>
    %add3A_2164 = arith.addi %select_n3A_1194, %add3A_2163 : vector<16xi32>
    %shift_right_arithmetic3A_2165 = arith.constant 5 : i32
    %shift_right_arithmetic3A_2166 = vector.broadcast %shift_right_arithmetic3A_2165 : i32 to vector<16xi32>
    %shift_right_arithmetic3A_2167 = arith.shrsi %add3A_2164, %shift_right_arithmetic3A_2166 : vector<16xi32>
    %add3A_2168 = arith.constant 3976 : i32
    %add3A_2169 = vector.broadcast %add3A_2168 : i32 to vector<16xi32>
    %add3A_2170 = arith.addi %add3A_2169, %and3A_2161 : vector<16xi32>
    %add3A_2171 = arith.addi %add3A_2170, %shift_right_arithmetic3A_2167 : vector<16xi32>
    %gather3A_2172 = tpu.vector_load_idx %arg10[%add3A_2171] : memref<12288xf32, #tpu.memory_space<vmem>>[vector<16xi32>], vector<16xf32>,
    %add3A_2173 = arith.constant 4096 : i32
    %add3A_2174 = vector.broadcast %add3A_2173 : i32 to vector<16xi32>
    %add3A_2175 = arith.addi %add3A_2171, %add3A_2174 : vector<16xi32>
    %gather3A_2176 = tpu.vector_load_idx %arg10[%add3A_2175] : memref<12288xf32, #tpu.memory_space<vmem>>[vector<16xi32>], vector<16xf32>,
    %add3A_2177 = arith.constant 8192 : i32
    %add3A_2178 = vector.broadcast %add3A_2177 : i32 to vector<16xi32>
    %add3A_2179 = arith.addi %add3A_2171, %add3A_2178 : vector<16xi32>
    %gather3A_2180 = tpu.vector_load_idx %arg10[%add3A_2179] : memref<12288xf32, #tpu.memory_space<vmem>>[vector<16xi32>], vector<16xf32>,
    %add3A_2181 = arith.addf %add3A_2150, %gather3A_2172 : vector<16xf32>
    %add3A_2182 = arith.addf %add3A_2151, %gather3A_2176 : vector<16xf32>
    %add3A_2183 = arith.addf %add3A_2152, %gather3A_2180 : vector<16xf32>
    %swap3A_2184 = arith.constant 0 : index
    %swap3A_2185 = tpu.vector_load %arg11[%swap3A_2184] {strides = array<i32>} : memref<48xf32, #tpu.memory_space<vmem>>, vector<16xf32>,
    tpu.vector_store %arg11[%swap3A_2184], %add3A_2181 {strides = array<i32>} : memref<48xf32, #tpu.memory_space<vmem>>, vector<16xf32>,
    %swap3A_2186 = arith.constant 16 : index
    %swap3A_2187 = tpu.vector_load %arg11[%swap3A_2186] {strides = array<i32>} : memref<48xf32, #tpu.memory_space<vmem>>, vector<16xf32>,
    tpu.vector_store %arg11[%swap3A_2186], %add3A_2182 {strides = array<i32>} : memref<48xf32, #tpu.memory_space<vmem>>, vector<16xf32>,
    %swap3A_2188 = arith.constant 32 : index
    %swap3A_2189 = tpu.vector_load %arg11[%swap3A_2188] {strides = array<i32>} : memref<48xf32, #tpu.memory_space<vmem>>, vector<16xf32>,
    tpu.vector_store %arg11[%swap3A_2188], %add3A_2183 {strides = array<i32>} : memref<48xf32, #tpu.memory_space<vmem>>, vector<16xf32>,
    %add3A_2190 = arith.constant 0 : i32
    %add3A_2191 = vector.broadcast %add3A_2190 : i32 to vector<16xi32>
    %add3A_2192 = arith.addi %mul3A_27, %add3A_2191 : vector<16xi32>
    %gather3A_2193 = tpu.vector_load_idx %arg11[%add3A_2192] : memref<48xf32, #tpu.memory_space<vmem>>[vector<16xi32>], vector<16xf32>,
    %swap3A_2194 = arith.constant 256 : index
    %swap3A_2195 = tpu.vector_load %arg12[%swap3A_2194] {strides = array<i32>} : memref<1024xf32, #tpu.memory_space<vmem>>, vector<16xf32>,
    tpu.vector_store %arg12[%swap3A_2194], %gather3A_2193 {strides = array<i32>} : memref<1024xf32, #tpu.memory_space<vmem>>, vector<16xf32>,
    %add3A_2196 = arith.constant 1 : i32
    %add3A_2197 = vector.broadcast %add3A_2196 : i32 to vector<16xi32>
    %add3A_2198 = arith.addi %mul3A_27, %add3A_2197 : vector<16xi32>
    %gather3A_2199 = tpu.vector_load_idx %arg11[%add3A_2198] : memref<48xf32, #tpu.memory_space<vmem>>[vector<16xi32>], vector<16xf32>,
    %swap3A_2200 = arith.constant 272 : index
    %swap3A_2201 = tpu.vector_load %arg12[%swap3A_2200] {strides = array<i32>} : memref<1024xf32, #tpu.memory_space<vmem>>, vector<16xf32>,
    tpu.vector_store %arg12[%swap3A_2200], %gather3A_2199 {strides = array<i32>} : memref<1024xf32, #tpu.memory_space<vmem>>, vector<16xf32>,
    %add3A_2202 = arith.constant 2 : i32
    %add3A_2203 = vector.broadcast %add3A_2202 : i32 to vector<16xi32>
    %add3A_2204 = arith.addi %mul3A_27, %add3A_2203 : vector<16xi32>
    %gather3A_2205 = tpu.vector_load_idx %arg11[%add3A_2204] : memref<48xf32, #tpu.memory_space<vmem>>[vector<16xi32>], vector<16xf32>,
    %swap3A_2206 = arith.constant 288 : index
    %swap3A_2207 = tpu.vector_load %arg12[%swap3A_2206] {strides = array<i32>} : memref<1024xf32, #tpu.memory_space<vmem>>, vector<16xf32>,
    tpu.vector_store %arg12[%swap3A_2206], %gather3A_2205 {strides = array<i32>} : memref<1024xf32, #tpu.memory_space<vmem>>, vector<16xf32>,
    %add3A_2208 = arith.constant 3 : i32
    %add3A_2209 = vector.broadcast %add3A_2208 : i32 to vector<16xi32>
    %add3A_2210 = arith.addi %mul3A_27, %add3A_2209 : vector<16xi32>
    %gather3A_2211 = tpu.vector_load_idx %arg11[%add3A_2210] : memref<48xf32, #tpu.memory_space<vmem>>[vector<16xi32>], vector<16xf32>,
    %swap3A_2212 = arith.constant 304 : index
    %swap3A_2213 = tpu.vector_load %arg12[%swap3A_2212] {strides = array<i32>} : memref<1024xf32, #tpu.memory_space<vmem>>, vector<16xf32>,
    tpu.vector_store %arg12[%swap3A_2212], %gather3A_2211 {strides = array<i32>} : memref<1024xf32, #tpu.memory_space<vmem>>, vector<16xf32>,
    %add3A_2214 = arith.constant 4 : i32
    %add3A_2215 = vector.broadcast %add3A_2214 : i32 to vector<16xi32>
    %add3A_2216 = arith.addi %mul3A_27, %add3A_2215 : vector<16xi32>
    %gather3A_2217 = tpu.vector_load_idx %arg11[%add3A_2216] : memref<48xf32, #tpu.memory_space<vmem>>[vector<16xi32>], vector<16xf32>,
    %swap3A_2218 = arith.constant 320 : index
    %swap3A_2219 = tpu.vector_load %arg12[%swap3A_2218] {strides = array<i32>} : memref<1024xf32, #tpu.memory_space<vmem>>, vector<16xf32>,
    tpu.vector_store %arg12[%swap3A_2218], %gather3A_2217 {strides = array<i32>} : memref<1024xf32, #tpu.memory_space<vmem>>, vector<16xf32>,
    %add3A_2220 = arith.constant 5 : i32
    %add3A_2221 = vector.broadcast %add3A_2220 : i32 to vector<16xi32>
    %add3A_2222 = arith.addi %mul3A_27, %add3A_2221 : vector<16xi32>
    %gather3A_2223 = tpu.vector_load_idx %arg11[%add3A_2222] : memref<48xf32, #tpu.memory_space<vmem>>[vector<16xi32>], vector<16xf32>,
    %swap3A_2224 = arith.constant 336 : index
    %swap3A_2225 = tpu.vector_load %arg12[%swap3A_2224] {strides = array<i32>} : memref<1024xf32, #tpu.memory_space<vmem>>, vector<16xf32>,
    tpu.vector_store %arg12[%swap3A_2224], %gather3A_2223 {strides = array<i32>} : memref<1024xf32, #tpu.memory_space<vmem>>, vector<16xf32>,
    %add3A_2226 = arith.constant 6 : i32
    %add3A_2227 = vector.broadcast %add3A_2226 : i32 to vector<16xi32>
    %add3A_2228 = arith.addi %mul3A_27, %add3A_2227 : vector<16xi32>
    %gather3A_2229 = tpu.vector_load_idx %arg11[%add3A_2228] : memref<48xf32, #tpu.memory_space<vmem>>[vector<16xi32>], vector<16xf32>,
    %swap3A_2230 = arith.constant 352 : index
    %swap3A_2231 = tpu.vector_load %arg12[%swap3A_2230] {strides = array<i32>} : memref<1024xf32, #tpu.memory_space<vmem>>, vector<16xf32>,
    tpu.vector_store %arg12[%swap3A_2230], %gather3A_2229 {strides = array<i32>} : memref<1024xf32, #tpu.memory_space<vmem>>, vector<16xf32>,
    %add3A_2232 = arith.constant 7 : i32
    %add3A_2233 = vector.broadcast %add3A_2232 : i32 to vector<16xi32>
    %add3A_2234 = arith.addi %mul3A_27, %add3A_2233 : vector<16xi32>
    %gather3A_2235 = tpu.vector_load_idx %arg11[%add3A_2234] : memref<48xf32, #tpu.memory_space<vmem>>[vector<16xi32>], vector<16xf32>,
    %swap3A_2236 = arith.constant 368 : index
    %swap3A_2237 = tpu.vector_load %arg12[%swap3A_2236] {strides = array<i32>} : memref<1024xf32, #tpu.memory_space<vmem>>, vector<16xf32>,
    tpu.vector_store %arg12[%swap3A_2236], %gather3A_2235 {strides = array<i32>} : memref<1024xf32, #tpu.memory_space<vmem>>, vector<16xf32>,
    %add3A_2238 = arith.constant 8 : i32
    %add3A_2239 = vector.broadcast %add3A_2238 : i32 to vector<16xi32>
    %add3A_2240 = arith.addi %mul3A_27, %add3A_2239 : vector<16xi32>
    %gather3A_2241 = tpu.vector_load_idx %arg11[%add3A_2240] : memref<48xf32, #tpu.memory_space<vmem>>[vector<16xi32>], vector<16xf32>,
    %swap3A_2242 = arith.constant 384 : index
    %swap3A_2243 = tpu.vector_load %arg12[%swap3A_2242] {strides = array<i32>} : memref<1024xf32, #tpu.memory_space<vmem>>, vector<16xf32>,
    tpu.vector_store %arg12[%swap3A_2242], %gather3A_2241 {strides = array<i32>} : memref<1024xf32, #tpu.memory_space<vmem>>, vector<16xf32>,
    %add3A_2244 = arith.constant 9 : i32
    %add3A_2245 = vector.broadcast %add3A_2244 : i32 to vector<16xi32>
    %add3A_2246 = arith.addi %mul3A_27, %add3A_2245 : vector<16xi32>
    %gather3A_2247 = tpu.vector_load_idx %arg11[%add3A_2246] : memref<48xf32, #tpu.memory_space<vmem>>[vector<16xi32>], vector<16xf32>,
    %swap3A_2248 = arith.constant 400 : index
    %swap3A_2249 = tpu.vector_load %arg12[%swap3A_2248] {strides = array<i32>} : memref<1024xf32, #tpu.memory_space<vmem>>, vector<16xf32>,
    tpu.vector_store %arg12[%swap3A_2248], %gather3A_2247 {strides = array<i32>} : memref<1024xf32, #tpu.memory_space<vmem>>, vector<16xf32>,
    %add3A_2250 = arith.constant 10 : i32
    %add3A_2251 = vector.broadcast %add3A_2250 : i32 to vector<16xi32>
    %add3A_2252 = arith.addi %mul3A_27, %add3A_2251 : vector<16xi32>
    %gather3A_2253 = tpu.vector_load_idx %arg11[%add3A_2252] : memref<48xf32, #tpu.memory_space<vmem>>[vector<16xi32>], vector<16xf32>,
    %swap3A_2254 = arith.constant 416 : index
    %swap3A_2255 = tpu.vector_load %arg12[%swap3A_2254] {strides = array<i32>} : memref<1024xf32, #tpu.memory_space<vmem>>, vector<16xf32>,
    tpu.vector_store %arg12[%swap3A_2254], %gather3A_2253 {strides = array<i32>} : memref<1024xf32, #tpu.memory_space<vmem>>, vector<16xf32>,
    %add3A_2256 = arith.constant 11 : i32
    %add3A_2257 = vector.broadcast %add3A_2256 : i32 to vector<16xi32>
    %add3A_2258 = arith.addi %mul3A_27, %add3A_2257 : vector<16xi32>
    %gather3A_2259 = tpu.vector_load_idx %arg11[%add3A_2258] : memref<48xf32, #tpu.memory_space<vmem>>[vector<16xi32>], vector<16xf32>,
    %swap3A_2260 = arith.constant 432 : index
    %swap3A_2261 = tpu.vector_load %arg12[%swap3A_2260] {strides = array<i32>} : memref<1024xf32, #tpu.memory_space<vmem>>, vector<16xf32>,
    tpu.vector_store %arg12[%swap3A_2260], %gather3A_2259 {strides = array<i32>} : memref<1024xf32, #tpu.memory_space<vmem>>, vector<16xf32>,
    %add3A_2262 = arith.constant 12 : i32
    %add3A_2263 = vector.broadcast %add3A_2262 : i32 to vector<16xi32>
    %add3A_2264 = arith.addi %mul3A_27, %add3A_2263 : vector<16xi32>
    %gather3A_2265 = tpu.vector_load_idx %arg11[%add3A_2264] : memref<48xf32, #tpu.memory_space<vmem>>[vector<16xi32>], vector<16xf32>,
    %swap3A_2266 = arith.constant 448 : index
    %swap3A_2267 = tpu.vector_load %arg12[%swap3A_2266] {strides = array<i32>} : memref<1024xf32, #tpu.memory_space<vmem>>, vector<16xf32>,
    tpu.vector_store %arg12[%swap3A_2266], %gather3A_2265 {strides = array<i32>} : memref<1024xf32, #tpu.memory_space<vmem>>, vector<16xf32>,
    %add3A_2268 = arith.constant 13 : i32
    %add3A_2269 = vector.broadcast %add3A_2268 : i32 to vector<16xi32>
    %add3A_2270 = arith.addi %mul3A_27, %add3A_2269 : vector<16xi32>
    %gather3A_2271 = tpu.vector_load_idx %arg11[%add3A_2270] : memref<48xf32, #tpu.memory_space<vmem>>[vector<16xi32>], vector<16xf32>,
    %swap3A_2272 = arith.constant 464 : index
    %swap3A_2273 = tpu.vector_load %arg12[%swap3A_2272] {strides = array<i32>} : memref<1024xf32, #tpu.memory_space<vmem>>, vector<16xf32>,
    tpu.vector_store %arg12[%swap3A_2272], %gather3A_2271 {strides = array<i32>} : memref<1024xf32, #tpu.memory_space<vmem>>, vector<16xf32>,
    %add3A_2274 = arith.constant 14 : i32
    %add3A_2275 = vector.broadcast %add3A_2274 : i32 to vector<16xi32>
    %add3A_2276 = arith.addi %mul3A_27, %add3A_2275 : vector<16xi32>
    %gather3A_2277 = tpu.vector_load_idx %arg11[%add3A_2276] : memref<48xf32, #tpu.memory_space<vmem>>[vector<16xi32>], vector<16xf32>,
    %swap3A_2278 = arith.constant 480 : index
    %swap3A_2279 = tpu.vector_load %arg12[%swap3A_2278] {strides = array<i32>} : memref<1024xf32, #tpu.memory_space<vmem>>, vector<16xf32>,
    tpu.vector_store %arg12[%swap3A_2278], %gather3A_2277 {strides = array<i32>} : memref<1024xf32, #tpu.memory_space<vmem>>, vector<16xf32>,
    %add3A_2280 = arith.constant 15 : i32
    %add3A_2281 = vector.broadcast %add3A_2280 : i32 to vector<16xi32>
    %add3A_2282 = arith.addi %mul3A_27, %add3A_2281 : vector<16xi32>
    %gather3A_2283 = tpu.vector_load_idx %arg11[%add3A_2282] : memref<48xf32, #tpu.memory_space<vmem>>[vector<16xi32>], vector<16xf32>,
    %swap3A_2284 = arith.constant 496 : index
    %swap3A_2285 = tpu.vector_load %arg12[%swap3A_2284] {strides = array<i32>} : memref<1024xf32, #tpu.memory_space<vmem>>, vector<16xf32>,
    tpu.vector_store %arg12[%swap3A_2284], %gather3A_2283 {strides = array<i32>} : memref<1024xf32, #tpu.memory_space<vmem>>, vector<16xf32>,
    %get3A_2286 = arith.constant 32 : index
    %get3A_2287 = tpu.vector_load %arg6[%get3A_2286] {strides = array<i32>} : memref<64xf32, #tpu.memory_space<vmem>>, vector<16xf32>,
    %get3A_2288 = arith.constant 32 : index
    %get3A_2289 = tpu.vector_load %arg7[%get3A_2288] {strides = array<i32>} : memref<64xf32, #tpu.memory_space<vmem>>, vector<16xf32>,
    %add3A_2290 = arith.constant -3.14159274 : f32
    %add3A_2291 = vector.broadcast %add3A_2290 : f32 to vector<16xf32>
    %add3A_2292 = arith.addf %get3A_2287, %add3A_2291 : vector<16xf32>
    %div3A_2293 = arith.constant 6.28318548 : f32
    %div3A_2294 = vector.broadcast %div3A_2293 : f32 to vector<16xf32>
    %div3A_2295 = arith.divf %add3A_2292, %div3A_2294 : vector<16xf32>
    %mul3A_2296 = arith.constant 8.000000e+00 : f32
    %mul3A_2297 = vector.broadcast %mul3A_2296 : f32 to vector<16xf32>
    %mul3A_2298 = arith.mulf %div3A_2295, %mul3A_2297 : vector<16xf32>
    %add3A_2299 = arith.constant -6.28318548 : f32
    %add3A_2300 = vector.broadcast %add3A_2299 : f32 to vector<16xf32>
    %add3A_2301 = arith.addf %get3A_2289, %add3A_2300 : vector<16xf32>
    %div3A_2302 = arith.constant 12.566371 : f32
    %div3A_2303 = vector.broadcast %div3A_2302 : f32 to vector<16xf32>
    %div3A_2304 = arith.divf %add3A_2301, %div3A_2303 : vector<16xf32>
    %mul3A_2305 = arith.constant 8.000000e+00 : f32
    %mul3A_2306 = vector.broadcast %mul3A_2305 : f32 to vector<16xf32>
    %mul3A_2307 = arith.mulf %div3A_2304, %mul3A_2306 : vector<16xf32>
    %mul3A_2308 = arith.constant 3.200000e+01 : f32
    %mul3A_2309 = vector.broadcast %mul3A_2308 : f32 to vector<16xf32>
    %mul3A_2310 = arith.mulf %mul3A_2298, %mul3A_2309 : vector<16xf32>
    %convert_element_type3A_2311 = arith.fptosi %mul3A_2310 : vector<16xf32> to vector<16xi32>
    %convert_element_type3A_2312 = arith.sitofp %convert_element_type3A_2311 : vector<16xi32> to vector<16xf32>
    %gt3A_2313 = arith.cmpf ogt, %convert_element_type3A_2312, %mul3A_2310 : vector<16xf32>
    %sub3A_2314 = arith.constant 1 : i32
    %sub3A_2315 = vector.broadcast %sub3A_2314 : i32 to vector<16xi32>
    %sub3A_2316 = arith.subi %convert_element_type3A_2311, %sub3A_2315 : vector<16xi32>
    %select_n3A_2317 = arith.select %gt3A_2313, %sub3A_2316, %convert_element_type3A_2311 : vector<16xi1>, vector<16xi32>
    %mul3A_2318 = arith.constant 3.200000e+01 : f32
    %mul3A_2319 = vector.broadcast %mul3A_2318 : f32 to vector<16xf32>
    %mul3A_2320 = arith.mulf %mul3A_2307, %mul3A_2319 : vector<16xf32>
    %convert_element_type3A_2321 = arith.fptosi %mul3A_2320 : vector<16xf32> to vector<16xi32>
    %convert_element_type3A_2322 = arith.sitofp %convert_element_type3A_2321 : vector<16xi32> to vector<16xf32>
    %gt3A_2323 = arith.cmpf ogt, %convert_element_type3A_2322, %mul3A_2320 : vector<16xf32>
    %sub3A_2324 = arith.constant 1 : i32
    %sub3A_2325 = vector.broadcast %sub3A_2324 : i32 to vector<16xi32>
    %sub3A_2326 = arith.subi %convert_element_type3A_2321, %sub3A_2325 : vector<16xi32>
    %select_n3A_2327 = arith.select %gt3A_2323, %sub3A_2326, %convert_element_type3A_2321 : vector<16xi1>, vector<16xi32>
    %add3A_2328 = arith.constant 0 : i32
    %add3A_2329 = vector.broadcast %add3A_2328 : i32 to vector<16xi32>
    %add3A_2330 = arith.addi %select_n3A_2317, %add3A_2329 : vector<16xi32>
    %shift_right_arithmetic3A_2331 = arith.constant 1 : i32
    %shift_right_arithmetic3A_2332 = vector.broadcast %shift_right_arithmetic3A_2331 : i32 to vector<16xi32>
    %shift_right_arithmetic3A_2333 = arith.shrsi %add3A_2330, %shift_right_arithmetic3A_2332 : vector<16xi32>
    %and3A_2334 = arith.constant 112 : i32
    %and3A_2335 = vector.broadcast %and3A_2334 : i32 to vector<16xi32>
    %and3A_2336 = arith.andi %shift_right_arithmetic3A_2333, %and3A_2335 : vector<16xi32>
    %add3A_2337 = arith.constant 0 : i32
    %add3A_2338 = vector.broadcast %add3A_2337 : i32 to vector<16xi32>
    %add3A_2339 = arith.addi %select_n3A_2327, %add3A_2338 : vector<16xi32>
    %shift_right_arithmetic3A_2340 = arith.constant 5 : i32
    %shift_right_arithmetic3A_2341 = vector.broadcast %shift_right_arithmetic3A_2340 : i32 to vector<16xi32>
    %shift_right_arithmetic3A_2342 = arith.shrsi %add3A_2339, %shift_right_arithmetic3A_2341 : vector<16xi32>
    %add3A_2343 = arith.constant 8 : i32
    %add3A_2344 = vector.broadcast %add3A_2343 : i32 to vector<16xi32>
    %add3A_2345 = arith.addi %add3A_2344, %and3A_2336 : vector<16xi32>
    %add3A_2346 = arith.addi %add3A_2345, %shift_right_arithmetic3A_2342 : vector<16xi32>
    %gather3A_2347 = tpu.vector_load_idx %arg10[%add3A_2346] : memref<12288xf32, #tpu.memory_space<vmem>>[vector<16xi32>], vector<16xf32>,
    %add3A_2348 = arith.constant 4096 : i32
    %add3A_2349 = vector.broadcast %add3A_2348 : i32 to vector<16xi32>
    %add3A_2350 = arith.addi %add3A_2346, %add3A_2349 : vector<16xi32>
    %gather3A_2351 = tpu.vector_load_idx %arg10[%add3A_2350] : memref<12288xf32, #tpu.memory_space<vmem>>[vector<16xi32>], vector<16xf32>,
    %add3A_2352 = arith.constant 8192 : i32
    %add3A_2353 = vector.broadcast %add3A_2352 : i32 to vector<16xi32>
    %add3A_2354 = arith.addi %add3A_2346, %add3A_2353 : vector<16xi32>
    %gather3A_2355 = tpu.vector_load_idx %arg10[%add3A_2354] : memref<12288xf32, #tpu.memory_space<vmem>>[vector<16xi32>], vector<16xf32>,
    %add3A_2356 = arith.constant 1 : i32
    %add3A_2357 = vector.broadcast %add3A_2356 : i32 to vector<16xi32>
    %add3A_2358 = arith.addi %select_n3A_2317, %add3A_2357 : vector<16xi32>
    %shift_right_arithmetic3A_2359 = arith.constant 1 : i32
    %shift_right_arithmetic3A_2360 = vector.broadcast %shift_right_arithmetic3A_2359 : i32 to vector<16xi32>
    %shift_right_arithmetic3A_2361 = arith.shrsi %add3A_2358, %shift_right_arithmetic3A_2360 : vector<16xi32>
    %and3A_2362 = arith.constant 112 : i32
    %and3A_2363 = vector.broadcast %and3A_2362 : i32 to vector<16xi32>
    %and3A_2364 = arith.andi %shift_right_arithmetic3A_2361, %and3A_2363 : vector<16xi32>
    %add3A_2365 = arith.constant 3 : i32
    %add3A_2366 = vector.broadcast %add3A_2365 : i32 to vector<16xi32>
    %add3A_2367 = arith.addi %select_n3A_2327, %add3A_2366 : vector<16xi32>
    %shift_right_arithmetic3A_2368 = arith.constant 5 : i32
    %shift_right_arithmetic3A_2369 = vector.broadcast %shift_right_arithmetic3A_2368 : i32 to vector<16xi32>
    %shift_right_arithmetic3A_2370 = arith.shrsi %add3A_2367, %shift_right_arithmetic3A_2369 : vector<16xi32>
    %add3A_2371 = arith.constant 136 : i32
    %add3A_2372 = vector.broadcast %add3A_2371 : i32 to vector<16xi32>
    %add3A_2373 = arith.addi %add3A_2372, %and3A_2364 : vector<16xi32>
    %add3A_2374 = arith.addi %add3A_2373, %shift_right_arithmetic3A_2370 : vector<16xi32>
    %gather3A_2375 = tpu.vector_load_idx %arg10[%add3A_2374] : memref<12288xf32, #tpu.memory_space<vmem>>[vector<16xi32>], vector<16xf32>,
    %add3A_2376 = arith.constant 4096 : i32
    %add3A_2377 = vector.broadcast %add3A_2376 : i32 to vector<16xi32>
    %add3A_2378 = arith.addi %add3A_2374, %add3A_2377 : vector<16xi32>
    %gather3A_2379 = tpu.vector_load_idx %arg10[%add3A_2378] : memref<12288xf32, #tpu.memory_space<vmem>>[vector<16xi32>], vector<16xf32>,
    %add3A_2380 = arith.constant 8192 : i32
    %add3A_2381 = vector.broadcast %add3A_2380 : i32 to vector<16xi32>
    %add3A_2382 = arith.addi %add3A_2374, %add3A_2381 : vector<16xi32>
    %gather3A_2383 = tpu.vector_load_idx %arg10[%add3A_2382] : memref<12288xf32, #tpu.memory_space<vmem>>[vector<16xi32>], vector<16xf32>,
    %add3A_2384 = arith.addf %gather3A_2347, %gather3A_2375 : vector<16xf32>
    %add3A_2385 = arith.addf %gather3A_2351, %gather3A_2379 : vector<16xf32>
    %add3A_2386 = arith.addf %gather3A_2355, %gather3A_2383 : vector<16xf32>
    %add3A_2387 = arith.constant 2 : i32
    %add3A_2388 = vector.broadcast %add3A_2387 : i32 to vector<16xi32>
    %add3A_2389 = arith.addi %select_n3A_2317, %add3A_2388 : vector<16xi32>
    %shift_right_arithmetic3A_2390 = arith.constant 1 : i32
    %shift_right_arithmetic3A_2391 = vector.broadcast %shift_right_arithmetic3A_2390 : i32 to vector<16xi32>
    %shift_right_arithmetic3A_2392 = arith.shrsi %add3A_2389, %shift_right_arithmetic3A_2391 : vector<16xi32>
    %and3A_2393 = arith.constant 112 : i32
    %and3A_2394 = vector.broadcast %and3A_2393 : i32 to vector<16xi32>
    %and3A_2395 = arith.andi %shift_right_arithmetic3A_2392, %and3A_2394 : vector<16xi32>
    %add3A_2396 = arith.constant 6 : i32
    %add3A_2397 = vector.broadcast %add3A_2396 : i32 to vector<16xi32>
    %add3A_2398 = arith.addi %select_n3A_2327, %add3A_2397 : vector<16xi32>
    %shift_right_arithmetic3A_2399 = arith.constant 5 : i32
    %shift_right_arithmetic3A_2400 = vector.broadcast %shift_right_arithmetic3A_2399 : i32 to vector<16xi32>
    %shift_right_arithmetic3A_2401 = arith.shrsi %add3A_2398, %shift_right_arithmetic3A_2400 : vector<16xi32>
    %add3A_2402 = arith.constant 264 : i32
    %add3A_2403 = vector.broadcast %add3A_2402 : i32 to vector<16xi32>
    %add3A_2404 = arith.addi %add3A_2403, %and3A_2395 : vector<16xi32>
    %add3A_2405 = arith.addi %add3A_2404, %shift_right_arithmetic3A_2401 : vector<16xi32>
    %gather3A_2406 = tpu.vector_load_idx %arg10[%add3A_2405] : memref<12288xf32, #tpu.memory_space<vmem>>[vector<16xi32>], vector<16xf32>,
    %add3A_2407 = arith.constant 4096 : i32
    %add3A_2408 = vector.broadcast %add3A_2407 : i32 to vector<16xi32>
    %add3A_2409 = arith.addi %add3A_2405, %add3A_2408 : vector<16xi32>
    %gather3A_2410 = tpu.vector_load_idx %arg10[%add3A_2409] : memref<12288xf32, #tpu.memory_space<vmem>>[vector<16xi32>], vector<16xf32>,
    %add3A_2411 = arith.constant 8192 : i32
    %add3A_2412 = vector.broadcast %add3A_2411 : i32 to vector<16xi32>
    %add3A_2413 = arith.addi %add3A_2405, %add3A_2412 : vector<16xi32>
    %gather3A_2414 = tpu.vector_load_idx %arg10[%add3A_2413] : memref<12288xf32, #tpu.memory_space<vmem>>[vector<16xi32>], vector<16xf32>,
    %add3A_2415 = arith.addf %add3A_2384, %gather3A_2406 : vector<16xf32>
    %add3A_2416 = arith.addf %add3A_2385, %gather3A_2410 : vector<16xf32>
    %add3A_2417 = arith.addf %add3A_2386, %gather3A_2414 : vector<16xf32>
    %add3A_2418 = arith.constant 3 : i32
    %add3A_2419 = vector.broadcast %add3A_2418 : i32 to vector<16xi32>
    %add3A_2420 = arith.addi %select_n3A_2317, %add3A_2419 : vector<16xi32>
    %shift_right_arithmetic3A_2421 = arith.constant 1 : i32
    %shift_right_arithmetic3A_2422 = vector.broadcast %shift_right_arithmetic3A_2421 : i32 to vector<16xi32>
    %shift_right_arithmetic3A_2423 = arith.shrsi %add3A_2420, %shift_right_arithmetic3A_2422 : vector<16xi32>
    %and3A_2424 = arith.constant 112 : i32
    %and3A_2425 = vector.broadcast %and3A_2424 : i32 to vector<16xi32>
    %and3A_2426 = arith.andi %shift_right_arithmetic3A_2423, %and3A_2425 : vector<16xi32>
    %add3A_2427 = arith.constant 9 : i32
    %add3A_2428 = vector.broadcast %add3A_2427 : i32 to vector<16xi32>
    %add3A_2429 = arith.addi %select_n3A_2327, %add3A_2428 : vector<16xi32>
    %shift_right_arithmetic3A_2430 = arith.constant 5 : i32
    %shift_right_arithmetic3A_2431 = vector.broadcast %shift_right_arithmetic3A_2430 : i32 to vector<16xi32>
    %shift_right_arithmetic3A_2432 = arith.shrsi %add3A_2429, %shift_right_arithmetic3A_2431 : vector<16xi32>
    %add3A_2433 = arith.constant 392 : i32
    %add3A_2434 = vector.broadcast %add3A_2433 : i32 to vector<16xi32>
    %add3A_2435 = arith.addi %add3A_2434, %and3A_2426 : vector<16xi32>
    %add3A_2436 = arith.addi %add3A_2435, %shift_right_arithmetic3A_2432 : vector<16xi32>
    %gather3A_2437 = tpu.vector_load_idx %arg10[%add3A_2436] : memref<12288xf32, #tpu.memory_space<vmem>>[vector<16xi32>], vector<16xf32>,
    %add3A_2438 = arith.constant 4096 : i32
    %add3A_2439 = vector.broadcast %add3A_2438 : i32 to vector<16xi32>
    %add3A_2440 = arith.addi %add3A_2436, %add3A_2439 : vector<16xi32>
    %gather3A_2441 = tpu.vector_load_idx %arg10[%add3A_2440] : memref<12288xf32, #tpu.memory_space<vmem>>[vector<16xi32>], vector<16xf32>,
    %add3A_2442 = arith.constant 8192 : i32
    %add3A_2443 = vector.broadcast %add3A_2442 : i32 to vector<16xi32>
    %add3A_2444 = arith.addi %add3A_2436, %add3A_2443 : vector<16xi32>
    %gather3A_2445 = tpu.vector_load_idx %arg10[%add3A_2444] : memref<12288xf32, #tpu.memory_space<vmem>>[vector<16xi32>], vector<16xf32>,
    %add3A_2446 = arith.addf %add3A_2415, %gather3A_2437 : vector<16xf32>
    %add3A_2447 = arith.addf %add3A_2416, %gather3A_2441 : vector<16xf32>
    %add3A_2448 = arith.addf %add3A_2417, %gather3A_2445 : vector<16xf32>
    %add3A_2449 = arith.constant 4 : i32
    %add3A_2450 = vector.broadcast %add3A_2449 : i32 to vector<16xi32>
    %add3A_2451 = arith.addi %select_n3A_2317, %add3A_2450 : vector<16xi32>
    %shift_right_arithmetic3A_2452 = arith.constant 1 : i32
    %shift_right_arithmetic3A_2453 = vector.broadcast %shift_right_arithmetic3A_2452 : i32 to vector<16xi32>
    %shift_right_arithmetic3A_2454 = arith.shrsi %add3A_2451, %shift_right_arithmetic3A_2453 : vector<16xi32>
    %and3A_2455 = arith.constant 112 : i32
    %and3A_2456 = vector.broadcast %and3A_2455 : i32 to vector<16xi32>
    %and3A_2457 = arith.andi %shift_right_arithmetic3A_2454, %and3A_2456 : vector<16xi32>
    %add3A_2458 = arith.constant 12 : i32
    %add3A_2459 = vector.broadcast %add3A_2458 : i32 to vector<16xi32>
    %add3A_2460 = arith.addi %select_n3A_2327, %add3A_2459 : vector<16xi32>
    %shift_right_arithmetic3A_2461 = arith.constant 5 : i32
    %shift_right_arithmetic3A_2462 = vector.broadcast %shift_right_arithmetic3A_2461 : i32 to vector<16xi32>
    %shift_right_arithmetic3A_2463 = arith.shrsi %add3A_2460, %shift_right_arithmetic3A_2462 : vector<16xi32>
    %add3A_2464 = arith.constant 520 : i32
    %add3A_2465 = vector.broadcast %add3A_2464 : i32 to vector<16xi32>
    %add3A_2466 = arith.addi %add3A_2465, %and3A_2457 : vector<16xi32>
    %add3A_2467 = arith.addi %add3A_2466, %shift_right_arithmetic3A_2463 : vector<16xi32>
    %gather3A_2468 = tpu.vector_load_idx %arg10[%add3A_2467] : memref<12288xf32, #tpu.memory_space<vmem>>[vector<16xi32>], vector<16xf32>,
    %add3A_2469 = arith.constant 4096 : i32
    %add3A_2470 = vector.broadcast %add3A_2469 : i32 to vector<16xi32>
    %add3A_2471 = arith.addi %add3A_2467, %add3A_2470 : vector<16xi32>
    %gather3A_2472 = tpu.vector_load_idx %arg10[%add3A_2471] : memref<12288xf32, #tpu.memory_space<vmem>>[vector<16xi32>], vector<16xf32>,
    %add3A_2473 = arith.constant 8192 : i32
    %add3A_2474 = vector.broadcast %add3A_2473 : i32 to vector<16xi32>
    %add3A_2475 = arith.addi %add3A_2467, %add3A_2474 : vector<16xi32>
    %gather3A_2476 = tpu.vector_load_idx %arg10[%add3A_2475] : memref<12288xf32, #tpu.memory_space<vmem>>[vector<16xi32>], vector<16xf32>,
    %add3A_2477 = arith.addf %add3A_2446, %gather3A_2468 : vector<16xf32>
    %add3A_2478 = arith.addf %add3A_2447, %gather3A_2472 : vector<16xf32>
    %add3A_2479 = arith.addf %add3A_2448, %gather3A_2476 : vector<16xf32>
    %add3A_2480 = arith.constant 5 : i32
    %add3A_2481 = vector.broadcast %add3A_2480 : i32 to vector<16xi32>
    %add3A_2482 = arith.addi %select_n3A_2317, %add3A_2481 : vector<16xi32>
    %shift_right_arithmetic3A_2483 = arith.constant 1 : i32
    %shift_right_arithmetic3A_2484 = vector.broadcast %shift_right_arithmetic3A_2483 : i32 to vector<16xi32>
    %shift_right_arithmetic3A_2485 = arith.shrsi %add3A_2482, %shift_right_arithmetic3A_2484 : vector<16xi32>
    %and3A_2486 = arith.constant 112 : i32
    %and3A_2487 = vector.broadcast %and3A_2486 : i32 to vector<16xi32>
    %and3A_2488 = arith.andi %shift_right_arithmetic3A_2485, %and3A_2487 : vector<16xi32>
    %add3A_2489 = arith.constant 15 : i32
    %add3A_2490 = vector.broadcast %add3A_2489 : i32 to vector<16xi32>
    %add3A_2491 = arith.addi %select_n3A_2327, %add3A_2490 : vector<16xi32>
    %shift_right_arithmetic3A_2492 = arith.constant 5 : i32
    %shift_right_arithmetic3A_2493 = vector.broadcast %shift_right_arithmetic3A_2492 : i32 to vector<16xi32>
    %shift_right_arithmetic3A_2494 = arith.shrsi %add3A_2491, %shift_right_arithmetic3A_2493 : vector<16xi32>
    %add3A_2495 = arith.constant 648 : i32
    %add3A_2496 = vector.broadcast %add3A_2495 : i32 to vector<16xi32>
    %add3A_2497 = arith.addi %add3A_2496, %and3A_2488 : vector<16xi32>
    %add3A_2498 = arith.addi %add3A_2497, %shift_right_arithmetic3A_2494 : vector<16xi32>
    %gather3A_2499 = tpu.vector_load_idx %arg10[%add3A_2498] : memref<12288xf32, #tpu.memory_space<vmem>>[vector<16xi32>], vector<16xf32>,
    %add3A_2500 = arith.constant 4096 : i32
    %add3A_2501 = vector.broadcast %add3A_2500 : i32 to vector<16xi32>
    %add3A_2502 = arith.addi %add3A_2498, %add3A_2501 : vector<16xi32>
    %gather3A_2503 = tpu.vector_load_idx %arg10[%add3A_2502] : memref<12288xf32, #tpu.memory_space<vmem>>[vector<16xi32>], vector<16xf32>,
    %add3A_2504 = arith.constant 8192 : i32
    %add3A_2505 = vector.broadcast %add3A_2504 : i32 to vector<16xi32>
    %add3A_2506 = arith.addi %add3A_2498, %add3A_2505 : vector<16xi32>
    %gather3A_2507 = tpu.vector_load_idx %arg10[%add3A_2506] : memref<12288xf32, #tpu.memory_space<vmem>>[vector<16xi32>], vector<16xf32>,
    %add3A_2508 = arith.addf %add3A_2477, %gather3A_2499 : vector<16xf32>
    %add3A_2509 = arith.addf %add3A_2478, %gather3A_2503 : vector<16xf32>
    %add3A_2510 = arith.addf %add3A_2479, %gather3A_2507 : vector<16xf32>
    %add3A_2511 = arith.constant 6 : i32
    %add3A_2512 = vector.broadcast %add3A_2511 : i32 to vector<16xi32>
    %add3A_2513 = arith.addi %select_n3A_2317, %add3A_2512 : vector<16xi32>
    %shift_right_arithmetic3A_2514 = arith.constant 1 : i32
    %shift_right_arithmetic3A_2515 = vector.broadcast %shift_right_arithmetic3A_2514 : i32 to vector<16xi32>
    %shift_right_arithmetic3A_2516 = arith.shrsi %add3A_2513, %shift_right_arithmetic3A_2515 : vector<16xi32>
    %and3A_2517 = arith.constant 112 : i32
    %and3A_2518 = vector.broadcast %and3A_2517 : i32 to vector<16xi32>
    %and3A_2519 = arith.andi %shift_right_arithmetic3A_2516, %and3A_2518 : vector<16xi32>
    %add3A_2520 = arith.constant 18 : i32
    %add3A_2521 = vector.broadcast %add3A_2520 : i32 to vector<16xi32>
    %add3A_2522 = arith.addi %select_n3A_2327, %add3A_2521 : vector<16xi32>
    %shift_right_arithmetic3A_2523 = arith.constant 5 : i32
    %shift_right_arithmetic3A_2524 = vector.broadcast %shift_right_arithmetic3A_2523 : i32 to vector<16xi32>
    %shift_right_arithmetic3A_2525 = arith.shrsi %add3A_2522, %shift_right_arithmetic3A_2524 : vector<16xi32>
    %add3A_2526 = arith.constant 776 : i32
    %add3A_2527 = vector.broadcast %add3A_2526 : i32 to vector<16xi32>
    %add3A_2528 = arith.addi %add3A_2527, %and3A_2519 : vector<16xi32>
    %add3A_2529 = arith.addi %add3A_2528, %shift_right_arithmetic3A_2525 : vector<16xi32>
    %gather3A_2530 = tpu.vector_load_idx %arg10[%add3A_2529] : memref<12288xf32, #tpu.memory_space<vmem>>[vector<16xi32>], vector<16xf32>,
    %add3A_2531 = arith.constant 4096 : i32
    %add3A_2532 = vector.broadcast %add3A_2531 : i32 to vector<16xi32>
    %add3A_2533 = arith.addi %add3A_2529, %add3A_2532 : vector<16xi32>
    %gather3A_2534 = tpu.vector_load_idx %arg10[%add3A_2533] : memref<12288xf32, #tpu.memory_space<vmem>>[vector<16xi32>], vector<16xf32>,
    %add3A_2535 = arith.constant 8192 : i32
    %add3A_2536 = vector.broadcast %add3A_2535 : i32 to vector<16xi32>
    %add3A_2537 = arith.addi %add3A_2529, %add3A_2536 : vector<16xi32>
    %gather3A_2538 = tpu.vector_load_idx %arg10[%add3A_2537] : memref<12288xf32, #tpu.memory_space<vmem>>[vector<16xi32>], vector<16xf32>,
    %add3A_2539 = arith.addf %add3A_2508, %gather3A_2530 : vector<16xf32>
    %add3A_2540 = arith.addf %add3A_2509, %gather3A_2534 : vector<16xf32>
    %add3A_2541 = arith.addf %add3A_2510, %gather3A_2538 : vector<16xf32>
    %add3A_2542 = arith.constant 7 : i32
    %add3A_2543 = vector.broadcast %add3A_2542 : i32 to vector<16xi32>
    %add3A_2544 = arith.addi %select_n3A_2317, %add3A_2543 : vector<16xi32>
    %shift_right_arithmetic3A_2545 = arith.constant 1 : i32
    %shift_right_arithmetic3A_2546 = vector.broadcast %shift_right_arithmetic3A_2545 : i32 to vector<16xi32>
    %shift_right_arithmetic3A_2547 = arith.shrsi %add3A_2544, %shift_right_arithmetic3A_2546 : vector<16xi32>
    %and3A_2548 = arith.constant 112 : i32
    %and3A_2549 = vector.broadcast %and3A_2548 : i32 to vector<16xi32>
    %and3A_2550 = arith.andi %shift_right_arithmetic3A_2547, %and3A_2549 : vector<16xi32>
    %add3A_2551 = arith.constant 21 : i32
    %add3A_2552 = vector.broadcast %add3A_2551 : i32 to vector<16xi32>
    %add3A_2553 = arith.addi %select_n3A_2327, %add3A_2552 : vector<16xi32>
    %shift_right_arithmetic3A_2554 = arith.constant 5 : i32
    %shift_right_arithmetic3A_2555 = vector.broadcast %shift_right_arithmetic3A_2554 : i32 to vector<16xi32>
    %shift_right_arithmetic3A_2556 = arith.shrsi %add3A_2553, %shift_right_arithmetic3A_2555 : vector<16xi32>
    %add3A_2557 = arith.constant 904 : i32
    %add3A_2558 = vector.broadcast %add3A_2557 : i32 to vector<16xi32>
    %add3A_2559 = arith.addi %add3A_2558, %and3A_2550 : vector<16xi32>
    %add3A_2560 = arith.addi %add3A_2559, %shift_right_arithmetic3A_2556 : vector<16xi32>
    %gather3A_2561 = tpu.vector_load_idx %arg10[%add3A_2560] : memref<12288xf32, #tpu.memory_space<vmem>>[vector<16xi32>], vector<16xf32>,
    %add3A_2562 = arith.constant 4096 : i32
    %add3A_2563 = vector.broadcast %add3A_2562 : i32 to vector<16xi32>
    %add3A_2564 = arith.addi %add3A_2560, %add3A_2563 : vector<16xi32>
    %gather3A_2565 = tpu.vector_load_idx %arg10[%add3A_2564] : memref<12288xf32, #tpu.memory_space<vmem>>[vector<16xi32>], vector<16xf32>,
    %add3A_2566 = arith.constant 8192 : i32
    %add3A_2567 = vector.broadcast %add3A_2566 : i32 to vector<16xi32>
    %add3A_2568 = arith.addi %add3A_2560, %add3A_2567 : vector<16xi32>
    %gather3A_2569 = tpu.vector_load_idx %arg10[%add3A_2568] : memref<12288xf32, #tpu.memory_space<vmem>>[vector<16xi32>], vector<16xf32>,
    %add3A_2570 = arith.addf %add3A_2539, %gather3A_2561 : vector<16xf32>
    %add3A_2571 = arith.addf %add3A_2540, %gather3A_2565 : vector<16xf32>
    %add3A_2572 = arith.addf %add3A_2541, %gather3A_2569 : vector<16xf32>
    %add3A_2573 = arith.constant 8 : i32
    %add3A_2574 = vector.broadcast %add3A_2573 : i32 to vector<16xi32>
    %add3A_2575 = arith.addi %select_n3A_2317, %add3A_2574 : vector<16xi32>
    %shift_right_arithmetic3A_2576 = arith.constant 1 : i32
    %shift_right_arithmetic3A_2577 = vector.broadcast %shift_right_arithmetic3A_2576 : i32 to vector<16xi32>
    %shift_right_arithmetic3A_2578 = arith.shrsi %add3A_2575, %shift_right_arithmetic3A_2577 : vector<16xi32>
    %and3A_2579 = arith.constant 112 : i32
    %and3A_2580 = vector.broadcast %and3A_2579 : i32 to vector<16xi32>
    %and3A_2581 = arith.andi %shift_right_arithmetic3A_2578, %and3A_2580 : vector<16xi32>
    %add3A_2582 = arith.constant 24 : i32
    %add3A_2583 = vector.broadcast %add3A_2582 : i32 to vector<16xi32>
    %add3A_2584 = arith.addi %select_n3A_2327, %add3A_2583 : vector<16xi32>
    %shift_right_arithmetic3A_2585 = arith.constant 5 : i32
    %shift_right_arithmetic3A_2586 = vector.broadcast %shift_right_arithmetic3A_2585 : i32 to vector<16xi32>
    %shift_right_arithmetic3A_2587 = arith.shrsi %add3A_2584, %shift_right_arithmetic3A_2586 : vector<16xi32>
    %add3A_2588 = arith.constant 1032 : i32
    %add3A_2589 = vector.broadcast %add3A_2588 : i32 to vector<16xi32>
    %add3A_2590 = arith.addi %add3A_2589, %and3A_2581 : vector<16xi32>
    %add3A_2591 = arith.addi %add3A_2590, %shift_right_arithmetic3A_2587 : vector<16xi32>
    %gather3A_2592 = tpu.vector_load_idx %arg10[%add3A_2591] : memref<12288xf32, #tpu.memory_space<vmem>>[vector<16xi32>], vector<16xf32>,
    %add3A_2593 = arith.constant 4096 : i32
    %add3A_2594 = vector.broadcast %add3A_2593 : i32 to vector<16xi32>
    %add3A_2595 = arith.addi %add3A_2591, %add3A_2594 : vector<16xi32>
    %gather3A_2596 = tpu.vector_load_idx %arg10[%add3A_2595] : memref<12288xf32, #tpu.memory_space<vmem>>[vector<16xi32>], vector<16xf32>,
    %add3A_2597 = arith.constant 8192 : i32
    %add3A_2598 = vector.broadcast %add3A_2597 : i32 to vector<16xi32>
    %add3A_2599 = arith.addi %add3A_2591, %add3A_2598 : vector<16xi32>
    %gather3A_2600 = tpu.vector_load_idx %arg10[%add3A_2599] : memref<12288xf32, #tpu.memory_space<vmem>>[vector<16xi32>], vector<16xf32>,
    %add3A_2601 = arith.addf %add3A_2570, %gather3A_2592 : vector<16xf32>
    %add3A_2602 = arith.addf %add3A_2571, %gather3A_2596 : vector<16xf32>
    %add3A_2603 = arith.addf %add3A_2572, %gather3A_2600 : vector<16xf32>
    %add3A_2604 = arith.constant 9 : i32
    %add3A_2605 = vector.broadcast %add3A_2604 : i32 to vector<16xi32>
    %add3A_2606 = arith.addi %select_n3A_2317, %add3A_2605 : vector<16xi32>
    %shift_right_arithmetic3A_2607 = arith.constant 1 : i32
    %shift_right_arithmetic3A_2608 = vector.broadcast %shift_right_arithmetic3A_2607 : i32 to vector<16xi32>
    %shift_right_arithmetic3A_2609 = arith.shrsi %add3A_2606, %shift_right_arithmetic3A_2608 : vector<16xi32>
    %and3A_2610 = arith.constant 112 : i32
    %and3A_2611 = vector.broadcast %and3A_2610 : i32 to vector<16xi32>
    %and3A_2612 = arith.andi %shift_right_arithmetic3A_2609, %and3A_2611 : vector<16xi32>
    %add3A_2613 = arith.constant 27 : i32
    %add3A_2614 = vector.broadcast %add3A_2613 : i32 to vector<16xi32>
    %add3A_2615 = arith.addi %select_n3A_2327, %add3A_2614 : vector<16xi32>
    %shift_right_arithmetic3A_2616 = arith.constant 5 : i32
    %shift_right_arithmetic3A_2617 = vector.broadcast %shift_right_arithmetic3A_2616 : i32 to vector<16xi32>
    %shift_right_arithmetic3A_2618 = arith.shrsi %add3A_2615, %shift_right_arithmetic3A_2617 : vector<16xi32>
    %add3A_2619 = arith.constant 1160 : i32
    %add3A_2620 = vector.broadcast %add3A_2619 : i32 to vector<16xi32>
    %add3A_2621 = arith.addi %add3A_2620, %and3A_2612 : vector<16xi32>
    %add3A_2622 = arith.addi %add3A_2621, %shift_right_arithmetic3A_2618 : vector<16xi32>
    %gather3A_2623 = tpu.vector_load_idx %arg10[%add3A_2622] : memref<12288xf32, #tpu.memory_space<vmem>>[vector<16xi32>], vector<16xf32>,
    %add3A_2624 = arith.constant 4096 : i32
    %add3A_2625 = vector.broadcast %add3A_2624 : i32 to vector<16xi32>
    %add3A_2626 = arith.addi %add3A_2622, %add3A_2625 : vector<16xi32>
    %gather3A_2627 = tpu.vector_load_idx %arg10[%add3A_2626] : memref<12288xf32, #tpu.memory_space<vmem>>[vector<16xi32>], vector<16xf32>,
    %add3A_2628 = arith.constant 8192 : i32
    %add3A_2629 = vector.broadcast %add3A_2628 : i32 to vector<16xi32>
    %add3A_2630 = arith.addi %add3A_2622, %add3A_2629 : vector<16xi32>
    %gather3A_2631 = tpu.vector_load_idx %arg10[%add3A_2630] : memref<12288xf32, #tpu.memory_space<vmem>>[vector<16xi32>], vector<16xf32>,
    %add3A_2632 = arith.addf %add3A_2601, %gather3A_2623 : vector<16xf32>
    %add3A_2633 = arith.addf %add3A_2602, %gather3A_2627 : vector<16xf32>
    %add3A_2634 = arith.addf %add3A_2603, %gather3A_2631 : vector<16xf32>
    %add3A_2635 = arith.constant 10 : i32
    %add3A_2636 = vector.broadcast %add3A_2635 : i32 to vector<16xi32>
    %add3A_2637 = arith.addi %select_n3A_2317, %add3A_2636 : vector<16xi32>
    %shift_right_arithmetic3A_2638 = arith.constant 1 : i32
    %shift_right_arithmetic3A_2639 = vector.broadcast %shift_right_arithmetic3A_2638 : i32 to vector<16xi32>
    %shift_right_arithmetic3A_2640 = arith.shrsi %add3A_2637, %shift_right_arithmetic3A_2639 : vector<16xi32>
    %and3A_2641 = arith.constant 112 : i32
    %and3A_2642 = vector.broadcast %and3A_2641 : i32 to vector<16xi32>
    %and3A_2643 = arith.andi %shift_right_arithmetic3A_2640, %and3A_2642 : vector<16xi32>
    %add3A_2644 = arith.constant 30 : i32
    %add3A_2645 = vector.broadcast %add3A_2644 : i32 to vector<16xi32>
    %add3A_2646 = arith.addi %select_n3A_2327, %add3A_2645 : vector<16xi32>
    %shift_right_arithmetic3A_2647 = arith.constant 5 : i32
    %shift_right_arithmetic3A_2648 = vector.broadcast %shift_right_arithmetic3A_2647 : i32 to vector<16xi32>
    %shift_right_arithmetic3A_2649 = arith.shrsi %add3A_2646, %shift_right_arithmetic3A_2648 : vector<16xi32>
    %add3A_2650 = arith.constant 1288 : i32
    %add3A_2651 = vector.broadcast %add3A_2650 : i32 to vector<16xi32>
    %add3A_2652 = arith.addi %add3A_2651, %and3A_2643 : vector<16xi32>
    %add3A_2653 = arith.addi %add3A_2652, %shift_right_arithmetic3A_2649 : vector<16xi32>
    %gather3A_2654 = tpu.vector_load_idx %arg10[%add3A_2653] : memref<12288xf32, #tpu.memory_space<vmem>>[vector<16xi32>], vector<16xf32>,
    %add3A_2655 = arith.constant 4096 : i32
    %add3A_2656 = vector.broadcast %add3A_2655 : i32 to vector<16xi32>
    %add3A_2657 = arith.addi %add3A_2653, %add3A_2656 : vector<16xi32>
    %gather3A_2658 = tpu.vector_load_idx %arg10[%add3A_2657] : memref<12288xf32, #tpu.memory_space<vmem>>[vector<16xi32>], vector<16xf32>,
    %add3A_2659 = arith.constant 8192 : i32
    %add3A_2660 = vector.broadcast %add3A_2659 : i32 to vector<16xi32>
    %add3A_2661 = arith.addi %add3A_2653, %add3A_2660 : vector<16xi32>
    %gather3A_2662 = tpu.vector_load_idx %arg10[%add3A_2661] : memref<12288xf32, #tpu.memory_space<vmem>>[vector<16xi32>], vector<16xf32>,
    %add3A_2663 = arith.addf %add3A_2632, %gather3A_2654 : vector<16xf32>
    %add3A_2664 = arith.addf %add3A_2633, %gather3A_2658 : vector<16xf32>
    %add3A_2665 = arith.addf %add3A_2634, %gather3A_2662 : vector<16xf32>
    %add3A_2666 = arith.constant 11 : i32
    %add3A_2667 = vector.broadcast %add3A_2666 : i32 to vector<16xi32>
    %add3A_2668 = arith.addi %select_n3A_2317, %add3A_2667 : vector<16xi32>
    %shift_right_arithmetic3A_2669 = arith.constant 1 : i32
    %shift_right_arithmetic3A_2670 = vector.broadcast %shift_right_arithmetic3A_2669 : i32 to vector<16xi32>
    %shift_right_arithmetic3A_2671 = arith.shrsi %add3A_2668, %shift_right_arithmetic3A_2670 : vector<16xi32>
    %and3A_2672 = arith.constant 112 : i32
    %and3A_2673 = vector.broadcast %and3A_2672 : i32 to vector<16xi32>
    %and3A_2674 = arith.andi %shift_right_arithmetic3A_2671, %and3A_2673 : vector<16xi32>
    %add3A_2675 = arith.constant 1 : i32
    %add3A_2676 = vector.broadcast %add3A_2675 : i32 to vector<16xi32>
    %add3A_2677 = arith.addi %select_n3A_2327, %add3A_2676 : vector<16xi32>
    %shift_right_arithmetic3A_2678 = arith.constant 5 : i32
    %shift_right_arithmetic3A_2679 = vector.broadcast %shift_right_arithmetic3A_2678 : i32 to vector<16xi32>
    %shift_right_arithmetic3A_2680 = arith.shrsi %add3A_2677, %shift_right_arithmetic3A_2679 : vector<16xi32>
    %add3A_2681 = arith.constant 1416 : i32
    %add3A_2682 = vector.broadcast %add3A_2681 : i32 to vector<16xi32>
    %add3A_2683 = arith.addi %add3A_2682, %and3A_2674 : vector<16xi32>
    %add3A_2684 = arith.addi %add3A_2683, %shift_right_arithmetic3A_2680 : vector<16xi32>
    %gather3A_2685 = tpu.vector_load_idx %arg10[%add3A_2684] : memref<12288xf32, #tpu.memory_space<vmem>>[vector<16xi32>], vector<16xf32>,
    %add3A_2686 = arith.constant 4096 : i32
    %add3A_2687 = vector.broadcast %add3A_2686 : i32 to vector<16xi32>
    %add3A_2688 = arith.addi %add3A_2684, %add3A_2687 : vector<16xi32>
    %gather3A_2689 = tpu.vector_load_idx %arg10[%add3A_2688] : memref<12288xf32, #tpu.memory_space<vmem>>[vector<16xi32>], vector<16xf32>,
    %add3A_2690 = arith.constant 8192 : i32
    %add3A_2691 = vector.broadcast %add3A_2690 : i32 to vector<16xi32>
    %add3A_2692 = arith.addi %add3A_2684, %add3A_2691 : vector<16xi32>
    %gather3A_2693 = tpu.vector_load_idx %arg10[%add3A_2692] : memref<12288xf32, #tpu.memory_space<vmem>>[vector<16xi32>], vector<16xf32>,
    %add3A_2694 = arith.addf %add3A_2663, %gather3A_2685 : vector<16xf32>
    %add3A_2695 = arith.addf %add3A_2664, %gather3A_2689 : vector<16xf32>
    %add3A_2696 = arith.addf %add3A_2665, %gather3A_2693 : vector<16xf32>
    %add3A_2697 = arith.constant 12 : i32
    %add3A_2698 = vector.broadcast %add3A_2697 : i32 to vector<16xi32>
    %add3A_2699 = arith.addi %select_n3A_2317, %add3A_2698 : vector<16xi32>
    %shift_right_arithmetic3A_2700 = arith.constant 1 : i32
    %shift_right_arithmetic3A_2701 = vector.broadcast %shift_right_arithmetic3A_2700 : i32 to vector<16xi32>
    %shift_right_arithmetic3A_2702 = arith.shrsi %add3A_2699, %shift_right_arithmetic3A_2701 : vector<16xi32>
    %and3A_2703 = arith.constant 112 : i32
    %and3A_2704 = vector.broadcast %and3A_2703 : i32 to vector<16xi32>
    %and3A_2705 = arith.andi %shift_right_arithmetic3A_2702, %and3A_2704 : vector<16xi32>
    %add3A_2706 = arith.constant 4 : i32
    %add3A_2707 = vector.broadcast %add3A_2706 : i32 to vector<16xi32>
    %add3A_2708 = arith.addi %select_n3A_2327, %add3A_2707 : vector<16xi32>
    %shift_right_arithmetic3A_2709 = arith.constant 5 : i32
    %shift_right_arithmetic3A_2710 = vector.broadcast %shift_right_arithmetic3A_2709 : i32 to vector<16xi32>
    %shift_right_arithmetic3A_2711 = arith.shrsi %add3A_2708, %shift_right_arithmetic3A_2710 : vector<16xi32>
    %add3A_2712 = arith.constant 1544 : i32
    %add3A_2713 = vector.broadcast %add3A_2712 : i32 to vector<16xi32>
    %add3A_2714 = arith.addi %add3A_2713, %and3A_2705 : vector<16xi32>
    %add3A_2715 = arith.addi %add3A_2714, %shift_right_arithmetic3A_2711 : vector<16xi32>
    %gather3A_2716 = tpu.vector_load_idx %arg10[%add3A_2715] : memref<12288xf32, #tpu.memory_space<vmem>>[vector<16xi32>], vector<16xf32>,
    %add3A_2717 = arith.constant 4096 : i32
    %add3A_2718 = vector.broadcast %add3A_2717 : i32 to vector<16xi32>
    %add3A_2719 = arith.addi %add3A_2715, %add3A_2718 : vector<16xi32>
    %gather3A_2720 = tpu.vector_load_idx %arg10[%add3A_2719] : memref<12288xf32, #tpu.memory_space<vmem>>[vector<16xi32>], vector<16xf32>,
    %add3A_2721 = arith.constant 8192 : i32
    %add3A_2722 = vector.broadcast %add3A_2721 : i32 to vector<16xi32>
    %add3A_2723 = arith.addi %add3A_2715, %add3A_2722 : vector<16xi32>
    %gather3A_2724 = tpu.vector_load_idx %arg10[%add3A_2723] : memref<12288xf32, #tpu.memory_space<vmem>>[vector<16xi32>], vector<16xf32>,
    %add3A_2725 = arith.addf %add3A_2694, %gather3A_2716 : vector<16xf32>
    %add3A_2726 = arith.addf %add3A_2695, %gather3A_2720 : vector<16xf32>
    %add3A_2727 = arith.addf %add3A_2696, %gather3A_2724 : vector<16xf32>
    %add3A_2728 = arith.constant 13 : i32
    %add3A_2729 = vector.broadcast %add3A_2728 : i32 to vector<16xi32>
    %add3A_2730 = arith.addi %select_n3A_2317, %add3A_2729 : vector<16xi32>
    %shift_right_arithmetic3A_2731 = arith.constant 1 : i32
    %shift_right_arithmetic3A_2732 = vector.broadcast %shift_right_arithmetic3A_2731 : i32 to vector<16xi32>
    %shift_right_arithmetic3A_2733 = arith.shrsi %add3A_2730, %shift_right_arithmetic3A_2732 : vector<16xi32>
    %and3A_2734 = arith.constant 112 : i32
    %and3A_2735 = vector.broadcast %and3A_2734 : i32 to vector<16xi32>
    %and3A_2736 = arith.andi %shift_right_arithmetic3A_2733, %and3A_2735 : vector<16xi32>
    %add3A_2737 = arith.constant 7 : i32
    %add3A_2738 = vector.broadcast %add3A_2737 : i32 to vector<16xi32>
    %add3A_2739 = arith.addi %select_n3A_2327, %add3A_2738 : vector<16xi32>
    %shift_right_arithmetic3A_2740 = arith.constant 5 : i32
    %shift_right_arithmetic3A_2741 = vector.broadcast %shift_right_arithmetic3A_2740 : i32 to vector<16xi32>
    %shift_right_arithmetic3A_2742 = arith.shrsi %add3A_2739, %shift_right_arithmetic3A_2741 : vector<16xi32>
    %add3A_2743 = arith.constant 1672 : i32
    %add3A_2744 = vector.broadcast %add3A_2743 : i32 to vector<16xi32>
    %add3A_2745 = arith.addi %add3A_2744, %and3A_2736 : vector<16xi32>
    %add3A_2746 = arith.addi %add3A_2745, %shift_right_arithmetic3A_2742 : vector<16xi32>
    %gather3A_2747 = tpu.vector_load_idx %arg10[%add3A_2746] : memref<12288xf32, #tpu.memory_space<vmem>>[vector<16xi32>], vector<16xf32>,
    %add3A_2748 = arith.constant 4096 : i32
    %add3A_2749 = vector.broadcast %add3A_2748 : i32 to vector<16xi32>
    %add3A_2750 = arith.addi %add3A_2746, %add3A_2749 : vector<16xi32>
    %gather3A_2751 = tpu.vector_load_idx %arg10[%add3A_2750] : memref<12288xf32, #tpu.memory_space<vmem>>[vector<16xi32>], vector<16xf32>,
    %add3A_2752 = arith.constant 8192 : i32
    %add3A_2753 = vector.broadcast %add3A_2752 : i32 to vector<16xi32>
    %add3A_2754 = arith.addi %add3A_2746, %add3A_2753 : vector<16xi32>
    %gather3A_2755 = tpu.vector_load_idx %arg10[%add3A_2754] : memref<12288xf32, #tpu.memory_space<vmem>>[vector<16xi32>], vector<16xf32>,
    %add3A_2756 = arith.addf %add3A_2725, %gather3A_2747 : vector<16xf32>
    %add3A_2757 = arith.addf %add3A_2726, %gather3A_2751 : vector<16xf32>
    %add3A_2758 = arith.addf %add3A_2727, %gather3A_2755 : vector<16xf32>
    %add3A_2759 = arith.constant 14 : i32
    %add3A_2760 = vector.broadcast %add3A_2759 : i32 to vector<16xi32>
    %add3A_2761 = arith.addi %select_n3A_2317, %add3A_2760 : vector<16xi32>
    %shift_right_arithmetic3A_2762 = arith.constant 1 : i32
    %shift_right_arithmetic3A_2763 = vector.broadcast %shift_right_arithmetic3A_2762 : i32 to vector<16xi32>
    %shift_right_arithmetic3A_2764 = arith.shrsi %add3A_2761, %shift_right_arithmetic3A_2763 : vector<16xi32>
    %and3A_2765 = arith.constant 112 : i32
    %and3A_2766 = vector.broadcast %and3A_2765 : i32 to vector<16xi32>
    %and3A_2767 = arith.andi %shift_right_arithmetic3A_2764, %and3A_2766 : vector<16xi32>
    %add3A_2768 = arith.constant 10 : i32
    %add3A_2769 = vector.broadcast %add3A_2768 : i32 to vector<16xi32>
    %add3A_2770 = arith.addi %select_n3A_2327, %add3A_2769 : vector<16xi32>
    %shift_right_arithmetic3A_2771 = arith.constant 5 : i32
    %shift_right_arithmetic3A_2772 = vector.broadcast %shift_right_arithmetic3A_2771 : i32 to vector<16xi32>
    %shift_right_arithmetic3A_2773 = arith.shrsi %add3A_2770, %shift_right_arithmetic3A_2772 : vector<16xi32>
    %add3A_2774 = arith.constant 1800 : i32
    %add3A_2775 = vector.broadcast %add3A_2774 : i32 to vector<16xi32>
    %add3A_2776 = arith.addi %add3A_2775, %and3A_2767 : vector<16xi32>
    %add3A_2777 = arith.addi %add3A_2776, %shift_right_arithmetic3A_2773 : vector<16xi32>
    %gather3A_2778 = tpu.vector_load_idx %arg10[%add3A_2777] : memref<12288xf32, #tpu.memory_space<vmem>>[vector<16xi32>], vector<16xf32>,
    %add3A_2779 = arith.constant 4096 : i32
    %add3A_2780 = vector.broadcast %add3A_2779 : i32 to vector<16xi32>
    %add3A_2781 = arith.addi %add3A_2777, %add3A_2780 : vector<16xi32>
    %gather3A_2782 = tpu.vector_load_idx %arg10[%add3A_2781] : memref<12288xf32, #tpu.memory_space<vmem>>[vector<16xi32>], vector<16xf32>,
    %add3A_2783 = arith.constant 8192 : i32
    %add3A_2784 = vector.broadcast %add3A_2783 : i32 to vector<16xi32>
    %add3A_2785 = arith.addi %add3A_2777, %add3A_2784 : vector<16xi32>
    %gather3A_2786 = tpu.vector_load_idx %arg10[%add3A_2785] : memref<12288xf32, #tpu.memory_space<vmem>>[vector<16xi32>], vector<16xf32>,
    %add3A_2787 = arith.addf %add3A_2756, %gather3A_2778 : vector<16xf32>
    %add3A_2788 = arith.addf %add3A_2757, %gather3A_2782 : vector<16xf32>
    %add3A_2789 = arith.addf %add3A_2758, %gather3A_2786 : vector<16xf32>
    %add3A_2790 = arith.constant 15 : i32
    %add3A_2791 = vector.broadcast %add3A_2790 : i32 to vector<16xi32>
    %add3A_2792 = arith.addi %select_n3A_2317, %add3A_2791 : vector<16xi32>
    %shift_right_arithmetic3A_2793 = arith.constant 1 : i32
    %shift_right_arithmetic3A_2794 = vector.broadcast %shift_right_arithmetic3A_2793 : i32 to vector<16xi32>
    %shift_right_arithmetic3A_2795 = arith.shrsi %add3A_2792, %shift_right_arithmetic3A_2794 : vector<16xi32>
    %and3A_2796 = arith.constant 112 : i32
    %and3A_2797 = vector.broadcast %and3A_2796 : i32 to vector<16xi32>
    %and3A_2798 = arith.andi %shift_right_arithmetic3A_2795, %and3A_2797 : vector<16xi32>
    %add3A_2799 = arith.constant 13 : i32
    %add3A_2800 = vector.broadcast %add3A_2799 : i32 to vector<16xi32>
    %add3A_2801 = arith.addi %select_n3A_2327, %add3A_2800 : vector<16xi32>
    %shift_right_arithmetic3A_2802 = arith.constant 5 : i32
    %shift_right_arithmetic3A_2803 = vector.broadcast %shift_right_arithmetic3A_2802 : i32 to vector<16xi32>
    %shift_right_arithmetic3A_2804 = arith.shrsi %add3A_2801, %shift_right_arithmetic3A_2803 : vector<16xi32>
    %add3A_2805 = arith.constant 1928 : i32
    %add3A_2806 = vector.broadcast %add3A_2805 : i32 to vector<16xi32>
    %add3A_2807 = arith.addi %add3A_2806, %and3A_2798 : vector<16xi32>
    %add3A_2808 = arith.addi %add3A_2807, %shift_right_arithmetic3A_2804 : vector<16xi32>
    %gather3A_2809 = tpu.vector_load_idx %arg10[%add3A_2808] : memref<12288xf32, #tpu.memory_space<vmem>>[vector<16xi32>], vector<16xf32>,
    %add3A_2810 = arith.constant 4096 : i32
    %add3A_2811 = vector.broadcast %add3A_2810 : i32 to vector<16xi32>
    %add3A_2812 = arith.addi %add3A_2808, %add3A_2811 : vector<16xi32>
    %gather3A_2813 = tpu.vector_load_idx %arg10[%add3A_2812] : memref<12288xf32, #tpu.memory_space<vmem>>[vector<16xi32>], vector<16xf32>,
    %add3A_2814 = arith.constant 8192 : i32
    %add3A_2815 = vector.broadcast %add3A_2814 : i32 to vector<16xi32>
    %add3A_2816 = arith.addi %add3A_2808, %add3A_2815 : vector<16xi32>
    %gather3A_2817 = tpu.vector_load_idx %arg10[%add3A_2816] : memref<12288xf32, #tpu.memory_space<vmem>>[vector<16xi32>], vector<16xf32>,
    %add3A_2818 = arith.addf %add3A_2787, %gather3A_2809 : vector<16xf32>
    %add3A_2819 = arith.addf %add3A_2788, %gather3A_2813 : vector<16xf32>
    %add3A_2820 = arith.addf %add3A_2789, %gather3A_2817 : vector<16xf32>
    %add3A_2821 = arith.constant 16 : i32
    %add3A_2822 = vector.broadcast %add3A_2821 : i32 to vector<16xi32>
    %add3A_2823 = arith.addi %select_n3A_2317, %add3A_2822 : vector<16xi32>
    %shift_right_arithmetic3A_2824 = arith.constant 1 : i32
    %shift_right_arithmetic3A_2825 = vector.broadcast %shift_right_arithmetic3A_2824 : i32 to vector<16xi32>
    %shift_right_arithmetic3A_2826 = arith.shrsi %add3A_2823, %shift_right_arithmetic3A_2825 : vector<16xi32>
    %and3A_2827 = arith.constant 112 : i32
    %and3A_2828 = vector.broadcast %and3A_2827 : i32 to vector<16xi32>
    %and3A_2829 = arith.andi %shift_right_arithmetic3A_2826, %and3A_2828 : vector<16xi32>
    %add3A_2830 = arith.constant 16 : i32
    %add3A_2831 = vector.broadcast %add3A_2830 : i32 to vector<16xi32>
    %add3A_2832 = arith.addi %select_n3A_2327, %add3A_2831 : vector<16xi32>
    %shift_right_arithmetic3A_2833 = arith.constant 5 : i32
    %shift_right_arithmetic3A_2834 = vector.broadcast %shift_right_arithmetic3A_2833 : i32 to vector<16xi32>
    %shift_right_arithmetic3A_2835 = arith.shrsi %add3A_2832, %shift_right_arithmetic3A_2834 : vector<16xi32>
    %add3A_2836 = arith.constant 2056 : i32
    %add3A_2837 = vector.broadcast %add3A_2836 : i32 to vector<16xi32>
    %add3A_2838 = arith.addi %add3A_2837, %and3A_2829 : vector<16xi32>
    %add3A_2839 = arith.addi %add3A_2838, %shift_right_arithmetic3A_2835 : vector<16xi32>
    %gather3A_2840 = tpu.vector_load_idx %arg10[%add3A_2839] : memref<12288xf32, #tpu.memory_space<vmem>>[vector<16xi32>], vector<16xf32>,
    %add3A_2841 = arith.constant 4096 : i32
    %add3A_2842 = vector.broadcast %add3A_2841 : i32 to vector<16xi32>
    %add3A_2843 = arith.addi %add3A_2839, %add3A_2842 : vector<16xi32>
    %gather3A_2844 = tpu.vector_load_idx %arg10[%add3A_2843] : memref<12288xf32, #tpu.memory_space<vmem>>[vector<16xi32>], vector<16xf32>,
    %add3A_2845 = arith.constant 8192 : i32
    %add3A_2846 = vector.broadcast %add3A_2845 : i32 to vector<16xi32>
    %add3A_2847 = arith.addi %add3A_2839, %add3A_2846 : vector<16xi32>
    %gather3A_2848 = tpu.vector_load_idx %arg10[%add3A_2847] : memref<12288xf32, #tpu.memory_space<vmem>>[vector<16xi32>], vector<16xf32>,
    %add3A_2849 = arith.addf %add3A_2818, %gather3A_2840 : vector<16xf32>
    %add3A_2850 = arith.addf %add3A_2819, %gather3A_2844 : vector<16xf32>
    %add3A_2851 = arith.addf %add3A_2820, %gather3A_2848 : vector<16xf32>
    %add3A_2852 = arith.constant 17 : i32
    %add3A_2853 = vector.broadcast %add3A_2852 : i32 to vector<16xi32>
    %add3A_2854 = arith.addi %select_n3A_2317, %add3A_2853 : vector<16xi32>
    %shift_right_arithmetic3A_2855 = arith.constant 1 : i32
    %shift_right_arithmetic3A_2856 = vector.broadcast %shift_right_arithmetic3A_2855 : i32 to vector<16xi32>
    %shift_right_arithmetic3A_2857 = arith.shrsi %add3A_2854, %shift_right_arithmetic3A_2856 : vector<16xi32>
    %and3A_2858 = arith.constant 112 : i32
    %and3A_2859 = vector.broadcast %and3A_2858 : i32 to vector<16xi32>
    %and3A_2860 = arith.andi %shift_right_arithmetic3A_2857, %and3A_2859 : vector<16xi32>
    %add3A_2861 = arith.constant 19 : i32
    %add3A_2862 = vector.broadcast %add3A_2861 : i32 to vector<16xi32>
    %add3A_2863 = arith.addi %select_n3A_2327, %add3A_2862 : vector<16xi32>
    %shift_right_arithmetic3A_2864 = arith.constant 5 : i32
    %shift_right_arithmetic3A_2865 = vector.broadcast %shift_right_arithmetic3A_2864 : i32 to vector<16xi32>
    %shift_right_arithmetic3A_2866 = arith.shrsi %add3A_2863, %shift_right_arithmetic3A_2865 : vector<16xi32>
    %add3A_2867 = arith.constant 2184 : i32
    %add3A_2868 = vector.broadcast %add3A_2867 : i32 to vector<16xi32>
    %add3A_2869 = arith.addi %add3A_2868, %and3A_2860 : vector<16xi32>
    %add3A_2870 = arith.addi %add3A_2869, %shift_right_arithmetic3A_2866 : vector<16xi32>
    %gather3A_2871 = tpu.vector_load_idx %arg10[%add3A_2870] : memref<12288xf32, #tpu.memory_space<vmem>>[vector<16xi32>], vector<16xf32>,
    %add3A_2872 = arith.constant 4096 : i32
    %add3A_2873 = vector.broadcast %add3A_2872 : i32 to vector<16xi32>
    %add3A_2874 = arith.addi %add3A_2870, %add3A_2873 : vector<16xi32>
    %gather3A_2875 = tpu.vector_load_idx %arg10[%add3A_2874] : memref<12288xf32, #tpu.memory_space<vmem>>[vector<16xi32>], vector<16xf32>,
    %add3A_2876 = arith.constant 8192 : i32
    %add3A_2877 = vector.broadcast %add3A_2876 : i32 to vector<16xi32>
    %add3A_2878 = arith.addi %add3A_2870, %add3A_2877 : vector<16xi32>
    %gather3A_2879 = tpu.vector_load_idx %arg10[%add3A_2878] : memref<12288xf32, #tpu.memory_space<vmem>>[vector<16xi32>], vector<16xf32>,
    %add3A_2880 = arith.addf %add3A_2849, %gather3A_2871 : vector<16xf32>
    %add3A_2881 = arith.addf %add3A_2850, %gather3A_2875 : vector<16xf32>
    %add3A_2882 = arith.addf %add3A_2851, %gather3A_2879 : vector<16xf32>
    %add3A_2883 = arith.constant 18 : i32
    %add3A_2884 = vector.broadcast %add3A_2883 : i32 to vector<16xi32>
    %add3A_2885 = arith.addi %select_n3A_2317, %add3A_2884 : vector<16xi32>
    %shift_right_arithmetic3A_2886 = arith.constant 1 : i32
    %shift_right_arithmetic3A_2887 = vector.broadcast %shift_right_arithmetic3A_2886 : i32 to vector<16xi32>
    %shift_right_arithmetic3A_2888 = arith.shrsi %add3A_2885, %shift_right_arithmetic3A_2887 : vector<16xi32>
    %and3A_2889 = arith.constant 112 : i32
    %and3A_2890 = vector.broadcast %and3A_2889 : i32 to vector<16xi32>
    %and3A_2891 = arith.andi %shift_right_arithmetic3A_2888, %and3A_2890 : vector<16xi32>
    %add3A_2892 = arith.constant 22 : i32
    %add3A_2893 = vector.broadcast %add3A_2892 : i32 to vector<16xi32>
    %add3A_2894 = arith.addi %select_n3A_2327, %add3A_2893 : vector<16xi32>
    %shift_right_arithmetic3A_2895 = arith.constant 5 : i32
    %shift_right_arithmetic3A_2896 = vector.broadcast %shift_right_arithmetic3A_2895 : i32 to vector<16xi32>
    %shift_right_arithmetic3A_2897 = arith.shrsi %add3A_2894, %shift_right_arithmetic3A_2896 : vector<16xi32>
    %add3A_2898 = arith.constant 2312 : i32
    %add3A_2899 = vector.broadcast %add3A_2898 : i32 to vector<16xi32>
    %add3A_2900 = arith.addi %add3A_2899, %and3A_2891 : vector<16xi32>
    %add3A_2901 = arith.addi %add3A_2900, %shift_right_arithmetic3A_2897 : vector<16xi32>
    %gather3A_2902 = tpu.vector_load_idx %arg10[%add3A_2901] : memref<12288xf32, #tpu.memory_space<vmem>>[vector<16xi32>], vector<16xf32>,
    %add3A_2903 = arith.constant 4096 : i32
    %add3A_2904 = vector.broadcast %add3A_2903 : i32 to vector<16xi32>
    %add3A_2905 = arith.addi %add3A_2901, %add3A_2904 : vector<16xi32>
    %gather3A_2906 = tpu.vector_load_idx %arg10[%add3A_2905] : memref<12288xf32, #tpu.memory_space<vmem>>[vector<16xi32>], vector<16xf32>,
    %add3A_2907 = arith.constant 8192 : i32
    %add3A_2908 = vector.broadcast %add3A_2907 : i32 to vector<16xi32>
    %add3A_2909 = arith.addi %add3A_2901, %add3A_2908 : vector<16xi32>
    %gather3A_2910 = tpu.vector_load_idx %arg10[%add3A_2909] : memref<12288xf32, #tpu.memory_space<vmem>>[vector<16xi32>], vector<16xf32>,
    %add3A_2911 = arith.addf %add3A_2880, %gather3A_2902 : vector<16xf32>
    %add3A_2912 = arith.addf %add3A_2881, %gather3A_2906 : vector<16xf32>
    %add3A_2913 = arith.addf %add3A_2882, %gather3A_2910 : vector<16xf32>
    %add3A_2914 = arith.constant 19 : i32
    %add3A_2915 = vector.broadcast %add3A_2914 : i32 to vector<16xi32>
    %add3A_2916 = arith.addi %select_n3A_2317, %add3A_2915 : vector<16xi32>
    %shift_right_arithmetic3A_2917 = arith.constant 1 : i32
    %shift_right_arithmetic3A_2918 = vector.broadcast %shift_right_arithmetic3A_2917 : i32 to vector<16xi32>
    %shift_right_arithmetic3A_2919 = arith.shrsi %add3A_2916, %shift_right_arithmetic3A_2918 : vector<16xi32>
    %and3A_2920 = arith.constant 112 : i32
    %and3A_2921 = vector.broadcast %and3A_2920 : i32 to vector<16xi32>
    %and3A_2922 = arith.andi %shift_right_arithmetic3A_2919, %and3A_2921 : vector<16xi32>
    %add3A_2923 = arith.constant 25 : i32
    %add3A_2924 = vector.broadcast %add3A_2923 : i32 to vector<16xi32>
    %add3A_2925 = arith.addi %select_n3A_2327, %add3A_2924 : vector<16xi32>
    %shift_right_arithmetic3A_2926 = arith.constant 5 : i32
    %shift_right_arithmetic3A_2927 = vector.broadcast %shift_right_arithmetic3A_2926 : i32 to vector<16xi32>
    %shift_right_arithmetic3A_2928 = arith.shrsi %add3A_2925, %shift_right_arithmetic3A_2927 : vector<16xi32>
    %add3A_2929 = arith.constant 2440 : i32
    %add3A_2930 = vector.broadcast %add3A_2929 : i32 to vector<16xi32>
    %add3A_2931 = arith.addi %add3A_2930, %and3A_2922 : vector<16xi32>
    %add3A_2932 = arith.addi %add3A_2931, %shift_right_arithmetic3A_2928 : vector<16xi32>
    %gather3A_2933 = tpu.vector_load_idx %arg10[%add3A_2932] : memref<12288xf32, #tpu.memory_space<vmem>>[vector<16xi32>], vector<16xf32>,
    %add3A_2934 = arith.constant 4096 : i32
    %add3A_2935 = vector.broadcast %add3A_2934 : i32 to vector<16xi32>
    %add3A_2936 = arith.addi %add3A_2932, %add3A_2935 : vector<16xi32>
    %gather3A_2937 = tpu.vector_load_idx %arg10[%add3A_2936] : memref<12288xf32, #tpu.memory_space<vmem>>[vector<16xi32>], vector<16xf32>,
    %add3A_2938 = arith.constant 8192 : i32
    %add3A_2939 = vector.broadcast %add3A_2938 : i32 to vector<16xi32>
    %add3A_2940 = arith.addi %add3A_2932, %add3A_2939 : vector<16xi32>
    %gather3A_2941 = tpu.vector_load_idx %arg10[%add3A_2940] : memref<12288xf32, #tpu.memory_space<vmem>>[vector<16xi32>], vector<16xf32>,
    %add3A_2942 = arith.addf %add3A_2911, %gather3A_2933 : vector<16xf32>
    %add3A_2943 = arith.addf %add3A_2912, %gather3A_2937 : vector<16xf32>
    %add3A_2944 = arith.addf %add3A_2913, %gather3A_2941 : vector<16xf32>
    %add3A_2945 = arith.constant 20 : i32
    %add3A_2946 = vector.broadcast %add3A_2945 : i32 to vector<16xi32>
    %add3A_2947 = arith.addi %select_n3A_2317, %add3A_2946 : vector<16xi32>
    %shift_right_arithmetic3A_2948 = arith.constant 1 : i32
    %shift_right_arithmetic3A_2949 = vector.broadcast %shift_right_arithmetic3A_2948 : i32 to vector<16xi32>
    %shift_right_arithmetic3A_2950 = arith.shrsi %add3A_2947, %shift_right_arithmetic3A_2949 : vector<16xi32>
    %and3A_2951 = arith.constant 112 : i32
    %and3A_2952 = vector.broadcast %and3A_2951 : i32 to vector<16xi32>
    %and3A_2953 = arith.andi %shift_right_arithmetic3A_2950, %and3A_2952 : vector<16xi32>
    %add3A_2954 = arith.constant 28 : i32
    %add3A_2955 = vector.broadcast %add3A_2954 : i32 to vector<16xi32>
    %add3A_2956 = arith.addi %select_n3A_2327, %add3A_2955 : vector<16xi32>
    %shift_right_arithmetic3A_2957 = arith.constant 5 : i32
    %shift_right_arithmetic3A_2958 = vector.broadcast %shift_right_arithmetic3A_2957 : i32 to vector<16xi32>
    %shift_right_arithmetic3A_2959 = arith.shrsi %add3A_2956, %shift_right_arithmetic3A_2958 : vector<16xi32>
    %add3A_2960 = arith.constant 2568 : i32
    %add3A_2961 = vector.broadcast %add3A_2960 : i32 to vector<16xi32>
    %add3A_2962 = arith.addi %add3A_2961, %and3A_2953 : vector<16xi32>
    %add3A_2963 = arith.addi %add3A_2962, %shift_right_arithmetic3A_2959 : vector<16xi32>
    %gather3A_2964 = tpu.vector_load_idx %arg10[%add3A_2963] : memref<12288xf32, #tpu.memory_space<vmem>>[vector<16xi32>], vector<16xf32>,
    %add3A_2965 = arith.constant 4096 : i32
    %add3A_2966 = vector.broadcast %add3A_2965 : i32 to vector<16xi32>
    %add3A_2967 = arith.addi %add3A_2963, %add3A_2966 : vector<16xi32>
    %gather3A_2968 = tpu.vector_load_idx %arg10[%add3A_2967] : memref<12288xf32, #tpu.memory_space<vmem>>[vector<16xi32>], vector<16xf32>,
    %add3A_2969 = arith.constant 8192 : i32
    %add3A_2970 = vector.broadcast %add3A_2969 : i32 to vector<16xi32>
    %add3A_2971 = arith.addi %add3A_2963, %add3A_2970 : vector<16xi32>
    %gather3A_2972 = tpu.vector_load_idx %arg10[%add3A_2971] : memref<12288xf32, #tpu.memory_space<vmem>>[vector<16xi32>], vector<16xf32>,
    %add3A_2973 = arith.addf %add3A_2942, %gather3A_2964 : vector<16xf32>
    %add3A_2974 = arith.addf %add3A_2943, %gather3A_2968 : vector<16xf32>
    %add3A_2975 = arith.addf %add3A_2944, %gather3A_2972 : vector<16xf32>
    %add3A_2976 = arith.constant 21 : i32
    %add3A_2977 = vector.broadcast %add3A_2976 : i32 to vector<16xi32>
    %add3A_2978 = arith.addi %select_n3A_2317, %add3A_2977 : vector<16xi32>
    %shift_right_arithmetic3A_2979 = arith.constant 1 : i32
    %shift_right_arithmetic3A_2980 = vector.broadcast %shift_right_arithmetic3A_2979 : i32 to vector<16xi32>
    %shift_right_arithmetic3A_2981 = arith.shrsi %add3A_2978, %shift_right_arithmetic3A_2980 : vector<16xi32>
    %and3A_2982 = arith.constant 112 : i32
    %and3A_2983 = vector.broadcast %and3A_2982 : i32 to vector<16xi32>
    %and3A_2984 = arith.andi %shift_right_arithmetic3A_2981, %and3A_2983 : vector<16xi32>
    %add3A_2985 = arith.constant 31 : i32
    %add3A_2986 = vector.broadcast %add3A_2985 : i32 to vector<16xi32>
    %add3A_2987 = arith.addi %select_n3A_2327, %add3A_2986 : vector<16xi32>
    %shift_right_arithmetic3A_2988 = arith.constant 5 : i32
    %shift_right_arithmetic3A_2989 = vector.broadcast %shift_right_arithmetic3A_2988 : i32 to vector<16xi32>
    %shift_right_arithmetic3A_2990 = arith.shrsi %add3A_2987, %shift_right_arithmetic3A_2989 : vector<16xi32>
    %add3A_2991 = arith.constant 2696 : i32
    %add3A_2992 = vector.broadcast %add3A_2991 : i32 to vector<16xi32>
    %add3A_2993 = arith.addi %add3A_2992, %and3A_2984 : vector<16xi32>
    %add3A_2994 = arith.addi %add3A_2993, %shift_right_arithmetic3A_2990 : vector<16xi32>
    %gather3A_2995 = tpu.vector_load_idx %arg10[%add3A_2994] : memref<12288xf32, #tpu.memory_space<vmem>>[vector<16xi32>], vector<16xf32>,
    %add3A_2996 = arith.constant 4096 : i32
    %add3A_2997 = vector.broadcast %add3A_2996 : i32 to vector<16xi32>
    %add3A_2998 = arith.addi %add3A_2994, %add3A_2997 : vector<16xi32>
    %gather3A_2999 = tpu.vector_load_idx %arg10[%add3A_2998] : memref<12288xf32, #tpu.memory_space<vmem>>[vector<16xi32>], vector<16xf32>,
    %add3A_3000 = arith.constant 8192 : i32
    %add3A_3001 = vector.broadcast %add3A_3000 : i32 to vector<16xi32>
    %add3A_3002 = arith.addi %add3A_2994, %add3A_3001 : vector<16xi32>
    %gather3A_3003 = tpu.vector_load_idx %arg10[%add3A_3002] : memref<12288xf32, #tpu.memory_space<vmem>>[vector<16xi32>], vector<16xf32>,
    %add3A_3004 = arith.addf %add3A_2973, %gather3A_2995 : vector<16xf32>
    %add3A_3005 = arith.addf %add3A_2974, %gather3A_2999 : vector<16xf32>
    %add3A_3006 = arith.addf %add3A_2975, %gather3A_3003 : vector<16xf32>
    %add3A_3007 = arith.constant 22 : i32
    %add3A_3008 = vector.broadcast %add3A_3007 : i32 to vector<16xi32>
    %add3A_3009 = arith.addi %select_n3A_2317, %add3A_3008 : vector<16xi32>
    %shift_right_arithmetic3A_3010 = arith.constant 1 : i32
    %shift_right_arithmetic3A_3011 = vector.broadcast %shift_right_arithmetic3A_3010 : i32 to vector<16xi32>
    %shift_right_arithmetic3A_3012 = arith.shrsi %add3A_3009, %shift_right_arithmetic3A_3011 : vector<16xi32>
    %and3A_3013 = arith.constant 112 : i32
    %and3A_3014 = vector.broadcast %and3A_3013 : i32 to vector<16xi32>
    %and3A_3015 = arith.andi %shift_right_arithmetic3A_3012, %and3A_3014 : vector<16xi32>
    %add3A_3016 = arith.constant 2 : i32
    %add3A_3017 = vector.broadcast %add3A_3016 : i32 to vector<16xi32>
    %add3A_3018 = arith.addi %select_n3A_2327, %add3A_3017 : vector<16xi32>
    %shift_right_arithmetic3A_3019 = arith.constant 5 : i32
    %shift_right_arithmetic3A_3020 = vector.broadcast %shift_right_arithmetic3A_3019 : i32 to vector<16xi32>
    %shift_right_arithmetic3A_3021 = arith.shrsi %add3A_3018, %shift_right_arithmetic3A_3020 : vector<16xi32>
    %add3A_3022 = arith.constant 2824 : i32
    %add3A_3023 = vector.broadcast %add3A_3022 : i32 to vector<16xi32>
    %add3A_3024 = arith.addi %add3A_3023, %and3A_3015 : vector<16xi32>
    %add3A_3025 = arith.addi %add3A_3024, %shift_right_arithmetic3A_3021 : vector<16xi32>
    %gather3A_3026 = tpu.vector_load_idx %arg10[%add3A_3025] : memref<12288xf32, #tpu.memory_space<vmem>>[vector<16xi32>], vector<16xf32>,
    %add3A_3027 = arith.constant 4096 : i32
    %add3A_3028 = vector.broadcast %add3A_3027 : i32 to vector<16xi32>
    %add3A_3029 = arith.addi %add3A_3025, %add3A_3028 : vector<16xi32>
    %gather3A_3030 = tpu.vector_load_idx %arg10[%add3A_3029] : memref<12288xf32, #tpu.memory_space<vmem>>[vector<16xi32>], vector<16xf32>,
    %add3A_3031 = arith.constant 8192 : i32
    %add3A_3032 = vector.broadcast %add3A_3031 : i32 to vector<16xi32>
    %add3A_3033 = arith.addi %add3A_3025, %add3A_3032 : vector<16xi32>
    %gather3A_3034 = tpu.vector_load_idx %arg10[%add3A_3033] : memref<12288xf32, #tpu.memory_space<vmem>>[vector<16xi32>], vector<16xf32>,
    %add3A_3035 = arith.addf %add3A_3004, %gather3A_3026 : vector<16xf32>
    %add3A_3036 = arith.addf %add3A_3005, %gather3A_3030 : vector<16xf32>
    %add3A_3037 = arith.addf %add3A_3006, %gather3A_3034 : vector<16xf32>
    %add3A_3038 = arith.constant 23 : i32
    %add3A_3039 = vector.broadcast %add3A_3038 : i32 to vector<16xi32>
    %add3A_3040 = arith.addi %select_n3A_2317, %add3A_3039 : vector<16xi32>
    %shift_right_arithmetic3A_3041 = arith.constant 1 : i32
    %shift_right_arithmetic3A_3042 = vector.broadcast %shift_right_arithmetic3A_3041 : i32 to vector<16xi32>
    %shift_right_arithmetic3A_3043 = arith.shrsi %add3A_3040, %shift_right_arithmetic3A_3042 : vector<16xi32>
    %and3A_3044 = arith.constant 112 : i32
    %and3A_3045 = vector.broadcast %and3A_3044 : i32 to vector<16xi32>
    %and3A_3046 = arith.andi %shift_right_arithmetic3A_3043, %and3A_3045 : vector<16xi32>
    %add3A_3047 = arith.constant 5 : i32
    %add3A_3048 = vector.broadcast %add3A_3047 : i32 to vector<16xi32>
    %add3A_3049 = arith.addi %select_n3A_2327, %add3A_3048 : vector<16xi32>
    %shift_right_arithmetic3A_3050 = arith.constant 5 : i32
    %shift_right_arithmetic3A_3051 = vector.broadcast %shift_right_arithmetic3A_3050 : i32 to vector<16xi32>
    %shift_right_arithmetic3A_3052 = arith.shrsi %add3A_3049, %shift_right_arithmetic3A_3051 : vector<16xi32>
    %add3A_3053 = arith.constant 2952 : i32
    %add3A_3054 = vector.broadcast %add3A_3053 : i32 to vector<16xi32>
    %add3A_3055 = arith.addi %add3A_3054, %and3A_3046 : vector<16xi32>
    %add3A_3056 = arith.addi %add3A_3055, %shift_right_arithmetic3A_3052 : vector<16xi32>
    %gather3A_3057 = tpu.vector_load_idx %arg10[%add3A_3056] : memref<12288xf32, #tpu.memory_space<vmem>>[vector<16xi32>], vector<16xf32>,
    %add3A_3058 = arith.constant 4096 : i32
    %add3A_3059 = vector.broadcast %add3A_3058 : i32 to vector<16xi32>
    %add3A_3060 = arith.addi %add3A_3056, %add3A_3059 : vector<16xi32>
    %gather3A_3061 = tpu.vector_load_idx %arg10[%add3A_3060] : memref<12288xf32, #tpu.memory_space<vmem>>[vector<16xi32>], vector<16xf32>,
    %add3A_3062 = arith.constant 8192 : i32
    %add3A_3063 = vector.broadcast %add3A_3062 : i32 to vector<16xi32>
    %add3A_3064 = arith.addi %add3A_3056, %add3A_3063 : vector<16xi32>
    %gather3A_3065 = tpu.vector_load_idx %arg10[%add3A_3064] : memref<12288xf32, #tpu.memory_space<vmem>>[vector<16xi32>], vector<16xf32>,
    %add3A_3066 = arith.addf %add3A_3035, %gather3A_3057 : vector<16xf32>
    %add3A_3067 = arith.addf %add3A_3036, %gather3A_3061 : vector<16xf32>
    %add3A_3068 = arith.addf %add3A_3037, %gather3A_3065 : vector<16xf32>
    %add3A_3069 = arith.constant 24 : i32
    %add3A_3070 = vector.broadcast %add3A_3069 : i32 to vector<16xi32>
    %add3A_3071 = arith.addi %select_n3A_2317, %add3A_3070 : vector<16xi32>
    %shift_right_arithmetic3A_3072 = arith.constant 1 : i32
    %shift_right_arithmetic3A_3073 = vector.broadcast %shift_right_arithmetic3A_3072 : i32 to vector<16xi32>
    %shift_right_arithmetic3A_3074 = arith.shrsi %add3A_3071, %shift_right_arithmetic3A_3073 : vector<16xi32>
    %and3A_3075 = arith.constant 112 : i32
    %and3A_3076 = vector.broadcast %and3A_3075 : i32 to vector<16xi32>
    %and3A_3077 = arith.andi %shift_right_arithmetic3A_3074, %and3A_3076 : vector<16xi32>
    %add3A_3078 = arith.constant 8 : i32
    %add3A_3079 = vector.broadcast %add3A_3078 : i32 to vector<16xi32>
    %add3A_3080 = arith.addi %select_n3A_2327, %add3A_3079 : vector<16xi32>
    %shift_right_arithmetic3A_3081 = arith.constant 5 : i32
    %shift_right_arithmetic3A_3082 = vector.broadcast %shift_right_arithmetic3A_3081 : i32 to vector<16xi32>
    %shift_right_arithmetic3A_3083 = arith.shrsi %add3A_3080, %shift_right_arithmetic3A_3082 : vector<16xi32>
    %add3A_3084 = arith.constant 3080 : i32
    %add3A_3085 = vector.broadcast %add3A_3084 : i32 to vector<16xi32>
    %add3A_3086 = arith.addi %add3A_3085, %and3A_3077 : vector<16xi32>
    %add3A_3087 = arith.addi %add3A_3086, %shift_right_arithmetic3A_3083 : vector<16xi32>
    %gather3A_3088 = tpu.vector_load_idx %arg10[%add3A_3087] : memref<12288xf32, #tpu.memory_space<vmem>>[vector<16xi32>], vector<16xf32>,
    %add3A_3089 = arith.constant 4096 : i32
    %add3A_3090 = vector.broadcast %add3A_3089 : i32 to vector<16xi32>
    %add3A_3091 = arith.addi %add3A_3087, %add3A_3090 : vector<16xi32>
    %gather3A_3092 = tpu.vector_load_idx %arg10[%add3A_3091] : memref<12288xf32, #tpu.memory_space<vmem>>[vector<16xi32>], vector<16xf32>,
    %add3A_3093 = arith.constant 8192 : i32
    %add3A_3094 = vector.broadcast %add3A_3093 : i32 to vector<16xi32>
    %add3A_3095 = arith.addi %add3A_3087, %add3A_3094 : vector<16xi32>
    %gather3A_3096 = tpu.vector_load_idx %arg10[%add3A_3095] : memref<12288xf32, #tpu.memory_space<vmem>>[vector<16xi32>], vector<16xf32>,
    %add3A_3097 = arith.addf %add3A_3066, %gather3A_3088 : vector<16xf32>
    %add3A_3098 = arith.addf %add3A_3067, %gather3A_3092 : vector<16xf32>
    %add3A_3099 = arith.addf %add3A_3068, %gather3A_3096 : vector<16xf32>
    %add3A_3100 = arith.constant 25 : i32
    %add3A_3101 = vector.broadcast %add3A_3100 : i32 to vector<16xi32>
    %add3A_3102 = arith.addi %select_n3A_2317, %add3A_3101 : vector<16xi32>
    %shift_right_arithmetic3A_3103 = arith.constant 1 : i32
    %shift_right_arithmetic3A_3104 = vector.broadcast %shift_right_arithmetic3A_3103 : i32 to vector<16xi32>
    %shift_right_arithmetic3A_3105 = arith.shrsi %add3A_3102, %shift_right_arithmetic3A_3104 : vector<16xi32>
    %and3A_3106 = arith.constant 112 : i32
    %and3A_3107 = vector.broadcast %and3A_3106 : i32 to vector<16xi32>
    %and3A_3108 = arith.andi %shift_right_arithmetic3A_3105, %and3A_3107 : vector<16xi32>
    %add3A_3109 = arith.constant 11 : i32
    %add3A_3110 = vector.broadcast %add3A_3109 : i32 to vector<16xi32>
    %add3A_3111 = arith.addi %select_n3A_2327, %add3A_3110 : vector<16xi32>
    %shift_right_arithmetic3A_3112 = arith.constant 5 : i32
    %shift_right_arithmetic3A_3113 = vector.broadcast %shift_right_arithmetic3A_3112 : i32 to vector<16xi32>
    %shift_right_arithmetic3A_3114 = arith.shrsi %add3A_3111, %shift_right_arithmetic3A_3113 : vector<16xi32>
    %add3A_3115 = arith.constant 3208 : i32
    %add3A_3116 = vector.broadcast %add3A_3115 : i32 to vector<16xi32>
    %add3A_3117 = arith.addi %add3A_3116, %and3A_3108 : vector<16xi32>
    %add3A_3118 = arith.addi %add3A_3117, %shift_right_arithmetic3A_3114 : vector<16xi32>
    %gather3A_3119 = tpu.vector_load_idx %arg10[%add3A_3118] : memref<12288xf32, #tpu.memory_space<vmem>>[vector<16xi32>], vector<16xf32>,
    %add3A_3120 = arith.constant 4096 : i32
    %add3A_3121 = vector.broadcast %add3A_3120 : i32 to vector<16xi32>
    %add3A_3122 = arith.addi %add3A_3118, %add3A_3121 : vector<16xi32>
    %gather3A_3123 = tpu.vector_load_idx %arg10[%add3A_3122] : memref<12288xf32, #tpu.memory_space<vmem>>[vector<16xi32>], vector<16xf32>,
    %add3A_3124 = arith.constant 8192 : i32
    %add3A_3125 = vector.broadcast %add3A_3124 : i32 to vector<16xi32>
    %add3A_3126 = arith.addi %add3A_3118, %add3A_3125 : vector<16xi32>
    %gather3A_3127 = tpu.vector_load_idx %arg10[%add3A_3126] : memref<12288xf32, #tpu.memory_space<vmem>>[vector<16xi32>], vector<16xf32>,
    %add3A_3128 = arith.addf %add3A_3097, %gather3A_3119 : vector<16xf32>
    %add3A_3129 = arith.addf %add3A_3098, %gather3A_3123 : vector<16xf32>
    %add3A_3130 = arith.addf %add3A_3099, %gather3A_3127 : vector<16xf32>
    %add3A_3131 = arith.constant 26 : i32
    %add3A_3132 = vector.broadcast %add3A_3131 : i32 to vector<16xi32>
    %add3A_3133 = arith.addi %select_n3A_2317, %add3A_3132 : vector<16xi32>
    %shift_right_arithmetic3A_3134 = arith.constant 1 : i32
    %shift_right_arithmetic3A_3135 = vector.broadcast %shift_right_arithmetic3A_3134 : i32 to vector<16xi32>
    %shift_right_arithmetic3A_3136 = arith.shrsi %add3A_3133, %shift_right_arithmetic3A_3135 : vector<16xi32>
    %and3A_3137 = arith.constant 112 : i32
    %and3A_3138 = vector.broadcast %and3A_3137 : i32 to vector<16xi32>
    %and3A_3139 = arith.andi %shift_right_arithmetic3A_3136, %and3A_3138 : vector<16xi32>
    %add3A_3140 = arith.constant 14 : i32
    %add3A_3141 = vector.broadcast %add3A_3140 : i32 to vector<16xi32>
    %add3A_3142 = arith.addi %select_n3A_2327, %add3A_3141 : vector<16xi32>
    %shift_right_arithmetic3A_3143 = arith.constant 5 : i32
    %shift_right_arithmetic3A_3144 = vector.broadcast %shift_right_arithmetic3A_3143 : i32 to vector<16xi32>
    %shift_right_arithmetic3A_3145 = arith.shrsi %add3A_3142, %shift_right_arithmetic3A_3144 : vector<16xi32>
    %add3A_3146 = arith.constant 3336 : i32
    %add3A_3147 = vector.broadcast %add3A_3146 : i32 to vector<16xi32>
    %add3A_3148 = arith.addi %add3A_3147, %and3A_3139 : vector<16xi32>
    %add3A_3149 = arith.addi %add3A_3148, %shift_right_arithmetic3A_3145 : vector<16xi32>
    %gather3A_3150 = tpu.vector_load_idx %arg10[%add3A_3149] : memref<12288xf32, #tpu.memory_space<vmem>>[vector<16xi32>], vector<16xf32>,
    %add3A_3151 = arith.constant 4096 : i32
    %add3A_3152 = vector.broadcast %add3A_3151 : i32 to vector<16xi32>
    %add3A_3153 = arith.addi %add3A_3149, %add3A_3152 : vector<16xi32>
    %gather3A_3154 = tpu.vector_load_idx %arg10[%add3A_3153] : memref<12288xf32, #tpu.memory_space<vmem>>[vector<16xi32>], vector<16xf32>,
    %add3A_3155 = arith.constant 8192 : i32
    %add3A_3156 = vector.broadcast %add3A_3155 : i32 to vector<16xi32>
    %add3A_3157 = arith.addi %add3A_3149, %add3A_3156 : vector<16xi32>
    %gather3A_3158 = tpu.vector_load_idx %arg10[%add3A_3157] : memref<12288xf32, #tpu.memory_space<vmem>>[vector<16xi32>], vector<16xf32>,
    %add3A_3159 = arith.addf %add3A_3128, %gather3A_3150 : vector<16xf32>
    %add3A_3160 = arith.addf %add3A_3129, %gather3A_3154 : vector<16xf32>
    %add3A_3161 = arith.addf %add3A_3130, %gather3A_3158 : vector<16xf32>
    %add3A_3162 = arith.constant 27 : i32
    %add3A_3163 = vector.broadcast %add3A_3162 : i32 to vector<16xi32>
    %add3A_3164 = arith.addi %select_n3A_2317, %add3A_3163 : vector<16xi32>
    %shift_right_arithmetic3A_3165 = arith.constant 1 : i32
    %shift_right_arithmetic3A_3166 = vector.broadcast %shift_right_arithmetic3A_3165 : i32 to vector<16xi32>
    %shift_right_arithmetic3A_3167 = arith.shrsi %add3A_3164, %shift_right_arithmetic3A_3166 : vector<16xi32>
    %and3A_3168 = arith.constant 112 : i32
    %and3A_3169 = vector.broadcast %and3A_3168 : i32 to vector<16xi32>
    %and3A_3170 = arith.andi %shift_right_arithmetic3A_3167, %and3A_3169 : vector<16xi32>
    %add3A_3171 = arith.constant 17 : i32
    %add3A_3172 = vector.broadcast %add3A_3171 : i32 to vector<16xi32>
    %add3A_3173 = arith.addi %select_n3A_2327, %add3A_3172 : vector<16xi32>
    %shift_right_arithmetic3A_3174 = arith.constant 5 : i32
    %shift_right_arithmetic3A_3175 = vector.broadcast %shift_right_arithmetic3A_3174 : i32 to vector<16xi32>
    %shift_right_arithmetic3A_3176 = arith.shrsi %add3A_3173, %shift_right_arithmetic3A_3175 : vector<16xi32>
    %add3A_3177 = arith.constant 3464 : i32
    %add3A_3178 = vector.broadcast %add3A_3177 : i32 to vector<16xi32>
    %add3A_3179 = arith.addi %add3A_3178, %and3A_3170 : vector<16xi32>
    %add3A_3180 = arith.addi %add3A_3179, %shift_right_arithmetic3A_3176 : vector<16xi32>
    %gather3A_3181 = tpu.vector_load_idx %arg10[%add3A_3180] : memref<12288xf32, #tpu.memory_space<vmem>>[vector<16xi32>], vector<16xf32>,
    %add3A_3182 = arith.constant 4096 : i32
    %add3A_3183 = vector.broadcast %add3A_3182 : i32 to vector<16xi32>
    %add3A_3184 = arith.addi %add3A_3180, %add3A_3183 : vector<16xi32>
    %gather3A_3185 = tpu.vector_load_idx %arg10[%add3A_3184] : memref<12288xf32, #tpu.memory_space<vmem>>[vector<16xi32>], vector<16xf32>,
    %add3A_3186 = arith.constant 8192 : i32
    %add3A_3187 = vector.broadcast %add3A_3186 : i32 to vector<16xi32>
    %add3A_3188 = arith.addi %add3A_3180, %add3A_3187 : vector<16xi32>
    %gather3A_3189 = tpu.vector_load_idx %arg10[%add3A_3188] : memref<12288xf32, #tpu.memory_space<vmem>>[vector<16xi32>], vector<16xf32>,
    %add3A_3190 = arith.addf %add3A_3159, %gather3A_3181 : vector<16xf32>
    %add3A_3191 = arith.addf %add3A_3160, %gather3A_3185 : vector<16xf32>
    %add3A_3192 = arith.addf %add3A_3161, %gather3A_3189 : vector<16xf32>
    %add3A_3193 = arith.constant 28 : i32
    %add3A_3194 = vector.broadcast %add3A_3193 : i32 to vector<16xi32>
    %add3A_3195 = arith.addi %select_n3A_2317, %add3A_3194 : vector<16xi32>
    %shift_right_arithmetic3A_3196 = arith.constant 1 : i32
    %shift_right_arithmetic3A_3197 = vector.broadcast %shift_right_arithmetic3A_3196 : i32 to vector<16xi32>
    %shift_right_arithmetic3A_3198 = arith.shrsi %add3A_3195, %shift_right_arithmetic3A_3197 : vector<16xi32>
    %and3A_3199 = arith.constant 112 : i32
    %and3A_3200 = vector.broadcast %and3A_3199 : i32 to vector<16xi32>
    %and3A_3201 = arith.andi %shift_right_arithmetic3A_3198, %and3A_3200 : vector<16xi32>
    %add3A_3202 = arith.constant 20 : i32
    %add3A_3203 = vector.broadcast %add3A_3202 : i32 to vector<16xi32>
    %add3A_3204 = arith.addi %select_n3A_2327, %add3A_3203 : vector<16xi32>
    %shift_right_arithmetic3A_3205 = arith.constant 5 : i32
    %shift_right_arithmetic3A_3206 = vector.broadcast %shift_right_arithmetic3A_3205 : i32 to vector<16xi32>
    %shift_right_arithmetic3A_3207 = arith.shrsi %add3A_3204, %shift_right_arithmetic3A_3206 : vector<16xi32>
    %add3A_3208 = arith.constant 3592 : i32
    %add3A_3209 = vector.broadcast %add3A_3208 : i32 to vector<16xi32>
    %add3A_3210 = arith.addi %add3A_3209, %and3A_3201 : vector<16xi32>
    %add3A_3211 = arith.addi %add3A_3210, %shift_right_arithmetic3A_3207 : vector<16xi32>
    %gather3A_3212 = tpu.vector_load_idx %arg10[%add3A_3211] : memref<12288xf32, #tpu.memory_space<vmem>>[vector<16xi32>], vector<16xf32>,
    %add3A_3213 = arith.constant 4096 : i32
    %add3A_3214 = vector.broadcast %add3A_3213 : i32 to vector<16xi32>
    %add3A_3215 = arith.addi %add3A_3211, %add3A_3214 : vector<16xi32>
    %gather3A_3216 = tpu.vector_load_idx %arg10[%add3A_3215] : memref<12288xf32, #tpu.memory_space<vmem>>[vector<16xi32>], vector<16xf32>,
    %add3A_3217 = arith.constant 8192 : i32
    %add3A_3218 = vector.broadcast %add3A_3217 : i32 to vector<16xi32>
    %add3A_3219 = arith.addi %add3A_3211, %add3A_3218 : vector<16xi32>
    %gather3A_3220 = tpu.vector_load_idx %arg10[%add3A_3219] : memref<12288xf32, #tpu.memory_space<vmem>>[vector<16xi32>], vector<16xf32>,
    %add3A_3221 = arith.addf %add3A_3190, %gather3A_3212 : vector<16xf32>
    %add3A_3222 = arith.addf %add3A_3191, %gather3A_3216 : vector<16xf32>
    %add3A_3223 = arith.addf %add3A_3192, %gather3A_3220 : vector<16xf32>
    %add3A_3224 = arith.constant 29 : i32
    %add3A_3225 = vector.broadcast %add3A_3224 : i32 to vector<16xi32>
    %add3A_3226 = arith.addi %select_n3A_2317, %add3A_3225 : vector<16xi32>
    %shift_right_arithmetic3A_3227 = arith.constant 1 : i32
    %shift_right_arithmetic3A_3228 = vector.broadcast %shift_right_arithmetic3A_3227 : i32 to vector<16xi32>
    %shift_right_arithmetic3A_3229 = arith.shrsi %add3A_3226, %shift_right_arithmetic3A_3228 : vector<16xi32>
    %and3A_3230 = arith.constant 112 : i32
    %and3A_3231 = vector.broadcast %and3A_3230 : i32 to vector<16xi32>
    %and3A_3232 = arith.andi %shift_right_arithmetic3A_3229, %and3A_3231 : vector<16xi32>
    %add3A_3233 = arith.constant 23 : i32
    %add3A_3234 = vector.broadcast %add3A_3233 : i32 to vector<16xi32>
    %add3A_3235 = arith.addi %select_n3A_2327, %add3A_3234 : vector<16xi32>
    %shift_right_arithmetic3A_3236 = arith.constant 5 : i32
    %shift_right_arithmetic3A_3237 = vector.broadcast %shift_right_arithmetic3A_3236 : i32 to vector<16xi32>
    %shift_right_arithmetic3A_3238 = arith.shrsi %add3A_3235, %shift_right_arithmetic3A_3237 : vector<16xi32>
    %add3A_3239 = arith.constant 3720 : i32
    %add3A_3240 = vector.broadcast %add3A_3239 : i32 to vector<16xi32>
    %add3A_3241 = arith.addi %add3A_3240, %and3A_3232 : vector<16xi32>
    %add3A_3242 = arith.addi %add3A_3241, %shift_right_arithmetic3A_3238 : vector<16xi32>
    %gather3A_3243 = tpu.vector_load_idx %arg10[%add3A_3242] : memref<12288xf32, #tpu.memory_space<vmem>>[vector<16xi32>], vector<16xf32>,
    %add3A_3244 = arith.constant 4096 : i32
    %add3A_3245 = vector.broadcast %add3A_3244 : i32 to vector<16xi32>
    %add3A_3246 = arith.addi %add3A_3242, %add3A_3245 : vector<16xi32>
    %gather3A_3247 = tpu.vector_load_idx %arg10[%add3A_3246] : memref<12288xf32, #tpu.memory_space<vmem>>[vector<16xi32>], vector<16xf32>,
    %add3A_3248 = arith.constant 8192 : i32
    %add3A_3249 = vector.broadcast %add3A_3248 : i32 to vector<16xi32>
    %add3A_3250 = arith.addi %add3A_3242, %add3A_3249 : vector<16xi32>
    %gather3A_3251 = tpu.vector_load_idx %arg10[%add3A_3250] : memref<12288xf32, #tpu.memory_space<vmem>>[vector<16xi32>], vector<16xf32>,
    %add3A_3252 = arith.addf %add3A_3221, %gather3A_3243 : vector<16xf32>
    %add3A_3253 = arith.addf %add3A_3222, %gather3A_3247 : vector<16xf32>
    %add3A_3254 = arith.addf %add3A_3223, %gather3A_3251 : vector<16xf32>
    %add3A_3255 = arith.constant 30 : i32
    %add3A_3256 = vector.broadcast %add3A_3255 : i32 to vector<16xi32>
    %add3A_3257 = arith.addi %select_n3A_2317, %add3A_3256 : vector<16xi32>
    %shift_right_arithmetic3A_3258 = arith.constant 1 : i32
    %shift_right_arithmetic3A_3259 = vector.broadcast %shift_right_arithmetic3A_3258 : i32 to vector<16xi32>
    %shift_right_arithmetic3A_3260 = arith.shrsi %add3A_3257, %shift_right_arithmetic3A_3259 : vector<16xi32>
    %and3A_3261 = arith.constant 112 : i32
    %and3A_3262 = vector.broadcast %and3A_3261 : i32 to vector<16xi32>
    %and3A_3263 = arith.andi %shift_right_arithmetic3A_3260, %and3A_3262 : vector<16xi32>
    %add3A_3264 = arith.constant 26 : i32
    %add3A_3265 = vector.broadcast %add3A_3264 : i32 to vector<16xi32>
    %add3A_3266 = arith.addi %select_n3A_2327, %add3A_3265 : vector<16xi32>
    %shift_right_arithmetic3A_3267 = arith.constant 5 : i32
    %shift_right_arithmetic3A_3268 = vector.broadcast %shift_right_arithmetic3A_3267 : i32 to vector<16xi32>
    %shift_right_arithmetic3A_3269 = arith.shrsi %add3A_3266, %shift_right_arithmetic3A_3268 : vector<16xi32>
    %add3A_3270 = arith.constant 3848 : i32
    %add3A_3271 = vector.broadcast %add3A_3270 : i32 to vector<16xi32>
    %add3A_3272 = arith.addi %add3A_3271, %and3A_3263 : vector<16xi32>
    %add3A_3273 = arith.addi %add3A_3272, %shift_right_arithmetic3A_3269 : vector<16xi32>
    %gather3A_3274 = tpu.vector_load_idx %arg10[%add3A_3273] : memref<12288xf32, #tpu.memory_space<vmem>>[vector<16xi32>], vector<16xf32>,
    %add3A_3275 = arith.constant 4096 : i32
    %add3A_3276 = vector.broadcast %add3A_3275 : i32 to vector<16xi32>
    %add3A_3277 = arith.addi %add3A_3273, %add3A_3276 : vector<16xi32>
    %gather3A_3278 = tpu.vector_load_idx %arg10[%add3A_3277] : memref<12288xf32, #tpu.memory_space<vmem>>[vector<16xi32>], vector<16xf32>,
    %add3A_3279 = arith.constant 8192 : i32
    %add3A_3280 = vector.broadcast %add3A_3279 : i32 to vector<16xi32>
    %add3A_3281 = arith.addi %add3A_3273, %add3A_3280 : vector<16xi32>
    %gather3A_3282 = tpu.vector_load_idx %arg10[%add3A_3281] : memref<12288xf32, #tpu.memory_space<vmem>>[vector<16xi32>], vector<16xf32>,
    %add3A_3283 = arith.addf %add3A_3252, %gather3A_3274 : vector<16xf32>
    %add3A_3284 = arith.addf %add3A_3253, %gather3A_3278 : vector<16xf32>
    %add3A_3285 = arith.addf %add3A_3254, %gather3A_3282 : vector<16xf32>
    %add3A_3286 = arith.constant 31 : i32
    %add3A_3287 = vector.broadcast %add3A_3286 : i32 to vector<16xi32>
    %add3A_3288 = arith.addi %select_n3A_2317, %add3A_3287 : vector<16xi32>
    %shift_right_arithmetic3A_3289 = arith.constant 1 : i32
    %shift_right_arithmetic3A_3290 = vector.broadcast %shift_right_arithmetic3A_3289 : i32 to vector<16xi32>
    %shift_right_arithmetic3A_3291 = arith.shrsi %add3A_3288, %shift_right_arithmetic3A_3290 : vector<16xi32>
    %and3A_3292 = arith.constant 112 : i32
    %and3A_3293 = vector.broadcast %and3A_3292 : i32 to vector<16xi32>
    %and3A_3294 = arith.andi %shift_right_arithmetic3A_3291, %and3A_3293 : vector<16xi32>
    %add3A_3295 = arith.constant 29 : i32
    %add3A_3296 = vector.broadcast %add3A_3295 : i32 to vector<16xi32>
    %add3A_3297 = arith.addi %select_n3A_2327, %add3A_3296 : vector<16xi32>
    %shift_right_arithmetic3A_3298 = arith.constant 5 : i32
    %shift_right_arithmetic3A_3299 = vector.broadcast %shift_right_arithmetic3A_3298 : i32 to vector<16xi32>
    %shift_right_arithmetic3A_3300 = arith.shrsi %add3A_3297, %shift_right_arithmetic3A_3299 : vector<16xi32>
    %add3A_3301 = arith.constant 3976 : i32
    %add3A_3302 = vector.broadcast %add3A_3301 : i32 to vector<16xi32>
    %add3A_3303 = arith.addi %add3A_3302, %and3A_3294 : vector<16xi32>
    %add3A_3304 = arith.addi %add3A_3303, %shift_right_arithmetic3A_3300 : vector<16xi32>
    %gather3A_3305 = tpu.vector_load_idx %arg10[%add3A_3304] : memref<12288xf32, #tpu.memory_space<vmem>>[vector<16xi32>], vector<16xf32>,
    %add3A_3306 = arith.constant 4096 : i32
    %add3A_3307 = vector.broadcast %add3A_3306 : i32 to vector<16xi32>
    %add3A_3308 = arith.addi %add3A_3304, %add3A_3307 : vector<16xi32>
    %gather3A_3309 = tpu.vector_load_idx %arg10[%add3A_3308] : memref<12288xf32, #tpu.memory_space<vmem>>[vector<16xi32>], vector<16xf32>,
    %add3A_3310 = arith.constant 8192 : i32
    %add3A_3311 = vector.broadcast %add3A_3310 : i32 to vector<16xi32>
    %add3A_3312 = arith.addi %add3A_3304, %add3A_3311 : vector<16xi32>
    %gather3A_3313 = tpu.vector_load_idx %arg10[%add3A_3312] : memref<12288xf32, #tpu.memory_space<vmem>>[vector<16xi32>], vector<16xf32>,
    %add3A_3314 = arith.addf %add3A_3283, %gather3A_3305 : vector<16xf32>
    %add3A_3315 = arith.addf %add3A_3284, %gather3A_3309 : vector<16xf32>
    %add3A_3316 = arith.addf %add3A_3285, %gather3A_3313 : vector<16xf32>
    %swap3A_3317 = arith.constant 0 : index
    %swap3A_3318 = tpu.vector_load %arg11[%swap3A_3317] {strides = array<i32>} : memref<48xf32, #tpu.memory_space<vmem>>, vector<16xf32>,
    tpu.vector_store %arg11[%swap3A_3317], %add3A_3314 {strides = array<i32>} : memref<48xf32, #tpu.memory_space<vmem>>, vector<16xf32>,
    %swap3A_3319 = arith.constant 16 : index
    %swap3A_3320 = tpu.vector_load %arg11[%swap3A_3319] {strides = array<i32>} : memref<48xf32, #tpu.memory_space<vmem>>, vector<16xf32>,
    tpu.vector_store %arg11[%swap3A_3319], %add3A_3315 {strides = array<i32>} : memref<48xf32, #tpu.memory_space<vmem>>, vector<16xf32>,
    %swap3A_3321 = arith.constant 32 : index
    %swap3A_3322 = tpu.vector_load %arg11[%swap3A_3321] {strides = array<i32>} : memref<48xf32, #tpu.memory_space<vmem>>, vector<16xf32>,
    tpu.vector_store %arg11[%swap3A_3321], %add3A_3316 {strides = array<i32>} : memref<48xf32, #tpu.memory_space<vmem>>, vector<16xf32>,
    %add3A_3323 = arith.constant 0 : i32
    %add3A_3324 = vector.broadcast %add3A_3323 : i32 to vector<16xi32>
    %add3A_3325 = arith.addi %mul3A_27, %add3A_3324 : vector<16xi32>
    %gather3A_3326 = tpu.vector_load_idx %arg11[%add3A_3325] : memref<48xf32, #tpu.memory_space<vmem>>[vector<16xi32>], vector<16xf32>,
    %swap3A_3327 = arith.constant 512 : index
    %swap3A_3328 = tpu.vector_load %arg12[%swap3A_3327] {strides = array<i32>} : memref<1024xf32, #tpu.memory_space<vmem>>, vector<16xf32>,
    tpu.vector_store %arg12[%swap3A_3327], %gather3A_3326 {strides = array<i32>} : memref<1024xf32, #tpu.memory_space<vmem>>, vector<16xf32>,
    %add3A_3329 = arith.constant 1 : i32
    %add3A_3330 = vector.broadcast %add3A_3329 : i32 to vector<16xi32>
    %add3A_3331 = arith.addi %mul3A_27, %add3A_3330 : vector<16xi32>
    %gather3A_3332 = tpu.vector_load_idx %arg11[%add3A_3331] : memref<48xf32, #tpu.memory_space<vmem>>[vector<16xi32>], vector<16xf32>,
    %swap3A_3333 = arith.constant 528 : index
    %swap3A_3334 = tpu.vector_load %arg12[%swap3A_3333] {strides = array<i32>} : memref<1024xf32, #tpu.memory_space<vmem>>, vector<16xf32>,
    tpu.vector_store %arg12[%swap3A_3333], %gather3A_3332 {strides = array<i32>} : memref<1024xf32, #tpu.memory_space<vmem>>, vector<16xf32>,
    %add3A_3335 = arith.constant 2 : i32
    %add3A_3336 = vector.broadcast %add3A_3335 : i32 to vector<16xi32>
    %add3A_3337 = arith.addi %mul3A_27, %add3A_3336 : vector<16xi32>
    %gather3A_3338 = tpu.vector_load_idx %arg11[%add3A_3337] : memref<48xf32, #tpu.memory_space<vmem>>[vector<16xi32>], vector<16xf32>,
    %swap3A_3339 = arith.constant 544 : index
    %swap3A_3340 = tpu.vector_load %arg12[%swap3A_3339] {strides = array<i32>} : memref<1024xf32, #tpu.memory_space<vmem>>, vector<16xf32>,
    tpu.vector_store %arg12[%swap3A_3339], %gather3A_3338 {strides = array<i32>} : memref<1024xf32, #tpu.memory_space<vmem>>, vector<16xf32>,
    %add3A_3341 = arith.constant 3 : i32
    %add3A_3342 = vector.broadcast %add3A_3341 : i32 to vector<16xi32>
    %add3A_3343 = arith.addi %mul3A_27, %add3A_3342 : vector<16xi32>
    %gather3A_3344 = tpu.vector_load_idx %arg11[%add3A_3343] : memref<48xf32, #tpu.memory_space<vmem>>[vector<16xi32>], vector<16xf32>,
    %swap3A_3345 = arith.constant 560 : index
    %swap3A_3346 = tpu.vector_load %arg12[%swap3A_3345] {strides = array<i32>} : memref<1024xf32, #tpu.memory_space<vmem>>, vector<16xf32>,
    tpu.vector_store %arg12[%swap3A_3345], %gather3A_3344 {strides = array<i32>} : memref<1024xf32, #tpu.memory_space<vmem>>, vector<16xf32>,
    %add3A_3347 = arith.constant 4 : i32
    %add3A_3348 = vector.broadcast %add3A_3347 : i32 to vector<16xi32>
    %add3A_3349 = arith.addi %mul3A_27, %add3A_3348 : vector<16xi32>
    %gather3A_3350 = tpu.vector_load_idx %arg11[%add3A_3349] : memref<48xf32, #tpu.memory_space<vmem>>[vector<16xi32>], vector<16xf32>,
    %swap3A_3351 = arith.constant 576 : index
    %swap3A_3352 = tpu.vector_load %arg12[%swap3A_3351] {strides = array<i32>} : memref<1024xf32, #tpu.memory_space<vmem>>, vector<16xf32>,
    tpu.vector_store %arg12[%swap3A_3351], %gather3A_3350 {strides = array<i32>} : memref<1024xf32, #tpu.memory_space<vmem>>, vector<16xf32>,
    %add3A_3353 = arith.constant 5 : i32
    %add3A_3354 = vector.broadcast %add3A_3353 : i32 to vector<16xi32>
    %add3A_3355 = arith.addi %mul3A_27, %add3A_3354 : vector<16xi32>
    %gather3A_3356 = tpu.vector_load_idx %arg11[%add3A_3355] : memref<48xf32, #tpu.memory_space<vmem>>[vector<16xi32>], vector<16xf32>,
    %swap3A_3357 = arith.constant 592 : index
    %swap3A_3358 = tpu.vector_load %arg12[%swap3A_3357] {strides = array<i32>} : memref<1024xf32, #tpu.memory_space<vmem>>, vector<16xf32>,
    tpu.vector_store %arg12[%swap3A_3357], %gather3A_3356 {strides = array<i32>} : memref<1024xf32, #tpu.memory_space<vmem>>, vector<16xf32>,
    %add3A_3359 = arith.constant 6 : i32
    %add3A_3360 = vector.broadcast %add3A_3359 : i32 to vector<16xi32>
    %add3A_3361 = arith.addi %mul3A_27, %add3A_3360 : vector<16xi32>
    %gather3A_3362 = tpu.vector_load_idx %arg11[%add3A_3361] : memref<48xf32, #tpu.memory_space<vmem>>[vector<16xi32>], vector<16xf32>,
    %swap3A_3363 = arith.constant 608 : index
    %swap3A_3364 = tpu.vector_load %arg12[%swap3A_3363] {strides = array<i32>} : memref<1024xf32, #tpu.memory_space<vmem>>, vector<16xf32>,
    tpu.vector_store %arg12[%swap3A_3363], %gather3A_3362 {strides = array<i32>} : memref<1024xf32, #tpu.memory_space<vmem>>, vector<16xf32>,
    %add3A_3365 = arith.constant 7 : i32
    %add3A_3366 = vector.broadcast %add3A_3365 : i32 to vector<16xi32>
    %add3A_3367 = arith.addi %mul3A_27, %add3A_3366 : vector<16xi32>
    %gather3A_3368 = tpu.vector_load_idx %arg11[%add3A_3367] : memref<48xf32, #tpu.memory_space<vmem>>[vector<16xi32>], vector<16xf32>,
    %swap3A_3369 = arith.constant 624 : index
    %swap3A_3370 = tpu.vector_load %arg12[%swap3A_3369] {strides = array<i32>} : memref<1024xf32, #tpu.memory_space<vmem>>, vector<16xf32>,
    tpu.vector_store %arg12[%swap3A_3369], %gather3A_3368 {strides = array<i32>} : memref<1024xf32, #tpu.memory_space<vmem>>, vector<16xf32>,
    %add3A_3371 = arith.constant 8 : i32
    %add3A_3372 = vector.broadcast %add3A_3371 : i32 to vector<16xi32>
    %add3A_3373 = arith.addi %mul3A_27, %add3A_3372 : vector<16xi32>
    %gather3A_3374 = tpu.vector_load_idx %arg11[%add3A_3373] : memref<48xf32, #tpu.memory_space<vmem>>[vector<16xi32>], vector<16xf32>,
    %swap3A_3375 = arith.constant 640 : index
    %swap3A_3376 = tpu.vector_load %arg12[%swap3A_3375] {strides = array<i32>} : memref<1024xf32, #tpu.memory_space<vmem>>, vector<16xf32>,
    tpu.vector_store %arg12[%swap3A_3375], %gather3A_3374 {strides = array<i32>} : memref<1024xf32, #tpu.memory_space<vmem>>, vector<16xf32>,
    %add3A_3377 = arith.constant 9 : i32
    %add3A_3378 = vector.broadcast %add3A_3377 : i32 to vector<16xi32>
    %add3A_3379 = arith.addi %mul3A_27, %add3A_3378 : vector<16xi32>
    %gather3A_3380 = tpu.vector_load_idx %arg11[%add3A_3379] : memref<48xf32, #tpu.memory_space<vmem>>[vector<16xi32>], vector<16xf32>,
    %swap3A_3381 = arith.constant 656 : index
    %swap3A_3382 = tpu.vector_load %arg12[%swap3A_3381] {strides = array<i32>} : memref<1024xf32, #tpu.memory_space<vmem>>, vector<16xf32>,
    tpu.vector_store %arg12[%swap3A_3381], %gather3A_3380 {strides = array<i32>} : memref<1024xf32, #tpu.memory_space<vmem>>, vector<16xf32>,
    %add3A_3383 = arith.constant 10 : i32
    %add3A_3384 = vector.broadcast %add3A_3383 : i32 to vector<16xi32>
    %add3A_3385 = arith.addi %mul3A_27, %add3A_3384 : vector<16xi32>
    %gather3A_3386 = tpu.vector_load_idx %arg11[%add3A_3385] : memref<48xf32, #tpu.memory_space<vmem>>[vector<16xi32>], vector<16xf32>,
    %swap3A_3387 = arith.constant 672 : index
    %swap3A_3388 = tpu.vector_load %arg12[%swap3A_3387] {strides = array<i32>} : memref<1024xf32, #tpu.memory_space<vmem>>, vector<16xf32>,
    tpu.vector_store %arg12[%swap3A_3387], %gather3A_3386 {strides = array<i32>} : memref<1024xf32, #tpu.memory_space<vmem>>, vector<16xf32>,
    %add3A_3389 = arith.constant 11 : i32
    %add3A_3390 = vector.broadcast %add3A_3389 : i32 to vector<16xi32>
    %add3A_3391 = arith.addi %mul3A_27, %add3A_3390 : vector<16xi32>
    %gather3A_3392 = tpu.vector_load_idx %arg11[%add3A_3391] : memref<48xf32, #tpu.memory_space<vmem>>[vector<16xi32>], vector<16xf32>,
    %swap3A_3393 = arith.constant 688 : index
    %swap3A_3394 = tpu.vector_load %arg12[%swap3A_3393] {strides = array<i32>} : memref<1024xf32, #tpu.memory_space<vmem>>, vector<16xf32>,
    tpu.vector_store %arg12[%swap3A_3393], %gather3A_3392 {strides = array<i32>} : memref<1024xf32, #tpu.memory_space<vmem>>, vector<16xf32>,
    %add3A_3395 = arith.constant 12 : i32
    %add3A_3396 = vector.broadcast %add3A_3395 : i32 to vector<16xi32>
    %add3A_3397 = arith.addi %mul3A_27, %add3A_3396 : vector<16xi32>
    %gather3A_3398 = tpu.vector_load_idx %arg11[%add3A_3397] : memref<48xf32, #tpu.memory_space<vmem>>[vector<16xi32>], vector<16xf32>,
    %swap3A_3399 = arith.constant 704 : index
    %swap3A_3400 = tpu.vector_load %arg12[%swap3A_3399] {strides = array<i32>} : memref<1024xf32, #tpu.memory_space<vmem>>, vector<16xf32>,
    tpu.vector_store %arg12[%swap3A_3399], %gather3A_3398 {strides = array<i32>} : memref<1024xf32, #tpu.memory_space<vmem>>, vector<16xf32>,
    %add3A_3401 = arith.constant 13 : i32
    %add3A_3402 = vector.broadcast %add3A_3401 : i32 to vector<16xi32>
    %add3A_3403 = arith.addi %mul3A_27, %add3A_3402 : vector<16xi32>
    %gather3A_3404 = tpu.vector_load_idx %arg11[%add3A_3403] : memref<48xf32, #tpu.memory_space<vmem>>[vector<16xi32>], vector<16xf32>,
    %swap3A_3405 = arith.constant 720 : index
    %swap3A_3406 = tpu.vector_load %arg12[%swap3A_3405] {strides = array<i32>} : memref<1024xf32, #tpu.memory_space<vmem>>, vector<16xf32>,
    tpu.vector_store %arg12[%swap3A_3405], %gather3A_3404 {strides = array<i32>} : memref<1024xf32, #tpu.memory_space<vmem>>, vector<16xf32>,
    %add3A_3407 = arith.constant 14 : i32
    %add3A_3408 = vector.broadcast %add3A_3407 : i32 to vector<16xi32>
    %add3A_3409 = arith.addi %mul3A_27, %add3A_3408 : vector<16xi32>
    %gather3A_3410 = tpu.vector_load_idx %arg11[%add3A_3409] : memref<48xf32, #tpu.memory_space<vmem>>[vector<16xi32>], vector<16xf32>,
    %swap3A_3411 = arith.constant 736 : index
    %swap3A_3412 = tpu.vector_load %arg12[%swap3A_3411] {strides = array<i32>} : memref<1024xf32, #tpu.memory_space<vmem>>, vector<16xf32>,
    tpu.vector_store %arg12[%swap3A_3411], %gather3A_3410 {strides = array<i32>} : memref<1024xf32, #tpu.memory_space<vmem>>, vector<16xf32>,
    %add3A_3413 = arith.constant 15 : i32
    %add3A_3414 = vector.broadcast %add3A_3413 : i32 to vector<16xi32>
    %add3A_3415 = arith.addi %mul3A_27, %add3A_3414 : vector<16xi32>
    %gather3A_3416 = tpu.vector_load_idx %arg11[%add3A_3415] : memref<48xf32, #tpu.memory_space<vmem>>[vector<16xi32>], vector<16xf32>,
    %swap3A_3417 = arith.constant 752 : index
    %swap3A_3418 = tpu.vector_load %arg12[%swap3A_3417] {strides = array<i32>} : memref<1024xf32, #tpu.memory_space<vmem>>, vector<16xf32>,
    tpu.vector_store %arg12[%swap3A_3417], %gather3A_3416 {strides = array<i32>} : memref<1024xf32, #tpu.memory_space<vmem>>, vector<16xf32>,
    %get3A_3419 = arith.constant 48 : index
    %get3A_3420 = tpu.vector_load %arg6[%get3A_3419] {strides = array<i32>} : memref<64xf32, #tpu.memory_space<vmem>>, vector<16xf32>,
    %get3A_3421 = arith.constant 48 : index
    %get3A_3422 = tpu.vector_load %arg7[%get3A_3421] {strides = array<i32>} : memref<64xf32, #tpu.memory_space<vmem>>, vector<16xf32>,
    %add3A_3423 = arith.constant -3.14159274 : f32
    %add3A_3424 = vector.broadcast %add3A_3423 : f32 to vector<16xf32>
    %add3A_3425 = arith.addf %get3A_3420, %add3A_3424 : vector<16xf32>
    %div3A_3426 = arith.constant 6.28318548 : f32
    %div3A_3427 = vector.broadcast %div3A_3426 : f32 to vector<16xf32>
    %div3A_3428 = arith.divf %add3A_3425, %div3A_3427 : vector<16xf32>
    %mul3A_3429 = arith.constant 8.000000e+00 : f32
    %mul3A_3430 = vector.broadcast %mul3A_3429 : f32 to vector<16xf32>
    %mul3A_3431 = arith.mulf %div3A_3428, %mul3A_3430 : vector<16xf32>
    %add3A_3432 = arith.constant -6.28318548 : f32
    %add3A_3433 = vector.broadcast %add3A_3432 : f32 to vector<16xf32>
    %add3A_3434 = arith.addf %get3A_3422, %add3A_3433 : vector<16xf32>
    %div3A_3435 = arith.constant 12.566371 : f32
    %div3A_3436 = vector.broadcast %div3A_3435 : f32 to vector<16xf32>
    %div3A_3437 = arith.divf %add3A_3434, %div3A_3436 : vector<16xf32>
    %mul3A_3438 = arith.constant 8.000000e+00 : f32
    %mul3A_3439 = vector.broadcast %mul3A_3438 : f32 to vector<16xf32>
    %mul3A_3440 = arith.mulf %div3A_3437, %mul3A_3439 : vector<16xf32>
    %mul3A_3441 = arith.constant 3.200000e+01 : f32
    %mul3A_3442 = vector.broadcast %mul3A_3441 : f32 to vector<16xf32>
    %mul3A_3443 = arith.mulf %mul3A_3431, %mul3A_3442 : vector<16xf32>
    %convert_element_type3A_3444 = arith.fptosi %mul3A_3443 : vector<16xf32> to vector<16xi32>
    %convert_element_type3A_3445 = arith.sitofp %convert_element_type3A_3444 : vector<16xi32> to vector<16xf32>
    %gt3A_3446 = arith.cmpf ogt, %convert_element_type3A_3445, %mul3A_3443 : vector<16xf32>
    %sub3A_3447 = arith.constant 1 : i32
    %sub3A_3448 = vector.broadcast %sub3A_3447 : i32 to vector<16xi32>
    %sub3A_3449 = arith.subi %convert_element_type3A_3444, %sub3A_3448 : vector<16xi32>
    %select_n3A_3450 = arith.select %gt3A_3446, %sub3A_3449, %convert_element_type3A_3444 : vector<16xi1>, vector<16xi32>
    %mul3A_3451 = arith.constant 3.200000e+01 : f32
    %mul3A_3452 = vector.broadcast %mul3A_3451 : f32 to vector<16xf32>
    %mul3A_3453 = arith.mulf %mul3A_3440, %mul3A_3452 : vector<16xf32>
    %convert_element_type3A_3454 = arith.fptosi %mul3A_3453 : vector<16xf32> to vector<16xi32>
    %convert_element_type3A_3455 = arith.sitofp %convert_element_type3A_3454 : vector<16xi32> to vector<16xf32>
    %gt3A_3456 = arith.cmpf ogt, %convert_element_type3A_3455, %mul3A_3453 : vector<16xf32>
    %sub3A_3457 = arith.constant 1 : i32
    %sub3A_3458 = vector.broadcast %sub3A_3457 : i32 to vector<16xi32>
    %sub3A_3459 = arith.subi %convert_element_type3A_3454, %sub3A_3458 : vector<16xi32>
    %select_n3A_3460 = arith.select %gt3A_3456, %sub3A_3459, %convert_element_type3A_3454 : vector<16xi1>, vector<16xi32>
    %add3A_3461 = arith.constant 0 : i32
    %add3A_3462 = vector.broadcast %add3A_3461 : i32 to vector<16xi32>
    %add3A_3463 = arith.addi %select_n3A_3450, %add3A_3462 : vector<16xi32>
    %shift_right_arithmetic3A_3464 = arith.constant 1 : i32
    %shift_right_arithmetic3A_3465 = vector.broadcast %shift_right_arithmetic3A_3464 : i32 to vector<16xi32>
    %shift_right_arithmetic3A_3466 = arith.shrsi %add3A_3463, %shift_right_arithmetic3A_3465 : vector<16xi32>
    %and3A_3467 = arith.constant 112 : i32
    %and3A_3468 = vector.broadcast %and3A_3467 : i32 to vector<16xi32>
    %and3A_3469 = arith.andi %shift_right_arithmetic3A_3466, %and3A_3468 : vector<16xi32>
    %add3A_3470 = arith.constant 0 : i32
    %add3A_3471 = vector.broadcast %add3A_3470 : i32 to vector<16xi32>
    %add3A_3472 = arith.addi %select_n3A_3460, %add3A_3471 : vector<16xi32>
    %shift_right_arithmetic3A_3473 = arith.constant 5 : i32
    %shift_right_arithmetic3A_3474 = vector.broadcast %shift_right_arithmetic3A_3473 : i32 to vector<16xi32>
    %shift_right_arithmetic3A_3475 = arith.shrsi %add3A_3472, %shift_right_arithmetic3A_3474 : vector<16xi32>
    %add3A_3476 = arith.constant 8 : i32
    %add3A_3477 = vector.broadcast %add3A_3476 : i32 to vector<16xi32>
    %add3A_3478 = arith.addi %add3A_3477, %and3A_3469 : vector<16xi32>
    %add3A_3479 = arith.addi %add3A_3478, %shift_right_arithmetic3A_3475 : vector<16xi32>
    %gather3A_3480 = tpu.vector_load_idx %arg10[%add3A_3479] : memref<12288xf32, #tpu.memory_space<vmem>>[vector<16xi32>], vector<16xf32>,
    %add3A_3481 = arith.constant 4096 : i32
    %add3A_3482 = vector.broadcast %add3A_3481 : i32 to vector<16xi32>
    %add3A_3483 = arith.addi %add3A_3479, %add3A_3482 : vector<16xi32>
    %gather3A_3484 = tpu.vector_load_idx %arg10[%add3A_3483] : memref<12288xf32, #tpu.memory_space<vmem>>[vector<16xi32>], vector<16xf32>,
    %add3A_3485 = arith.constant 8192 : i32
    %add3A_3486 = vector.broadcast %add3A_3485 : i32 to vector<16xi32>
    %add3A_3487 = arith.addi %add3A_3479, %add3A_3486 : vector<16xi32>
    %gather3A_3488 = tpu.vector_load_idx %arg10[%add3A_3487] : memref<12288xf32, #tpu.memory_space<vmem>>[vector<16xi32>], vector<16xf32>,
    %add3A_3489 = arith.constant 1 : i32
    %add3A_3490 = vector.broadcast %add3A_3489 : i32 to vector<16xi32>
    %add3A_3491 = arith.addi %select_n3A_3450, %add3A_3490 : vector<16xi32>
    %shift_right_arithmetic3A_3492 = arith.constant 1 : i32
    %shift_right_arithmetic3A_3493 = vector.broadcast %shift_right_arithmetic3A_3492 : i32 to vector<16xi32>
    %shift_right_arithmetic3A_3494 = arith.shrsi %add3A_3491, %shift_right_arithmetic3A_3493 : vector<16xi32>
    %and3A_3495 = arith.constant 112 : i32
    %and3A_3496 = vector.broadcast %and3A_3495 : i32 to vector<16xi32>
    %and3A_3497 = arith.andi %shift_right_arithmetic3A_3494, %and3A_3496 : vector<16xi32>
    %add3A_3498 = arith.constant 3 : i32
    %add3A_3499 = vector.broadcast %add3A_3498 : i32 to vector<16xi32>
    %add3A_3500 = arith.addi %select_n3A_3460, %add3A_3499 : vector<16xi32>
    %shift_right_arithmetic3A_3501 = arith.constant 5 : i32
    %shift_right_arithmetic3A_3502 = vector.broadcast %shift_right_arithmetic3A_3501 : i32 to vector<16xi32>
    %shift_right_arithmetic3A_3503 = arith.shrsi %add3A_3500, %shift_right_arithmetic3A_3502 : vector<16xi32>
    %add3A_3504 = arith.constant 136 : i32
    %add3A_3505 = vector.broadcast %add3A_3504 : i32 to vector<16xi32>
    %add3A_3506 = arith.addi %add3A_3505, %and3A_3497 : vector<16xi32>
    %add3A_3507 = arith.addi %add3A_3506, %shift_right_arithmetic3A_3503 : vector<16xi32>
    %gather3A_3508 = tpu.vector_load_idx %arg10[%add3A_3507] : memref<12288xf32, #tpu.memory_space<vmem>>[vector<16xi32>], vector<16xf32>,
    %add3A_3509 = arith.constant 4096 : i32
    %add3A_3510 = vector.broadcast %add3A_3509 : i32 to vector<16xi32>
    %add3A_3511 = arith.addi %add3A_3507, %add3A_3510 : vector<16xi32>
    %gather3A_3512 = tpu.vector_load_idx %arg10[%add3A_3511] : memref<12288xf32, #tpu.memory_space<vmem>>[vector<16xi32>], vector<16xf32>,
    %add3A_3513 = arith.constant 8192 : i32
    %add3A_3514 = vector.broadcast %add3A_3513 : i32 to vector<16xi32>
    %add3A_3515 = arith.addi %add3A_3507, %add3A_3514 : vector<16xi32>
    %gather3A_3516 = tpu.vector_load_idx %arg10[%add3A_3515] : memref<12288xf32, #tpu.memory_space<vmem>>[vector<16xi32>], vector<16xf32>,
    %add3A_3517 = arith.addf %gather3A_3480, %gather3A_3508 : vector<16xf32>
    %add3A_3518 = arith.addf %gather3A_3484, %gather3A_3512 : vector<16xf32>
    %add3A_3519 = arith.addf %gather3A_3488, %gather3A_3516 : vector<16xf32>
    %add3A_3520 = arith.constant 2 : i32
    %add3A_3521 = vector.broadcast %add3A_3520 : i32 to vector<16xi32>
    %add3A_3522 = arith.addi %select_n3A_3450, %add3A_3521 : vector<16xi32>
    %shift_right_arithmetic3A_3523 = arith.constant 1 : i32
    %shift_right_arithmetic3A_3524 = vector.broadcast %shift_right_arithmetic3A_3523 : i32 to vector<16xi32>
    %shift_right_arithmetic3A_3525 = arith.shrsi %add3A_3522, %shift_right_arithmetic3A_3524 : vector<16xi32>
    %and3A_3526 = arith.constant 112 : i32
    %and3A_3527 = vector.broadcast %and3A_3526 : i32 to vector<16xi32>
    %and3A_3528 = arith.andi %shift_right_arithmetic3A_3525, %and3A_3527 : vector<16xi32>
    %add3A_3529 = arith.constant 6 : i32
    %add3A_3530 = vector.broadcast %add3A_3529 : i32 to vector<16xi32>
    %add3A_3531 = arith.addi %select_n3A_3460, %add3A_3530 : vector<16xi32>
    %shift_right_arithmetic3A_3532 = arith.constant 5 : i32
    %shift_right_arithmetic3A_3533 = vector.broadcast %shift_right_arithmetic3A_3532 : i32 to vector<16xi32>
    %shift_right_arithmetic3A_3534 = arith.shrsi %add3A_3531, %shift_right_arithmetic3A_3533 : vector<16xi32>
    %add3A_3535 = arith.constant 264 : i32
    %add3A_3536 = vector.broadcast %add3A_3535 : i32 to vector<16xi32>
    %add3A_3537 = arith.addi %add3A_3536, %and3A_3528 : vector<16xi32>
    %add3A_3538 = arith.addi %add3A_3537, %shift_right_arithmetic3A_3534 : vector<16xi32>
    %gather3A_3539 = tpu.vector_load_idx %arg10[%add3A_3538] : memref<12288xf32, #tpu.memory_space<vmem>>[vector<16xi32>], vector<16xf32>,
    %add3A_3540 = arith.constant 4096 : i32
    %add3A_3541 = vector.broadcast %add3A_3540 : i32 to vector<16xi32>
    %add3A_3542 = arith.addi %add3A_3538, %add3A_3541 : vector<16xi32>
    %gather3A_3543 = tpu.vector_load_idx %arg10[%add3A_3542] : memref<12288xf32, #tpu.memory_space<vmem>>[vector<16xi32>], vector<16xf32>,
    %add3A_3544 = arith.constant 8192 : i32
    %add3A_3545 = vector.broadcast %add3A_3544 : i32 to vector<16xi32>
    %add3A_3546 = arith.addi %add3A_3538, %add3A_3545 : vector<16xi32>
    %gather3A_3547 = tpu.vector_load_idx %arg10[%add3A_3546] : memref<12288xf32, #tpu.memory_space<vmem>>[vector<16xi32>], vector<16xf32>,
    %add3A_3548 = arith.addf %add3A_3517, %gather3A_3539 : vector<16xf32>
    %add3A_3549 = arith.addf %add3A_3518, %gather3A_3543 : vector<16xf32>
    %add3A_3550 = arith.addf %add3A_3519, %gather3A_3547 : vector<16xf32>
    %add3A_3551 = arith.constant 3 : i32
    %add3A_3552 = vector.broadcast %add3A_3551 : i32 to vector<16xi32>
    %add3A_3553 = arith.addi %select_n3A_3450, %add3A_3552 : vector<16xi32>
    %shift_right_arithmetic3A_3554 = arith.constant 1 : i32
    %shift_right_arithmetic3A_3555 = vector.broadcast %shift_right_arithmetic3A_3554 : i32 to vector<16xi32>
    %shift_right_arithmetic3A_3556 = arith.shrsi %add3A_3553, %shift_right_arithmetic3A_3555 : vector<16xi32>
    %and3A_3557 = arith.constant 112 : i32
    %and3A_3558 = vector.broadcast %and3A_3557 : i32 to vector<16xi32>
    %and3A_3559 = arith.andi %shift_right_arithmetic3A_3556, %and3A_3558 : vector<16xi32>
    %add3A_3560 = arith.constant 9 : i32
    %add3A_3561 = vector.broadcast %add3A_3560 : i32 to vector<16xi32>
    %add3A_3562 = arith.addi %select_n3A_3460, %add3A_3561 : vector<16xi32>
    %shift_right_arithmetic3A_3563 = arith.constant 5 : i32
    %shift_right_arithmetic3A_3564 = vector.broadcast %shift_right_arithmetic3A_3563 : i32 to vector<16xi32>
    %shift_right_arithmetic3A_3565 = arith.shrsi %add3A_3562, %shift_right_arithmetic3A_3564 : vector<16xi32>
    %add3A_3566 = arith.constant 392 : i32
    %add3A_3567 = vector.broadcast %add3A_3566 : i32 to vector<16xi32>
    %add3A_3568 = arith.addi %add3A_3567, %and3A_3559 : vector<16xi32>
    %add3A_3569 = arith.addi %add3A_3568, %shift_right_arithmetic3A_3565 : vector<16xi32>
    %gather3A_3570 = tpu.vector_load_idx %arg10[%add3A_3569] : memref<12288xf32, #tpu.memory_space<vmem>>[vector<16xi32>], vector<16xf32>,
    %add3A_3571 = arith.constant 4096 : i32
    %add3A_3572 = vector.broadcast %add3A_3571 : i32 to vector<16xi32>
    %add3A_3573 = arith.addi %add3A_3569, %add3A_3572 : vector<16xi32>
    %gather3A_3574 = tpu.vector_load_idx %arg10[%add3A_3573] : memref<12288xf32, #tpu.memory_space<vmem>>[vector<16xi32>], vector<16xf32>,
    %add3A_3575 = arith.constant 8192 : i32
    %add3A_3576 = vector.broadcast %add3A_3575 : i32 to vector<16xi32>
    %add3A_3577 = arith.addi %add3A_3569, %add3A_3576 : vector<16xi32>
    %gather3A_3578 = tpu.vector_load_idx %arg10[%add3A_3577] : memref<12288xf32, #tpu.memory_space<vmem>>[vector<16xi32>], vector<16xf32>,
    %add3A_3579 = arith.addf %add3A_3548, %gather3A_3570 : vector<16xf32>
    %add3A_3580 = arith.addf %add3A_3549, %gather3A_3574 : vector<16xf32>
    %add3A_3581 = arith.addf %add3A_3550, %gather3A_3578 : vector<16xf32>
    %add3A_3582 = arith.constant 4 : i32
    %add3A_3583 = vector.broadcast %add3A_3582 : i32 to vector<16xi32>
    %add3A_3584 = arith.addi %select_n3A_3450, %add3A_3583 : vector<16xi32>
    %shift_right_arithmetic3A_3585 = arith.constant 1 : i32
    %shift_right_arithmetic3A_3586 = vector.broadcast %shift_right_arithmetic3A_3585 : i32 to vector<16xi32>
    %shift_right_arithmetic3A_3587 = arith.shrsi %add3A_3584, %shift_right_arithmetic3A_3586 : vector<16xi32>
    %and3A_3588 = arith.constant 112 : i32
    %and3A_3589 = vector.broadcast %and3A_3588 : i32 to vector<16xi32>
    %and3A_3590 = arith.andi %shift_right_arithmetic3A_3587, %and3A_3589 : vector<16xi32>
    %add3A_3591 = arith.constant 12 : i32
    %add3A_3592 = vector.broadcast %add3A_3591 : i32 to vector<16xi32>
    %add3A_3593 = arith.addi %select_n3A_3460, %add3A_3592 : vector<16xi32>
    %shift_right_arithmetic3A_3594 = arith.constant 5 : i32
    %shift_right_arithmetic3A_3595 = vector.broadcast %shift_right_arithmetic3A_3594 : i32 to vector<16xi32>
    %shift_right_arithmetic3A_3596 = arith.shrsi %add3A_3593, %shift_right_arithmetic3A_3595 : vector<16xi32>
    %add3A_3597 = arith.constant 520 : i32
    %add3A_3598 = vector.broadcast %add3A_3597 : i32 to vector<16xi32>
    %add3A_3599 = arith.addi %add3A_3598, %and3A_3590 : vector<16xi32>
    %add3A_3600 = arith.addi %add3A_3599, %shift_right_arithmetic3A_3596 : vector<16xi32>
    %gather3A_3601 = tpu.vector_load_idx %arg10[%add3A_3600] : memref<12288xf32, #tpu.memory_space<vmem>>[vector<16xi32>], vector<16xf32>,
    %add3A_3602 = arith.constant 4096 : i32
    %add3A_3603 = vector.broadcast %add3A_3602 : i32 to vector<16xi32>
    %add3A_3604 = arith.addi %add3A_3600, %add3A_3603 : vector<16xi32>
    %gather3A_3605 = tpu.vector_load_idx %arg10[%add3A_3604] : memref<12288xf32, #tpu.memory_space<vmem>>[vector<16xi32>], vector<16xf32>,
    %add3A_3606 = arith.constant 8192 : i32
    %add3A_3607 = vector.broadcast %add3A_3606 : i32 to vector<16xi32>
    %add3A_3608 = arith.addi %add3A_3600, %add3A_3607 : vector<16xi32>
    %gather3A_3609 = tpu.vector_load_idx %arg10[%add3A_3608] : memref<12288xf32, #tpu.memory_space<vmem>>[vector<16xi32>], vector<16xf32>,
    %add3A_3610 = arith.addf %add3A_3579, %gather3A_3601 : vector<16xf32>
    %add3A_3611 = arith.addf %add3A_3580, %gather3A_3605 : vector<16xf32>
    %add3A_3612 = arith.addf %add3A_3581, %gather3A_3609 : vector<16xf32>
    %add3A_3613 = arith.constant 5 : i32
    %add3A_3614 = vector.broadcast %add3A_3613 : i32 to vector<16xi32>
    %add3A_3615 = arith.addi %select_n3A_3450, %add3A_3614 : vector<16xi32>
    %shift_right_arithmetic3A_3616 = arith.constant 1 : i32
    %shift_right_arithmetic3A_3617 = vector.broadcast %shift_right_arithmetic3A_3616 : i32 to vector<16xi32>
    %shift_right_arithmetic3A_3618 = arith.shrsi %add3A_3615, %shift_right_arithmetic3A_3617 : vector<16xi32>
    %and3A_3619 = arith.constant 112 : i32
    %and3A_3620 = vector.broadcast %and3A_3619 : i32 to vector<16xi32>
    %and3A_3621 = arith.andi %shift_right_arithmetic3A_3618, %and3A_3620 : vector<16xi32>
    %add3A_3622 = arith.constant 15 : i32
    %add3A_3623 = vector.broadcast %add3A_3622 : i32 to vector<16xi32>
    %add3A_3624 = arith.addi %select_n3A_3460, %add3A_3623 : vector<16xi32>
    %shift_right_arithmetic3A_3625 = arith.constant 5 : i32
    %shift_right_arithmetic3A_3626 = vector.broadcast %shift_right_arithmetic3A_3625 : i32 to vector<16xi32>
    %shift_right_arithmetic3A_3627 = arith.shrsi %add3A_3624, %shift_right_arithmetic3A_3626 : vector<16xi32>
    %add3A_3628 = arith.constant 648 : i32
    %add3A_3629 = vector.broadcast %add3A_3628 : i32 to vector<16xi32>
    %add3A_3630 = arith.addi %add3A_3629, %and3A_3621 : vector<16xi32>
    %add3A_3631 = arith.addi %add3A_3630, %shift_right_arithmetic3A_3627 : vector<16xi32>
    %gather3A_3632 = tpu.vector_load_idx %arg10[%add3A_3631] : memref<12288xf32, #tpu.memory_space<vmem>>[vector<16xi32>], vector<16xf32>,
    %add3A_3633 = arith.constant 4096 : i32
    %add3A_3634 = vector.broadcast %add3A_3633 : i32 to vector<16xi32>
    %add3A_3635 = arith.addi %add3A_3631, %add3A_3634 : vector<16xi32>
    %gather3A_3636 = tpu.vector_load_idx %arg10[%add3A_3635] : memref<12288xf32, #tpu.memory_space<vmem>>[vector<16xi32>], vector<16xf32>,
    %add3A_3637 = arith.constant 8192 : i32
    %add3A_3638 = vector.broadcast %add3A_3637 : i32 to vector<16xi32>
    %add3A_3639 = arith.addi %add3A_3631, %add3A_3638 : vector<16xi32>
    %gather3A_3640 = tpu.vector_load_idx %arg10[%add3A_3639] : memref<12288xf32, #tpu.memory_space<vmem>>[vector<16xi32>], vector<16xf32>,
    %add3A_3641 = arith.addf %add3A_3610, %gather3A_3632 : vector<16xf32>
    %add3A_3642 = arith.addf %add3A_3611, %gather3A_3636 : vector<16xf32>
    %add3A_3643 = arith.addf %add3A_3612, %gather3A_3640 : vector<16xf32>
    %add3A_3644 = arith.constant 6 : i32
    %add3A_3645 = vector.broadcast %add3A_3644 : i32 to vector<16xi32>
    %add3A_3646 = arith.addi %select_n3A_3450, %add3A_3645 : vector<16xi32>
    %shift_right_arithmetic3A_3647 = arith.constant 1 : i32
    %shift_right_arithmetic3A_3648 = vector.broadcast %shift_right_arithmetic3A_3647 : i32 to vector<16xi32>
    %shift_right_arithmetic3A_3649 = arith.shrsi %add3A_3646, %shift_right_arithmetic3A_3648 : vector<16xi32>
    %and3A_3650 = arith.constant 112 : i32
    %and3A_3651 = vector.broadcast %and3A_3650 : i32 to vector<16xi32>
    %and3A_3652 = arith.andi %shift_right_arithmetic3A_3649, %and3A_3651 : vector<16xi32>
    %add3A_3653 = arith.constant 18 : i32
    %add3A_3654 = vector.broadcast %add3A_3653 : i32 to vector<16xi32>
    %add3A_3655 = arith.addi %select_n3A_3460, %add3A_3654 : vector<16xi32>
    %shift_right_arithmetic3A_3656 = arith.constant 5 : i32
    %shift_right_arithmetic3A_3657 = vector.broadcast %shift_right_arithmetic3A_3656 : i32 to vector<16xi32>
    %shift_right_arithmetic3A_3658 = arith.shrsi %add3A_3655, %shift_right_arithmetic3A_3657 : vector<16xi32>
    %add3A_3659 = arith.constant 776 : i32
    %add3A_3660 = vector.broadcast %add3A_3659 : i32 to vector<16xi32>
    %add3A_3661 = arith.addi %add3A_3660, %and3A_3652 : vector<16xi32>
    %add3A_3662 = arith.addi %add3A_3661, %shift_right_arithmetic3A_3658 : vector<16xi32>
    %gather3A_3663 = tpu.vector_load_idx %arg10[%add3A_3662] : memref<12288xf32, #tpu.memory_space<vmem>>[vector<16xi32>], vector<16xf32>,
    %add3A_3664 = arith.constant 4096 : i32
    %add3A_3665 = vector.broadcast %add3A_3664 : i32 to vector<16xi32>
    %add3A_3666 = arith.addi %add3A_3662, %add3A_3665 : vector<16xi32>
    %gather3A_3667 = tpu.vector_load_idx %arg10[%add3A_3666] : memref<12288xf32, #tpu.memory_space<vmem>>[vector<16xi32>], vector<16xf32>,
    %add3A_3668 = arith.constant 8192 : i32
    %add3A_3669 = vector.broadcast %add3A_3668 : i32 to vector<16xi32>
    %add3A_3670 = arith.addi %add3A_3662, %add3A_3669 : vector<16xi32>
    %gather3A_3671 = tpu.vector_load_idx %arg10[%add3A_3670] : memref<12288xf32, #tpu.memory_space<vmem>>[vector<16xi32>], vector<16xf32>,
    %add3A_3672 = arith.addf %add3A_3641, %gather3A_3663 : vector<16xf32>
    %add3A_3673 = arith.addf %add3A_3642, %gather3A_3667 : vector<16xf32>
    %add3A_3674 = arith.addf %add3A_3643, %gather3A_3671 : vector<16xf32>
    %add3A_3675 = arith.constant 7 : i32
    %add3A_3676 = vector.broadcast %add3A_3675 : i32 to vector<16xi32>
    %add3A_3677 = arith.addi %select_n3A_3450, %add3A_3676 : vector<16xi32>
    %shift_right_arithmetic3A_3678 = arith.constant 1 : i32
    %shift_right_arithmetic3A_3679 = vector.broadcast %shift_right_arithmetic3A_3678 : i32 to vector<16xi32>
    %shift_right_arithmetic3A_3680 = arith.shrsi %add3A_3677, %shift_right_arithmetic3A_3679 : vector<16xi32>
    %and3A_3681 = arith.constant 112 : i32
    %and3A_3682 = vector.broadcast %and3A_3681 : i32 to vector<16xi32>
    %and3A_3683 = arith.andi %shift_right_arithmetic3A_3680, %and3A_3682 : vector<16xi32>
    %add3A_3684 = arith.constant 21 : i32
    %add3A_3685 = vector.broadcast %add3A_3684 : i32 to vector<16xi32>
    %add3A_3686 = arith.addi %select_n3A_3460, %add3A_3685 : vector<16xi32>
    %shift_right_arithmetic3A_3687 = arith.constant 5 : i32
    %shift_right_arithmetic3A_3688 = vector.broadcast %shift_right_arithmetic3A_3687 : i32 to vector<16xi32>
    %shift_right_arithmetic3A_3689 = arith.shrsi %add3A_3686, %shift_right_arithmetic3A_3688 : vector<16xi32>
    %add3A_3690 = arith.constant 904 : i32
    %add3A_3691 = vector.broadcast %add3A_3690 : i32 to vector<16xi32>
    %add3A_3692 = arith.addi %add3A_3691, %and3A_3683 : vector<16xi32>
    %add3A_3693 = arith.addi %add3A_3692, %shift_right_arithmetic3A_3689 : vector<16xi32>
    %gather3A_3694 = tpu.vector_load_idx %arg10[%add3A_3693] : memref<12288xf32, #tpu.memory_space<vmem>>[vector<16xi32>], vector<16xf32>,
    %add3A_3695 = arith.constant 4096 : i32
    %add3A_3696 = vector.broadcast %add3A_3695 : i32 to vector<16xi32>
    %add3A_3697 = arith.addi %add3A_3693, %add3A_3696 : vector<16xi32>
    %gather3A_3698 = tpu.vector_load_idx %arg10[%add3A_3697] : memref<12288xf32, #tpu.memory_space<vmem>>[vector<16xi32>], vector<16xf32>,
    %add3A_3699 = arith.constant 8192 : i32
    %add3A_3700 = vector.broadcast %add3A_3699 : i32 to vector<16xi32>
    %add3A_3701 = arith.addi %add3A_3693, %add3A_3700 : vector<16xi32>
    %gather3A_3702 = tpu.vector_load_idx %arg10[%add3A_3701] : memref<12288xf32, #tpu.memory_space<vmem>>[vector<16xi32>], vector<16xf32>,
    %add3A_3703 = arith.addf %add3A_3672, %gather3A_3694 : vector<16xf32>
    %add3A_3704 = arith.addf %add3A_3673, %gather3A_3698 : vector<16xf32>
    %add3A_3705 = arith.addf %add3A_3674, %gather3A_3702 : vector<16xf32>
    %add3A_3706 = arith.constant 8 : i32
    %add3A_3707 = vector.broadcast %add3A_3706 : i32 to vector<16xi32>
    %add3A_3708 = arith.addi %select_n3A_3450, %add3A_3707 : vector<16xi32>
    %shift_right_arithmetic3A_3709 = arith.constant 1 : i32
    %shift_right_arithmetic3A_3710 = vector.broadcast %shift_right_arithmetic3A_3709 : i32 to vector<16xi32>
    %shift_right_arithmetic3A_3711 = arith.shrsi %add3A_3708, %shift_right_arithmetic3A_3710 : vector<16xi32>
    %and3A_3712 = arith.constant 112 : i32
    %and3A_3713 = vector.broadcast %and3A_3712 : i32 to vector<16xi32>
    %and3A_3714 = arith.andi %shift_right_arithmetic3A_3711, %and3A_3713 : vector<16xi32>
    %add3A_3715 = arith.constant 24 : i32
    %add3A_3716 = vector.broadcast %add3A_3715 : i32 to vector<16xi32>
    %add3A_3717 = arith.addi %select_n3A_3460, %add3A_3716 : vector<16xi32>
    %shift_right_arithmetic3A_3718 = arith.constant 5 : i32
    %shift_right_arithmetic3A_3719 = vector.broadcast %shift_right_arithmetic3A_3718 : i32 to vector<16xi32>
    %shift_right_arithmetic3A_3720 = arith.shrsi %add3A_3717, %shift_right_arithmetic3A_3719 : vector<16xi32>
    %add3A_3721 = arith.constant 1032 : i32
    %add3A_3722 = vector.broadcast %add3A_3721 : i32 to vector<16xi32>
    %add3A_3723 = arith.addi %add3A_3722, %and3A_3714 : vector<16xi32>
    %add3A_3724 = arith.addi %add3A_3723, %shift_right_arithmetic3A_3720 : vector<16xi32>
    %gather3A_3725 = tpu.vector_load_idx %arg10[%add3A_3724] : memref<12288xf32, #tpu.memory_space<vmem>>[vector<16xi32>], vector<16xf32>,
    %add3A_3726 = arith.constant 4096 : i32
    %add3A_3727 = vector.broadcast %add3A_3726 : i32 to vector<16xi32>
    %add3A_3728 = arith.addi %add3A_3724, %add3A_3727 : vector<16xi32>
    %gather3A_3729 = tpu.vector_load_idx %arg10[%add3A_3728] : memref<12288xf32, #tpu.memory_space<vmem>>[vector<16xi32>], vector<16xf32>,
    %add3A_3730 = arith.constant 8192 : i32
    %add3A_3731 = vector.broadcast %add3A_3730 : i32 to vector<16xi32>
    %add3A_3732 = arith.addi %add3A_3724, %add3A_3731 : vector<16xi32>
    %gather3A_3733 = tpu.vector_load_idx %arg10[%add3A_3732] : memref<12288xf32, #tpu.memory_space<vmem>>[vector<16xi32>], vector<16xf32>,
    %add3A_3734 = arith.addf %add3A_3703, %gather3A_3725 : vector<16xf32>
    %add3A_3735 = arith.addf %add3A_3704, %gather3A_3729 : vector<16xf32>
    %add3A_3736 = arith.addf %add3A_3705, %gather3A_3733 : vector<16xf32>
    %add3A_3737 = arith.constant 9 : i32
    %add3A_3738 = vector.broadcast %add3A_3737 : i32 to vector<16xi32>
    %add3A_3739 = arith.addi %select_n3A_3450, %add3A_3738 : vector<16xi32>
    %shift_right_arithmetic3A_3740 = arith.constant 1 : i32
    %shift_right_arithmetic3A_3741 = vector.broadcast %shift_right_arithmetic3A_3740 : i32 to vector<16xi32>
    %shift_right_arithmetic3A_3742 = arith.shrsi %add3A_3739, %shift_right_arithmetic3A_3741 : vector<16xi32>
    %and3A_3743 = arith.constant 112 : i32
    %and3A_3744 = vector.broadcast %and3A_3743 : i32 to vector<16xi32>
    %and3A_3745 = arith.andi %shift_right_arithmetic3A_3742, %and3A_3744 : vector<16xi32>
    %add3A_3746 = arith.constant 27 : i32
    %add3A_3747 = vector.broadcast %add3A_3746 : i32 to vector<16xi32>
    %add3A_3748 = arith.addi %select_n3A_3460, %add3A_3747 : vector<16xi32>
    %shift_right_arithmetic3A_3749 = arith.constant 5 : i32
    %shift_right_arithmetic3A_3750 = vector.broadcast %shift_right_arithmetic3A_3749 : i32 to vector<16xi32>
    %shift_right_arithmetic3A_3751 = arith.shrsi %add3A_3748, %shift_right_arithmetic3A_3750 : vector<16xi32>
    %add3A_3752 = arith.constant 1160 : i32
    %add3A_3753 = vector.broadcast %add3A_3752 : i32 to vector<16xi32>
    %add3A_3754 = arith.addi %add3A_3753, %and3A_3745 : vector<16xi32>
    %add3A_3755 = arith.addi %add3A_3754, %shift_right_arithmetic3A_3751 : vector<16xi32>
    %gather3A_3756 = tpu.vector_load_idx %arg10[%add3A_3755] : memref<12288xf32, #tpu.memory_space<vmem>>[vector<16xi32>], vector<16xf32>,
    %add3A_3757 = arith.constant 4096 : i32
    %add3A_3758 = vector.broadcast %add3A_3757 : i32 to vector<16xi32>
    %add3A_3759 = arith.addi %add3A_3755, %add3A_3758 : vector<16xi32>
    %gather3A_3760 = tpu.vector_load_idx %arg10[%add3A_3759] : memref<12288xf32, #tpu.memory_space<vmem>>[vector<16xi32>], vector<16xf32>,
    %add3A_3761 = arith.constant 8192 : i32
    %add3A_3762 = vector.broadcast %add3A_3761 : i32 to vector<16xi32>
    %add3A_3763 = arith.addi %add3A_3755, %add3A_3762 : vector<16xi32>
    %gather3A_3764 = tpu.vector_load_idx %arg10[%add3A_3763] : memref<12288xf32, #tpu.memory_space<vmem>>[vector<16xi32>], vector<16xf32>,
    %add3A_3765 = arith.addf %add3A_3734, %gather3A_3756 : vector<16xf32>
    %add3A_3766 = arith.addf %add3A_3735, %gather3A_3760 : vector<16xf32>
    %add3A_3767 = arith.addf %add3A_3736, %gather3A_3764 : vector<16xf32>
    %add3A_3768 = arith.constant 10 : i32
    %add3A_3769 = vector.broadcast %add3A_3768 : i32 to vector<16xi32>
    %add3A_3770 = arith.addi %select_n3A_3450, %add3A_3769 : vector<16xi32>
    %shift_right_arithmetic3A_3771 = arith.constant 1 : i32
    %shift_right_arithmetic3A_3772 = vector.broadcast %shift_right_arithmetic3A_3771 : i32 to vector<16xi32>
    %shift_right_arithmetic3A_3773 = arith.shrsi %add3A_3770, %shift_right_arithmetic3A_3772 : vector<16xi32>
    %and3A_3774 = arith.constant 112 : i32
    %and3A_3775 = vector.broadcast %and3A_3774 : i32 to vector<16xi32>
    %and3A_3776 = arith.andi %shift_right_arithmetic3A_3773, %and3A_3775 : vector<16xi32>
    %add3A_3777 = arith.constant 30 : i32
    %add3A_3778 = vector.broadcast %add3A_3777 : i32 to vector<16xi32>
    %add3A_3779 = arith.addi %select_n3A_3460, %add3A_3778 : vector<16xi32>
    %shift_right_arithmetic3A_3780 = arith.constant 5 : i32
    %shift_right_arithmetic3A_3781 = vector.broadcast %shift_right_arithmetic3A_3780 : i32 to vector<16xi32>
    %shift_right_arithmetic3A_3782 = arith.shrsi %add3A_3779, %shift_right_arithmetic3A_3781 : vector<16xi32>
    %add3A_3783 = arith.constant 1288 : i32
    %add3A_3784 = vector.broadcast %add3A_3783 : i32 to vector<16xi32>
    %add3A_3785 = arith.addi %add3A_3784, %and3A_3776 : vector<16xi32>
    %add3A_3786 = arith.addi %add3A_3785, %shift_right_arithmetic3A_3782 : vector<16xi32>
    %gather3A_3787 = tpu.vector_load_idx %arg10[%add3A_3786] : memref<12288xf32, #tpu.memory_space<vmem>>[vector<16xi32>], vector<16xf32>,
    %add3A_3788 = arith.constant 4096 : i32
    %add3A_3789 = vector.broadcast %add3A_3788 : i32 to vector<16xi32>
    %add3A_3790 = arith.addi %add3A_3786, %add3A_3789 : vector<16xi32>
    %gather3A_3791 = tpu.vector_load_idx %arg10[%add3A_3790] : memref<12288xf32, #tpu.memory_space<vmem>>[vector<16xi32>], vector<16xf32>,
    %add3A_3792 = arith.constant 8192 : i32
    %add3A_3793 = vector.broadcast %add3A_3792 : i32 to vector<16xi32>
    %add3A_3794 = arith.addi %add3A_3786, %add3A_3793 : vector<16xi32>
    %gather3A_3795 = tpu.vector_load_idx %arg10[%add3A_3794] : memref<12288xf32, #tpu.memory_space<vmem>>[vector<16xi32>], vector<16xf32>,
    %add3A_3796 = arith.addf %add3A_3765, %gather3A_3787 : vector<16xf32>
    %add3A_3797 = arith.addf %add3A_3766, %gather3A_3791 : vector<16xf32>
    %add3A_3798 = arith.addf %add3A_3767, %gather3A_3795 : vector<16xf32>
    %add3A_3799 = arith.constant 11 : i32
    %add3A_3800 = vector.broadcast %add3A_3799 : i32 to vector<16xi32>
    %add3A_3801 = arith.addi %select_n3A_3450, %add3A_3800 : vector<16xi32>
    %shift_right_arithmetic3A_3802 = arith.constant 1 : i32
    %shift_right_arithmetic3A_3803 = vector.broadcast %shift_right_arithmetic3A_3802 : i32 to vector<16xi32>
    %shift_right_arithmetic3A_3804 = arith.shrsi %add3A_3801, %shift_right_arithmetic3A_3803 : vector<16xi32>
    %and3A_3805 = arith.constant 112 : i32
    %and3A_3806 = vector.broadcast %and3A_3805 : i32 to vector<16xi32>
    %and3A_3807 = arith.andi %shift_right_arithmetic3A_3804, %and3A_3806 : vector<16xi32>
    %add3A_3808 = arith.constant 1 : i32
    %add3A_3809 = vector.broadcast %add3A_3808 : i32 to vector<16xi32>
    %add3A_3810 = arith.addi %select_n3A_3460, %add3A_3809 : vector<16xi32>
    %shift_right_arithmetic3A_3811 = arith.constant 5 : i32
    %shift_right_arithmetic3A_3812 = vector.broadcast %shift_right_arithmetic3A_3811 : i32 to vector<16xi32>
    %shift_right_arithmetic3A_3813 = arith.shrsi %add3A_3810, %shift_right_arithmetic3A_3812 : vector<16xi32>
    %add3A_3814 = arith.constant 1416 : i32
    %add3A_3815 = vector.broadcast %add3A_3814 : i32 to vector<16xi32>
    %add3A_3816 = arith.addi %add3A_3815, %and3A_3807 : vector<16xi32>
    %add3A_3817 = arith.addi %add3A_3816, %shift_right_arithmetic3A_3813 : vector<16xi32>
    %gather3A_3818 = tpu.vector_load_idx %arg10[%add3A_3817] : memref<12288xf32, #tpu.memory_space<vmem>>[vector<16xi32>], vector<16xf32>,
    %add3A_3819 = arith.constant 4096 : i32
    %add3A_3820 = vector.broadcast %add3A_3819 : i32 to vector<16xi32>
    %add3A_3821 = arith.addi %add3A_3817, %add3A_3820 : vector<16xi32>
    %gather3A_3822 = tpu.vector_load_idx %arg10[%add3A_3821] : memref<12288xf32, #tpu.memory_space<vmem>>[vector<16xi32>], vector<16xf32>,
    %add3A_3823 = arith.constant 8192 : i32
    %add3A_3824 = vector.broadcast %add3A_3823 : i32 to vector<16xi32>
    %add3A_3825 = arith.addi %add3A_3817, %add3A_3824 : vector<16xi32>
    %gather3A_3826 = tpu.vector_load_idx %arg10[%add3A_3825] : memref<12288xf32, #tpu.memory_space<vmem>>[vector<16xi32>], vector<16xf32>,
    %add3A_3827 = arith.addf %add3A_3796, %gather3A_3818 : vector<16xf32>
    %add3A_3828 = arith.addf %add3A_3797, %gather3A_3822 : vector<16xf32>
    %add3A_3829 = arith.addf %add3A_3798, %gather3A_3826 : vector<16xf32>
    %add3A_3830 = arith.constant 12 : i32
    %add3A_3831 = vector.broadcast %add3A_3830 : i32 to vector<16xi32>
    %add3A_3832 = arith.addi %select_n3A_3450, %add3A_3831 : vector<16xi32>
    %shift_right_arithmetic3A_3833 = arith.constant 1 : i32
    %shift_right_arithmetic3A_3834 = vector.broadcast %shift_right_arithmetic3A_3833 : i32 to vector<16xi32>
    %shift_right_arithmetic3A_3835 = arith.shrsi %add3A_3832, %shift_right_arithmetic3A_3834 : vector<16xi32>
    %and3A_3836 = arith.constant 112 : i32
    %and3A_3837 = vector.broadcast %and3A_3836 : i32 to vector<16xi32>
    %and3A_3838 = arith.andi %shift_right_arithmetic3A_3835, %and3A_3837 : vector<16xi32>
    %add3A_3839 = arith.constant 4 : i32
    %add3A_3840 = vector.broadcast %add3A_3839 : i32 to vector<16xi32>
    %add3A_3841 = arith.addi %select_n3A_3460, %add3A_3840 : vector<16xi32>
    %shift_right_arithmetic3A_3842 = arith.constant 5 : i32
    %shift_right_arithmetic3A_3843 = vector.broadcast %shift_right_arithmetic3A_3842 : i32 to vector<16xi32>
    %shift_right_arithmetic3A_3844 = arith.shrsi %add3A_3841, %shift_right_arithmetic3A_3843 : vector<16xi32>
    %add3A_3845 = arith.constant 1544 : i32
    %add3A_3846 = vector.broadcast %add3A_3845 : i32 to vector<16xi32>
    %add3A_3847 = arith.addi %add3A_3846, %and3A_3838 : vector<16xi32>
    %add3A_3848 = arith.addi %add3A_3847, %shift_right_arithmetic3A_3844 : vector<16xi32>
    %gather3A_3849 = tpu.vector_load_idx %arg10[%add3A_3848] : memref<12288xf32, #tpu.memory_space<vmem>>[vector<16xi32>], vector<16xf32>,
    %add3A_3850 = arith.constant 4096 : i32
    %add3A_3851 = vector.broadcast %add3A_3850 : i32 to vector<16xi32>
    %add3A_3852 = arith.addi %add3A_3848, %add3A_3851 : vector<16xi32>
    %gather3A_3853 = tpu.vector_load_idx %arg10[%add3A_3852] : memref<12288xf32, #tpu.memory_space<vmem>>[vector<16xi32>], vector<16xf32>,
    %add3A_3854 = arith.constant 8192 : i32
    %add3A_3855 = vector.broadcast %add3A_3854 : i32 to vector<16xi32>
    %add3A_3856 = arith.addi %add3A_3848, %add3A_3855 : vector<16xi32>
    %gather3A_3857 = tpu.vector_load_idx %arg10[%add3A_3856] : memref<12288xf32, #tpu.memory_space<vmem>>[vector<16xi32>], vector<16xf32>,
    %add3A_3858 = arith.addf %add3A_3827, %gather3A_3849 : vector<16xf32>
    %add3A_3859 = arith.addf %add3A_3828, %gather3A_3853 : vector<16xf32>
    %add3A_3860 = arith.addf %add3A_3829, %gather3A_3857 : vector<16xf32>
    %add3A_3861 = arith.constant 13 : i32
    %add3A_3862 = vector.broadcast %add3A_3861 : i32 to vector<16xi32>
    %add3A_3863 = arith.addi %select_n3A_3450, %add3A_3862 : vector<16xi32>
    %shift_right_arithmetic3A_3864 = arith.constant 1 : i32
    %shift_right_arithmetic3A_3865 = vector.broadcast %shift_right_arithmetic3A_3864 : i32 to vector<16xi32>
    %shift_right_arithmetic3A_3866 = arith.shrsi %add3A_3863, %shift_right_arithmetic3A_3865 : vector<16xi32>
    %and3A_3867 = arith.constant 112 : i32
    %and3A_3868 = vector.broadcast %and3A_3867 : i32 to vector<16xi32>
    %and3A_3869 = arith.andi %shift_right_arithmetic3A_3866, %and3A_3868 : vector<16xi32>
    %add3A_3870 = arith.constant 7 : i32
    %add3A_3871 = vector.broadcast %add3A_3870 : i32 to vector<16xi32>
    %add3A_3872 = arith.addi %select_n3A_3460, %add3A_3871 : vector<16xi32>
    %shift_right_arithmetic3A_3873 = arith.constant 5 : i32
    %shift_right_arithmetic3A_3874 = vector.broadcast %shift_right_arithmetic3A_3873 : i32 to vector<16xi32>
    %shift_right_arithmetic3A_3875 = arith.shrsi %add3A_3872, %shift_right_arithmetic3A_3874 : vector<16xi32>
    %add3A_3876 = arith.constant 1672 : i32
    %add3A_3877 = vector.broadcast %add3A_3876 : i32 to vector<16xi32>
    %add3A_3878 = arith.addi %add3A_3877, %and3A_3869 : vector<16xi32>
    %add3A_3879 = arith.addi %add3A_3878, %shift_right_arithmetic3A_3875 : vector<16xi32>
    %gather3A_3880 = tpu.vector_load_idx %arg10[%add3A_3879] : memref<12288xf32, #tpu.memory_space<vmem>>[vector<16xi32>], vector<16xf32>,
    %add3A_3881 = arith.constant 4096 : i32
    %add3A_3882 = vector.broadcast %add3A_3881 : i32 to vector<16xi32>
    %add3A_3883 = arith.addi %add3A_3879, %add3A_3882 : vector<16xi32>
    %gather3A_3884 = tpu.vector_load_idx %arg10[%add3A_3883] : memref<12288xf32, #tpu.memory_space<vmem>>[vector<16xi32>], vector<16xf32>,
    %add3A_3885 = arith.constant 8192 : i32
    %add3A_3886 = vector.broadcast %add3A_3885 : i32 to vector<16xi32>
    %add3A_3887 = arith.addi %add3A_3879, %add3A_3886 : vector<16xi32>
    %gather3A_3888 = tpu.vector_load_idx %arg10[%add3A_3887] : memref<12288xf32, #tpu.memory_space<vmem>>[vector<16xi32>], vector<16xf32>,
    %add3A_3889 = arith.addf %add3A_3858, %gather3A_3880 : vector<16xf32>
    %add3A_3890 = arith.addf %add3A_3859, %gather3A_3884 : vector<16xf32>
    %add3A_3891 = arith.addf %add3A_3860, %gather3A_3888 : vector<16xf32>
    %add3A_3892 = arith.constant 14 : i32
    %add3A_3893 = vector.broadcast %add3A_3892 : i32 to vector<16xi32>
    %add3A_3894 = arith.addi %select_n3A_3450, %add3A_3893 : vector<16xi32>
    %shift_right_arithmetic3A_3895 = arith.constant 1 : i32
    %shift_right_arithmetic3A_3896 = vector.broadcast %shift_right_arithmetic3A_3895 : i32 to vector<16xi32>
    %shift_right_arithmetic3A_3897 = arith.shrsi %add3A_3894, %shift_right_arithmetic3A_3896 : vector<16xi32>
    %and3A_3898 = arith.constant 112 : i32
    %and3A_3899 = vector.broadcast %and3A_3898 : i32 to vector<16xi32>
    %and3A_3900 = arith.andi %shift_right_arithmetic3A_3897, %and3A_3899 : vector<16xi32>
    %add3A_3901 = arith.constant 10 : i32
    %add3A_3902 = vector.broadcast %add3A_3901 : i32 to vector<16xi32>
    %add3A_3903 = arith.addi %select_n3A_3460, %add3A_3902 : vector<16xi32>
    %shift_right_arithmetic3A_3904 = arith.constant 5 : i32
    %shift_right_arithmetic3A_3905 = vector.broadcast %shift_right_arithmetic3A_3904 : i32 to vector<16xi32>
    %shift_right_arithmetic3A_3906 = arith.shrsi %add3A_3903, %shift_right_arithmetic3A_3905 : vector<16xi32>
    %add3A_3907 = arith.constant 1800 : i32
    %add3A_3908 = vector.broadcast %add3A_3907 : i32 to vector<16xi32>
    %add3A_3909 = arith.addi %add3A_3908, %and3A_3900 : vector<16xi32>
    %add3A_3910 = arith.addi %add3A_3909, %shift_right_arithmetic3A_3906 : vector<16xi32>
    %gather3A_3911 = tpu.vector_load_idx %arg10[%add3A_3910] : memref<12288xf32, #tpu.memory_space<vmem>>[vector<16xi32>], vector<16xf32>,
    %add3A_3912 = arith.constant 4096 : i32
    %add3A_3913 = vector.broadcast %add3A_3912 : i32 to vector<16xi32>
    %add3A_3914 = arith.addi %add3A_3910, %add3A_3913 : vector<16xi32>
    %gather3A_3915 = tpu.vector_load_idx %arg10[%add3A_3914] : memref<12288xf32, #tpu.memory_space<vmem>>[vector<16xi32>], vector<16xf32>,
    %add3A_3916 = arith.constant 8192 : i32
    %add3A_3917 = vector.broadcast %add3A_3916 : i32 to vector<16xi32>
    %add3A_3918 = arith.addi %add3A_3910, %add3A_3917 : vector<16xi32>
    %gather3A_3919 = tpu.vector_load_idx %arg10[%add3A_3918] : memref<12288xf32, #tpu.memory_space<vmem>>[vector<16xi32>], vector<16xf32>,
    %add3A_3920 = arith.addf %add3A_3889, %gather3A_3911 : vector<16xf32>
    %add3A_3921 = arith.addf %add3A_3890, %gather3A_3915 : vector<16xf32>
    %add3A_3922 = arith.addf %add3A_3891, %gather3A_3919 : vector<16xf32>
    %add3A_3923 = arith.constant 15 : i32
    %add3A_3924 = vector.broadcast %add3A_3923 : i32 to vector<16xi32>
    %add3A_3925 = arith.addi %select_n3A_3450, %add3A_3924 : vector<16xi32>
    %shift_right_arithmetic3A_3926 = arith.constant 1 : i32
    %shift_right_arithmetic3A_3927 = vector.broadcast %shift_right_arithmetic3A_3926 : i32 to vector<16xi32>
    %shift_right_arithmetic3A_3928 = arith.shrsi %add3A_3925, %shift_right_arithmetic3A_3927 : vector<16xi32>
    %and3A_3929 = arith.constant 112 : i32
    %and3A_3930 = vector.broadcast %and3A_3929 : i32 to vector<16xi32>
    %and3A_3931 = arith.andi %shift_right_arithmetic3A_3928, %and3A_3930 : vector<16xi32>
    %add3A_3932 = arith.constant 13 : i32
    %add3A_3933 = vector.broadcast %add3A_3932 : i32 to vector<16xi32>
    %add3A_3934 = arith.addi %select_n3A_3460, %add3A_3933 : vector<16xi32>
    %shift_right_arithmetic3A_3935 = arith.constant 5 : i32
    %shift_right_arithmetic3A_3936 = vector.broadcast %shift_right_arithmetic3A_3935 : i32 to vector<16xi32>
    %shift_right_arithmetic3A_3937 = arith.shrsi %add3A_3934, %shift_right_arithmetic3A_3936 : vector<16xi32>
    %add3A_3938 = arith.constant 1928 : i32
    %add3A_3939 = vector.broadcast %add3A_3938 : i32 to vector<16xi32>
    %add3A_3940 = arith.addi %add3A_3939, %and3A_3931 : vector<16xi32>
    %add3A_3941 = arith.addi %add3A_3940, %shift_right_arithmetic3A_3937 : vector<16xi32>
    %gather3A_3942 = tpu.vector_load_idx %arg10[%add3A_3941] : memref<12288xf32, #tpu.memory_space<vmem>>[vector<16xi32>], vector<16xf32>,
    %add3A_3943 = arith.constant 4096 : i32
    %add3A_3944 = vector.broadcast %add3A_3943 : i32 to vector<16xi32>
    %add3A_3945 = arith.addi %add3A_3941, %add3A_3944 : vector<16xi32>
    %gather3A_3946 = tpu.vector_load_idx %arg10[%add3A_3945] : memref<12288xf32, #tpu.memory_space<vmem>>[vector<16xi32>], vector<16xf32>,
    %add3A_3947 = arith.constant 8192 : i32
    %add3A_3948 = vector.broadcast %add3A_3947 : i32 to vector<16xi32>
    %add3A_3949 = arith.addi %add3A_3941, %add3A_3948 : vector<16xi32>
    %gather3A_3950 = tpu.vector_load_idx %arg10[%add3A_3949] : memref<12288xf32, #tpu.memory_space<vmem>>[vector<16xi32>], vector<16xf32>,
    %add3A_3951 = arith.addf %add3A_3920, %gather3A_3942 : vector<16xf32>
    %add3A_3952 = arith.addf %add3A_3921, %gather3A_3946 : vector<16xf32>
    %add3A_3953 = arith.addf %add3A_3922, %gather3A_3950 : vector<16xf32>
    %add3A_3954 = arith.constant 16 : i32
    %add3A_3955 = vector.broadcast %add3A_3954 : i32 to vector<16xi32>
    %add3A_3956 = arith.addi %select_n3A_3450, %add3A_3955 : vector<16xi32>
    %shift_right_arithmetic3A_3957 = arith.constant 1 : i32
    %shift_right_arithmetic3A_3958 = vector.broadcast %shift_right_arithmetic3A_3957 : i32 to vector<16xi32>
    %shift_right_arithmetic3A_3959 = arith.shrsi %add3A_3956, %shift_right_arithmetic3A_3958 : vector<16xi32>
    %and3A_3960 = arith.constant 112 : i32
    %and3A_3961 = vector.broadcast %and3A_3960 : i32 to vector<16xi32>
    %and3A_3962 = arith.andi %shift_right_arithmetic3A_3959, %and3A_3961 : vector<16xi32>
    %add3A_3963 = arith.constant 16 : i32
    %add3A_3964 = vector.broadcast %add3A_3963 : i32 to vector<16xi32>
    %add3A_3965 = arith.addi %select_n3A_3460, %add3A_3964 : vector<16xi32>
    %shift_right_arithmetic3A_3966 = arith.constant 5 : i32
    %shift_right_arithmetic3A_3967 = vector.broadcast %shift_right_arithmetic3A_3966 : i32 to vector<16xi32>
    %shift_right_arithmetic3A_3968 = arith.shrsi %add3A_3965, %shift_right_arithmetic3A_3967 : vector<16xi32>
    %add3A_3969 = arith.constant 2056 : i32
    %add3A_3970 = vector.broadcast %add3A_3969 : i32 to vector<16xi32>
    %add3A_3971 = arith.addi %add3A_3970, %and3A_3962 : vector<16xi32>
    %add3A_3972 = arith.addi %add3A_3971, %shift_right_arithmetic3A_3968 : vector<16xi32>
    %gather3A_3973 = tpu.vector_load_idx %arg10[%add3A_3972] : memref<12288xf32, #tpu.memory_space<vmem>>[vector<16xi32>], vector<16xf32>,
    %add3A_3974 = arith.constant 4096 : i32
    %add3A_3975 = vector.broadcast %add3A_3974 : i32 to vector<16xi32>
    %add3A_3976 = arith.addi %add3A_3972, %add3A_3975 : vector<16xi32>
    %gather3A_3977 = tpu.vector_load_idx %arg10[%add3A_3976] : memref<12288xf32, #tpu.memory_space<vmem>>[vector<16xi32>], vector<16xf32>,
    %add3A_3978 = arith.constant 8192 : i32
    %add3A_3979 = vector.broadcast %add3A_3978 : i32 to vector<16xi32>
    %add3A_3980 = arith.addi %add3A_3972, %add3A_3979 : vector<16xi32>
    %gather3A_3981 = tpu.vector_load_idx %arg10[%add3A_3980] : memref<12288xf32, #tpu.memory_space<vmem>>[vector<16xi32>], vector<16xf32>,
    %add3A_3982 = arith.addf %add3A_3951, %gather3A_3973 : vector<16xf32>
    %add3A_3983 = arith.addf %add3A_3952, %gather3A_3977 : vector<16xf32>
    %add3A_3984 = arith.addf %add3A_3953, %gather3A_3981 : vector<16xf32>
    %add3A_3985 = arith.constant 17 : i32
    %add3A_3986 = vector.broadcast %add3A_3985 : i32 to vector<16xi32>
    %add3A_3987 = arith.addi %select_n3A_3450, %add3A_3986 : vector<16xi32>
    %shift_right_arithmetic3A_3988 = arith.constant 1 : i32
    %shift_right_arithmetic3A_3989 = vector.broadcast %shift_right_arithmetic3A_3988 : i32 to vector<16xi32>
    %shift_right_arithmetic3A_3990 = arith.shrsi %add3A_3987, %shift_right_arithmetic3A_3989 : vector<16xi32>
    %and3A_3991 = arith.constant 112 : i32
    %and3A_3992 = vector.broadcast %and3A_3991 : i32 to vector<16xi32>
    %and3A_3993 = arith.andi %shift_right_arithmetic3A_3990, %and3A_3992 : vector<16xi32>
    %add3A_3994 = arith.constant 19 : i32
    %add3A_3995 = vector.broadcast %add3A_3994 : i32 to vector<16xi32>
    %add3A_3996 = arith.addi %select_n3A_3460, %add3A_3995 : vector<16xi32>
    %shift_right_arithmetic3A_3997 = arith.constant 5 : i32
    %shift_right_arithmetic3A_3998 = vector.broadcast %shift_right_arithmetic3A_3997 : i32 to vector<16xi32>
    %shift_right_arithmetic3A_3999 = arith.shrsi %add3A_3996, %shift_right_arithmetic3A_3998 : vector<16xi32>
    %add3A_4000 = arith.constant 2184 : i32
    %add3A_4001 = vector.broadcast %add3A_4000 : i32 to vector<16xi32>
    %add3A_4002 = arith.addi %add3A_4001, %and3A_3993 : vector<16xi32>
    %add3A_4003 = arith.addi %add3A_4002, %shift_right_arithmetic3A_3999 : vector<16xi32>
    %gather3A_4004 = tpu.vector_load_idx %arg10[%add3A_4003] : memref<12288xf32, #tpu.memory_space<vmem>>[vector<16xi32>], vector<16xf32>,
    %add3A_4005 = arith.constant 4096 : i32
    %add3A_4006 = vector.broadcast %add3A_4005 : i32 to vector<16xi32>
    %add3A_4007 = arith.addi %add3A_4003, %add3A_4006 : vector<16xi32>
    %gather3A_4008 = tpu.vector_load_idx %arg10[%add3A_4007] : memref<12288xf32, #tpu.memory_space<vmem>>[vector<16xi32>], vector<16xf32>,
    %add3A_4009 = arith.constant 8192 : i32
    %add3A_4010 = vector.broadcast %add3A_4009 : i32 to vector<16xi32>
    %add3A_4011 = arith.addi %add3A_4003, %add3A_4010 : vector<16xi32>
    %gather3A_4012 = tpu.vector_load_idx %arg10[%add3A_4011] : memref<12288xf32, #tpu.memory_space<vmem>>[vector<16xi32>], vector<16xf32>,
    %add3A_4013 = arith.addf %add3A_3982, %gather3A_4004 : vector<16xf32>
    %add3A_4014 = arith.addf %add3A_3983, %gather3A_4008 : vector<16xf32>
    %add3A_4015 = arith.addf %add3A_3984, %gather3A_4012 : vector<16xf32>
    %add3A_4016 = arith.constant 18 : i32
    %add3A_4017 = vector.broadcast %add3A_4016 : i32 to vector<16xi32>
    %add3A_4018 = arith.addi %select_n3A_3450, %add3A_4017 : vector<16xi32>
    %shift_right_arithmetic3A_4019 = arith.constant 1 : i32
    %shift_right_arithmetic3A_4020 = vector.broadcast %shift_right_arithmetic3A_4019 : i32 to vector<16xi32>
    %shift_right_arithmetic3A_4021 = arith.shrsi %add3A_4018, %shift_right_arithmetic3A_4020 : vector<16xi32>
    %and3A_4022 = arith.constant 112 : i32
    %and3A_4023 = vector.broadcast %and3A_4022 : i32 to vector<16xi32>
    %and3A_4024 = arith.andi %shift_right_arithmetic3A_4021, %and3A_4023 : vector<16xi32>
    %add3A_4025 = arith.constant 22 : i32
    %add3A_4026 = vector.broadcast %add3A_4025 : i32 to vector<16xi32>
    %add3A_4027 = arith.addi %select_n3A_3460, %add3A_4026 : vector<16xi32>
    %shift_right_arithmetic3A_4028 = arith.constant 5 : i32
    %shift_right_arithmetic3A_4029 = vector.broadcast %shift_right_arithmetic3A_4028 : i32 to vector<16xi32>
    %shift_right_arithmetic3A_4030 = arith.shrsi %add3A_4027, %shift_right_arithmetic3A_4029 : vector<16xi32>
    %add3A_4031 = arith.constant 2312 : i32
    %add3A_4032 = vector.broadcast %add3A_4031 : i32 to vector<16xi32>
    %add3A_4033 = arith.addi %add3A_4032, %and3A_4024 : vector<16xi32>
    %add3A_4034 = arith.addi %add3A_4033, %shift_right_arithmetic3A_4030 : vector<16xi32>
    %gather3A_4035 = tpu.vector_load_idx %arg10[%add3A_4034] : memref<12288xf32, #tpu.memory_space<vmem>>[vector<16xi32>], vector<16xf32>,
    %add3A_4036 = arith.constant 4096 : i32
    %add3A_4037 = vector.broadcast %add3A_4036 : i32 to vector<16xi32>
    %add3A_4038 = arith.addi %add3A_4034, %add3A_4037 : vector<16xi32>
    %gather3A_4039 = tpu.vector_load_idx %arg10[%add3A_4038] : memref<12288xf32, #tpu.memory_space<vmem>>[vector<16xi32>], vector<16xf32>,
    %add3A_4040 = arith.constant 8192 : i32
    %add3A_4041 = vector.broadcast %add3A_4040 : i32 to vector<16xi32>
    %add3A_4042 = arith.addi %add3A_4034, %add3A_4041 : vector<16xi32>
    %gather3A_4043 = tpu.vector_load_idx %arg10[%add3A_4042] : memref<12288xf32, #tpu.memory_space<vmem>>[vector<16xi32>], vector<16xf32>,
    %add3A_4044 = arith.addf %add3A_4013, %gather3A_4035 : vector<16xf32>
    %add3A_4045 = arith.addf %add3A_4014, %gather3A_4039 : vector<16xf32>
    %add3A_4046 = arith.addf %add3A_4015, %gather3A_4043 : vector<16xf32>
    %add3A_4047 = arith.constant 19 : i32
    %add3A_4048 = vector.broadcast %add3A_4047 : i32 to vector<16xi32>
    %add3A_4049 = arith.addi %select_n3A_3450, %add3A_4048 : vector<16xi32>
    %shift_right_arithmetic3A_4050 = arith.constant 1 : i32
    %shift_right_arithmetic3A_4051 = vector.broadcast %shift_right_arithmetic3A_4050 : i32 to vector<16xi32>
    %shift_right_arithmetic3A_4052 = arith.shrsi %add3A_4049, %shift_right_arithmetic3A_4051 : vector<16xi32>
    %and3A_4053 = arith.constant 112 : i32
    %and3A_4054 = vector.broadcast %and3A_4053 : i32 to vector<16xi32>
    %and3A_4055 = arith.andi %shift_right_arithmetic3A_4052, %and3A_4054 : vector<16xi32>
    %add3A_4056 = arith.constant 25 : i32
    %add3A_4057 = vector.broadcast %add3A_4056 : i32 to vector<16xi32>
    %add3A_4058 = arith.addi %select_n3A_3460, %add3A_4057 : vector<16xi32>
    %shift_right_arithmetic3A_4059 = arith.constant 5 : i32
    %shift_right_arithmetic3A_4060 = vector.broadcast %shift_right_arithmetic3A_4059 : i32 to vector<16xi32>
    %shift_right_arithmetic3A_4061 = arith.shrsi %add3A_4058, %shift_right_arithmetic3A_4060 : vector<16xi32>
    %add3A_4062 = arith.constant 2440 : i32
    %add3A_4063 = vector.broadcast %add3A_4062 : i32 to vector<16xi32>
    %add3A_4064 = arith.addi %add3A_4063, %and3A_4055 : vector<16xi32>
    %add3A_4065 = arith.addi %add3A_4064, %shift_right_arithmetic3A_4061 : vector<16xi32>
    %gather3A_4066 = tpu.vector_load_idx %arg10[%add3A_4065] : memref<12288xf32, #tpu.memory_space<vmem>>[vector<16xi32>], vector<16xf32>,
    %add3A_4067 = arith.constant 4096 : i32
    %add3A_4068 = vector.broadcast %add3A_4067 : i32 to vector<16xi32>
    %add3A_4069 = arith.addi %add3A_4065, %add3A_4068 : vector<16xi32>
    %gather3A_4070 = tpu.vector_load_idx %arg10[%add3A_4069] : memref<12288xf32, #tpu.memory_space<vmem>>[vector<16xi32>], vector<16xf32>,
    %add3A_4071 = arith.constant 8192 : i32
    %add3A_4072 = vector.broadcast %add3A_4071 : i32 to vector<16xi32>
    %add3A_4073 = arith.addi %add3A_4065, %add3A_4072 : vector<16xi32>
    %gather3A_4074 = tpu.vector_load_idx %arg10[%add3A_4073] : memref<12288xf32, #tpu.memory_space<vmem>>[vector<16xi32>], vector<16xf32>,
    %add3A_4075 = arith.addf %add3A_4044, %gather3A_4066 : vector<16xf32>
    %add3A_4076 = arith.addf %add3A_4045, %gather3A_4070 : vector<16xf32>
    %add3A_4077 = arith.addf %add3A_4046, %gather3A_4074 : vector<16xf32>
    %add3A_4078 = arith.constant 20 : i32
    %add3A_4079 = vector.broadcast %add3A_4078 : i32 to vector<16xi32>
    %add3A_4080 = arith.addi %select_n3A_3450, %add3A_4079 : vector<16xi32>
    %shift_right_arithmetic3A_4081 = arith.constant 1 : i32
    %shift_right_arithmetic3A_4082 = vector.broadcast %shift_right_arithmetic3A_4081 : i32 to vector<16xi32>
    %shift_right_arithmetic3A_4083 = arith.shrsi %add3A_4080, %shift_right_arithmetic3A_4082 : vector<16xi32>
    %and3A_4084 = arith.constant 112 : i32
    %and3A_4085 = vector.broadcast %and3A_4084 : i32 to vector<16xi32>
    %and3A_4086 = arith.andi %shift_right_arithmetic3A_4083, %and3A_4085 : vector<16xi32>
    %add3A_4087 = arith.constant 28 : i32
    %add3A_4088 = vector.broadcast %add3A_4087 : i32 to vector<16xi32>
    %add3A_4089 = arith.addi %select_n3A_3460, %add3A_4088 : vector<16xi32>
    %shift_right_arithmetic3A_4090 = arith.constant 5 : i32
    %shift_right_arithmetic3A_4091 = vector.broadcast %shift_right_arithmetic3A_4090 : i32 to vector<16xi32>
    %shift_right_arithmetic3A_4092 = arith.shrsi %add3A_4089, %shift_right_arithmetic3A_4091 : vector<16xi32>
    %add3A_4093 = arith.constant 2568 : i32
    %add3A_4094 = vector.broadcast %add3A_4093 : i32 to vector<16xi32>
    %add3A_4095 = arith.addi %add3A_4094, %and3A_4086 : vector<16xi32>
    %add3A_4096 = arith.addi %add3A_4095, %shift_right_arithmetic3A_4092 : vector<16xi32>
    %gather3A_4097 = tpu.vector_load_idx %arg10[%add3A_4096] : memref<12288xf32, #tpu.memory_space<vmem>>[vector<16xi32>], vector<16xf32>,
    %add3A_4098 = arith.constant 4096 : i32
    %add3A_4099 = vector.broadcast %add3A_4098 : i32 to vector<16xi32>
    %add3A_4100 = arith.addi %add3A_4096, %add3A_4099 : vector<16xi32>
    %gather3A_4101 = tpu.vector_load_idx %arg10[%add3A_4100] : memref<12288xf32, #tpu.memory_space<vmem>>[vector<16xi32>], vector<16xf32>,
    %add3A_4102 = arith.constant 8192 : i32
    %add3A_4103 = vector.broadcast %add3A_4102 : i32 to vector<16xi32>
    %add3A_4104 = arith.addi %add3A_4096, %add3A_4103 : vector<16xi32>
    %gather3A_4105 = tpu.vector_load_idx %arg10[%add3A_4104] : memref<12288xf32, #tpu.memory_space<vmem>>[vector<16xi32>], vector<16xf32>,
    %add3A_4106 = arith.addf %add3A_4075, %gather3A_4097 : vector<16xf32>
    %add3A_4107 = arith.addf %add3A_4076, %gather3A_4101 : vector<16xf32>
    %add3A_4108 = arith.addf %add3A_4077, %gather3A_4105 : vector<16xf32>
    %add3A_4109 = arith.constant 21 : i32
    %add3A_4110 = vector.broadcast %add3A_4109 : i32 to vector<16xi32>
    %add3A_4111 = arith.addi %select_n3A_3450, %add3A_4110 : vector<16xi32>
    %shift_right_arithmetic3A_4112 = arith.constant 1 : i32
    %shift_right_arithmetic3A_4113 = vector.broadcast %shift_right_arithmetic3A_4112 : i32 to vector<16xi32>
    %shift_right_arithmetic3A_4114 = arith.shrsi %add3A_4111, %shift_right_arithmetic3A_4113 : vector<16xi32>
    %and3A_4115 = arith.constant 112 : i32
    %and3A_4116 = vector.broadcast %and3A_4115 : i32 to vector<16xi32>
    %and3A_4117 = arith.andi %shift_right_arithmetic3A_4114, %and3A_4116 : vector<16xi32>
    %add3A_4118 = arith.constant 31 : i32
    %add3A_4119 = vector.broadcast %add3A_4118 : i32 to vector<16xi32>
    %add3A_4120 = arith.addi %select_n3A_3460, %add3A_4119 : vector<16xi32>
    %shift_right_arithmetic3A_4121 = arith.constant 5 : i32
    %shift_right_arithmetic3A_4122 = vector.broadcast %shift_right_arithmetic3A_4121 : i32 to vector<16xi32>
    %shift_right_arithmetic3A_4123 = arith.shrsi %add3A_4120, %shift_right_arithmetic3A_4122 : vector<16xi32>
    %add3A_4124 = arith.constant 2696 : i32
    %add3A_4125 = vector.broadcast %add3A_4124 : i32 to vector<16xi32>
    %add3A_4126 = arith.addi %add3A_4125, %and3A_4117 : vector<16xi32>
    %add3A_4127 = arith.addi %add3A_4126, %shift_right_arithmetic3A_4123 : vector<16xi32>
    %gather3A_4128 = tpu.vector_load_idx %arg10[%add3A_4127] : memref<12288xf32, #tpu.memory_space<vmem>>[vector<16xi32>], vector<16xf32>,
    %add3A_4129 = arith.constant 4096 : i32
    %add3A_4130 = vector.broadcast %add3A_4129 : i32 to vector<16xi32>
    %add3A_4131 = arith.addi %add3A_4127, %add3A_4130 : vector<16xi32>
    %gather3A_4132 = tpu.vector_load_idx %arg10[%add3A_4131] : memref<12288xf32, #tpu.memory_space<vmem>>[vector<16xi32>], vector<16xf32>,
    %add3A_4133 = arith.constant 8192 : i32
    %add3A_4134 = vector.broadcast %add3A_4133 : i32 to vector<16xi32>
    %add3A_4135 = arith.addi %add3A_4127, %add3A_4134 : vector<16xi32>
    %gather3A_4136 = tpu.vector_load_idx %arg10[%add3A_4135] : memref<12288xf32, #tpu.memory_space<vmem>>[vector<16xi32>], vector<16xf32>,
    %add3A_4137 = arith.addf %add3A_4106, %gather3A_4128 : vector<16xf32>
    %add3A_4138 = arith.addf %add3A_4107, %gather3A_4132 : vector<16xf32>
    %add3A_4139 = arith.addf %add3A_4108, %gather3A_4136 : vector<16xf32>
    %add3A_4140 = arith.constant 22 : i32
    %add3A_4141 = vector.broadcast %add3A_4140 : i32 to vector<16xi32>
    %add3A_4142 = arith.addi %select_n3A_3450, %add3A_4141 : vector<16xi32>
    %shift_right_arithmetic3A_4143 = arith.constant 1 : i32
    %shift_right_arithmetic3A_4144 = vector.broadcast %shift_right_arithmetic3A_4143 : i32 to vector<16xi32>
    %shift_right_arithmetic3A_4145 = arith.shrsi %add3A_4142, %shift_right_arithmetic3A_4144 : vector<16xi32>
    %and3A_4146 = arith.constant 112 : i32
    %and3A_4147 = vector.broadcast %and3A_4146 : i32 to vector<16xi32>
    %and3A_4148 = arith.andi %shift_right_arithmetic3A_4145, %and3A_4147 : vector<16xi32>
    %add3A_4149 = arith.constant 2 : i32
    %add3A_4150 = vector.broadcast %add3A_4149 : i32 to vector<16xi32>
    %add3A_4151 = arith.addi %select_n3A_3460, %add3A_4150 : vector<16xi32>
    %shift_right_arithmetic3A_4152 = arith.constant 5 : i32
    %shift_right_arithmetic3A_4153 = vector.broadcast %shift_right_arithmetic3A_4152 : i32 to vector<16xi32>
    %shift_right_arithmetic3A_4154 = arith.shrsi %add3A_4151, %shift_right_arithmetic3A_4153 : vector<16xi32>
    %add3A_4155 = arith.constant 2824 : i32
    %add3A_4156 = vector.broadcast %add3A_4155 : i32 to vector<16xi32>
    %add3A_4157 = arith.addi %add3A_4156, %and3A_4148 : vector<16xi32>
    %add3A_4158 = arith.addi %add3A_4157, %shift_right_arithmetic3A_4154 : vector<16xi32>
    %gather3A_4159 = tpu.vector_load_idx %arg10[%add3A_4158] : memref<12288xf32, #tpu.memory_space<vmem>>[vector<16xi32>], vector<16xf32>,
    %add3A_4160 = arith.constant 4096 : i32
    %add3A_4161 = vector.broadcast %add3A_4160 : i32 to vector<16xi32>
    %add3A_4162 = arith.addi %add3A_4158, %add3A_4161 : vector<16xi32>
    %gather3A_4163 = tpu.vector_load_idx %arg10[%add3A_4162] : memref<12288xf32, #tpu.memory_space<vmem>>[vector<16xi32>], vector<16xf32>,
    %add3A_4164 = arith.constant 8192 : i32
    %add3A_4165 = vector.broadcast %add3A_4164 : i32 to vector<16xi32>
    %add3A_4166 = arith.addi %add3A_4158, %add3A_4165 : vector<16xi32>
    %gather3A_4167 = tpu.vector_load_idx %arg10[%add3A_4166] : memref<12288xf32, #tpu.memory_space<vmem>>[vector<16xi32>], vector<16xf32>,
    %add3A_4168 = arith.addf %add3A_4137, %gather3A_4159 : vector<16xf32>
    %add3A_4169 = arith.addf %add3A_4138, %gather3A_4163 : vector<16xf32>
    %add3A_4170 = arith.addf %add3A_4139, %gather3A_4167 : vector<16xf32>
    %add3A_4171 = arith.constant 23 : i32
    %add3A_4172 = vector.broadcast %add3A_4171 : i32 to vector<16xi32>
    %add3A_4173 = arith.addi %select_n3A_3450, %add3A_4172 : vector<16xi32>
    %shift_right_arithmetic3A_4174 = arith.constant 1 : i32
    %shift_right_arithmetic3A_4175 = vector.broadcast %shift_right_arithmetic3A_4174 : i32 to vector<16xi32>
    %shift_right_arithmetic3A_4176 = arith.shrsi %add3A_4173, %shift_right_arithmetic3A_4175 : vector<16xi32>
    %and3A_4177 = arith.constant 112 : i32
    %and3A_4178 = vector.broadcast %and3A_4177 : i32 to vector<16xi32>
    %and3A_4179 = arith.andi %shift_right_arithmetic3A_4176, %and3A_4178 : vector<16xi32>
    %add3A_4180 = arith.constant 5 : i32
    %add3A_4181 = vector.broadcast %add3A_4180 : i32 to vector<16xi32>
    %add3A_4182 = arith.addi %select_n3A_3460, %add3A_4181 : vector<16xi32>
    %shift_right_arithmetic3A_4183 = arith.constant 5 : i32
    %shift_right_arithmetic3A_4184 = vector.broadcast %shift_right_arithmetic3A_4183 : i32 to vector<16xi32>
    %shift_right_arithmetic3A_4185 = arith.shrsi %add3A_4182, %shift_right_arithmetic3A_4184 : vector<16xi32>
    %add3A_4186 = arith.constant 2952 : i32
    %add3A_4187 = vector.broadcast %add3A_4186 : i32 to vector<16xi32>
    %add3A_4188 = arith.addi %add3A_4187, %and3A_4179 : vector<16xi32>
    %add3A_4189 = arith.addi %add3A_4188, %shift_right_arithmetic3A_4185 : vector<16xi32>
    %gather3A_4190 = tpu.vector_load_idx %arg10[%add3A_4189] : memref<12288xf32, #tpu.memory_space<vmem>>[vector<16xi32>], vector<16xf32>,
    %add3A_4191 = arith.constant 4096 : i32
    %add3A_4192 = vector.broadcast %add3A_4191 : i32 to vector<16xi32>
    %add3A_4193 = arith.addi %add3A_4189, %add3A_4192 : vector<16xi32>
    %gather3A_4194 = tpu.vector_load_idx %arg10[%add3A_4193] : memref<12288xf32, #tpu.memory_space<vmem>>[vector<16xi32>], vector<16xf32>,
    %add3A_4195 = arith.constant 8192 : i32
    %add3A_4196 = vector.broadcast %add3A_4195 : i32 to vector<16xi32>
    %add3A_4197 = arith.addi %add3A_4189, %add3A_4196 : vector<16xi32>
    %gather3A_4198 = tpu.vector_load_idx %arg10[%add3A_4197] : memref<12288xf32, #tpu.memory_space<vmem>>[vector<16xi32>], vector<16xf32>,
    %add3A_4199 = arith.addf %add3A_4168, %gather3A_4190 : vector<16xf32>
    %add3A_4200 = arith.addf %add3A_4169, %gather3A_4194 : vector<16xf32>
    %add3A_4201 = arith.addf %add3A_4170, %gather3A_4198 : vector<16xf32>
    %add3A_4202 = arith.constant 24 : i32
    %add3A_4203 = vector.broadcast %add3A_4202 : i32 to vector<16xi32>
    %add3A_4204 = arith.addi %select_n3A_3450, %add3A_4203 : vector<16xi32>
    %shift_right_arithmetic3A_4205 = arith.constant 1 : i32
    %shift_right_arithmetic3A_4206 = vector.broadcast %shift_right_arithmetic3A_4205 : i32 to vector<16xi32>
    %shift_right_arithmetic3A_4207 = arith.shrsi %add3A_4204, %shift_right_arithmetic3A_4206 : vector<16xi32>
    %and3A_4208 = arith.constant 112 : i32
    %and3A_4209 = vector.broadcast %and3A_4208 : i32 to vector<16xi32>
    %and3A_4210 = arith.andi %shift_right_arithmetic3A_4207, %and3A_4209 : vector<16xi32>
    %add3A_4211 = arith.constant 8 : i32
    %add3A_4212 = vector.broadcast %add3A_4211 : i32 to vector<16xi32>
    %add3A_4213 = arith.addi %select_n3A_3460, %add3A_4212 : vector<16xi32>
    %shift_right_arithmetic3A_4214 = arith.constant 5 : i32
    %shift_right_arithmetic3A_4215 = vector.broadcast %shift_right_arithmetic3A_4214 : i32 to vector<16xi32>
    %shift_right_arithmetic3A_4216 = arith.shrsi %add3A_4213, %shift_right_arithmetic3A_4215 : vector<16xi32>
    %add3A_4217 = arith.constant 3080 : i32
    %add3A_4218 = vector.broadcast %add3A_4217 : i32 to vector<16xi32>
    %add3A_4219 = arith.addi %add3A_4218, %and3A_4210 : vector<16xi32>
    %add3A_4220 = arith.addi %add3A_4219, %shift_right_arithmetic3A_4216 : vector<16xi32>
    %gather3A_4221 = tpu.vector_load_idx %arg10[%add3A_4220] : memref<12288xf32, #tpu.memory_space<vmem>>[vector<16xi32>], vector<16xf32>,
    %add3A_4222 = arith.constant 4096 : i32
    %add3A_4223 = vector.broadcast %add3A_4222 : i32 to vector<16xi32>
    %add3A_4224 = arith.addi %add3A_4220, %add3A_4223 : vector<16xi32>
    %gather3A_4225 = tpu.vector_load_idx %arg10[%add3A_4224] : memref<12288xf32, #tpu.memory_space<vmem>>[vector<16xi32>], vector<16xf32>,
    %add3A_4226 = arith.constant 8192 : i32
    %add3A_4227 = vector.broadcast %add3A_4226 : i32 to vector<16xi32>
    %add3A_4228 = arith.addi %add3A_4220, %add3A_4227 : vector<16xi32>
    %gather3A_4229 = tpu.vector_load_idx %arg10[%add3A_4228] : memref<12288xf32, #tpu.memory_space<vmem>>[vector<16xi32>], vector<16xf32>,
    %add3A_4230 = arith.addf %add3A_4199, %gather3A_4221 : vector<16xf32>
    %add3A_4231 = arith.addf %add3A_4200, %gather3A_4225 : vector<16xf32>
    %add3A_4232 = arith.addf %add3A_4201, %gather3A_4229 : vector<16xf32>
    %add3A_4233 = arith.constant 25 : i32
    %add3A_4234 = vector.broadcast %add3A_4233 : i32 to vector<16xi32>
    %add3A_4235 = arith.addi %select_n3A_3450, %add3A_4234 : vector<16xi32>
    %shift_right_arithmetic3A_4236 = arith.constant 1 : i32
    %shift_right_arithmetic3A_4237 = vector.broadcast %shift_right_arithmetic3A_4236 : i32 to vector<16xi32>
    %shift_right_arithmetic3A_4238 = arith.shrsi %add3A_4235, %shift_right_arithmetic3A_4237 : vector<16xi32>
    %and3A_4239 = arith.constant 112 : i32
    %and3A_4240 = vector.broadcast %and3A_4239 : i32 to vector<16xi32>
    %and3A_4241 = arith.andi %shift_right_arithmetic3A_4238, %and3A_4240 : vector<16xi32>
    %add3A_4242 = arith.constant 11 : i32
    %add3A_4243 = vector.broadcast %add3A_4242 : i32 to vector<16xi32>
    %add3A_4244 = arith.addi %select_n3A_3460, %add3A_4243 : vector<16xi32>
    %shift_right_arithmetic3A_4245 = arith.constant 5 : i32
    %shift_right_arithmetic3A_4246 = vector.broadcast %shift_right_arithmetic3A_4245 : i32 to vector<16xi32>
    %shift_right_arithmetic3A_4247 = arith.shrsi %add3A_4244, %shift_right_arithmetic3A_4246 : vector<16xi32>
    %add3A_4248 = arith.constant 3208 : i32
    %add3A_4249 = vector.broadcast %add3A_4248 : i32 to vector<16xi32>
    %add3A_4250 = arith.addi %add3A_4249, %and3A_4241 : vector<16xi32>
    %add3A_4251 = arith.addi %add3A_4250, %shift_right_arithmetic3A_4247 : vector<16xi32>
    %gather3A_4252 = tpu.vector_load_idx %arg10[%add3A_4251] : memref<12288xf32, #tpu.memory_space<vmem>>[vector<16xi32>], vector<16xf32>,
    %add3A_4253 = arith.constant 4096 : i32
    %add3A_4254 = vector.broadcast %add3A_4253 : i32 to vector<16xi32>
    %add3A_4255 = arith.addi %add3A_4251, %add3A_4254 : vector<16xi32>
    %gather3A_4256 = tpu.vector_load_idx %arg10[%add3A_4255] : memref<12288xf32, #tpu.memory_space<vmem>>[vector<16xi32>], vector<16xf32>,
    %add3A_4257 = arith.constant 8192 : i32
    %add3A_4258 = vector.broadcast %add3A_4257 : i32 to vector<16xi32>
    %add3A_4259 = arith.addi %add3A_4251, %add3A_4258 : vector<16xi32>
    %gather3A_4260 = tpu.vector_load_idx %arg10[%add3A_4259] : memref<12288xf32, #tpu.memory_space<vmem>>[vector<16xi32>], vector<16xf32>,
    %add3A_4261 = arith.addf %add3A_4230, %gather3A_4252 : vector<16xf32>
    %add3A_4262 = arith.addf %add3A_4231, %gather3A_4256 : vector<16xf32>
    %add3A_4263 = arith.addf %add3A_4232, %gather3A_4260 : vector<16xf32>
    %add3A_4264 = arith.constant 26 : i32
    %add3A_4265 = vector.broadcast %add3A_4264 : i32 to vector<16xi32>
    %add3A_4266 = arith.addi %select_n3A_3450, %add3A_4265 : vector<16xi32>
    %shift_right_arithmetic3A_4267 = arith.constant 1 : i32
    %shift_right_arithmetic3A_4268 = vector.broadcast %shift_right_arithmetic3A_4267 : i32 to vector<16xi32>
    %shift_right_arithmetic3A_4269 = arith.shrsi %add3A_4266, %shift_right_arithmetic3A_4268 : vector<16xi32>
    %and3A_4270 = arith.constant 112 : i32
    %and3A_4271 = vector.broadcast %and3A_4270 : i32 to vector<16xi32>
    %and3A_4272 = arith.andi %shift_right_arithmetic3A_4269, %and3A_4271 : vector<16xi32>
    %add3A_4273 = arith.constant 14 : i32
    %add3A_4274 = vector.broadcast %add3A_4273 : i32 to vector<16xi32>
    %add3A_4275 = arith.addi %select_n3A_3460, %add3A_4274 : vector<16xi32>
    %shift_right_arithmetic3A_4276 = arith.constant 5 : i32
    %shift_right_arithmetic3A_4277 = vector.broadcast %shift_right_arithmetic3A_4276 : i32 to vector<16xi32>
    %shift_right_arithmetic3A_4278 = arith.shrsi %add3A_4275, %shift_right_arithmetic3A_4277 : vector<16xi32>
    %add3A_4279 = arith.constant 3336 : i32
    %add3A_4280 = vector.broadcast %add3A_4279 : i32 to vector<16xi32>
    %add3A_4281 = arith.addi %add3A_4280, %and3A_4272 : vector<16xi32>
    %add3A_4282 = arith.addi %add3A_4281, %shift_right_arithmetic3A_4278 : vector<16xi32>
    %gather3A_4283 = tpu.vector_load_idx %arg10[%add3A_4282] : memref<12288xf32, #tpu.memory_space<vmem>>[vector<16xi32>], vector<16xf32>,
    %add3A_4284 = arith.constant 4096 : i32
    %add3A_4285 = vector.broadcast %add3A_4284 : i32 to vector<16xi32>
    %add3A_4286 = arith.addi %add3A_4282, %add3A_4285 : vector<16xi32>
    %gather3A_4287 = tpu.vector_load_idx %arg10[%add3A_4286] : memref<12288xf32, #tpu.memory_space<vmem>>[vector<16xi32>], vector<16xf32>,
    %add3A_4288 = arith.constant 8192 : i32
    %add3A_4289 = vector.broadcast %add3A_4288 : i32 to vector<16xi32>
    %add3A_4290 = arith.addi %add3A_4282, %add3A_4289 : vector<16xi32>
    %gather3A_4291 = tpu.vector_load_idx %arg10[%add3A_4290] : memref<12288xf32, #tpu.memory_space<vmem>>[vector<16xi32>], vector<16xf32>,
    %add3A_4292 = arith.addf %add3A_4261, %gather3A_4283 : vector<16xf32>
    %add3A_4293 = arith.addf %add3A_4262, %gather3A_4287 : vector<16xf32>
    %add3A_4294 = arith.addf %add3A_4263, %gather3A_4291 : vector<16xf32>
    %add3A_4295 = arith.constant 27 : i32
    %add3A_4296 = vector.broadcast %add3A_4295 : i32 to vector<16xi32>
    %add3A_4297 = arith.addi %select_n3A_3450, %add3A_4296 : vector<16xi32>
    %shift_right_arithmetic3A_4298 = arith.constant 1 : i32
    %shift_right_arithmetic3A_4299 = vector.broadcast %shift_right_arithmetic3A_4298 : i32 to vector<16xi32>
    %shift_right_arithmetic3A_4300 = arith.shrsi %add3A_4297, %shift_right_arithmetic3A_4299 : vector<16xi32>
    %and3A_4301 = arith.constant 112 : i32
    %and3A_4302 = vector.broadcast %and3A_4301 : i32 to vector<16xi32>
    %and3A_4303 = arith.andi %shift_right_arithmetic3A_4300, %and3A_4302 : vector<16xi32>
    %add3A_4304 = arith.constant 17 : i32
    %add3A_4305 = vector.broadcast %add3A_4304 : i32 to vector<16xi32>
    %add3A_4306 = arith.addi %select_n3A_3460, %add3A_4305 : vector<16xi32>
    %shift_right_arithmetic3A_4307 = arith.constant 5 : i32
    %shift_right_arithmetic3A_4308 = vector.broadcast %shift_right_arithmetic3A_4307 : i32 to vector<16xi32>
    %shift_right_arithmetic3A_4309 = arith.shrsi %add3A_4306, %shift_right_arithmetic3A_4308 : vector<16xi32>
    %add3A_4310 = arith.constant 3464 : i32
    %add3A_4311 = vector.broadcast %add3A_4310 : i32 to vector<16xi32>
    %add3A_4312 = arith.addi %add3A_4311, %and3A_4303 : vector<16xi32>
    %add3A_4313 = arith.addi %add3A_4312, %shift_right_arithmetic3A_4309 : vector<16xi32>
    %gather3A_4314 = tpu.vector_load_idx %arg10[%add3A_4313] : memref<12288xf32, #tpu.memory_space<vmem>>[vector<16xi32>], vector<16xf32>,
    %add3A_4315 = arith.constant 4096 : i32
    %add3A_4316 = vector.broadcast %add3A_4315 : i32 to vector<16xi32>
    %add3A_4317 = arith.addi %add3A_4313, %add3A_4316 : vector<16xi32>
    %gather3A_4318 = tpu.vector_load_idx %arg10[%add3A_4317] : memref<12288xf32, #tpu.memory_space<vmem>>[vector<16xi32>], vector<16xf32>,
    %add3A_4319 = arith.constant 8192 : i32
    %add3A_4320 = vector.broadcast %add3A_4319 : i32 to vector<16xi32>
    %add3A_4321 = arith.addi %add3A_4313, %add3A_4320 : vector<16xi32>
    %gather3A_4322 = tpu.vector_load_idx %arg10[%add3A_4321] : memref<12288xf32, #tpu.memory_space<vmem>>[vector<16xi32>], vector<16xf32>,
    %add3A_4323 = arith.addf %add3A_4292, %gather3A_4314 : vector<16xf32>
    %add3A_4324 = arith.addf %add3A_4293, %gather3A_4318 : vector<16xf32>
    %add3A_4325 = arith.addf %add3A_4294, %gather3A_4322 : vector<16xf32>
    %add3A_4326 = arith.constant 28 : i32
    %add3A_4327 = vector.broadcast %add3A_4326 : i32 to vector<16xi32>
    %add3A_4328 = arith.addi %select_n3A_3450, %add3A_4327 : vector<16xi32>
    %shift_right_arithmetic3A_4329 = arith.constant 1 : i32
    %shift_right_arithmetic3A_4330 = vector.broadcast %shift_right_arithmetic3A_4329 : i32 to vector<16xi32>
    %shift_right_arithmetic3A_4331 = arith.shrsi %add3A_4328, %shift_right_arithmetic3A_4330 : vector<16xi32>
    %and3A_4332 = arith.constant 112 : i32
    %and3A_4333 = vector.broadcast %and3A_4332 : i32 to vector<16xi32>
    %and3A_4334 = arith.andi %shift_right_arithmetic3A_4331, %and3A_4333 : vector<16xi32>
    %add3A_4335 = arith.constant 20 : i32
    %add3A_4336 = vector.broadcast %add3A_4335 : i32 to vector<16xi32>
    %add3A_4337 = arith.addi %select_n3A_3460, %add3A_4336 : vector<16xi32>
    %shift_right_arithmetic3A_4338 = arith.constant 5 : i32
    %shift_right_arithmetic3A_4339 = vector.broadcast %shift_right_arithmetic3A_4338 : i32 to vector<16xi32>
    %shift_right_arithmetic3A_4340 = arith.shrsi %add3A_4337, %shift_right_arithmetic3A_4339 : vector<16xi32>
    %add3A_4341 = arith.constant 3592 : i32
    %add3A_4342 = vector.broadcast %add3A_4341 : i32 to vector<16xi32>
    %add3A_4343 = arith.addi %add3A_4342, %and3A_4334 : vector<16xi32>
    %add3A_4344 = arith.addi %add3A_4343, %shift_right_arithmetic3A_4340 : vector<16xi32>
    %gather3A_4345 = tpu.vector_load_idx %arg10[%add3A_4344] : memref<12288xf32, #tpu.memory_space<vmem>>[vector<16xi32>], vector<16xf32>,
    %add3A_4346 = arith.constant 4096 : i32
    %add3A_4347 = vector.broadcast %add3A_4346 : i32 to vector<16xi32>
    %add3A_4348 = arith.addi %add3A_4344, %add3A_4347 : vector<16xi32>
    %gather3A_4349 = tpu.vector_load_idx %arg10[%add3A_4348] : memref<12288xf32, #tpu.memory_space<vmem>>[vector<16xi32>], vector<16xf32>,
    %add3A_4350 = arith.constant 8192 : i32
    %add3A_4351 = vector.broadcast %add3A_4350 : i32 to vector<16xi32>
    %add3A_4352 = arith.addi %add3A_4344, %add3A_4351 : vector<16xi32>
    %gather3A_4353 = tpu.vector_load_idx %arg10[%add3A_4352] : memref<12288xf32, #tpu.memory_space<vmem>>[vector<16xi32>], vector<16xf32>,
    %add3A_4354 = arith.addf %add3A_4323, %gather3A_4345 : vector<16xf32>
    %add3A_4355 = arith.addf %add3A_4324, %gather3A_4349 : vector<16xf32>
    %add3A_4356 = arith.addf %add3A_4325, %gather3A_4353 : vector<16xf32>
    %add3A_4357 = arith.constant 29 : i32
    %add3A_4358 = vector.broadcast %add3A_4357 : i32 to vector<16xi32>
    %add3A_4359 = arith.addi %select_n3A_3450, %add3A_4358 : vector<16xi32>
    %shift_right_arithmetic3A_4360 = arith.constant 1 : i32
    %shift_right_arithmetic3A_4361 = vector.broadcast %shift_right_arithmetic3A_4360 : i32 to vector<16xi32>
    %shift_right_arithmetic3A_4362 = arith.shrsi %add3A_4359, %shift_right_arithmetic3A_4361 : vector<16xi32>
    %and3A_4363 = arith.constant 112 : i32
    %and3A_4364 = vector.broadcast %and3A_4363 : i32 to vector<16xi32>
    %and3A_4365 = arith.andi %shift_right_arithmetic3A_4362, %and3A_4364 : vector<16xi32>
    %add3A_4366 = arith.constant 23 : i32
    %add3A_4367 = vector.broadcast %add3A_4366 : i32 to vector<16xi32>
    %add3A_4368 = arith.addi %select_n3A_3460, %add3A_4367 : vector<16xi32>
    %shift_right_arithmetic3A_4369 = arith.constant 5 : i32
    %shift_right_arithmetic3A_4370 = vector.broadcast %shift_right_arithmetic3A_4369 : i32 to vector<16xi32>
    %shift_right_arithmetic3A_4371 = arith.shrsi %add3A_4368, %shift_right_arithmetic3A_4370 : vector<16xi32>
    %add3A_4372 = arith.constant 3720 : i32
    %add3A_4373 = vector.broadcast %add3A_4372 : i32 to vector<16xi32>
    %add3A_4374 = arith.addi %add3A_4373, %and3A_4365 : vector<16xi32>
    %add3A_4375 = arith.addi %add3A_4374, %shift_right_arithmetic3A_4371 : vector<16xi32>
    %gather3A_4376 = tpu.vector_load_idx %arg10[%add3A_4375] : memref<12288xf32, #tpu.memory_space<vmem>>[vector<16xi32>], vector<16xf32>,
    %add3A_4377 = arith.constant 4096 : i32
    %add3A_4378 = vector.broadcast %add3A_4377 : i32 to vector<16xi32>
    %add3A_4379 = arith.addi %add3A_4375, %add3A_4378 : vector<16xi32>
    %gather3A_4380 = tpu.vector_load_idx %arg10[%add3A_4379] : memref<12288xf32, #tpu.memory_space<vmem>>[vector<16xi32>], vector<16xf32>,
    %add3A_4381 = arith.constant 8192 : i32
    %add3A_4382 = vector.broadcast %add3A_4381 : i32 to vector<16xi32>
    %add3A_4383 = arith.addi %add3A_4375, %add3A_4382 : vector<16xi32>
    %gather3A_4384 = tpu.vector_load_idx %arg10[%add3A_4383] : memref<12288xf32, #tpu.memory_space<vmem>>[vector<16xi32>], vector<16xf32>,
    %add3A_4385 = arith.addf %add3A_4354, %gather3A_4376 : vector<16xf32>
    %add3A_4386 = arith.addf %add3A_4355, %gather3A_4380 : vector<16xf32>
    %add3A_4387 = arith.addf %add3A_4356, %gather3A_4384 : vector<16xf32>
    %add3A_4388 = arith.constant 30 : i32
    %add3A_4389 = vector.broadcast %add3A_4388 : i32 to vector<16xi32>
    %add3A_4390 = arith.addi %select_n3A_3450, %add3A_4389 : vector<16xi32>
    %shift_right_arithmetic3A_4391 = arith.constant 1 : i32
    %shift_right_arithmetic3A_4392 = vector.broadcast %shift_right_arithmetic3A_4391 : i32 to vector<16xi32>
    %shift_right_arithmetic3A_4393 = arith.shrsi %add3A_4390, %shift_right_arithmetic3A_4392 : vector<16xi32>
    %and3A_4394 = arith.constant 112 : i32
    %and3A_4395 = vector.broadcast %and3A_4394 : i32 to vector<16xi32>
    %and3A_4396 = arith.andi %shift_right_arithmetic3A_4393, %and3A_4395 : vector<16xi32>
    %add3A_4397 = arith.constant 26 : i32
    %add3A_4398 = vector.broadcast %add3A_4397 : i32 to vector<16xi32>
    %add3A_4399 = arith.addi %select_n3A_3460, %add3A_4398 : vector<16xi32>
    %shift_right_arithmetic3A_4400 = arith.constant 5 : i32
    %shift_right_arithmetic3A_4401 = vector.broadcast %shift_right_arithmetic3A_4400 : i32 to vector<16xi32>
    %shift_right_arithmetic3A_4402 = arith.shrsi %add3A_4399, %shift_right_arithmetic3A_4401 : vector<16xi32>
    %add3A_4403 = arith.constant 3848 : i32
    %add3A_4404 = vector.broadcast %add3A_4403 : i32 to vector<16xi32>
    %add3A_4405 = arith.addi %add3A_4404, %and3A_4396 : vector<16xi32>
    %add3A_4406 = arith.addi %add3A_4405, %shift_right_arithmetic3A_4402 : vector<16xi32>
    %gather3A_4407 = tpu.vector_load_idx %arg10[%add3A_4406] : memref<12288xf32, #tpu.memory_space<vmem>>[vector<16xi32>], vector<16xf32>,
    %add3A_4408 = arith.constant 4096 : i32
    %add3A_4409 = vector.broadcast %add3A_4408 : i32 to vector<16xi32>
    %add3A_4410 = arith.addi %add3A_4406, %add3A_4409 : vector<16xi32>
    %gather3A_4411 = tpu.vector_load_idx %arg10[%add3A_4410] : memref<12288xf32, #tpu.memory_space<vmem>>[vector<16xi32>], vector<16xf32>,
    %add3A_4412 = arith.constant 8192 : i32
    %add3A_4413 = vector.broadcast %add3A_4412 : i32 to vector<16xi32>
    %add3A_4414 = arith.addi %add3A_4406, %add3A_4413 : vector<16xi32>
    %gather3A_4415 = tpu.vector_load_idx %arg10[%add3A_4414] : memref<12288xf32, #tpu.memory_space<vmem>>[vector<16xi32>], vector<16xf32>,
    %add3A_4416 = arith.addf %add3A_4385, %gather3A_4407 : vector<16xf32>
    %add3A_4417 = arith.addf %add3A_4386, %gather3A_4411 : vector<16xf32>
    %add3A_4418 = arith.addf %add3A_4387, %gather3A_4415 : vector<16xf32>
    %add3A_4419 = arith.constant 31 : i32
    %add3A_4420 = vector.broadcast %add3A_4419 : i32 to vector<16xi32>
    %add3A_4421 = arith.addi %select_n3A_3450, %add3A_4420 : vector<16xi32>
    %shift_right_arithmetic3A_4422 = arith.constant 1 : i32
    %shift_right_arithmetic3A_4423 = vector.broadcast %shift_right_arithmetic3A_4422 : i32 to vector<16xi32>
    %shift_right_arithmetic3A_4424 = arith.shrsi %add3A_4421, %shift_right_arithmetic3A_4423 : vector<16xi32>
    %and3A_4425 = arith.constant 112 : i32
    %and3A_4426 = vector.broadcast %and3A_4425 : i32 to vector<16xi32>
    %and3A_4427 = arith.andi %shift_right_arithmetic3A_4424, %and3A_4426 : vector<16xi32>
    %add3A_4428 = arith.constant 29 : i32
    %add3A_4429 = vector.broadcast %add3A_4428 : i32 to vector<16xi32>
    %add3A_4430 = arith.addi %select_n3A_3460, %add3A_4429 : vector<16xi32>
    %shift_right_arithmetic3A_4431 = arith.constant 5 : i32
    %shift_right_arithmetic3A_4432 = vector.broadcast %shift_right_arithmetic3A_4431 : i32 to vector<16xi32>
    %shift_right_arithmetic3A_4433 = arith.shrsi %add3A_4430, %shift_right_arithmetic3A_4432 : vector<16xi32>
    %add3A_4434 = arith.constant 3976 : i32
    %add3A_4435 = vector.broadcast %add3A_4434 : i32 to vector<16xi32>
    %add3A_4436 = arith.addi %add3A_4435, %and3A_4427 : vector<16xi32>
    %add3A_4437 = arith.addi %add3A_4436, %shift_right_arithmetic3A_4433 : vector<16xi32>
    %gather3A_4438 = tpu.vector_load_idx %arg10[%add3A_4437] : memref<12288xf32, #tpu.memory_space<vmem>>[vector<16xi32>], vector<16xf32>,
    %add3A_4439 = arith.constant 4096 : i32
    %add3A_4440 = vector.broadcast %add3A_4439 : i32 to vector<16xi32>
    %add3A_4441 = arith.addi %add3A_4437, %add3A_4440 : vector<16xi32>
    %gather3A_4442 = tpu.vector_load_idx %arg10[%add3A_4441] : memref<12288xf32, #tpu.memory_space<vmem>>[vector<16xi32>], vector<16xf32>,
    %add3A_4443 = arith.constant 8192 : i32
    %add3A_4444 = vector.broadcast %add3A_4443 : i32 to vector<16xi32>
    %add3A_4445 = arith.addi %add3A_4437, %add3A_4444 : vector<16xi32>
    %gather3A_4446 = tpu.vector_load_idx %arg10[%add3A_4445] : memref<12288xf32, #tpu.memory_space<vmem>>[vector<16xi32>], vector<16xf32>,
    %add3A_4447 = arith.addf %add3A_4416, %gather3A_4438 : vector<16xf32>
    %add3A_4448 = arith.addf %add3A_4417, %gather3A_4442 : vector<16xf32>
    %add3A_4449 = arith.addf %add3A_4418, %gather3A_4446 : vector<16xf32>
    %swap3A_4450 = arith.constant 0 : index
    %swap3A_4451 = tpu.vector_load %arg11[%swap3A_4450] {strides = array<i32>} : memref<48xf32, #tpu.memory_space<vmem>>, vector<16xf32>,
    tpu.vector_store %arg11[%swap3A_4450], %add3A_4447 {strides = array<i32>} : memref<48xf32, #tpu.memory_space<vmem>>, vector<16xf32>,
    %swap3A_4452 = arith.constant 16 : index
    %swap3A_4453 = tpu.vector_load %arg11[%swap3A_4452] {strides = array<i32>} : memref<48xf32, #tpu.memory_space<vmem>>, vector<16xf32>,
    tpu.vector_store %arg11[%swap3A_4452], %add3A_4448 {strides = array<i32>} : memref<48xf32, #tpu.memory_space<vmem>>, vector<16xf32>,
    %swap3A_4454 = arith.constant 32 : index
    %swap3A_4455 = tpu.vector_load %arg11[%swap3A_4454] {strides = array<i32>} : memref<48xf32, #tpu.memory_space<vmem>>, vector<16xf32>,
    tpu.vector_store %arg11[%swap3A_4454], %add3A_4449 {strides = array<i32>} : memref<48xf32, #tpu.memory_space<vmem>>, vector<16xf32>,
    %add3A_4456 = arith.constant 0 : i32
    %add3A_4457 = vector.broadcast %add3A_4456 : i32 to vector<16xi32>
    %add3A_4458 = arith.addi %mul3A_27, %add3A_4457 : vector<16xi32>
    %gather3A_4459 = tpu.vector_load_idx %arg11[%add3A_4458] : memref<48xf32, #tpu.memory_space<vmem>>[vector<16xi32>], vector<16xf32>,
    %swap3A_4460 = arith.constant 768 : index
    %swap3A_4461 = tpu.vector_load %arg12[%swap3A_4460] {strides = array<i32>} : memref<1024xf32, #tpu.memory_space<vmem>>, vector<16xf32>,
    tpu.vector_store %arg12[%swap3A_4460], %gather3A_4459 {strides = array<i32>} : memref<1024xf32, #tpu.memory_space<vmem>>, vector<16xf32>,
    %add3A_4462 = arith.constant 1 : i32
    %add3A_4463 = vector.broadcast %add3A_4462 : i32 to vector<16xi32>
    %add3A_4464 = arith.addi %mul3A_27, %add3A_4463 : vector<16xi32>
    %gather3A_4465 = tpu.vector_load_idx %arg11[%add3A_4464] : memref<48xf32, #tpu.memory_space<vmem>>[vector<16xi32>], vector<16xf32>,
    %swap3A_4466 = arith.constant 784 : index
    %swap3A_4467 = tpu.vector_load %arg12[%swap3A_4466] {strides = array<i32>} : memref<1024xf32, #tpu.memory_space<vmem>>, vector<16xf32>,
    tpu.vector_store %arg12[%swap3A_4466], %gather3A_4465 {strides = array<i32>} : memref<1024xf32, #tpu.memory_space<vmem>>, vector<16xf32>,
    %add3A_4468 = arith.constant 2 : i32
    %add3A_4469 = vector.broadcast %add3A_4468 : i32 to vector<16xi32>
    %add3A_4470 = arith.addi %mul3A_27, %add3A_4469 : vector<16xi32>
    %gather3A_4471 = tpu.vector_load_idx %arg11[%add3A_4470] : memref<48xf32, #tpu.memory_space<vmem>>[vector<16xi32>], vector<16xf32>,
    %swap3A_4472 = arith.constant 800 : index
    %swap3A_4473 = tpu.vector_load %arg12[%swap3A_4472] {strides = array<i32>} : memref<1024xf32, #tpu.memory_space<vmem>>, vector<16xf32>,
    tpu.vector_store %arg12[%swap3A_4472], %gather3A_4471 {strides = array<i32>} : memref<1024xf32, #tpu.memory_space<vmem>>, vector<16xf32>,
    %add3A_4474 = arith.constant 3 : i32
    %add3A_4475 = vector.broadcast %add3A_4474 : i32 to vector<16xi32>
    %add3A_4476 = arith.addi %mul3A_27, %add3A_4475 : vector<16xi32>
    %gather3A_4477 = tpu.vector_load_idx %arg11[%add3A_4476] : memref<48xf32, #tpu.memory_space<vmem>>[vector<16xi32>], vector<16xf32>,
    %swap3A_4478 = arith.constant 816 : index
    %swap3A_4479 = tpu.vector_load %arg12[%swap3A_4478] {strides = array<i32>} : memref<1024xf32, #tpu.memory_space<vmem>>, vector<16xf32>,
    tpu.vector_store %arg12[%swap3A_4478], %gather3A_4477 {strides = array<i32>} : memref<1024xf32, #tpu.memory_space<vmem>>, vector<16xf32>,
    %add3A_4480 = arith.constant 4 : i32
    %add3A_4481 = vector.broadcast %add3A_4480 : i32 to vector<16xi32>
    %add3A_4482 = arith.addi %mul3A_27, %add3A_4481 : vector<16xi32>
    %gather3A_4483 = tpu.vector_load_idx %arg11[%add3A_4482] : memref<48xf32, #tpu.memory_space<vmem>>[vector<16xi32>], vector<16xf32>,
    %swap3A_4484 = arith.constant 832 : index
    %swap3A_4485 = tpu.vector_load %arg12[%swap3A_4484] {strides = array<i32>} : memref<1024xf32, #tpu.memory_space<vmem>>, vector<16xf32>,
    tpu.vector_store %arg12[%swap3A_4484], %gather3A_4483 {strides = array<i32>} : memref<1024xf32, #tpu.memory_space<vmem>>, vector<16xf32>,
    %add3A_4486 = arith.constant 5 : i32
    %add3A_4487 = vector.broadcast %add3A_4486 : i32 to vector<16xi32>
    %add3A_4488 = arith.addi %mul3A_27, %add3A_4487 : vector<16xi32>
    %gather3A_4489 = tpu.vector_load_idx %arg11[%add3A_4488] : memref<48xf32, #tpu.memory_space<vmem>>[vector<16xi32>], vector<16xf32>,
    %swap3A_4490 = arith.constant 848 : index
    %swap3A_4491 = tpu.vector_load %arg12[%swap3A_4490] {strides = array<i32>} : memref<1024xf32, #tpu.memory_space<vmem>>, vector<16xf32>,
    tpu.vector_store %arg12[%swap3A_4490], %gather3A_4489 {strides = array<i32>} : memref<1024xf32, #tpu.memory_space<vmem>>, vector<16xf32>,
    %add3A_4492 = arith.constant 6 : i32
    %add3A_4493 = vector.broadcast %add3A_4492 : i32 to vector<16xi32>
    %add3A_4494 = arith.addi %mul3A_27, %add3A_4493 : vector<16xi32>
    %gather3A_4495 = tpu.vector_load_idx %arg11[%add3A_4494] : memref<48xf32, #tpu.memory_space<vmem>>[vector<16xi32>], vector<16xf32>,
    %swap3A_4496 = arith.constant 864 : index
    %swap3A_4497 = tpu.vector_load %arg12[%swap3A_4496] {strides = array<i32>} : memref<1024xf32, #tpu.memory_space<vmem>>, vector<16xf32>,
    tpu.vector_store %arg12[%swap3A_4496], %gather3A_4495 {strides = array<i32>} : memref<1024xf32, #tpu.memory_space<vmem>>, vector<16xf32>,
    %add3A_4498 = arith.constant 7 : i32
    %add3A_4499 = vector.broadcast %add3A_4498 : i32 to vector<16xi32>
    %add3A_4500 = arith.addi %mul3A_27, %add3A_4499 : vector<16xi32>
    %gather3A_4501 = tpu.vector_load_idx %arg11[%add3A_4500] : memref<48xf32, #tpu.memory_space<vmem>>[vector<16xi32>], vector<16xf32>,
    %swap3A_4502 = arith.constant 880 : index
    %swap3A_4503 = tpu.vector_load %arg12[%swap3A_4502] {strides = array<i32>} : memref<1024xf32, #tpu.memory_space<vmem>>, vector<16xf32>,
    tpu.vector_store %arg12[%swap3A_4502], %gather3A_4501 {strides = array<i32>} : memref<1024xf32, #tpu.memory_space<vmem>>, vector<16xf32>,
    %add3A_4504 = arith.constant 8 : i32
    %add3A_4505 = vector.broadcast %add3A_4504 : i32 to vector<16xi32>
    %add3A_4506 = arith.addi %mul3A_27, %add3A_4505 : vector<16xi32>
    %gather3A_4507 = tpu.vector_load_idx %arg11[%add3A_4506] : memref<48xf32, #tpu.memory_space<vmem>>[vector<16xi32>], vector<16xf32>,
    %swap3A_4508 = arith.constant 896 : index
    %swap3A_4509 = tpu.vector_load %arg12[%swap3A_4508] {strides = array<i32>} : memref<1024xf32, #tpu.memory_space<vmem>>, vector<16xf32>,
    tpu.vector_store %arg12[%swap3A_4508], %gather3A_4507 {strides = array<i32>} : memref<1024xf32, #tpu.memory_space<vmem>>, vector<16xf32>,
    %add3A_4510 = arith.constant 9 : i32
    %add3A_4511 = vector.broadcast %add3A_4510 : i32 to vector<16xi32>
    %add3A_4512 = arith.addi %mul3A_27, %add3A_4511 : vector<16xi32>
    %gather3A_4513 = tpu.vector_load_idx %arg11[%add3A_4512] : memref<48xf32, #tpu.memory_space<vmem>>[vector<16xi32>], vector<16xf32>,
    %swap3A_4514 = arith.constant 912 : index
    %swap3A_4515 = tpu.vector_load %arg12[%swap3A_4514] {strides = array<i32>} : memref<1024xf32, #tpu.memory_space<vmem>>, vector<16xf32>,
    tpu.vector_store %arg12[%swap3A_4514], %gather3A_4513 {strides = array<i32>} : memref<1024xf32, #tpu.memory_space<vmem>>, vector<16xf32>,
    %add3A_4516 = arith.constant 10 : i32
    %add3A_4517 = vector.broadcast %add3A_4516 : i32 to vector<16xi32>
    %add3A_4518 = arith.addi %mul3A_27, %add3A_4517 : vector<16xi32>
    %gather3A_4519 = tpu.vector_load_idx %arg11[%add3A_4518] : memref<48xf32, #tpu.memory_space<vmem>>[vector<16xi32>], vector<16xf32>,
    %swap3A_4520 = arith.constant 928 : index
    %swap3A_4521 = tpu.vector_load %arg12[%swap3A_4520] {strides = array<i32>} : memref<1024xf32, #tpu.memory_space<vmem>>, vector<16xf32>,
    tpu.vector_store %arg12[%swap3A_4520], %gather3A_4519 {strides = array<i32>} : memref<1024xf32, #tpu.memory_space<vmem>>, vector<16xf32>,
    %add3A_4522 = arith.constant 11 : i32
    %add3A_4523 = vector.broadcast %add3A_4522 : i32 to vector<16xi32>
    %add3A_4524 = arith.addi %mul3A_27, %add3A_4523 : vector<16xi32>
    %gather3A_4525 = tpu.vector_load_idx %arg11[%add3A_4524] : memref<48xf32, #tpu.memory_space<vmem>>[vector<16xi32>], vector<16xf32>,
    %swap3A_4526 = arith.constant 944 : index
    %swap3A_4527 = tpu.vector_load %arg12[%swap3A_4526] {strides = array<i32>} : memref<1024xf32, #tpu.memory_space<vmem>>, vector<16xf32>,
    tpu.vector_store %arg12[%swap3A_4526], %gather3A_4525 {strides = array<i32>} : memref<1024xf32, #tpu.memory_space<vmem>>, vector<16xf32>,
    %add3A_4528 = arith.constant 12 : i32
    %add3A_4529 = vector.broadcast %add3A_4528 : i32 to vector<16xi32>
    %add3A_4530 = arith.addi %mul3A_27, %add3A_4529 : vector<16xi32>
    %gather3A_4531 = tpu.vector_load_idx %arg11[%add3A_4530] : memref<48xf32, #tpu.memory_space<vmem>>[vector<16xi32>], vector<16xf32>,
    %swap3A_4532 = arith.constant 960 : index
    %swap3A_4533 = tpu.vector_load %arg12[%swap3A_4532] {strides = array<i32>} : memref<1024xf32, #tpu.memory_space<vmem>>, vector<16xf32>,
    tpu.vector_store %arg12[%swap3A_4532], %gather3A_4531 {strides = array<i32>} : memref<1024xf32, #tpu.memory_space<vmem>>, vector<16xf32>,
    %add3A_4534 = arith.constant 13 : i32
    %add3A_4535 = vector.broadcast %add3A_4534 : i32 to vector<16xi32>
    %add3A_4536 = arith.addi %mul3A_27, %add3A_4535 : vector<16xi32>
    %gather3A_4537 = tpu.vector_load_idx %arg11[%add3A_4536] : memref<48xf32, #tpu.memory_space<vmem>>[vector<16xi32>], vector<16xf32>,
    %swap3A_4538 = arith.constant 976 : index
    %swap3A_4539 = tpu.vector_load %arg12[%swap3A_4538] {strides = array<i32>} : memref<1024xf32, #tpu.memory_space<vmem>>, vector<16xf32>,
    tpu.vector_store %arg12[%swap3A_4538], %gather3A_4537 {strides = array<i32>} : memref<1024xf32, #tpu.memory_space<vmem>>, vector<16xf32>,
    %add3A_4540 = arith.constant 14 : i32
    %add3A_4541 = vector.broadcast %add3A_4540 : i32 to vector<16xi32>
    %add3A_4542 = arith.addi %mul3A_27, %add3A_4541 : vector<16xi32>
    %gather3A_4543 = tpu.vector_load_idx %arg11[%add3A_4542] : memref<48xf32, #tpu.memory_space<vmem>>[vector<16xi32>], vector<16xf32>,
    %swap3A_4544 = arith.constant 992 : index
    %swap3A_4545 = tpu.vector_load %arg12[%swap3A_4544] {strides = array<i32>} : memref<1024xf32, #tpu.memory_space<vmem>>, vector<16xf32>,
    tpu.vector_store %arg12[%swap3A_4544], %gather3A_4543 {strides = array<i32>} : memref<1024xf32, #tpu.memory_space<vmem>>, vector<16xf32>,
    %add3A_4546 = arith.constant 15 : i32
    %add3A_4547 = vector.broadcast %add3A_4546 : i32 to vector<16xi32>
    %add3A_4548 = arith.addi %mul3A_27, %add3A_4547 : vector<16xi32>
    %gather3A_4549 = tpu.vector_load_idx %arg11[%add3A_4548] : memref<48xf32, #tpu.memory_space<vmem>>[vector<16xi32>], vector<16xf32>,
    %swap3A_4550 = arith.constant 1008 : index
    %swap3A_4551 = tpu.vector_load %arg12[%swap3A_4550] {strides = array<i32>} : memref<1024xf32, #tpu.memory_space<vmem>>, vector<16xf32>,
    tpu.vector_store %arg12[%swap3A_4550], %gather3A_4549 {strides = array<i32>} : memref<1024xf32, #tpu.memory_space<vmem>>, vector<16xf32>,
    %mul3A_4552 = arith.constant 16 : i32
    %mul3A_4553 = arith.muli %mul3A_2, %mul3A_4552 : i32
    "tpu.region"() ({
      %run_scoped3A_4554 = tpu.sem_alloc : memref<!tpu.dma_semaphore, #tpu.memory_space<semaphore_mem>>
      %dma_start3A_4555 = tpu.memref_slice %arg5[%mul3A_4553] : memref<32768xf32, #tpu.memory_space<hbm>> -> memref<1024xf32, #tpu.memory_space<hbm>>
      %dma_start3A_4556 = tpu.memref_slice %arg5[%mul3A_4553] : memref<32768xf32, #tpu.memory_space<hbm>> -> memref<1024xf32, #tpu.memory_space<hbm>>
      tpu.enqueue_dma source(%arg12 : memref<1024xf32, #tpu.memory_space<vmem>>) target(%dma_start3A_4556 : memref<1024xf32, #tpu.memory_space<hbm>>) target_semaphore(%run_scoped3A_4554 : memref<!tpu.dma_semaphore, #tpu.memory_space<semaphore_mem>>)
      %dma_wait3A_4557 = tpu.memref_slice %arg5[%mul3A_4553] : memref<32768xf32, #tpu.memory_space<hbm>> -> memref<1024xf32, #tpu.memory_space<hbm>>
      %dma_wait3A_4558 = tpu.memref_slice %arg5[%mul3A_4553] : memref<32768xf32, #tpu.memory_space<hbm>> -> memref<1024xf32, #tpu.memory_space<hbm>>
      tpu.wait_dma2 semaphore(%run_scoped3A_4554 : memref<!tpu.dma_semaphore, #tpu.memory_space<semaphore_mem>>) src(%arg12 : memref<1024xf32, #tpu.memory_space<vmem>>) dst(%dma_wait3A_4558 : memref<1024xf32, #tpu.memory_space<hbm>>)
      tpu.yield
    }) : () -> ()
    return
  }
}

</mosaic_0001>

<sc_bundles>
// kernel: kernel.3.cloned.1.call-start
scs
__scs_entry_jumppad:
0x0: {  	(pc) =	sbr.rel $0x88, $3  }
0x1: {  	(tag) =	ssettag $0x0;
	lr =	simm.s32 $0x1  }
0x2: {  	[smem:$0x3F9E] =	sst lr;
	_ =	strace $0xD0000000  }
0x3: {  	_ = 	snop  }
0x4: {  	_ = 	snop  }
0x5: {  	_ = 	snop  }
0x6: {  	_ = 	snop  }
0x7: {  	_ = 	snop  }
__scs_overlays_trampoline_lowered:
0x8: {  	[smem:$0x3FAD] =	sst s0  }
0x9: {  	[smem:$0x3FAE] =	sst s1  }
0xa: {  	[smem:$0x3FAF] =	sst s2  }
0xb: {  	[smem:$0x3FB0] =	sst s3  }
0xc: {  	[smem:$0x3FB1] =	sst s4  }
0xd: {  	[smem:$0x3FB2] =	sst s5  }
0xe: {  	[smem:$0x3FB3] =	sst s6  }
0xf: {  	[smem:$0x3FB4] =	sst s7  }
0x10: {  	[smem:$0x3FB5] =	sst s8  }
0x11: {  	[smem:$0x3FB6] =	sst s9;
	s0 =	simm.s32 @!p0 $0x0  }
0x12: {  	s1 =	sld [smem:$0x3F9C];
	s0 =	simm.s32 @p0 $0x1  }
0x13: {  	[smem:$0x3FB7] =	sst s0;
	s0 =	simm.s32 @!p1 $0x0  }
0x14: {  	s2 =	sld [smem:$0x3F9B];
	s0 =	simm.s32 @p1 $0x1  }
0x15: {  	[smem:$0x3FB8] =	sst s0;
	s0 =	simm.s32 @!p2 $0x0  }
0x16: {  	s3 =	sld [smem:$0x3FDB];
	s0 =	simm.s32 @p2 $0x1  }
0x17: {  	s4 =	simm.s32 $0x1BF5;
	[smem:$0x3FBA] =	sst s0  }
0x18: {  	s0 =	sld [smem:$0x3F9D];
	_ =	swait.ge [sflag:s4], $0x0  }
0x19: {  	s7 =	sld [smem:$0x3F9E]  }
0x1a: {  	s8 =	sadd.s32 $0xFFFFE003, lr  }
0x1b: {  	s9 =	sadd.s32 $0xFFFFFEF7, lr;
	s5 =	simm.s32 $0xFFFFFFFF;
	p2 =	slt.u32 s8, $0xFFFFF086  }
0x1c: {  	p1 =	slt.u32 s9, $0xF7A;
	s5 =	simm.s32 @!p2 $0x0  }
0x1d: {  	s5 =	simm.s32 @p1 $0x1;
	p0 =	seq.s32 s7, s2  }
0x1e: {  	s7 =	smul.u32 @!p0 $0xF7A, s2;
	p2 =	seq.s32 @!p0 s5, $0x0  }
0x1f: {  	s9 =	smul.u32 $0xF7A, s1;
	s8 =	simm.s32 @!p0 $0x1BF5;
	p2 =	por !p2, p0  }
0x20: {  	[sflag:s8] =	ssyncset.s32 @!p0 $0xFFFFF086;
	s6 =	sadd.s32 @!p0 s3, s7;
	s7 =	simm.s32 @!p0 $0x108  }
0x21: {  	s3 =	sadd.s32 s3, s9;
	s6 =	sadd.s32 @!p0 $0x88, s6;
	s7 =	simm.s32 @p2 $0x1082  }
0x22: {  	[simem:s7], [sflag:s8] =	dma.local @!p0 [hbm:s6], $0xF7A  }
0x23: {  	s9 =	sor.u32 $0xD0000000, s2;
	s6 =	simm.s32 $0x108;
	_ =	swait.ge @!p0 [sflag:s8], $0x0  }
0x24: {  	s3 =	sadd.s32 $0x88, s3;
	s6 =	simm.s32 @!p1 $0x1082;
	[sflag:s4] =	ssyncset.s32 $0xFFFFF086  }
0x25: {  	[simem:s6], [sflag:s4] =	dma.local [hbm:s3], $0xF7A  }
0x26: {  	[smem:$0x3F9E] =	sst s1;
	(tag) =	ssettag s2;
	_ =	strace s9  }
0x27: {  	s1 =	sld [smem:$0x3FAE]  }
0x28: {  	s2 =	sld [smem:$0x3FAF]  }
0x29: {  	s4 =	sld [smem:$0x3FB1]  }
0x2a: {  	p0 =	seq.s32 s5, $0x0;
	s5 =	sld [smem:$0x3FB2]  }
0x2b: {  	s6 =	sld [smem:$0x3FB3]  }
0x2c: {  	s7 =	sld [smem:$0x3FB4]  }
0x2d: {  	s3 =	simm.s32 $0x108;
	s8 =	sld [smem:$0x3FB5]  }
0x2e: {  	s3 =	simm.s32 @!p0 $0x1082;
	s9 =	sld [smem:$0x3FB6]  }
0x2f: {  	lr =	sadd.s32 s0, s3;
	s0 =	sld [smem:$0x3FAD]  }
0x30: {  	s3 =	sld [smem:$0x3FB0]  }
0x31: {  	[smem:$0x3FB9] =	sst s10  }
0x32: {  	s10 =	sld [smem:$0x3FB7];
	_ =	sdelay $0x3  }
0x33: {  	p0 =	seq.s32 s10, $0x1;
	s10 =	sld [smem:$0x3FB9];
	_ =	sdelay $0x3  }
0x34: {  	[smem:$0x3FB9] =	sst s10  }
0x35: {  	s10 =	sld [smem:$0x3FB8];
	_ =	sdelay $0x3  }
0x36: {  	p1 =	seq.s32 s10, $0x1;
	s10 =	sld [smem:$0x3FB9];
	_ =	sdelay $0x3  }
0x37: {  	[smem:$0x3FB9] =	sst s10  }
0x38: {  	s10 =	sld [smem:$0x3FBA]  }
0x39: {  	_ = 	snop;
	(pc) =	sbr.ind lr, $3  }
0x3a: {  	_ = 	snop  }
0x3b: {  	_ = 	snop  }
0x3c: {  	p2 =	seq.s32 s10, $0x1;
	s10 =	sld [smem:$0x3FB9]  }
0x3d: {  	_ =	shalt  }
0x3e: {  	_ =	shalt  }
0x3f: {  	_ =	shalt  }
0x40: {  	_ =	shalt  }
0x41: {  	_ =	shalt  }
0x42: {  	_ =	shalt  }
0x43: {  	_ =	shalt  }
0x44: {  	_ =	shalt  }
0x45: {  	_ =	shalt  }
0x46: {  	_ =	shalt  }
0x47: {  	_ =	shalt  }
0x48: {  	_ =	shalt  }
0x49: {  	_ =	shalt  }
0x4a: {  	_ =	shalt  }
0x4b: {  	_ =	shalt  }
0x4c: {  	_ =	shalt  }
0x4d: {  	_ =	shalt  }
0x4e: {  	_ =	shalt  }
0x4f: {  	_ =	shalt  }
0x50: {  	_ =	shalt  }
0x51: {  	_ =	shalt  }
0x52: {  	_ =	shalt  }
0x53: {  	_ =	shalt  }
0x54: {  	_ =	shalt  }
0x55: {  	_ =	shalt  }
0x56: {  	_ =	shalt  }
0x57: {  	_ =	shalt  }
0x58: {  	_ =	shalt  }
0x59: {  	_ =	shalt  }
0x5a: {  	_ =	shalt  }
0x5b: {  	_ =	shalt  }
0x5c: {  	_ =	shalt  }
0x5d: {  	_ =	shalt  }
0x5e: {  	_ =	shalt  }
0x5f: {  	_ =	shalt  }
0x60: {  	_ =	shalt  }
0x61: {  	_ =	shalt  }
0x62: {  	_ =	shalt  }
0x63: {  	_ =	shalt  }
0x64: {  	_ =	shalt  }
0x65: {  	_ =	shalt  }
0x66: {  	_ =	shalt  }
0x67: {  	_ =	shalt  }
0x68: {  	_ =	shalt  }
0x69: {  	_ =	shalt  }
0x6a: {  	_ =	shalt  }
0x6b: {  	_ =	shalt  }
0x6c: {  	_ =	shalt  }
0x6d: {  	_ =	shalt  }
0x6e: {  	_ =	shalt  }
0x6f: {  	_ =	shalt  }
0x70: {  	_ =	shalt  }
0x71: {  	_ =	shalt  }
0x72: {  	_ =	shalt  }
0x73: {  	_ =	shalt  }
0x74: {  	_ =	shalt  }
0x75: {  	_ =	shalt  }
0x76: {  	_ =	shalt  }
0x77: {  	_ =	shalt  }
0x78: {  	_ =	shalt  }
0x79: {  	_ =	shalt  }
0x7a: {  	_ =	shalt  }
0x7b: {  	_ =	shalt  }
0x7c: {  	_ =	shalt  }
0x7d: {  	_ =	shalt  }
0x7e: {  	_ =	shalt  }
0x7f: {  	_ =	shalt  }
0x80: {  	_ =	shalt  }
0x81: {  	_ =	shalt  }
0x82: {  	_ =	shalt  }
0x83: {  	_ =	shalt  }
0x84: {  	_ =	shalt  }
0x85: {  	_ =	shalt  }
0x86: {  	_ =	shalt  }
0x87: {  	_ =	shalt  }
.Lfunc_end0:
.L_simem_size_0:
called_computation_lowered:
.L_overlay_start_0:
0x88: {  	s2 =	sld [smem:$0x3FD9]  }
0x89: {  	s3 =	sld [smem:$0x3FFE];
	_ =	sdelay $0x1  }
0x8a: {  	s1 =	srdreg.scid  }
0x8b: {  	s0 =	sand.u32 $0x1, s1  }
0x8c: {  	s17 =	sshll.u32 s0, $0xA;
	s2 =	sadd.s32 s3, s2  }
0x8d: {  	s2 =	sadd.s32 s2, s17  }
0x8e: {  	[smem:$0x3FC5] =	sst s2  }
0x8f: {  	_ = 	snop  }
0x90: {  	s2 =	sld [smem:$0x3FD0];
	(tm) =	ssettm $0x1  }
0x91: {  	s18 =	sld [smem:$0x3FFB];
	_ =	sdelay $0x3  }
0x92: {  	_ =	strace s18  }
0x93: {  	s3 =	sld [smem:$0x3FFC];
	_ =	sdelay $0x3  }
0x94: {  	_ =	strace s3  }
0x95: {  	s3 =	sld [smem:$0x3FFD];
	_ =	sdelay $0x3  }
0x96: {  	_ =	strace s3  }
0x97: {  	_ =	strace $0x8FFFFFFF  }
0x98: {  	s19 =	sld [smem:$0x3FDB];
	_ =	sdelay $0x1  }
0x99: {  	s4 =	simm.s32 $_scs_section_size  }
0x9a: {  	s5 =	simm.s32 $_size__tile_overlayer_lowered;
	s6 =	simm.s32 $_tile_overlayer_lowered  }
0x9b: {  	s22 =	simm.s32 $0x1BFF;
	s21 =	sshll.u32 s6, $0x1;
	s3 =	sadd.s32 s4, s19  }
0x9c: {  	s7 =	simm.s32 $0x0;
	s20 =	sshll.u32 s5, $0x1;
	s5 =	sadd.s32 s21, s3  }
0x9d: {  	[timem:s7], [sflag:s22] =	dma.local [hbm:s5], s20  }
0x9e: {  	_ =	swait.ge [sflag:s22], s20  }
0x9f: {  	s4 =	ssub.s32 $0x0, s20;
	[sflag:s22] =	ssyncset.done $0x0  }
0xa0: {  	[sflag:s22] =	ssyncadd.s32 s4;
	_ =	sdelay $0x1  }
0xa1: {  	s23 =	simm.s32 $0x1B8B  }
0xa2: {  	_ =	swait.ge [sflag:s23], $0x1  }
0xa3: {  	[sflag:s23] =	ssyncset.done $0x0  }
0xa4: {  	s25 =	simm.s32 $0x1B8E;
	s24 =	sld [smem:$0x3FFE];
	[sflag:s23] =	ssyncadd.s32 $0xFFFFFFFF  }
0xa5: {  	s26 =	simm.s32 $execute0_lowered;
	[smem:$0x3FD2] =	sst s25  }
0xa6: {  	s5 =	sshll.u32 s26, $0x1;
	_ =	strace $0x80000046;
	[dreg:$0x1] =	wrdreg $0xFFFFFFFF  }
0xa7: {  	s28 =	simm.s32 $_size_execute0_lowered;
	s3 =	sadd.s32 s3, s5;
	[dreg:$0x0] =	wrdreg $0x0  }
0xa8: {  	s5 =	sshll.u32 s28, $0x1;
	[dreg:$0x2] =	wrdreg s3  }
0xa9: {  	[dreg:$0x3] =	wrdreg s5  }
0xaa: {  	[dreg:$0x4] =	wrdreg $0xC0  }
0xab: {  	_ =	task [dreg:s7], $0x5FFFF  }
0xac: {  	[dreg:$0x1] =	wrdreg $0xFFFFFFFF  }
0xad: {  	[dreg:$0x0] =	wrdreg $0x60  }
0xae: {  	[dreg:$0x2] =	wrdreg s2  }
0xaf: {  	[dreg:$0x3] =	wrdreg s24  }
0xb0: {  	[dreg:$0x4] =	wrdreg $0x3AB00  }
0xb1: {  	[dreg:$0x5] =	wrdreg $0x9  }
0xb2: {  	_ =	task.clear_ibuf [dreg:s7], $0x6FFFF;
	_ =	strace $0x90000046  }
0xb3: {  	s29 =	simm.s32 $0x9;
	_ =	strace $0x80000048  }
0xb4: {  	_ =	swait.ge [sflag:s29], $0x1  }
0xb5: {  	[sflag:s29] =	ssyncadd.s32 $0xFFFFFFFF  }
0xb6: {  	_ =	strace $0x90000048  }
0xb7: {  	_ =	sfence  }
0xb8: {  	s30 =	sld [smem:$0x0];
	_ =	sdelay $0x2  }
0xb9: {  	s31 =	sshll.u32 s1, $0xD;
	s1 =	sshrl.u32 s1, $0x2  }
0xba: {  	s3 =	sand.u32 $0x4000, s31;
	s1 =	sadd.s32 s1, s30  }
0xbb: {  	s0 =	sor.u32 s3, s0;
	s1 =	sshll.u32 s1, $0x11  }
0xbc: {  	s0 =	sor.u32 s1, s0  }
0xbd: {  	s0 =	sadd.s32 $0x8F2B, s0  }
0xbe: {  	[sflag:s0] =	ssyncadd.remote.s32 $0x1  }
0xbf: {  	_ =	sfence.sel $0xFFFF  }
0xc0: {  	[dreg:$0x0] =	wrdreg $0xFFFFFFFF;
	(pc) =	sbr.abs _section_cstart, $3  }
0xc1: {  	[dreg:$0x1] =	wrdreg $0xFFFFFFFF  }
0xc2: {  	_ =	task.clear_ibuf [dreg:s7], $0x2FFFF;
	_ =	strace $0x9FFFFFFF  }
0xc3: {  	(tm) =	ssettm $0x7FFFFFFF  }
tec
execute0_lowered:
.L_overlay_start_1:
0x0: {  	(tag) =	ssettag $0x1  }
0x1: {  	v0 =	vimm.f32 $6.283185480e+00  }
0x2: {  	v1 =	vimm.s32 $0x201010;
	vm3 =	vcmask $0x1304;
	v2 =	vimm.s32 $0x10002020  }
0x3: {  	vm1 =	vcmask $0x2314;
	v3 =	vimm.s32 $0x1211111;
	v4 =	vimm.s32 $0x11012121  }
0x4: {  	vm2 =	vcmask $0x3728;
	v5 =	vimm.s32 $0x12022222;
	v6 =	vimm.s32 $0x22121202  }
0x5: {  	s5 =	rddreg [dreg:$0x0];
	v7 =	vimm.s32 $0x3231313;
	v8 =	vimm.s32 $0x14042424;
	v9 =	vimm.s32 $0x25151505  }
0x6: {  	s6 =	rddreg [dreg:$0x1];
	v10 =	vimm.s32 $0x6261616;
	v11 =	vimm.s32 $0x16062626;
	v12 =	vimm.s32 $0x8281818  }
0x7: {  	s1 =	rddreg [dreg:$0x2];
	s2 =	simm.s32 $0x0;
	v13 =	vimm.s32 $0x19092929;
	v14 =	vimm.s32 $0x29191909;
	v15 =	vimm.s32 $0x2A1A1A0A  }
0x8: {  	vm0 =	vcmask $0x3B38;
	v16 =	vimm.s32 $0x1C0C2C2C;
	v17 =	vimm.s32 $0x2C1C1C0C;
	[smem:$0x7FF] =	sst s2  }
0x9: {  	s0 =	rddreg [dreg:$0x3];
	v18 =	vimm.s32 $0xD2D1D1D;
	v19 =	vimm.s32 $0x2F1F1F0F;
	v3 =	vunpack.c.0.s8.s32 v3;
	_ =	strace $0x80000047  }
0xa: {  	(erf) = vrcp.f32 v0;
	v0 =	vunpack.c.0.s8.s32 v1;
	v1 =	vimm.f32 $1.256637100e+01  }
0xb: {  	(erf) = vrcp.f32 v1;
	v1 =	vunpack.c.0.s8.s32 v2;
	v2 =	vimm.s32 $0x20101000  }
0xc: {  	v4 =	vunpack.c.0.s8.s32 v4;
	v0 =	vnsel vm3, $0x0, v0;
	v2 =	vunpack.c.0.s8.s32 v2  }
0xd: {  	v5 =	vunpack.c.0.s8.s32 v5;
	v6 =	vunpack.c.0.s8.s32 v6;
	v1 =	vsel vm1, v1, v0  }
0xe: {  	v1 =	vsel vm2, v2, v1;
	v2 =	vnsel vm3, $0x1, v3;
	v3 =	vimm.s32 $0x2221212  }
0xf: {  	v2 =	vsel vm1, v4, v2;
	v4 =	vimm.s32 $0x21111101;
	v3 =	vunpack.c.0.s8.s32 v3  }
0x10: {  	v9 =	vunpack.c.0.s8.s32 v9;
	v10 =	vunpack.c.0.s8.s32 v10;
	v4 =	vunpack.c.0.s8.s32 v4  }
0x11: {  	v13 =	vunpack.c.0.s8.s32 v13;
	v16 =	vunpack.c.0.s8.s32 v16;
	v3 =	vnsel vm3, $0x2, v3  }
0x12: {  	v17 =	vunpack.c.0.s8.s32 v17;
	v2 =	vsel vm2, v4, v2;
	v3 =	vsel vm1, v5, v3  }
0x13: {  	v4 =	vunpack.c.0.s8.s32 v7;
	v5 =	vimm.s32 $0x13032323;
	v7 =	vimm.s32 $0x4241414  }
0x14: {  	v3 =	vsel vm2, v6, v3;
	v5 =	vunpack.c.0.s8.s32 v5;
	v6 =	vimm.s32 $0x23131303  }
0x15: {  	v7 =	vunpack.c.0.s8.s32 v7;
	v4 =	vnsel vm3, $0x3, v4;
	v6 =	vunpack.c.0.s8.s32 v6  }
0x16: {  	v4 =	vsel vm1, v5, v4;
	v5 =	vunpack.c.0.s8.s32 v8;
	v8 =	vimm.s32 $0x5251515  }
0x17: {  	v4 =	vsel vm2, v6, v4;
	v6 =	vnsel vm3, $0x4, v7;
	v7 =	vunpack.c.0.s8.s32 v8  }
0x18: {  	v8 =	vimm.s32 $0x15052525;
	v5 =	vsel vm1, v5, v6;
	v6 =	vimm.s32 $0x24141404  }
0x19: {  	v18 =	vunpack.c.0.s8.s32 v18;
	v8 =	vunpack.c.0.s8.s32 v8;
	v6 =	vunpack.c.0.s8.s32 v6  }
0x1a: {  	v19 =	vunpack.c.0.s8.s32 v19;
	v0 =	vimm.s32 $0x0;
	v7 =	vnsel vm3, $0x5, v7  }
0x1b: {  	v5 =	vsel vm2, v6, v5;
	v6 =	vsel vm1, v8, v7;
	v7 =	vunpack.c.0.s8.s32 v11  }
0x1c: {  	v1 =	vsel vm0, $0x20, v1;
	v2 =	vsel vm0, $0x21, v2;
	v8 =	vnsel vm3, $0x6, v10  }
0x1d: {  	v10 =	vimm.s32 $0x17072727;
	v7 =	vsel vm1, v7, v8;
	v8 =	vimm.s32 $0x7271717  }
0x1e: {  	v6 =	vsel vm2, v9, v6;
	v9 =	vimm.s32 $0x26161606;
	v8 =	vunpack.c.0.s8.s32 v8  }
0x1f: {  	v11 =	vimm.s32 $0x27171707;
	v10 =	vunpack.c.0.s8.s32 v10;
	v9 =	vunpack.c.0.s8.s32 v9  }
0x20: {  	v3 =	vsel vm0, $0x22, v3;
	v11 =	vunpack.c.0.s8.s32 v11;
	v8 =	vnsel vm3, $0x7, v8  }
0x21: {  	v7 =	vsel vm2, v9, v7;
	v9 =	vunpack.c.0.s8.s32 v12;
	v8 =	vsel vm1, v10, v8  }
0x22: {  	v10 =	vimm.s32 $0x18082828;
	v8 =	vsel vm2, v11, v8;
	v11 =	vimm.s32 $0x9291919  }
0x23: {  	v12 =	vimm.s32 $0x28181808;
	v10 =	vunpack.c.0.s8.s32 v10;
	v11 =	vunpack.c.0.s8.s32 v11  }
0x24: {  	v4 =	vsel vm0, $0x23, v4;
	v12 =	vunpack.c.0.s8.s32 v12;
	v9 =	vnsel vm3, $0x8, v9  }
0x25: {  	v9 =	vsel vm1, v10, v9;
	v10 =	vnsel vm3, $0x9, v11;
	v11 =	vunpack.c.0.s8.s32 v14  }
0x26: {  	v5 =	vsel vm0, $0x24, v5;
	v9 =	vsel vm2, v12, v9;
	v10 =	vsel vm1, v13, v10  }
0x27: {  	v13 =	vimm.s32 $0xB2B1B1B;
	v10 =	vsel vm2, v11, v10;
	v11 =	vimm.s32 $0xA2A1A1A  }
0x28: {  	v12 =	vimm.s32 $0x1A0A2A2A;
	v13 =	vunpack.c.0.s8.s32 v13;
	v11 =	vunpack.c.0.s8.s32 v11  }
0x29: {  	v6 =	vsel vm0, $0x25, v6;
	v14 =	vimm.s32 $0x1B0B2B2B;
	v12 =	vunpack.c.0.s8.s32 v12  }
0x2a: {  	v14 =	vunpack.c.0.s8.s32 v14;
	v13 =	vnsel vm3, $0xB, v13;
	v11 =	vnsel vm3, $0xA, v11  }
0x2b: {  	v11 =	vsel vm1, v12, v11;
	v12 =	vunpack.c.0.s8.s32 v15;
	v15 =	vimm.s32 $0xC2C1C1C  }
0x2c: {  	v13 =	vsel vm1, v14, v13;
	v14 =	vimm.s32 $0x2B1B1B0B;
	v15 =	vunpack.c.0.s8.s32 v15  }
0x2d: {  	v7 =	vsel vm0, $0x26, v7;
	v8 =	vsel vm0, $0x27, v8;
	v14 =	vunpack.c.0.s8.s32 v14  }
0x2e: {  	v9 =	vsel vm0, $0x28, v9;
	v11 =	vsel vm2, v12, v11;
	v15 =	vnsel vm3, $0xC, v15  }
0x2f: {  	v12 =	vsel vm2, v14, v13;
	v13 =	vsel vm1, v16, v15;
	v15 =	vimm.s32 $0x1D0D2D2D  }
0x30: {  	s3 =	stileid.u32;
	s4 =	srdreg.scid;
	s12 =	simm.s32 $0x2;
	v16 =	vimm.s32 $0x2D1D1D0D;
	v14 =	vsel vm2, v17, v13;
	v15 =	vunpack.c.0.s8.s32 v15  }
0x31: {  	s13 =	simm.s32 $0x300;
	s14 =	simm.s32 $0x380;
	s15 =	simm.s32 $0x40;
	v13 =	vnsel vm3, $0xD, v18;
	v17 =	vimm.s32 $0xE2E1E1E;
	v16 =	vunpack.c.0.s8.s32 v16  }
0x32: {  	s16 =	simm.s32 $0x1;
	s17 =	simm.s32 $0x680;
	s18 =	simm.s32 $0x3680;
	v18 =	vimm.s32 $0x1E0E2E2E;
	v17 =	vunpack.c.0.s8.s32 v17;
	v13 =	vsel vm1, v15, v13  }
0x33: {  	s8 =	smul.u32 $0x300, s3;
	s9 =	sand.u32 $0x1, s4;
	s10 =	sshll.u32 s3, $0x1;
	v15 =	vunpack.c.0.s8.s32 v18;
	v18 =	vimm.s32 $0xF2F1F1F;
	v16 =	vsel vm2, v16, v13  }
0x34: {  	s19 =	simm.s32 $0x36B0;
	s4 =	sadd.s32 $0x800, s6;
	s10 =	sor.u32 s9, s10;
	v13 =	vnsel vm3, $0xE, v17;
	v17 =	vunpack.c.0.s8.s32 v18;
	v18 =	vimm.s32 $0x1F0F2F2F  }
0x35: {  	s9 =	ssub.s32 $0x2, s9;
	s7 =	sshrl.u32 s8, $0x3;
	s11 =	sshll.u32 s10, $0x7;
	v15 =	vsel vm1, v15, v13;
	v13 =	vimm.s32 $0x2E1E1E0E;
	v18 =	vunpack.c.0.s8.s32 v18  }
0x36: {  	s10 =	sshll.u32 s10, $0x3;
	s30 =	sshrl.u32 s9, $0x1;
	s8 =	sadd.s32 s8, s1;
	v10 =	vsel vm0, $0x29, v10;
	v17 =	vnsel vm3, $0xF, v17;
	v20 =	vunpack.c.0.s8.s32 v13  }
0x37: {  	s7 =	sadd.s32 s7, s6;
	s11 =	sadd.s32 s11, s6;
	s5 =	sadd.s32 s5, s10;
	v11 =	vsel vm0, $0x2A, v11;
	v12 =	vsel vm0, $0x2B, v12;
	v17 =	vsel vm1, v18, v17  }
0x38: {  	s31 =	ssub.s32 s9, s30;
	s6 =	sadd.s32 $0x6800, s7;
	s7 =	sadd.s32 $0x100, s5;
	v14 =	vsel vm0, $0x2C, v14;
	v13 =	vpop (erf);
	v18 =	vsel vm2, v20, v15;
	v19 =	vsel vm2, v19, v17  }
0x39: {  	s9 =	sadd.s32 $0x6E00, s11;
	s10 =	smax.u32 s31, $0x1;
	s11 =	simm.s32 $0x80;
	v16 =	vsel vm0, $0x2D, v16;
	v15 =	vpop (erf);
	v17 =	vsel vm0, $0x2E, v18;
	v18 =	vsel vm0, $0x2F, v19  }
.LBB2_1:
0x3a: {  	[tilespmem:s11], [sflag:$0x2] =	stream.linear.gather [hbm4b:s6+s2], $0x300, $0x38;
	[tilespmem:$0x3DB0] =	vst v63  }
0x3b: {  	_ =	swait.ge [sflag:s12], $0x300  }
0x3c: {  	[sflag:s12] =	ssyncset.done $0x0  }
0x3d: {  	[sflag:s12] =	ssyncadd.s32 $0xFFFFFD00  }
0x3e: {  	[tilespmem:s14], [sflag:$0x1] =	stream.indirect.gather [hbm4b:s4+s13], $0x1, s11, s13, $0xb8;
	[tilespmem:$0x3DB0] =	vst v63  }
0x3f: {  	_ = 	snop  }
0x40: {  	[tilespmem:s2], [sflag:$0x2] =	stream.linear.gather [hbm4b:s5+s2], $0x40, $0x38;
	[tilespmem:$0x3DB0] =	vst v63  }
0x41: {  	_ =	swait.ge [sflag:s12], $0x40  }
0x42: {  	[sflag:s12] =	ssyncset.done $0x0  }
0x43: {  	[sflag:s12] =	ssyncadd.s32 $0xFFFFFFC0  }
0x44: {  	[tilespmem:s15], [sflag:$0x2] =	stream.linear.gather [hbm4b:s7+s2], $0x40, $0x38;
	[tilespmem:$0x3DB0] =	vst v63  }
0x45: {  	_ =	swait.ge [sflag:s12], $0x40  }
0x46: {  	[sflag:s12] =	ssyncset.done $0x0  }
0x47: {  	[sflag:s12] =	ssyncadd.s32 $0xFFFFFFC0  }
0x48: {  	_ =	swait.ge [sflag:s16], $0x300  }
0x49: {  	[sflag:s16] =	ssyncset.done $0x0  }
0x4a: {  	[sflag:s16] =	ssyncadd.s32 $0xFFFFFD00  }
0x4b: {  	[spmem:s8] =	stream.linear.scatter [tilespmem:s14], [sflag:$0x2], $0x300, $0x38;
	[tilespmem:$0x3DB0] =	vst v63  }
0x4c: {  	_ =	swait.ge [sflag:s12], $0x300  }
0x4d: {  	[sflag:s12] =	ssyncset.done $0x0  }
0x4e: {  	[sflag:s12] =	ssyncadd.s32 $0xFFFFFD00  }
0x4f: {  	[bflag:$0x0] =	sbarrier.arrive $0xFFFF  }
0x50: {  	[tilespmem:s17], [sflag:$0x2] =	stream.linear.gather [spmem:s1], $0x3000, $0x38;
	[tilespmem:$0x3DB0] =	vst v63  }
0x51: {  	_ =	swait.ge [sflag:s12], $0x3000  }
0x52: {  	[sflag:s12] =	ssyncset.done $0x0  }
0x53: {  	[sflag:s12] =	ssyncadd.s32 $0xFFFFD000  }
0x54: {  	v19 =	vld [tilespmem:$0x0]  }
0x55: {  	v20 =	vld [tilespmem:$0x40];
	_ =	sdelay $0x3  }
0x56: {  	v19 =	vadd.f32 $-3.141592740e+00, v19  }
0x57: {  	v20 =	vadd.f32 $-6.283185480e+00, v20  }
0x58: {  	v19 =	vmul.f32 v19, v13  }
0x59: {  	v20 =	vmul.f32 v20, v15  }
0x5a: {  	v19 =	vmul.f32 $8.000000000e+00, v19  }
0x5b: {  	v20 =	vmul.f32 $8.000000000e+00, v20  }
0x5c: {  	v19 =	vmul.f32 $3.200000000e+01, v19  }
0x5d: {  	v20 =	vmul.f32 $3.200000000e+01, v20  }
0x5e: {  	v21 =	vtrunc.f32 v19  }
0x5f: {  	v22 =	vcvt.f32.s32 v21;
	vm0 =	vlt.f32 v19, v21;
	v19 =	vtrunc.f32 v20  }
0x60: {  	v21 =	vsel vm0, $0xFFFFFFFF, v0;
	v23 =	vcvt.f32.s32 v19;
	vm9 =	vlt.f32 v20, v19  }
0x61: {  	v20 =	vadd.s32 v22, v21;
	v19 =	vsel vm9, $0xFFFFFFFF, v0  }
0x62: {  	v19 =	vadd.s32 v23, v19;
	v21 =	vshrl.u32 v20, $0x1  }
0x63: {  	v46 =	vadd.s32 $0x1, v20;
	v27 =	vadd.s32 $0x2, v20;
	v29 =	vadd.s32 $0x3, v20  }
0x64: {  	v33 =	vadd.s32 $0x4, v20;
	v57 =	vadd.s32 $0x5, v20;
	v59 =	vadd.s32 $0x6, v20  }
0x65: {  	v42 =	vadd.s32 $0x7, v20;
	v38 =	vadd.s32 $0x9, v20;
	v21 =	vand.u32 $0x70, v21  }
0x66: {  	v45 =	vshra.s32 v19, $0x5;
	v23 =	vshrl.u32 v46, $0x1;
	v24 =	vadd.s32 $0x3, v19  }
0x67: {  	v27 =	vshrl.u32 v27, $0x1;
	v28 =	vadd.s32 $0x6, v19;
	v29 =	vshrl.u32 v29, $0x1  }
0x68: {  	v31 =	vadd.s32 $0x9, v19;
	v33 =	vshrl.u32 v33, $0x1;
	v34 =	vadd.s32 $0xC, v19  }
0x69: {  	v58 =	vadd.s32 $0xF, v19;
	v60 =	vadd.s32 $0x12, v19;
	v44 =	vadd.s32 $0x15, v19  }
0x6a: {  	v35 =	vadd.s32 $0x18, v19;
	v38 =	vshrl.u32 v38, $0x1;
	v39 =	vadd.s32 $0x1B, v19  }
0x6b: {  	v21 =	vadd.s32 v21, v45;
	v23 =	vand.u32 $0x70, v23;
	v24 =	vshra.s32 v24, $0x5  }
0x6c: {  	v22 =	vand.u32 $0x7, v45;
	v47 =	vand.u32 $0x70, v27;
	v48 =	vshra.s32 v28, $0x5  }
0x6d: {  	v29 =	vand.u32 $0x70, v29;
	v31 =	vshra.s32 v31, $0x5;
	v33 =	vand.u32 $0x70, v33  }
0x6e: {  	v34 =	vshra.s32 v34, $0x5;
	v45 =	vadd.s32 $0x8, v20;
	v35 =	vshra.s32 v35, $0x5  }
0x6f: {  	v46 =	vand.u32 $0x70, v38;
	v21 =	vadd.s32 $0x8, v21;
	v23 =	vadd.s32 v23, v24  }
0x70: {  	v24 =	vand.u32 $0x7, v24;
	v27 =	vand.u32 $0x7, v48;
	v29 =	vadd.s32 v29, v31  }
0x71: {  	v31 =	vand.u32 $0x7, v31;
	v52 =	vadd.s32 v33, v34;
	v25 =	vand.u32 $0xFFFFFFF8, v21  }
0x72: {  	v55 =	vand.u32 $0x7, v34;
	v23 =	vadd.s32 $0x88, v23;
	v22 =	vor.u32 v22, v25  }
0x73: {  	v33 =	vshra.s32 v44, $0x5;
	v26 =	vand.u32 $0xFFFFFFF8, v23;
	v25 =	vadd.s32 $0x1000, v22  }
0x74: {  	v34 =	vshrl.u32 v45, $0x1;
	v24 =	vor.u32 v24, v26;
	v22 =	vadd.s32 $0x2000, v22  }
0x75: {  	v44 =	vadd.s32 $0xC, v20;
	v29 =	vadd.s32 $0x188, v29;
	v49 =	vadd.s32 $0x1000, v24  }
0x76: {  	v32 =	vand.u32 $0xFFFFFFF8, v29;
	v26 =	vadd.s32 v47, v48;
	v24 =	vadd.s32 $0x2000, v24;
	v21 =	vld.idx.msk [tilespmem:v21+s17+$0x0], $0xffff  }
0x77: {  	v45 =	vadd.s32 $0x4, v19;
	v31 =	vor.u32 v31, v32;
	v26 =	vadd.s32 $0x108, v26;
	v23 =	vld.idx.msk [tilespmem:v23+s17+$0x0], $0xffff  }
0x78: {  	v32 =	vadd.s32 $0x1000, v31;
	v31 =	vadd.s32 $0x2000, v31;
	v30 =	vand.u32 $0xFFFFFFF8, v26;
	v25 =	vld.idx.msk [tilespmem:v25+s17+$0x0], $0xffff  }
0x79: {  	v53 =	vadd.s32 $0x208, v52;
	v34 =	vand.u32 $0x70, v34;
	v27 =	vor.u32 v27, v30;
	v22 =	vld.idx.msk [tilespmem:v22+s17+$0x0], $0xffff  }
0x7a: {  	v34 =	vadd.s32 v34, v35;
	v30 =	vadd.s32 $0x1000, v27;
	v27 =	vadd.s32 $0x2000, v27;
	v28 =	vld.idx.msk [tilespmem:v49+s17+$0x0], $0xffff  }
0x7b: {  	v54 =	vand.u32 $0xFFFFFFF8, v53;
	v34 =	vadd.s32 $0x408, v34;
	v47 =	vshra.s32 v39, $0x5;
	v24 =	vld.idx.msk [tilespmem:v24+s17+$0x0], $0xffff  }
0x7c: {  	v35 =	vand.u32 $0x7, v35;
	v37 =	vand.u32 $0xFFFFFFF8, v34;
	v38 =	vand.u32 $0x7, v47;
	v26 =	vld.idx.msk [tilespmem:v26+s17+$0x0], $0xffff  }
0x7d: {  	v35 =	vor.u32 v35, v37;
	v37 =	vadd.s32 v46, v47;
	v51 =	vld.idx.msk [tilespmem:v31+s17+$0x0], $0xffff;
	v31 =	vshrl.u32 v42, $0x1  }
0x7e: {  	v46 =	vadd.s32 $0xD, v20;
	v47 =	vadd.s32 $0x7, v19;
	v31 =	vand.u32 $0x70, v31  }
0x7f: {  	v48 =	vadd.s32 $0x1000, v35;
	v35 =	vadd.s32 $0x2000, v35;
	v31 =	vadd.s32 v31, v33;
	v27 =	vld.idx.msk [tilespmem:v27+s17+$0x0], $0xffff  }
0x80: {  	v29 =	vld.idx.msk [tilespmem:v29+s17+$0x0], $0xffff;
	v37 =	vadd.s32 $0x488, v37;
	v21 =	vadd.f32 v23, v21;
	v31 =	vadd.s32 $0x388, v31  }
0x81: {  	v33 =	vand.u32 $0x7, v33;
	v30 =	vld.idx.msk [tilespmem:v30+s17+$0x0], $0xffff;
	v36 =	vand.u32 $0xFFFFFFF8, v31;
	v50 =	vadd.f32 v28, v25  }
0x82: {  	v22 =	vadd.f32 v24, v22;
	v21 =	vadd.f32 v26, v21;
	v26 =	vor.u32 v55, v54  }
0x83: {  	v28 =	vshra.s32 v58, $0x5;
	v33 =	vor.u32 v33, v36;
	v56 =	vadd.s32 $0x1000, v26  }
0x84: {  	v26 =	vadd.s32 $0x2000, v26;
	v22 =	vadd.f32 v27, v22;
	v27 =	vshrl.u32 v57, $0x1  }
0x85: {  	v36 =	vadd.s32 $0x1000, v33;
	v21 =	vadd.f32 v29, v21;
	v27 =	vand.u32 $0x70, v27  }
0x86: {  	v24 =	vld.idx.msk [tilespmem:v53+s17+$0x0], $0xffff;
	v29 =	vshrl.u32 v59, $0x1;
	v23 =	vadd.f32 v30, v50;
	v27 =	vadd.s32 v27, v28  }
0x87: {  	v32 =	vld.idx.msk [tilespmem:v32+s17+$0x0], $0xffff;
	v29 =	vand.u32 $0x70, v29;
	v30 =	vshra.s32 v60, $0x5;
	v27 =	vadd.s32 $0x288, v27  }
0x88: {  	v31 =	vld.idx.msk [tilespmem:v31+s17+$0x0], $0xffff;
	v29 =	vadd.s32 v29, v30;
	v28 =	vand.u32 $0x7, v28;
	v61 =	vand.u32 $0xFFFFFFF8, v27  }
0x89: {  	v42 =	vadd.s32 $0x1E, v19;
	v60 =	vld.idx.msk [tilespmem:v37+s17+$0x0], $0xffff;
	v63 =	vadd.s32 $0x308, v29;
	v62 =	vor.u32 v28, v61  }
0x8a: {  	v30 =	vand.u32 $0x7, v30;
	v41 =	vand.u32 $0xFFFFFFF8, v63;
	v25 =	vld.idx.msk [tilespmem:v56+s17+$0x0], $0xffff;
	v40 =	vadd.s32 $0x1000, v62  }
0x8b: {  	v21 =	vadd.f32 v24, v21;
	v26 =	vld.idx.msk [tilespmem:v26+s17+$0x0], $0xffff;
	v30 =	vor.u32 v30, v41;
	v24 =	vadd.s32 $0x2000, v62  }
0x8c: {  	v42 =	vshra.s32 v42, $0x5;
	v49 =	vld.idx.msk [tilespmem:v36+s17+$0x0], $0xffff;
	v41 =	vand.u32 $0xFFFFFFF8, v37;
	v43 =	vadd.s32 $0x1000, v30  }
0x8d: {  	v55 =	vand.u32 $0x7, v42;
	v30 =	vadd.s32 $0x2000, v30;
	v50 =	vor.u32 v38, v41;
	v27 =	vld.idx.msk [tilespmem:v27+s17+$0x0], $0xffff  }
0x8e: {  	v33 =	vadd.s32 $0x2000, v33;
	v37 =	vadd.s32 $0x1, v19;
	v53 =	vadd.s32 $0x1000, v50;
	v28 =	vld.idx.msk [tilespmem:v63+s17+$0x0], $0xffff  }
0x8f: {  	v23 =	vadd.f32 v32, v23;
	v22 =	vadd.f32 v51, v22;
	v39 =	vshra.s32 v37, $0x5;
	v29 =	vld.idx.msk [tilespmem:v40+s17+$0x0], $0xffff  }
0x90: {  	v36 =	vadd.s32 $0x2000, v50;
	v50 =	vadd.s32 $0xE, v20;
	v24 =	vld.idx.msk [tilespmem:v24+s17+$0x0], $0xffff;
	v40 =	vadd.s32 $0xA, v20  }
0x91: {  	v23 =	vadd.f32 v25, v23;
	v22 =	vadd.f32 v26, v22;
	v32 =	vld.idx.msk [tilespmem:v43+s17+$0x0], $0xffff;
	v40 =	vshrl.u32 v40, $0x1  }
0x92: {  	v26 =	vshrl.u32 v44, $0x1;
	v30 =	vld.idx.msk [tilespmem:v30+s17+$0x0], $0xffff;
	v40 =	vand.u32 $0x70, v40;
	v21 =	vadd.f32 v27, v21  }
0x93: {  	v26 =	vand.u32 $0x70, v26;
	v61 =	vld.idx.msk [tilespmem:v53+s17+$0x0], $0xffff;
	v53 =	vadd.s32 $0xF, v20;
	v51 =	vadd.s32 v40, v42  }
0x94: {  	v34 =	vld.idx.msk [tilespmem:v34+s17+$0x0], $0xffff;
	v42 =	vand.u32 $0x7, v39;
	v38 =	vadd.s32 $0x508, v51;
	v21 =	vadd.f32 v28, v21  }
0x95: {  	v52 =	vld.idx.msk [tilespmem:v33+s17+$0x0], $0xffff;
	v54 =	vand.u32 $0xFFFFFFF8, v38;
	v23 =	vadd.f32 v29, v23;
	v22 =	vadd.f32 v24, v22  }
0x96: {  	v57 =	vor.u32 v55, v54;
	v21 =	vadd.f32 v31, v21;
	v54 =	vadd.s32 $0xD, v19  }
0x97: {  	v58 =	vld.idx.msk [tilespmem:v35+s17+$0x0], $0xffff;
	v59 =	vadd.s32 $0x1000, v57;
	v23 =	vadd.f32 v32, v23;
	v29 =	vadd.s32 $0x2000, v57  }
0x98: {  	v56 =	vld.idx.msk [tilespmem:v48+s17+$0x0], $0xffff;
	v22 =	vadd.f32 v30, v22;
	v30 =	vshra.s32 v47, $0x5;
	v32 =	vshrl.u32 v50, $0x1  }
0x99: {  	v57 =	vadd.s32 $0x10, v20;
	v21 =	vadd.f32 v34, v21;
	v34 =	vadd.s32 $0xB, v20  }
0x9a: {  	v32 =	vand.u32 $0x70, v32;
	v23 =	vadd.f32 v49, v23;
	v22 =	vadd.f32 v52, v22  }
0x9b: {  	v62 =	vld.idx.msk [tilespmem:v36+s17+$0x0], $0xffff;
	v36 =	vshrl.u32 v34, $0x1;
	v52 =	vadd.s32 $0xA, v19;
	v21 =	vadd.f32 v60, v21  }
0x9c: {  	v63 =	vld.idx.msk [tilespmem:v38+s17+$0x0], $0xffff;
	v38 =	vand.u32 $0x70, v36;
	v34 =	vshra.s32 v52, $0x5;
	v36 =	vshra.s32 v54, $0x5  }
0x9d: {  	v23 =	vadd.f32 v56, v23;
	v22 =	vadd.f32 v58, v22;
	v28 =	vadd.s32 v38, v39  }
0x9e: {  	v32 =	vadd.s32 v32, v34;
	v34 =	vand.u32 $0x7, v34;
	v39 =	vshrl.u32 v57, $0x1  }
0x9f: {  	v58 =	vadd.s32 $0x10, v19;
	v33 =	vld.idx.msk [tilespmem:v59+s17+$0x0], $0xffff;
	v40 =	vadd.s32 $0x588, v28;
	v28 =	vshra.s32 v45, $0x5  }
0xa0: {  	v35 =	vld.idx.msk [tilespmem:v29+s17+$0x0], $0xffff;
	v29 =	vshrl.u32 v46, $0x1;
	v32 =	vadd.s32 $0x708, v32;
	v59 =	vand.u32 $0x70, v39  }
0xa1: {  	v60 =	vshra.s32 v58, $0x5;
	v23 =	vadd.f32 v61, v23;
	v22 =	vadd.f32 v62, v22  }
0xa2: {  	v41 =	vand.u32 $0xFFFFFFF8, v40;
	v26 =	vadd.s32 v26, v28;
	v29 =	vand.u32 $0x70, v29  }
0xa3: {  	v28 =	vand.u32 $0x7, v28;
	v55 =	vand.u32 $0xFFFFFFF8, v32;
	v38 =	vadd.s32 v59, v60  }
0xa4: {  	v62 =	vadd.s32 $0x11, v20;
	v39 =	vand.u32 $0x7, v60;
	v59 =	vadd.s32 $0x12, v20  }
0xa5: {  	v21 =	vadd.f32 v63, v21;
	v43 =	vor.u32 v42, v41;
	v26 =	vadd.s32 $0x608, v26  }
0xa6: {  	v29 =	vadd.s32 v29, v30;
	v30 =	vand.u32 $0x7, v30;
	v34 =	vor.u32 v34, v55  }
0xa7: {  	v38 =	vadd.s32 $0x808, v38;
	v41 =	vshrl.u32 v62, $0x1;
	v42 =	vadd.s32 $0x1C, v19  }
0xa8: {  	v27 =	vadd.s32 $0x1000, v43;
	v48 =	vand.u32 $0xFFFFFFF8, v26;
	v24 =	vadd.s32 $0x2000, v43  }
0xa9: {  	v29 =	vadd.s32 $0x688, v29;
	v37 =	vadd.s32 $0x1000, v34;
	v34 =	vadd.s32 $0x2000, v34  }
0xaa: {  	v63 =	vand.u32 $0xFFFFFFF8, v38;
	v43 =	vadd.s32 $0x13, v19;
	v41 =	vand.u32 $0x70, v41  }
0xab: {  	v28 =	vor.u32 v28, v48;
	v49 =	vand.u32 $0xFFFFFFF8, v29;
	v43 =	vshra.s32 v43, $0x5;
	v25 =	vld.idx.msk [tilespmem:v40+s17+$0x0], $0xffff  }
0xac: {  	v46 =	vor.u32 v39, v63;
	v22 =	vadd.f32 v35, v22;
	v31 =	vadd.s32 $0x1000, v28;
	v26 =	vld.idx.msk [tilespmem:v26+s17+$0x0], $0xffff  }
0xad: {  	v28 =	vadd.s32 $0x2000, v28;
	v30 =	vor.u32 v30, v49;
	v35 =	vshrl.u32 v53, $0x1;
	v27 =	vld.idx.msk [tilespmem:v27+s17+$0x0], $0xffff  }
0xae: {  	v47 =	vadd.s32 v41, v43;
	v51 =	vadd.s32 $0x1000, v30;
	v35 =	vand.u32 $0x70, v35;
	v24 =	vld.idx.msk [tilespmem:v24+s17+$0x0], $0xffff  }
0xaf: {  	v23 =	vadd.f32 v33, v23;
	v39 =	vadd.s32 $0x888, v47;
	v35 =	vadd.s32 v35, v36;
	v29 =	vld.idx.msk [tilespmem:v29+s17+$0x0], $0xffff  }
0xb0: {  	v49 =	vadd.s32 $0x1000, v46;
	v40 =	vadd.s32 $0x19, v19;
	v35 =	vadd.s32 $0x788, v35;
	v45 =	vld.idx.msk [tilespmem:v37+s17+$0x0], $0xffff  }
0xb1: {  	v41 =	vadd.s32 $0x14, v20;
	v36 =	vand.u32 $0x7, v36;
	v56 =	vand.u32 $0xFFFFFFF8, v35;
	v31 =	vld.idx.msk [tilespmem:v31+s17+$0x0], $0xffff  }
0xb2: {  	v30 =	vadd.s32 $0x2000, v30;
	v50 =	vand.u32 $0xFFFFFFF8, v39;
	v28 =	vld.idx.msk [tilespmem:v28+s17+$0x0], $0xffff;
	v36 =	vor.u32 v36, v56  }
0xb3: {  	v37 =	vadd.s32 $0x2000, v46;
	v21 =	vadd.f32 v25, v21;
	v61 =	vadd.s32 $0x1000, v36;
	v33 =	vld.idx.msk [tilespmem:v51+s17+$0x0], $0xffff  }
0xb4: {  	v36 =	vadd.s32 $0x2000, v36;
	v51 =	vand.u32 $0x7, v43;
	v60 =	vld.idx.msk [tilespmem:v39+s17+$0x0], $0xffff;
	v39 =	vadd.s32 $0x13, v20  }
0xb5: {  	v32 =	vld.idx.msk [tilespmem:v32+s17+$0x0], $0xffff;
	v21 =	vadd.f32 v26, v21;
	v53 =	vor.u32 v51, v50;
	v50 =	vadd.s32 $0x1F, v19  }
0xb6: {  	v51 =	vadd.s32 $0x16, v20;
	v23 =	vadd.f32 v27, v23;
	v22 =	vadd.f32 v24, v22  }
0xb7: {  	v30 =	vld.idx.msk [tilespmem:v30+s17+$0x0], $0xffff;
	v55 =	vadd.s32 $0x1000, v53;
	v26 =	vadd.s32 $0x2000, v53;
	v27 =	vshrl.u32 v39, $0x1  }
0xb8: {  	v21 =	vadd.f32 v29, v21;
	v27 =	vand.u32 $0x70, v27;
	v29 =	vshrl.u32 v41, $0x1  }
0xb9: {  	v35 =	vld.idx.msk [tilespmem:v35+s17+$0x0], $0xffff;
	v23 =	vadd.f32 v31, v23;
	v22 =	vadd.f32 v28, v22;
	v28 =	vshra.s32 v40, $0x5  }
0xba: {  	v29 =	vand.u32 $0x70, v29;
	v21 =	vadd.f32 v32, v21;
	v32 =	vshrl.u32 v59, $0x1  }
0xbb: {  	v52 =	vld.idx.msk [tilespmem:v61+s17+$0x0], $0xffff;
	v61 =	vadd.s32 $0x16, v19;
	v27 =	vadd.s32 v27, v28;
	v28 =	vand.u32 $0x7, v28  }
0xbc: {  	v48 =	vld.idx.msk [tilespmem:v34+s17+$0x0], $0xffff;
	v23 =	vadd.f32 v33, v23;
	v22 =	vadd.f32 v30, v22;
	v32 =	vand.u32 $0x70, v32  }
0xbd: {  	v56 =	vld.idx.msk [tilespmem:v38+s17+$0x0], $0xffff;
	v33 =	vshra.s32 v61, $0x5;
	v27 =	vadd.s32 $0x988, v27;
	v30 =	vshra.s32 v42, $0x5  }
0xbe: {  	v54 =	vld.idx.msk [tilespmem:v36+s17+$0x0], $0xffff;
	v21 =	vadd.f32 v35, v21;
	v34 =	vadd.s32 v32, v33;
	v36 =	vand.u32 $0x7, v33  }
0xbf: {  	v43 =	vand.u32 $0xFFFFFFF8, v27;
	v29 =	vadd.s32 v29, v30;
	v30 =	vand.u32 $0x7, v30  }
0xc0: {  	v62 =	vld.idx.msk [tilespmem:v55+s17+$0x0], $0xffff;
	v33 =	vshra.s32 v50, $0x5;
	v55 =	vadd.s32 $0x17, v20;
	v23 =	vadd.f32 v45, v23  }
0xc1: {  	v63 =	vld.idx.msk [tilespmem:v26+s17+$0x0], $0xffff;
	v22 =	vadd.f32 v48, v22;
	v26 =	vadd.s32 $0x908, v34;
	v44 =	vor.u32 v28, v43  }
0xc2: {  	v45 =	vadd.s32 $0xA08, v29;
	v48 =	vadd.s32 $0x15, v20;
	v34 =	vshrl.u32 v51, $0x1  }
0xc3: {  	v21 =	vadd.f32 v56, v21;
	v35 =	vand.u32 $0xFFFFFFF8, v26;
	v46 =	vadd.s32 $0x1000, v44  }
0xc4: {  	v57 =	vld.idx.msk [tilespmem:v49+s17+$0x0], $0xffff;
	v47 =	vand.u32 $0xFFFFFFF8, v45;
	v31 =	vshrl.u32 v48, $0x1;
	v34 =	vand.u32 $0x70, v34  }
0xc5: {  	v58 =	vld.idx.msk [tilespmem:v37+s17+$0x0], $0xffff;
	v56 =	vadd.s32 $0x5, v19;
	v23 =	vadd.f32 v52, v23;
	v22 =	vadd.f32 v54, v22  }
0xc6: {  	v37 =	vor.u32 v36, v35;
	v30 =	vor.u32 v30, v47;
	v31 =	vand.u32 $0x70, v31  }
0xc7: {  	v52 =	vadd.s32 $0x2, v19;
	v21 =	vadd.f32 v60, v21;
	v38 =	vadd.s32 $0x1000, v37  }
0xc8: {  	v25 =	vadd.s32 $0x2000, v37;
	v49 =	vadd.s32 $0x1000, v30;
	v31 =	vadd.s32 v31, v33  }
0xc9: {  	v35 =	vshra.s32 v52, $0x5;
	v33 =	vand.u32 $0x7, v33;
	v30 =	vadd.s32 $0x2000, v30  }
0xca: {  	v60 =	vadd.s32 $0x18, v20;
	v23 =	vadd.f32 v57, v23;
	v22 =	vadd.f32 v58, v22  }
0xcb: {  	v31 =	vadd.s32 $0xA88, v31;
	v34 =	vadd.s32 v34, v35;
	v35 =	vand.u32 $0x7, v35  }
0xcc: {  	v58 =	vshra.s32 v56, $0x5;
	v40 =	vshrl.u32 v60, $0x1;
	v60 =	vadd.s32 $0xB, v19  }
0xcd: {  	v53 =	vand.u32 $0xFFFFFFF8, v31;
	v34 =	vadd.s32 $0xB08, v34;
	v40 =	vand.u32 $0x70, v40  }
0xce: {  	v27 =	vld.idx.msk [tilespmem:v27+s17+$0x0], $0xffff;
	v23 =	vadd.f32 v62, v23;
	v22 =	vadd.f32 v63, v22;
	v33 =	vor.u32 v33, v53  }
0xcf: {  	v26 =	vld.idx.msk [tilespmem:v26+s17+$0x0], $0xffff;
	v54 =	vand.u32 $0xFFFFFFF8, v34;
	v62 =	vadd.s32 $0x8, v19;
	v36 =	vadd.s32 $0x1000, v33  }
0xd0: {  	v28 =	vld.idx.msk [tilespmem:v45+s17+$0x0], $0xffff;
	v35 =	vor.u32 v35, v54;
	v33 =	vadd.s32 $0x2000, v33;
	v42 =	vshra.s32 v62, $0x5  }
0xd1: {  	v62 =	vshra.s32 v60, $0x5;
	v24 =	vld.idx.msk [tilespmem:v38+s17+$0x0], $0xffff;
	v38 =	vshrl.u32 v55, $0x1;
	v59 =	vadd.s32 $0x1000, v35  }
0xd2: {  	v25 =	vld.idx.msk [tilespmem:v25+s17+$0x0], $0xffff;
	v35 =	vadd.s32 $0x2000, v35;
	v43 =	vadd.s32 v40, v42;
	v57 =	vand.u32 $0x70, v38  }
0xd3: {  	v29 =	vld.idx.msk [tilespmem:v46+s17+$0x0], $0xffff;
	v47 =	vand.u32 $0x7, v42;
	v42 =	vadd.s32 $0x1A, v20;
	v37 =	vadd.s32 v57, v58  }
0xd4: {  	v32 =	vld.idx.msk [tilespmem:v49+s17+$0x0], $0xffff;
	v21 =	vadd.f32 v26, v21;
	v26 =	vadd.s32 $0x2000, v44;
	v37 =	vadd.s32 $0xB88, v37  }
0xd5: {  	v31 =	vld.idx.msk [tilespmem:v31+s17+$0x0], $0xffff;
	v38 =	vand.u32 $0x7, v58;
	v57 =	vadd.s32 $0x19, v20;
	v61 =	vand.u32 $0xFFFFFFF8, v37  }
0xd6: {  	v34 =	vld.idx.msk [tilespmem:v34+s17+$0x0], $0xffff;
	v21 =	vadd.f32 v27, v21;
	v23 =	vadd.f32 v24, v23;
	v41 =	vor.u32 v38, v61  }
0xd7: {  	v22 =	vadd.f32 v25, v22;
	v38 =	vadd.s32 $0xC08, v43;
	v48 =	vld.idx.msk [tilespmem:v59+s17+$0x0], $0xffff;
	v59 =	vshrl.u32 v57, $0x1  }
0xd8: {  	v63 =	vld.idx.msk [tilespmem:v36+s17+$0x0], $0xffff;
	v43 =	vadd.s32 $0xE, v19;
	v45 =	vadd.s32 $0x1000, v41;
	v21 =	vadd.f32 v28, v21  }
0xd9: {  	v36 =	vadd.s32 $0x2000, v41;
	v46 =	vand.u32 $0xFFFFFFF8, v38;
	v26 =	vld.idx.msk [tilespmem:v26+s17+$0x0], $0xffff;
	v23 =	vadd.f32 v29, v23  }
0xda: {  	v61 =	vand.u32 $0x70, v59;
	v41 =	vand.u32 $0x7, v62;
	v52 =	vld.idx.msk [tilespmem:v37+s17+$0x0], $0xffff;
	v21 =	vadd.f32 v31, v21  }
0xdb: {  	v49 =	vor.u32 v47, v46;
	v28 =	vadd.s32 v61, v62;
	v23 =	vadd.f32 v32, v23  }
0xdc: {  	v30 =	vld.idx.msk [tilespmem:v30+s17+$0x0], $0xffff;
	v51 =	vadd.s32 $0x1000, v49;
	v29 =	vadd.s32 $0x2000, v49;
	v21 =	vadd.f32 v34, v21  }
0xdd: {  	v23 =	vadd.f32 v63, v23;
	v63 =	vadd.s32 $0xC88, v28;
	v28 =	vshra.s32 v43, $0x5  }
0xde: {  	v53 =	vld.idx.msk [tilespmem:v45+s17+$0x0], $0xffff;
	v45 =	vadd.s32 $0x11, v19;
	v22 =	vadd.f32 v26, v22;
	v40 =	vand.u32 $0xFFFFFFF8, v63  }
0xdf: {  	v55 =	vld.idx.msk [tilespmem:v38+s17+$0x0], $0xffff;
	v26 =	vshrl.u32 v42, $0x1;
	v23 =	vadd.f32 v48, v23;
	v21 =	vadd.f32 v52, v21  }
0xe0: {  	v44 =	vld.idx.msk [tilespmem:v33+s17+$0x0], $0xffff;
	v25 =	vor.u32 v41, v40;
	v26 =	vand.u32 $0x70, v26;
	v48 =	vadd.s32 $0x1C, v20  }
0xe1: {  	v56 =	vld.idx.msk [tilespmem:v51+s17+$0x0], $0xffff;
	v51 =	vadd.s32 $0x1D, v20;
	v52 =	vadd.s32 $0x17, v19;
	v22 =	vadd.f32 v30, v22  }
0xe2: {  	v27 =	vadd.s32 $0x1000, v25;
	v26 =	vadd.s32 v26, v28;
	v30 =	vshra.s32 v45, $0x5  }
0xe3: {  	v50 =	vld.idx.msk [tilespmem:v35+s17+$0x0], $0xffff;
	v28 =	vand.u32 $0x7, v28;
	v25 =	vadd.s32 $0x2000, v25;
	v32 =	vshrl.u32 v48, $0x1  }
0xe4: {  	v54 =	vld.idx.msk [tilespmem:v36+s17+$0x0], $0xffff;
	v35 =	vshrl.u32 v51, $0x1;
	v36 =	vshra.s32 v52, $0x5;
	v21 =	vadd.f32 v55, v21  }
0xe5: {  	v26 =	vadd.s32 $0xD08, v26;
	v32 =	vand.u32 $0x70, v32;
	v35 =	vand.u32 $0x70, v35  }
0xe6: {  	v55 =	vadd.s32 $0x1E, v20;
	v22 =	vadd.f32 v44, v22;
	v23 =	vadd.f32 v53, v23  }
0xe7: {  	v44 =	vadd.s32 $0x1B, v20;
	v46 =	vand.u32 $0xFFFFFFF8, v26;
	v35 =	vadd.s32 v35, v36  }
0xe8: {  	v36 =	vand.u32 $0x7, v36;
	v39 =	vshrl.u32 v55, $0x1;
	v20 =	vadd.s32 $0x1F, v20  }
0xe9: {  	v58 =	vld.idx.msk [tilespmem:v29+s17+$0x0], $0xffff;
	v29 =	vshrl.u32 v44, $0x1;
	v28 =	vor.u32 v28, v46;
	v35 =	vadd.s32 $0xE88, v35  }
0xea: {  	v57 =	vand.u32 $0x70, v39;
	v20 =	vshrl.u32 v20, $0x1;
	v22 =	vadd.f32 v50, v22  }
0xeb: {  	v23 =	vadd.f32 v56, v23;
	v29 =	vand.u32 $0x70, v29;
	v31 =	vadd.s32 $0x1000, v28  }
0xec: {  	v28 =	vadd.s32 $0x2000, v28;
	v50 =	vadd.s32 $0x14, v19;
	v56 =	vadd.s32 $0x1A, v19  }
0xed: {  	v24 =	vld.idx.msk [tilespmem:v63+s17+$0x0], $0xffff;
	v19 =	vadd.s32 $0x1D, v19;
	v20 =	vand.u32 $0x70, v20;
	v29 =	vadd.s32 v29, v30  }
0xee: {  	v30 =	vand.u32 $0x7, v30;
	v34 =	vshra.s32 v50, $0x5;
	v27 =	vld.idx.msk [tilespmem:v27+s17+$0x0], $0xffff;
	v19 =	vshra.s32 v19, $0x5  }
0xef: {  	v25 =	vld.idx.msk [tilespmem:v25+s17+$0x0], $0xffff;
	v22 =	vadd.f32 v54, v22;
	v29 =	vadd.s32 $0xD88, v29;
	v32 =	vadd.s32 v32, v34  }
0xf0: {  	v26 =	vld.idx.msk [tilespmem:v26+s17+$0x0], $0xffff;
	v54 =	vand.u32 $0xFFFFFFF8, v35;
	v20 =	vadd.s32 v20, v19;
	v32 =	vadd.s32 $0xE08, v32  }
0xf1: {  	v47 =	vand.u32 $0xFFFFFFF8, v29;
	v36 =	vor.u32 v36, v54;
	v20 =	vadd.s32 $0xF88, v20;
	v35 =	vld.idx.msk [tilespmem:v35+s17+$0x0], $0xffff  }
0xf2: {  	v34 =	vand.u32 $0x7, v34;
	v30 =	vor.u32 v30, v47;
	v59 =	vadd.s32 $0x1000, v36;
	v31 =	vld.idx.msk [tilespmem:v31+s17+$0x0], $0xffff  }
0xf3: {  	v22 =	vadd.f32 v58, v22;
	v53 =	vand.u32 $0xFFFFFFF8, v32;
	v49 =	vadd.s32 $0x1000, v30;
	v28 =	vld.idx.msk [tilespmem:v28+s17+$0x0], $0xffff  }
0xf4: {  	v58 =	vshra.s32 v56, $0x5;
	v30 =	vadd.s32 $0x2000, v30;
	v34 =	vor.u32 v34, v53;
	v29 =	vld.idx.msk [tilespmem:v29+s17+$0x0], $0xffff  }
0xf5: {  	v38 =	vadd.s32 v57, v58;
	v37 =	vadd.s32 $0x1000, v34;
	v32 =	vld.idx.msk [tilespmem:v32+s17+$0x0], $0xffff  }
0xf6: {  	v43 =	vand.u32 $0xFFFFFFF8, v20;
	v34 =	vadd.s32 $0x2000, v34;
	v38 =	vadd.s32 $0xF08, v38;
	v20 =	vld.idx.msk [tilespmem:v20+s17+$0x0], $0xffff  }
0xf7: {  	v36 =	vadd.s32 $0x2000, v36;
	v39 =	vand.u32 $0x7, v58;
	v60 =	vand.u32 $0xFFFFFFF8, v38;
	v44 =	vld.idx.msk [tilespmem:v59+s17+$0x0], $0xffff  }
0xf8: {  	v19 =	vand.u32 $0x7, v19;
	v21 =	vadd.f32 v24, v21;
	v62 =	vor.u32 v39, v60;
	v33 =	vld.idx.msk [tilespmem:v49+s17+$0x0], $0xffff  }
0xf9: {  	v19 =	vor.u32 v19, v43;
	v23 =	vadd.f32 v27, v23;
	v42 =	vadd.s32 $0x1000, v62;
	v30 =	vld.idx.msk [tilespmem:v30+s17+$0x0], $0xffff  }
0xfa: {  	v22 =	vadd.f32 v25, v22;
	v21 =	vadd.f32 v26, v21;
	v61 =	vld.idx.msk [tilespmem:v37+s17+$0x0], $0xffff;
	v37 =	vadd.s32 $0x2000, v62  }
0xfb: {  	v46 =	vadd.s32 $0x1000, v19;
	v23 =	vadd.f32 v31, v23;
	v63 =	vld.idx.msk [tilespmem:v34+s17+$0x0], $0xffff  }
0xfc: {  	v19 =	vadd.s32 $0x2000, v19;
	v45 =	vld.idx.msk [tilespmem:v36+s17+$0x0], $0xffff;
	v22 =	vadd.f32 v28, v22;
	v21 =	vadd.f32 v29, v21  }
0xfd: {  	v47 =	vld.idx.msk [tilespmem:v38+s17+$0x0], $0xffff;
	v23 =	vadd.f32 v33, v23  }
0xfe: {  	v48 =	vld.idx.msk [tilespmem:v42+s17+$0x0], $0xffff;
	v21 =	vadd.f32 v32, v21;
	v22 =	vadd.f32 v30, v22  }
0xff: {  	v49 =	vld.idx.msk [tilespmem:v37+s17+$0x0], $0xffff;
	v23 =	vadd.f32 v61, v23  }
0x100: {  	v50 =	vld.idx.msk [tilespmem:v46+s17+$0x0], $0xffff;
	v21 =	vadd.f32 v35, v21;
	v22 =	vadd.f32 v63, v22  }
0x101: {  	v19 =	vld.idx.msk [tilespmem:v19+s17+$0x0], $0xffff;
	v23 =	vadd.f32 v44, v23  }
0x102: {  	v21 =	vadd.f32 v47, v21;
	v22 =	vadd.f32 v45, v22  }
0x103: {  	v23 =	vadd.f32 v48, v23  }
0x104: {  	v20 =	vadd.f32 v20, v21;
	v22 =	vadd.f32 v49, v22  }
0x105: {  	v51 =	vadd.f32 v50, v23  }
0x106: {  	[tilespmem:$0x3680] =	vst v20;
	v19 =	vadd.f32 v19, v22  }
0x107: {  	[tilespmem:$0x3690] =	vst v51  }
0x108: {  	[tilespmem:$0x36A0] =	vst v19  }
0x109: {  	v19 =	vld.idx.msk [tilespmem:v1+s18+$0x0], $0xffff;
	_ =	sdelay $0x4  }
0x10a: {  	[tilespmem:$0x36B0] =	vst v19  }
0x10b: {  	v19 =	vld.idx.msk [tilespmem:v2+s18+$0x0], $0xffff;
	_ =	sdelay $0x4  }
0x10c: {  	[tilespmem:$0x36C0] =	vst v19  }
0x10d: {  	v19 =	vld.idx.msk [tilespmem:v3+s18+$0x0], $0xffff;
	_ =	sdelay $0x4  }
0x10e: {  	[tilespmem:$0x36D0] =	vst v19  }
0x10f: {  	v19 =	vld.idx.msk [tilespmem:v4+s18+$0x0], $0xffff;
	_ =	sdelay $0x4  }
0x110: {  	[tilespmem:$0x36E0] =	vst v19  }
0x111: {  	v19 =	vld.idx.msk [tilespmem:v5+s18+$0x0], $0xffff;
	_ =	sdelay $0x4  }
0x112: {  	[tilespmem:$0x36F0] =	vst v19  }
0x113: {  	v19 =	vld.idx.msk [tilespmem:v6+s18+$0x0], $0xffff;
	_ =	sdelay $0x4  }
0x114: {  	[tilespmem:$0x3700] =	vst v19  }
0x115: {  	v19 =	vld.idx.msk [tilespmem:v7+s18+$0x0], $0xffff;
	_ =	sdelay $0x4  }
0x116: {  	[tilespmem:$0x3710] =	vst v19  }
0x117: {  	v19 =	vld.idx.msk [tilespmem:v8+s18+$0x0], $0xffff;
	_ =	sdelay $0x4  }
0x118: {  	[tilespmem:$0x3720] =	vst v19  }
0x119: {  	v19 =	vld.idx.msk [tilespmem:v9+s18+$0x0], $0xffff;
	_ =	sdelay $0x4  }
0x11a: {  	[tilespmem:$0x3730] =	vst v19  }
0x11b: {  	v19 =	vld.idx.msk [tilespmem:v10+s18+$0x0], $0xffff;
	_ =	sdelay $0x4  }
0x11c: {  	[tilespmem:$0x3740] =	vst v19  }
0x11d: {  	v19 =	vld.idx.msk [tilespmem:v11+s18+$0x0], $0xffff;
	_ =	sdelay $0x4  }
0x11e: {  	v20 =	vld [tilespmem:$0x10];
	[tilespmem:$0x3750] =	vst v19  }
0x11f: {  	v19 =	vld.idx.msk [tilespmem:v12+s18+$0x0], $0xffff;
	_ =	sdelay $0x1  }
0x120: {  	v52 =	vld [tilespmem:$0x50];
	_ =	sdelay $0x2  }
0x121: {  	v20 =	vadd.f32 $-3.141592740e+00, v20;
	[tilespmem:$0x3760] =	vst v19  }
0x122: {  	v19 =	vld.idx.msk [tilespmem:v14+s18+$0x0], $0xffff  }
0x123: {  	v21 =	vadd.f32 $-6.283185480e+00, v52;
	v20 =	vmul.f32 v20, v13;
	_ =	sdelay $0x1  }
0x124: {  	v21 =	vmul.f32 v21, v15;
	v20 =	vmul.f32 $8.000000000e+00, v20;
	_ =	sdelay $0x1  }
0x125: {  	v20 =	vmul.f32 $3.200000000e+01, v20;
	[tilespmem:$0x3770] =	vst v19;
	v19 =	vmul.f32 $8.000000000e+00, v21;
	_ =	sdelay $0x1  }
0x126: {  	v54 =	vtrunc.f32 v20;
	v19 =	vmul.f32 $3.200000000e+01, v19  }
0x127: {  	v55 =	vcvt.f32.s32 v54;
	vm10 =	vlt.f32 v20, v54;
	v53 =	vld.idx.msk [tilespmem:v16+s18+$0x0], $0xffff  }
0x128: {  	v22 =	vsel vm10, $0xFFFFFFFF, v0;
	v20 =	vtrunc.f32 v19  }
0x129: {  	v56 =	vcvt.f32.s32 v20;
	vm11 =	vlt.f32 v19, v20;
	v20 =	vadd.s32 v55, v22  }
0x12a: {  	v19 =	vsel vm11, $0xFFFFFFFF, v0;
	v22 =	vshrl.u32 v20, $0x1  }
0x12b: {  	v58 =	vadd.s32 $0x1, v20;
	v33 =	vadd.s32 $0x2, v20;
	v38 =	vadd.s32 $0x3, v20  }
0x12c: {  	[tilespmem:$0x3780] =	vst v53;
	v44 =	vadd.s32 $0x4, v20;
	v53 =	vadd.s32 $0x5, v20;
	v55 =	vadd.s32 $0x6, v20  }
0x12d: {  	v21 =	vld.idx.msk [tilespmem:v17+s18+$0x0], $0xffff;
	v19 =	vadd.s32 v56, v19;
	v22 =	vand.u32 $0x70, v22;
	v24 =	vshrl.u32 v58, $0x1  }
0x12e: {  	v28 =	vshrl.u32 v33, $0x1;
	v30 =	vshrl.u32 v38, $0x1;
	v33 =	vshrl.u32 v44, $0x1  }
0x12f: {  	v57 =	vshra.s32 v19, $0x5;
	v59 =	vadd.s32 $0x3, v19;
	v24 =	vand.u32 $0x70, v24  }
0x130: {  	v34 =	vadd.s32 $0x6, v19;
	v35 =	vand.u32 $0x70, v28;
	v40 =	vadd.s32 $0x9, v19  }
0x131: {  	v30 =	vand.u32 $0x70, v30;
	v45 =	vadd.s32 $0xC, v19;
	v22 =	vadd.s32 v22, v57  }
0x132: {  	v33 =	vand.u32 $0x70, v33;
	v25 =	vshra.s32 v59, $0x5;
	v22 =	vadd.s32 $0x8, v22;
	[tilespmem:$0x3790] =	vst v21  }
0x133: {  	v23 =	vand.u32 $0x7, v57;
	v36 =	vshra.s32 v34, $0x5;
	v60 =	vand.u32 $0xFFFFFFF8, v22;
	v63 =	vld.idx.msk [tilespmem:v18+s18+$0x0], $0xffff  }
0x134: {  	v31 =	vshra.s32 v40, $0x5;
	v24 =	vadd.s32 v24, v25;
	v61 =	vor.u32 v23, v60  }
0x135: {  	v25 =	vand.u32 $0x7, v25;
	v62 =	vadd.s32 $0x88, v24;
	v26 =	vadd.s32 $0x1000, v61  }
0x136: {  	v27 =	vadd.s32 v35, v36;
	v32 =	vand.u32 $0xFFFFFFF8, v62;
	v21 =	vadd.s32 $0x2000, v61  }
0x137: {  	v28 =	vand.u32 $0x7, v36;
	v27 =	vadd.s32 $0x108, v27;
	v25 =	vor.u32 v25, v32  }
0x138: {  	v41 =	vadd.s32 v30, v31;
	v39 =	vand.u32 $0xFFFFFFF8, v27;
	v37 =	vadd.s32 $0x1000, v25;
	[tilespmem:$0x37A0] =	vst v63  }
0x139: {  	v24 =	vor.u32 v28, v39;
	v28 =	vadd.s32 $0x188, v41;
	v25 =	vadd.s32 $0x2000, v25;
	v22 =	vld.idx.msk [tilespmem:v22+s17+$0x0], $0xffff  }
0x13a: {  	v54 =	vadd.s32 $0xF, v19;
	v31 =	vand.u32 $0x7, v31;
	v43 =	vand.u32 $0xFFFFFFF8, v28;
	v26 =	vld.idx.msk [tilespmem:v26+s17+$0x0], $0xffff  }
0x13b: {  	v56 =	vadd.s32 $0x12, v19;
	v42 =	vadd.s32 $0x1000, v24;
	v31 =	vor.u32 v31, v43;
	v21 =	vld.idx.msk [tilespmem:v21+s17+$0x0], $0xffff  }
0x13c: {  	v34 =	vshra.s32 v45, $0x5;
	v32 =	vadd.s32 $0x1000, v31;
	v31 =	vadd.s32 $0x2000, v31;
	v23 =	vld.idx.msk [tilespmem:v62+s17+$0x0], $0xffff  }
0x13d: {  	v44 =	vadd.s32 $0x18, v19;
	v48 =	vadd.s32 v33, v34;
	v24 =	vadd.s32 $0x2000, v24;
	v29 =	vld.idx.msk [tilespmem:v37+s17+$0x0], $0xffff  }
0x13e: {  	v51 =	vand.u32 $0x7, v34;
	v35 =	vshra.s32 v44, $0x5;
	v43 =	vadd.s32 $0x8, v20;
	v25 =	vld.idx.msk [tilespmem:v25+s17+$0x0], $0xffff  }
0x13f: {  	v49 =	vadd.s32 $0x208, v48;
	v48 =	vadd.s32 $0x1B, v19;
	v34 =	vshrl.u32 v43, $0x1;
	v27 =	vld.idx.msk [tilespmem:v27+s17+$0x0], $0xffff  }
0x140: {  	v50 =	vand.u32 $0xFFFFFFF8, v49;
	v34 =	vand.u32 $0x70, v34;
	v30 =	vld.idx.msk [tilespmem:v42+s17+$0x0], $0xffff;
	v62 =	vadd.s32 $0x7, v20  }
0x141: {  	v34 =	vadd.s32 v34, v35;
	v42 =	vadd.s32 $0x15, v19;
	v47 =	vld.idx.msk [tilespmem:v31+s17+$0x0], $0xffff;
	v31 =	vshrl.u32 v62, $0x1  }
0x142: {  	v35 =	vand.u32 $0x7, v35;
	v24 =	vld.idx.msk [tilespmem:v24+s17+$0x0], $0xffff;
	v33 =	vshra.s32 v42, $0x5;
	v31 =	vand.u32 $0x70, v31  }
0x143: {  	v34 =	vadd.s32 $0x408, v34;
	v31 =	vadd.s32 v31, v33;
	v33 =	vand.u32 $0x7, v33  }
0x144: {  	v22 =	vadd.f32 v23, v22;
	v46 =	vadd.f32 v29, v26;
	v29 =	vshrl.u32 v55, $0x1  }
0x145: {  	v21 =	vadd.f32 v25, v21;
	v31 =	vadd.s32 $0x388, v31;
	v29 =	vand.u32 $0x70, v29  }
0x146: {  	v28 =	vld.idx.msk [tilespmem:v28+s17+$0x0], $0xffff;
	v45 =	vand.u32 $0xFFFFFFF8, v31;
	v22 =	vadd.f32 v27, v22;
	v23 =	vadd.f32 v30, v46  }
0x147: {  	v32 =	vld.idx.msk [tilespmem:v32+s17+$0x0], $0xffff;
	v21 =	vadd.f32 v24, v21;
	v24 =	vor.u32 v51, v50;
	v27 =	vshrl.u32 v53, $0x1  }
0x148: {  	v30 =	vshra.s32 v56, $0x5;
	v33 =	vor.u32 v33, v45;
	v46 =	vand.u32 $0xFFFFFFF8, v34  }
0x149: {  	v50 =	vshra.s32 v48, $0x5;
	v52 =	vadd.s32 $0x1000, v24;
	v24 =	vadd.s32 $0x2000, v24  }
0x14a: {  	v27 =	vand.u32 $0x70, v27;
	v29 =	vadd.s32 v29, v30;
	v30 =	vand.u32 $0x7, v30  }
0x14b: {  	v36 =	vadd.s32 $0x1000, v33;
	v35 =	vor.u32 v35, v46;
	v33 =	vadd.s32 $0x2000, v33  }
0x14c: {  	v25 =	vld.idx.msk [tilespmem:v49+s17+$0x0], $0xffff;
	v46 =	vadd.s32 $0xB, v20;
	v22 =	vadd.f32 v28, v22;
	v23 =	vadd.f32 v32, v23  }
0x14d: {  	v21 =	vadd.f32 v47, v21;
	v28 =	vshra.s32 v54, $0x5;
	v59 =	vadd.s32 $0x308, v29  }
0x14e: {  	v47 =	vadd.s32 $0x9, v20;
	v51 =	vadd.s32 $0x1000, v35;
	v35 =	vadd.s32 $0x2000, v35  }
0x14f: {  	v54 =	vadd.s32 $0x1E, v19;
	v48 =	vshrl.u32 v46, $0x1;
	v27 =	vadd.s32 v27, v28  }
0x150: {  	v28 =	vand.u32 $0x7, v28;
	v61 =	vand.u32 $0xFFFFFFF8, v59;
	v38 =	vshrl.u32 v47, $0x1  }
0x151: {  	v42 =	vshra.s32 v54, $0x5;
	v27 =	vadd.s32 $0x288, v27;
	v22 =	vadd.f32 v25, v22  }
0x152: {  	v30 =	vor.u32 v30, v61;
	v49 =	vand.u32 $0x70, v38;
	v38 =	vand.u32 $0x7, v50  }
0x153: {  	v31 =	vld.idx.msk [tilespmem:v31+s17+$0x0], $0xffff;
	v61 =	vand.u32 $0x7, v42;
	v57 =	vand.u32 $0xFFFFFFF8, v27;
	v63 =	vadd.s32 $0x1000, v30  }
0x154: {  	v30 =	vadd.s32 $0x2000, v30;
	v37 =	vadd.s32 v49, v50;
	v58 =	vor.u32 v28, v57;
	v26 =	vld.idx.msk [tilespmem:v52+s17+$0x0], $0xffff  }
0x155: {  	v49 =	vadd.s32 $0x1, v19;
	v50 =	vand.u32 $0x70, v48;
	v24 =	vld.idx.msk [tilespmem:v24+s17+$0x0], $0xffff;
	v60 =	vadd.s32 $0x1000, v58  }
0x156: {  	v37 =	vadd.s32 $0x488, v37;
	v52 =	vadd.s32 $0xA, v20;
	v55 =	vld.idx.msk [tilespmem:v36+s17+$0x0], $0xffff;
	v25 =	vadd.s32 $0x2000, v58  }
0x157: {  	v48 =	vadd.s32 $0x10, v20;
	v53 =	vand.u32 $0xFFFFFFF8, v37;
	v40 =	vshrl.u32 v52, $0x1;
	v27 =	vld.idx.msk [tilespmem:v27+s17+$0x0], $0xffff  }
0x158: {  	v62 =	vld.idx.msk [tilespmem:v51+s17+$0x0], $0xffff;
	v51 =	vshra.s32 v49, $0x5;
	v49 =	vadd.s32 $0x10, v19;
	v56 =	vor.u32 v38, v53  }
0x159: {  	v28 =	vld.idx.msk [tilespmem:v59+s17+$0x0], $0xffff;
	v40 =	vand.u32 $0x70, v40;
	v54 =	vand.u32 $0x7, v51;
	v59 =	vadd.s32 $0x1000, v56  }
0x15a: {  	v57 =	vadd.s32 v40, v42;
	v36 =	vadd.s32 $0x2000, v56;
	v56 =	vadd.s32 $0xC, v20;
	v29 =	vld.idx.msk [tilespmem:v60+s17+$0x0], $0xffff  }
0x15b: {  	v38 =	vadd.s32 $0x508, v57;
	v57 =	vadd.s32 $0x4, v19;
	v23 =	vadd.f32 v26, v23;
	v25 =	vld.idx.msk [tilespmem:v25+s17+$0x0], $0xffff  }
0x15c: {  	v32 =	vld.idx.msk [tilespmem:v63+s17+$0x0], $0xffff;
	v26 =	vshrl.u32 v56, $0x1;
	v60 =	vand.u32 $0xFFFFFFF8, v38;
	v22 =	vadd.f32 v27, v22  }
0x15d: {  	v30 =	vld.idx.msk [tilespmem:v30+s17+$0x0], $0xffff;
	v21 =	vadd.f32 v24, v21;
	v26 =	vand.u32 $0x70, v26;
	v63 =	vor.u32 v61, v60  }
0x15e: {  	v40 =	vadd.s32 $0x1000, v63;
	v42 =	vld.idx.msk [tilespmem:v59+s17+$0x0], $0xffff;
	v59 =	vadd.s32 $0x7, v19;
	v22 =	vadd.f32 v28, v22  }
0x15f: {  	v34 =	vld.idx.msk [tilespmem:v34+s17+$0x0], $0xffff;
	v28 =	vadd.s32 v50, v51;
	v51 =	vshra.s32 v49, $0x5;
	v23 =	vadd.f32 v29, v23  }
0x160: {  	v58 =	vld.idx.msk [tilespmem:v33+s17+$0x0], $0xffff;
	v21 =	vadd.f32 v25, v21;
	v29 =	vadd.s32 $0x2000, v63;
	v52 =	vadd.s32 $0x588, v28  }
0x161: {  	v41 =	vld.idx.msk [tilespmem:v37+s17+$0x0], $0xffff;
	v28 =	vshra.s32 v57, $0x5;
	v22 =	vadd.f32 v31, v22;
	v53 =	vand.u32 $0xFFFFFFF8, v52  }
0x162: {  	v26 =	vadd.s32 v26, v28;
	v28 =	vand.u32 $0x7, v28;
	v23 =	vadd.f32 v32, v23  }
0x163: {  	v21 =	vadd.f32 v30, v21;
	v26 =	vadd.s32 $0x608, v26;
	v30 =	vshra.s32 v59, $0x5  }
0x164: {  	v39 =	vld.idx.msk [tilespmem:v35+s17+$0x0], $0xffff;
	v22 =	vadd.f32 v34, v22;
	v60 =	vand.u32 $0xFFFFFFF8, v26;
	v23 =	vadd.f32 v55, v23  }
0x165: {  	v21 =	vadd.f32 v58, v21;
	v55 =	vor.u32 v54, v53;
	v58 =	vadd.s32 $0xD, v20  }
0x166: {  	v44 =	vld.idx.msk [tilespmem:v38+s17+$0x0], $0xffff;
	v28 =	vor.u32 v28, v60;
	v53 =	vadd.s32 $0x11, v20;
	v22 =	vadd.f32 v41, v22  }
0x167: {  	v47 =	vld.idx.msk [tilespmem:v29+s17+$0x0], $0xffff;
	v27 =	vadd.s32 $0x1000, v55;
	v29 =	vshrl.u32 v58, $0x1;
	v25 =	vadd.s32 $0x2000, v55  }
0x168: {  	v31 =	vadd.s32 $0x1000, v28;
	v28 =	vadd.s32 $0x2000, v28;
	v41 =	vshrl.u32 v53, $0x1  }
0x169: {  	v43 =	vld.idx.msk [tilespmem:v36+s17+$0x0], $0xffff;
	v55 =	vadd.s32 $0x13, v19;
	v23 =	vadd.f32 v62, v23;
	v21 =	vadd.f32 v39, v21  }
0x16a: {  	v29 =	vand.u32 $0x70, v29;
	v62 =	vadd.s32 $0xE, v20;
	v39 =	vshrl.u32 v48, $0x1  }
0x16b: {  	v41 =	vand.u32 $0x70, v41;
	v48 =	vadd.s32 $0x16, v19;
	v22 =	vadd.f32 v44, v22  }
0x16c: {  	v29 =	vadd.s32 v29, v30;
	v30 =	vand.u32 $0x7, v30;
	v32 =	vshrl.u32 v62, $0x1  }
0x16d: {  	v45 =	vld.idx.msk [tilespmem:v40+s17+$0x0], $0xffff;
	v44 =	vadd.s32 $0xF, v20;
	v50 =	vand.u32 $0x70, v39;
	v39 =	vand.u32 $0x7, v51  }
0x16e: {  	v23 =	vadd.f32 v42, v23;
	v21 =	vadd.f32 v43, v21;
	v29 =	vadd.s32 $0x688, v29  }
0x16f: {  	v24 =	vld.idx.msk [tilespmem:v52+s17+$0x0], $0xffff;
	v43 =	vadd.s32 $0xA, v19;
	v32 =	vand.u32 $0x70, v32;
	v35 =	vshrl.u32 v44, $0x1  }
0x170: {  	v38 =	vadd.s32 v50, v51;
	v61 =	vand.u32 $0xFFFFFFF8, v29;
	v34 =	vshra.s32 v43, $0x5  }
0x171: {  	v35 =	vand.u32 $0x70, v35;
	v38 =	vadd.s32 $0x808, v38;
	v43 =	vshra.s32 v55, $0x5  }
0x172: {  	v23 =	vadd.f32 v45, v23;
	v21 =	vadd.f32 v47, v21;
	v30 =	vor.u32 v30, v61  }
0x173: {  	v32 =	vadd.s32 v32, v34;
	v45 =	vadd.s32 $0xD, v19;
	v34 =	vand.u32 $0x7, v34  }
0x174: {  	v26 =	vld.idx.msk [tilespmem:v26+s17+$0x0], $0xffff;
	v54 =	vand.u32 $0xFFFFFFF8, v38;
	v22 =	vadd.f32 v24, v22;
	v58 =	vadd.s32 v41, v43  }
0x175: {  	v27 =	vld.idx.msk [tilespmem:v27+s17+$0x0], $0xffff;
	v62 =	vand.u32 $0x7, v43;
	v63 =	vadd.s32 $0x1000, v30;
	v32 =	vadd.s32 $0x708, v32  }
0x176: {  	v25 =	vld.idx.msk [tilespmem:v25+s17+$0x0], $0xffff;
	v36 =	vshra.s32 v45, $0x5;
	v30 =	vadd.s32 $0x2000, v30;
	v57 =	vor.u32 v39, v54  }
0x177: {  	v31 =	vld.idx.msk [tilespmem:v31+s17+$0x0], $0xffff;
	v39 =	vadd.s32 $0x888, v58;
	v58 =	vadd.s32 $0x14, v20;
	v46 =	vand.u32 $0xFFFFFFF8, v32  }
0x178: {  	v28 =	vld.idx.msk [tilespmem:v28+s17+$0x0], $0xffff;
	v35 =	vadd.s32 v35, v36;
	v36 =	vand.u32 $0x7, v36;
	v60 =	vadd.s32 $0x1000, v57  }
0x179: {  	v61 =	vand.u32 $0xFFFFFFF8, v39;
	v34 =	vor.u32 v34, v46;
	v35 =	vadd.s32 $0x788, v35;
	v29 =	vld.idx.msk [tilespmem:v29+s17+$0x0], $0xffff  }
0x17a: {  	v22 =	vadd.f32 v26, v22;
	v40 =	vor.u32 v62, v61;
	v37 =	vadd.s32 $0x1000, v34;
	v33 =	vld.idx.msk [tilespmem:v63+s17+$0x0], $0xffff  }
0x17b: {  	v46 =	vadd.s32 $0x12, v20;
	v47 =	vand.u32 $0xFFFFFFF8, v35;
	v34 =	vadd.s32 $0x2000, v34;
	v30 =	vld.idx.msk [tilespmem:v30+s17+$0x0], $0xffff  }
0x17c: {  	v36 =	vor.u32 v36, v47;
	v23 =	vadd.f32 v27, v23;
	v21 =	vadd.f32 v25, v21;
	v32 =	vld.idx.msk [tilespmem:v32+s17+$0x0], $0xffff  }
0x17d: {  	v42 =	vadd.s32 $0x1000, v40;
	v26 =	vadd.s32 $0x2000, v40;
	v52 =	vadd.s32 $0x1000, v36  }
0x17e: {  	v36 =	vadd.s32 $0x2000, v36;
	v23 =	vadd.f32 v31, v23;
	v21 =	vadd.f32 v28, v21;
	v35 =	vld.idx.msk [tilespmem:v35+s17+$0x0], $0xffff  }
0x17f: {  	v22 =	vadd.f32 v29, v22;
	v29 =	vshrl.u32 v58, $0x1;
	v56 =	vld.idx.msk [tilespmem:v37+s17+$0x0], $0xffff;
	v37 =	vadd.s32 $0x2000, v57  }
0x180: {  	v59 =	vld.idx.msk [tilespmem:v34+s17+$0x0], $0xffff;
	v57 =	vadd.s32 $0x19, v19;
	v29 =	vand.u32 $0x70, v29;
	v23 =	vadd.f32 v33, v23  }
0x181: {  	v43 =	vld.idx.msk [tilespmem:v38+s17+$0x0], $0xffff;
	v28 =	vshra.s32 v57, $0x5;
	v21 =	vadd.f32 v30, v21;
	v22 =	vadd.f32 v32, v22  }
0x182: {  	v63 =	vld.idx.msk [tilespmem:v52+s17+$0x0], $0xffff;
	v32 =	vshrl.u32 v46, $0x1;
	v33 =	vshra.s32 v48, $0x5;
	v48 =	vadd.s32 $0x17, v20  }
0x183: {  	v41 =	vld.idx.msk [tilespmem:v36+s17+$0x0], $0xffff;
	v32 =	vand.u32 $0x70, v32;
	v53 =	vand.u32 $0x7, v33;
	v38 =	vshrl.u32 v48, $0x1  }
0x184: {  	v22 =	vadd.f32 v35, v22;
	v51 =	vadd.s32 v32, v33;
	v23 =	vadd.f32 v56, v23  }
0x185: {  	v50 =	vld.idx.msk [tilespmem:v26+s17+$0x0], $0xffff;
	v21 =	vadd.f32 v59, v21;
	v26 =	vadd.s32 $0x908, v51;
	v56 =	vadd.s32 $0x13, v20  }
0x186: {  	v47 =	vld.idx.msk [tilespmem:v39+s17+$0x0], $0xffff;
	v59 =	vadd.s32 $0x1C, v19;
	v22 =	vadd.f32 v43, v22;
	v52 =	vand.u32 $0xFFFFFFF8, v26  }
0x187: {  	v27 =	vshrl.u32 v56, $0x1;
	v30 =	vshra.s32 v59, $0x5;
	v43 =	vadd.s32 $0x1F, v19  }
0x188: {  	v44 =	vld.idx.msk [tilespmem:v60+s17+$0x0], $0xffff;
	v23 =	vadd.f32 v63, v23;
	v21 =	vadd.f32 v41, v21;
	v54 =	vor.u32 v53, v52  }
0x189: {  	v27 =	vand.u32 $0x70, v27;
	v29 =	vadd.s32 v29, v30;
	v30 =	vand.u32 $0x7, v30  }
0x18a: {  	v45 =	vld.idx.msk [tilespmem:v37+s17+$0x0], $0xffff;
	v41 =	vadd.s32 $0x15, v20;
	v33 =	vshra.s32 v43, $0x5;
	v53 =	vadd.s32 $0x18, v20  }
0x18b: {  	v22 =	vadd.f32 v47, v22;
	v55 =	vadd.s32 $0x1000, v54;
	v24 =	vadd.s32 $0x2000, v54  }
0x18c: {  	v49 =	vld.idx.msk [tilespmem:v42+s17+$0x0], $0xffff;
	v27 =	vadd.s32 v27, v28;
	v28 =	vand.u32 $0x7, v28;
	v62 =	vadd.s32 $0xA08, v29  }
0x18d: {  	v31 =	vshrl.u32 v41, $0x1;
	v23 =	vadd.f32 v44, v23;
	v27 =	vadd.s32 $0x988, v27  }
0x18e: {  	v40 =	vand.u32 $0xFFFFFFF8, v62;
	v31 =	vand.u32 $0x70, v31;
	v44 =	vadd.s32 $0x16, v20  }
0x18f: {  	v21 =	vadd.f32 v45, v21;
	v60 =	vand.u32 $0xFFFFFFF8, v27;
	v30 =	vor.u32 v30, v40  }
0x190: {  	v31 =	vadd.s32 v31, v33;
	v34 =	vshrl.u32 v44, $0x1;
	v45 =	vadd.s32 $0x2, v19  }
0x191: {  	v33 =	vand.u32 $0x7, v33;
	v40 =	vshrl.u32 v53, $0x1;
	v23 =	vadd.f32 v49, v23  }
0x192: {  	v61 =	vor.u32 v28, v60;
	v42 =	vadd.s32 $0x1000, v30;
	v31 =	vadd.s32 $0xA88, v31  }
0x193: {  	v34 =	vand.u32 $0x70, v34;
	v35 =	vshra.s32 v45, $0x5;
	v30 =	vadd.s32 $0x2000, v30  }
0x194: {  	v49 =	vadd.s32 $0x5, v19;
	v40 =	vand.u32 $0x70, v40;
	v21 =	vadd.f32 v50, v21  }
0x195: {  	v26 =	vld.idx.msk [tilespmem:v26+s17+$0x0], $0xffff;
	v63 =	vadd.s32 $0x1000, v61;
	v46 =	vand.u32 $0xFFFFFFF8, v31;
	v34 =	vadd.s32 v34, v35  }
0x196: {  	v35 =	vand.u32 $0x7, v35;
	v50 =	vand.u32 $0x70, v38;
	v51 =	vshra.s32 v49, $0x5  }
0x197: {  	v33 =	vor.u32 v33, v46;
	v34 =	vadd.s32 $0xB08, v34;
	v37 =	vadd.s32 v50, v51  }
0x198: {  	v25 =	vld.idx.msk [tilespmem:v55+s17+$0x0], $0xffff;
	v55 =	vadd.s32 $0x8, v19;
	v38 =	vand.u32 $0x7, v51;
	v50 =	vadd.s32 $0xB, v19  }
0x199: {  	v36 =	vadd.s32 $0x1000, v33;
	v47 =	vand.u32 $0xFFFFFFF8, v34;
	v33 =	vadd.s32 $0x2000, v33  }
0x19a: {  	v24 =	vld.idx.msk [tilespmem:v24+s17+$0x0], $0xffff;
	v37 =	vadd.s32 $0xB88, v37;
	v22 =	vadd.f32 v26, v22;
	v26 =	vadd.s32 $0x2000, v61  }
0x19b: {  	v27 =	vld.idx.msk [tilespmem:v27+s17+$0x0], $0xffff;
	v35 =	vor.u32 v35, v47;
	v54 =	vand.u32 $0xFFFFFFF8, v37;
	v47 =	vadd.s32 $0x19, v20  }
0x19c: {  	v52 =	vadd.s32 $0x1000, v35;
	v32 =	vld.idx.msk [tilespmem:v42+s17+$0x0], $0xffff;
	v35 =	vadd.s32 $0x2000, v35;
	v42 =	vshra.s32 v55, $0x5  }
0x19d: {  	v28 =	vld.idx.msk [tilespmem:v62+s17+$0x0], $0xffff;
	v57 =	vor.u32 v38, v54;
	v49 =	vshrl.u32 v47, $0x1;
	v58 =	vadd.s32 v40, v42  }
0x19e: {  	v29 =	vld.idx.msk [tilespmem:v63+s17+$0x0], $0xffff;
	v60 =	vadd.s32 $0x1000, v57;
	v62 =	vand.u32 $0x7, v42;
	v51 =	vand.u32 $0x70, v49  }
0x19f: {  	v31 =	vld.idx.msk [tilespmem:v31+s17+$0x0], $0xffff;
	v49 =	vadd.s32 $0x1A, v19;
	v23 =	vadd.f32 v25, v23;
	v38 =	vadd.s32 $0xC08, v58  }
0x1a0: {  	v21 =	vadd.f32 v24, v21;
	v34 =	vld.idx.msk [tilespmem:v34+s17+$0x0], $0xffff;
	v58 =	vadd.s32 $0x1B, v20;
	v61 =	vand.u32 $0xFFFFFFF8, v38  }
0x1a1: {  	v56 =	vld.idx.msk [tilespmem:v36+s17+$0x0], $0xffff;
	v36 =	vadd.s32 $0x2000, v57;
	v22 =	vadd.f32 v27, v22;
	v39 =	vor.u32 v62, v61  }
0x1a2: {  	v57 =	vadd.s32 $0xE, v19;
	v26 =	vld.idx.msk [tilespmem:v26+s17+$0x0], $0xffff;
	v62 =	vadd.s32 $0x1C, v20;
	v41 =	vadd.s32 $0x1000, v39  }
0x1a3: {  	v63 =	vld.idx.msk [tilespmem:v52+s17+$0x0], $0xffff;
	v22 =	vadd.f32 v28, v22;
	v52 =	vshra.s32 v50, $0x5;
	v23 =	vadd.f32 v29, v23  }
0x1a4: {  	v30 =	vld.idx.msk [tilespmem:v30+s17+$0x0], $0xffff;
	v29 =	vadd.s32 $0x2000, v39;
	v28 =	vadd.s32 v51, v52;
	v55 =	vand.u32 $0x7, v52  }
0x1a5: {  	v42 =	vld.idx.msk [tilespmem:v37+s17+$0x0], $0xffff;
	v51 =	vshra.s32 v49, $0x5;
	v22 =	vadd.f32 v31, v22;
	v53 =	vadd.s32 $0xC88, v28  }
0x1a6: {  	v59 =	vld.idx.msk [tilespmem:v33+s17+$0x0], $0xffff;
	v28 =	vshra.s32 v57, $0x5;
	v23 =	vadd.f32 v32, v23;
	v54 =	vand.u32 $0xFFFFFFF8, v53  }
0x1a7: {  	v45 =	vld.idx.msk [tilespmem:v38+s17+$0x0], $0xffff;
	v32 =	vshrl.u32 v62, $0x1;
	v21 =	vadd.f32 v26, v21;
	v22 =	vadd.f32 v34, v22  }
0x1a8: {  	v25 =	vor.u32 v55, v54;
	v32 =	vand.u32 $0x70, v32;
	v23 =	vadd.f32 v56, v23  }
0x1a9: {  	v43 =	vld.idx.msk [tilespmem:v60+s17+$0x0], $0xffff;
	v56 =	vadd.s32 $0x1A, v20;
	v27 =	vadd.s32 $0x1000, v25;
	v25 =	vadd.s32 $0x2000, v25  }
0x1aa: {  	v40 =	vld.idx.msk [tilespmem:v35+s17+$0x0], $0xffff;
	v21 =	vadd.f32 v30, v21;
	v22 =	vadd.f32 v42, v22;
	v26 =	vshrl.u32 v56, $0x1  }
0x1ab: {  	v48 =	vld.idx.msk [tilespmem:v29+s17+$0x0], $0xffff;
	v29 =	vshrl.u32 v58, $0x1;
	v23 =	vadd.f32 v63, v23;
	v26 =	vand.u32 $0x70, v26  }
0x1ac: {  	v29 =	vand.u32 $0x70, v29;
	v21 =	vadd.f32 v59, v21;
	v22 =	vadd.f32 v45, v22  }
0x1ad: {  	v46 =	vld.idx.msk [tilespmem:v41+s17+$0x0], $0xffff;
	v26 =	vadd.s32 v26, v28;
	v59 =	vadd.s32 $0x11, v19;
	v28 =	vand.u32 $0x7, v28  }
0x1ae: {  	v45 =	vadd.s32 $0x17, v19;
	v23 =	vadd.f32 v43, v23;
	v26 =	vadd.s32 $0xD08, v26  }
0x1af: {  	v44 =	vld.idx.msk [tilespmem:v36+s17+$0x0], $0xffff;
	v30 =	vshra.s32 v59, $0x5;
	v43 =	vadd.s32 $0x14, v19;
	v36 =	vshra.s32 v45, $0x5  }
0x1b0: {  	v19 =	vadd.s32 $0x1D, v19;
	v21 =	vadd.f32 v40, v21;
	v60 =	vand.u32 $0xFFFFFFF8, v26  }
0x1b1: {  	v24 =	vld.idx.msk [tilespmem:v53+s17+$0x0], $0xffff;
	v29 =	vadd.s32 v29, v30;
	v30 =	vand.u32 $0x7, v30;
	v34 =	vshra.s32 v43, $0x5  }
0x1b2: {  	v19 =	vshra.s32 v19, $0x5;
	v23 =	vadd.f32 v46, v23;
	v28 =	vor.u32 v28, v60  }
0x1b3: {  	v29 =	vadd.s32 $0xD88, v29;
	v32 =	vadd.s32 v32, v34;
	v34 =	vand.u32 $0x7, v34  }
0x1b4: {  	v21 =	vadd.f32 v44, v21;
	v31 =	vadd.s32 $0x1000, v28;
	v61 =	vand.u32 $0xFFFFFFF8, v29  }
0x1b5: {  	v28 =	vadd.s32 $0x2000, v28;
	v44 =	vadd.s32 $0x1D, v20;
	v32 =	vadd.s32 $0xE08, v32  }
0x1b6: {  	v27 =	vld.idx.msk [tilespmem:v27+s17+$0x0], $0xffff;
	v22 =	vadd.f32 v24, v22;
	v30 =	vor.u32 v30, v61;
	v35 =	vshrl.u32 v44, $0x1  }
0x1b7: {  	v25 =	vld.idx.msk [tilespmem:v25+s17+$0x0], $0xffff;
	v46 =	vand.u32 $0xFFFFFFF8, v32;
	v21 =	vadd.f32 v48, v21;
	v63 =	vadd.s32 $0x1000, v30  }
0x1b8: {  	v35 =	vand.u32 $0x70, v35;
	v30 =	vadd.s32 $0x2000, v30;
	v34 =	vor.u32 v34, v46;
	v26 =	vld.idx.msk [tilespmem:v26+s17+$0x0], $0xffff  }
0x1b9: {  	v48 =	vadd.s32 $0x1E, v20;
	v20 =	vadd.s32 $0x1F, v20;
	v35 =	vadd.s32 v35, v36;
	v29 =	vld.idx.msk [tilespmem:v29+s17+$0x0], $0xffff  }
0x1ba: {  	v37 =	vadd.s32 $0x1000, v34;
	v36 =	vand.u32 $0x7, v36;
	v39 =	vshrl.u32 v48, $0x1;
	v31 =	vld.idx.msk [tilespmem:v31+s17+$0x0], $0xffff  }
0x1bb: {  	v34 =	vadd.s32 $0x2000, v34;
	v20 =	vshrl.u32 v20, $0x1;
	v50 =	vand.u32 $0x70, v39;
	v28 =	vld.idx.msk [tilespmem:v28+s17+$0x0], $0xffff  }
0x1bc: {  	v35 =	vadd.s32 $0xE88, v35;
	v20 =	vand.u32 $0x70, v20;
	v38 =	vadd.s32 v50, v51;
	v32 =	vld.idx.msk [tilespmem:v32+s17+$0x0], $0xffff  }
0x1bd: {  	v47 =	vand.u32 $0xFFFFFFF8, v35;
	v20 =	vadd.s32 v20, v19;
	v38 =	vadd.s32 $0xF08, v38;
	v33 =	vld.idx.msk [tilespmem:v63+s17+$0x0], $0xffff  }
0x1be: {  	v23 =	vadd.f32 v27, v23;
	v36 =	vor.u32 v36, v47;
	v20 =	vadd.s32 $0xF88, v20;
	v30 =	vld.idx.msk [tilespmem:v30+s17+$0x0], $0xffff  }
0x1bf: {  	v39 =	vand.u32 $0x7, v51;
	v52 =	vadd.s32 $0x1000, v36;
	v53 =	vand.u32 $0xFFFFFFF8, v38;
	v54 =	vld.idx.msk [tilespmem:v37+s17+$0x0], $0xffff  }
0x1c0: {  	v21 =	vadd.f32 v25, v21;
	v36 =	vadd.s32 $0x2000, v36;
	v55 =	vor.u32 v39, v53;
	v56 =	vld.idx.msk [tilespmem:v34+s17+$0x0], $0xffff  }
0x1c1: {  	v19 =	vand.u32 $0x7, v19;
	v58 =	vand.u32 $0xFFFFFFF8, v20;
	v57 =	vadd.s32 $0x1000, v55;
	v35 =	vld.idx.msk [tilespmem:v35+s17+$0x0], $0xffff  }
0x1c2: {  	v22 =	vadd.f32 v26, v22;
	v19 =	vor.u32 v19, v58;
	v37 =	vadd.s32 $0x2000, v55;
	v62 =	vld.idx.msk [tilespmem:v38+s17+$0x0], $0xffff  }
0x1c3: {  	v61 =	vadd.s32 $0x1000, v19;
	v23 =	vadd.f32 v31, v23;
	v20 =	vld.idx.msk [tilespmem:v20+s17+$0x0], $0xffff  }
0x1c4: {  	v22 =	vadd.f32 v29, v22;
	v19 =	vadd.s32 $0x2000, v19;
	v21 =	vadd.f32 v28, v21;
	v59 =	vld.idx.msk [tilespmem:v52+s17+$0x0], $0xffff  }
0x1c5: {  	v60 =	vld.idx.msk [tilespmem:v36+s17+$0x0], $0xffff;
	v23 =	vadd.f32 v33, v23  }
0x1c6: {  	v22 =	vadd.f32 v32, v22;
	v21 =	vadd.f32 v30, v21;
	v63 =	vld.idx.msk [tilespmem:v57+s17+$0x0], $0xffff  }
0x1c7: {  	v33 =	vld.idx.msk [tilespmem:v37+s17+$0x0], $0xffff;
	v23 =	vadd.f32 v54, v23  }
0x1c8: {  	v21 =	vadd.f32 v56, v21;
	v22 =	vadd.f32 v35, v22;
	v34 =	vld.idx.msk [tilespmem:v61+s17+$0x0], $0xffff  }
0x1c9: {  	v19 =	vld.idx.msk [tilespmem:v19+s17+$0x0], $0xffff;
	v23 =	vadd.f32 v59, v23  }
0x1ca: {  	v22 =	vadd.f32 v62, v22;
	v21 =	vadd.f32 v60, v21  }
0x1cb: {  	v23 =	vadd.f32 v63, v23  }
0x1cc: {  	v20 =	vadd.f32 v20, v22;
	v21 =	vadd.f32 v33, v21  }
0x1cd: {  	v35 =	vadd.f32 v34, v23  }
0x1ce: {  	[tilespmem:$0x3680] =	vst v20;
	v19 =	vadd.f32 v19, v21  }
0x1cf: {  	[tilespmem:$0x3690] =	vst v35  }
0x1d0: {  	[tilespmem:$0x36A0] =	vst v19  }
0x1d1: {  	v19 =	vld.idx.msk [tilespmem:v1+s18+$0x0], $0xffff;
	_ =	sdelay $0x4  }
0x1d2: {  	[tilespmem:$0x37B0] =	vst v19  }
0x1d3: {  	v19 =	vld.idx.msk [tilespmem:v2+s18+$0x0], $0xffff;
	_ =	sdelay $0x4  }
0x1d4: {  	[tilespmem:$0x37C0] =	vst v19  }
0x1d5: {  	v19 =	vld.idx.msk [tilespmem:v3+s18+$0x0], $0xffff;
	_ =	sdelay $0x4  }
0x1d6: {  	[tilespmem:$0x37D0] =	vst v19  }
0x1d7: {  	v19 =	vld.idx.msk [tilespmem:v4+s18+$0x0], $0xffff;
	_ =	sdelay $0x4  }
0x1d8: {  	[tilespmem:$0x37E0] =	vst v19  }
0x1d9: {  	v19 =	vld.idx.msk [tilespmem:v5+s18+$0x0], $0xffff;
	_ =	sdelay $0x4  }
0x1da: {  	[tilespmem:$0x37F0] =	vst v19  }
0x1db: {  	v19 =	vld.idx.msk [tilespmem:v6+s18+$0x0], $0xffff;
	_ =	sdelay $0x4  }
0x1dc: {  	[tilespmem:$0x3800] =	vst v19  }
0x1dd: {  	v19 =	vld.idx.msk [tilespmem:v7+s18+$0x0], $0xffff;
	_ =	sdelay $0x4  }
0x1de: {  	[tilespmem:$0x3810] =	vst v19  }
0x1df: {  	v19 =	vld.idx.msk [tilespmem:v8+s18+$0x0], $0xffff;
	_ =	sdelay $0x4  }
0x1e0: {  	[tilespmem:$0x3820] =	vst v19  }
0x1e1: {  	v19 =	vld.idx.msk [tilespmem:v9+s18+$0x0], $0xffff;
	_ =	sdelay $0x4  }
0x1e2: {  	[tilespmem:$0x3830] =	vst v19  }
0x1e3: {  	v19 =	vld.idx.msk [tilespmem:v10+s18+$0x0], $0xffff;
	_ =	sdelay $0x4  }
0x1e4: {  	[tilespmem:$0x3840] =	vst v19  }
0x1e5: {  	v19 =	vld.idx.msk [tilespmem:v11+s18+$0x0], $0xffff;
	_ =	sdelay $0x4  }
0x1e6: {  	v20 =	vld [tilespmem:$0x20];
	[tilespmem:$0x3850] =	vst v19  }
0x1e7: {  	v19 =	vld.idx.msk [tilespmem:v12+s18+$0x0], $0xffff;
	_ =	sdelay $0x1  }
0x1e8: {  	v36 =	vld [tilespmem:$0x60];
	_ =	sdelay $0x2  }
0x1e9: {  	v20 =	vadd.f32 $-3.141592740e+00, v20;
	[tilespmem:$0x3860] =	vst v19  }
0x1ea: {  	v19 =	vld.idx.msk [tilespmem:v14+s18+$0x0], $0xffff  }
0x1eb: {  	v21 =	vadd.f32 $-6.283185480e+00, v36;
	v20 =	vmul.f32 v20, v13;
	_ =	sdelay $0x1  }
0x1ec: {  	v21 =	vmul.f32 v21, v15;
	v20 =	vmul.f32 $8.000000000e+00, v20;
	_ =	sdelay $0x1  }
0x1ed: {  	v20 =	vmul.f32 $3.200000000e+01, v20;
	[tilespmem:$0x3870] =	vst v19;
	v19 =	vmul.f32 $8.000000000e+00, v21;
	_ =	sdelay $0x1  }
0x1ee: {  	v38 =	vtrunc.f32 v20;
	v19 =	vmul.f32 $3.200000000e+01, v19  }
0x1ef: {  	v39 =	vcvt.f32.s32 v38;
	vm12 =	vlt.f32 v20, v38;
	v37 =	vld.idx.msk [tilespmem:v16+s18+$0x0], $0xffff  }
0x1f0: {  	v22 =	vsel vm12, $0xFFFFFFFF, v0;
	v20 =	vtrunc.f32 v19  }
0x1f1: {  	v40 =	vcvt.f32.s32 v20;
	vm13 =	vlt.f32 v19, v20;
	v20 =	vadd.s32 v39, v22  }
0x1f2: {  	v19 =	vsel vm13, $0xFFFFFFFF, v0;
	v22 =	vshrl.u32 v20, $0x1;
	v42 =	vadd.s32 $0x1, v20  }
0x1f3: {  	v49 =	vadd.s32 $0x2, v20;
	v54 =	vadd.s32 $0x3, v20;
	v60 =	vadd.s32 $0x4, v20  }
0x1f4: {  	[tilespmem:$0x3880] =	vst v37;
	v39 =	vadd.s32 $0x5, v20;
	v19 =	vadd.s32 v40, v19;
	v22 =	vand.u32 $0x70, v22  }
0x1f5: {  	v21 =	vld.idx.msk [tilespmem:v17+s18+$0x0], $0xffff;
	v24 =	vshrl.u32 v42, $0x1;
	v28 =	vshrl.u32 v49, $0x1;
	v30 =	vshrl.u32 v54, $0x1  }
0x1f6: {  	v33 =	vshrl.u32 v60, $0x1;
	v60 =	vadd.s32 $0xA, v20;
	v41 =	vshra.s32 v19, $0x5  }
0x1f7: {  	v43 =	vadd.s32 $0x3, v19;
	v24 =	vand.u32 $0x70, v24;
	v50 =	vadd.s32 $0x6, v19  }
0x1f8: {  	v51 =	vand.u32 $0x70, v28;
	v56 =	vadd.s32 $0x9, v19;
	v30 =	vand.u32 $0x70, v30  }
0x1f9: {  	v61 =	vadd.s32 $0xC, v19;
	v22 =	vadd.s32 v22, v41;
	v25 =	vshra.s32 v43, $0x5  }
0x1fa: {  	v23 =	vand.u32 $0x7, v41;
	v52 =	vshra.s32 v50, $0x5;
	v22 =	vadd.s32 $0x8, v22;
	[tilespmem:$0x3890] =	vst v21  }
0x1fb: {  	v31 =	vshra.s32 v56, $0x5;
	v24 =	vadd.s32 v24, v25;
	v44 =	vand.u32 $0xFFFFFFF8, v22;
	v47 =	vld.idx.msk [tilespmem:v18+s18+$0x0], $0xffff  }
0x1fc: {  	v25 =	vand.u32 $0x7, v25;
	v27 =	vadd.s32 v51, v52;
	v45 =	vor.u32 v23, v44  }
0x1fd: {  	v28 =	vand.u32 $0x7, v52;
	v46 =	vadd.s32 $0x88, v24;
	v26 =	vadd.s32 $0x1000, v45  }
0x1fe: {  	v27 =	vadd.s32 $0x108, v27;
	v48 =	vand.u32 $0xFFFFFFF8, v46;
	v21 =	vadd.s32 $0x2000, v45  }
0x1ff: {  	v57 =	vadd.s32 v30, v31;
	v55 =	vand.u32 $0xFFFFFFF8, v27;
	v25 =	vor.u32 v25, v48  }
0x200: {  	v24 =	vor.u32 v28, v55;
	v28 =	vadd.s32 $0x188, v57;
	v53 =	vadd.s32 $0x1000, v25;
	[tilespmem:$0x38A0] =	vst v47  }
0x201: {  	v31 =	vand.u32 $0x7, v31;
	v25 =	vadd.s32 $0x2000, v25;
	v59 =	vand.u32 $0xFFFFFFF8, v28;
	v22 =	vld.idx.msk [tilespmem:v22+s17+$0x0], $0xffff  }
0x202: {  	v33 =	vand.u32 $0x70, v33;
	v40 =	vadd.s32 $0xF, v19;
	v31 =	vor.u32 v31, v59;
	v26 =	vld.idx.msk [tilespmem:v26+s17+$0x0], $0xffff  }
0x203: {  	v42 =	vadd.s32 $0x12, v19;
	v32 =	vadd.s32 $0x1000, v31;
	v31 =	vadd.s32 $0x2000, v31;
	v21 =	vld.idx.msk [tilespmem:v21+s17+$0x0], $0xffff  }
0x204: {  	v34 =	vshra.s32 v61, $0x5;
	v41 =	vadd.s32 $0x6, v20;
	v58 =	vadd.s32 $0x1000, v24;
	v23 =	vld.idx.msk [tilespmem:v46+s17+$0x0], $0xffff  }
0x205: {  	v50 =	vadd.s32 $0x15, v19;
	v56 =	vadd.s32 $0x1B, v19;
	v24 =	vadd.s32 $0x2000, v24;
	v29 =	vld.idx.msk [tilespmem:v53+s17+$0x0], $0xffff  }
0x206: {  	v33 =	vadd.s32 v33, v34;
	v37 =	vand.u32 $0x7, v34;
	v51 =	vadd.s32 $0x8, v20;
	v25 =	vld.idx.msk [tilespmem:v25+s17+$0x0], $0xffff  }
0x207: {  	v52 =	vadd.s32 $0x18, v19;
	v35 =	vadd.s32 $0x208, v33;
	v48 =	vadd.s32 $0x7, v20;
	v27 =	vld.idx.msk [tilespmem:v27+s17+$0x0], $0xffff  }
0x208: {  	v33 =	vshra.s32 v50, $0x5;
	v34 =	vshrl.u32 v51, $0x1;
	v63 =	vld.idx.msk [tilespmem:v31+s17+$0x0], $0xffff;
	v31 =	vshrl.u32 v48, $0x1  }
0x209: {  	v36 =	vand.u32 $0xFFFFFFF8, v35;
	v34 =	vand.u32 $0x70, v34;
	v30 =	vld.idx.msk [tilespmem:v58+s17+$0x0], $0xffff;
	v31 =	vand.u32 $0x70, v31  }
0x20a: {  	v55 =	vadd.s32 $0x9, v20;
	v24 =	vld.idx.msk [tilespmem:v24+s17+$0x0], $0xffff;
	v58 =	vshra.s32 v56, $0x5;
	v31 =	vadd.s32 v31, v33  }
0x20b: {  	v33 =	vand.u32 $0x7, v33;
	v22 =	vadd.f32 v23, v22;
	v62 =	vadd.f32 v29, v26  }
0x20c: {  	v21 =	vadd.f32 v25, v21;
	v29 =	vshrl.u32 v41, $0x1;
	v31 =	vadd.s32 $0x388, v31  }
0x20d: {  	v25 =	vld.idx.msk [tilespmem:v35+s17+$0x0], $0xffff;
	v35 =	vshra.s32 v52, $0x5;
	v29 =	vand.u32 $0x70, v29;
	v53 =	vand.u32 $0xFFFFFFF8, v31  }
0x20e: {  	v34 =	vadd.s32 v34, v35;
	v35 =	vand.u32 $0x7, v35;
	v22 =	vadd.f32 v27, v22  }
0x20f: {  	v28 =	vld.idx.msk [tilespmem:v28+s17+$0x0], $0xffff;
	v23 =	vadd.f32 v30, v62;
	v21 =	vadd.f32 v24, v21;
	v24 =	vor.u32 v37, v36  }
0x210: {  	v32 =	vld.idx.msk [tilespmem:v32+s17+$0x0], $0xffff;
	v27 =	vshrl.u32 v39, $0x1;
	v30 =	vshra.s32 v42, $0x5;
	v33 =	vor.u32 v33, v53  }
0x211: {  	v34 =	vadd.s32 $0x408, v34;
	v62 =	vadd.s32 $0x1E, v19;
	v38 =	vadd.s32 $0x1000, v24  }
0x212: {  	v24 =	vadd.s32 $0x2000, v24;
	v27 =	vand.u32 $0x70, v27;
	v29 =	vadd.s32 v29, v30  }
0x213: {  	v30 =	vand.u32 $0x7, v30;
	v36 =	vadd.s32 $0x1000, v33;
	v54 =	vand.u32 $0xFFFFFFF8, v34  }
0x214: {  	v33 =	vadd.s32 $0x2000, v33;
	v42 =	vshra.s32 v62, $0x5;
	v22 =	vadd.f32 v28, v22  }
0x215: {  	v23 =	vadd.f32 v32, v23;
	v21 =	vadd.f32 v63, v21;
	v28 =	vshra.s32 v40, $0x5  }
0x216: {  	v45 =	vadd.s32 $0x308, v29;
	v35 =	vor.u32 v35, v54;
	v40 =	vshrl.u32 v60, $0x1  }
0x217: {  	v60 =	vadd.s32 $0x1, v19;
	v27 =	vadd.s32 v27, v28;
	v28 =	vand.u32 $0x7, v28  }
0x218: {  	v47 =	vand.u32 $0xFFFFFFF8, v45;
	v59 =	vadd.s32 $0x1000, v35;
	v35 =	vadd.s32 $0x2000, v35  }
0x219: {  	v40 =	vand.u32 $0x70, v40;
	v62 =	vshra.s32 v60, $0x5;
	v27 =	vadd.s32 $0x288, v27  }
0x21a: {  	v31 =	vld.idx.msk [tilespmem:v31+s17+$0x0], $0xffff;
	v22 =	vadd.f32 v25, v22;
	v30 =	vor.u32 v30, v47;
	v43 =	vand.u32 $0xFFFFFFF8, v27  }
0x21b: {  	v47 =	vand.u32 $0x7, v42;
	v44 =	vor.u32 v28, v43;
	v26 =	vld.idx.msk [tilespmem:v38+s17+$0x0], $0xffff;
	v38 =	vshrl.u32 v55, $0x1  }
0x21c: {  	v49 =	vadd.s32 $0x1000, v30;
	v24 =	vld.idx.msk [tilespmem:v24+s17+$0x0], $0xffff;
	v46 =	vadd.s32 $0x1000, v44;
	v57 =	vand.u32 $0x70, v38  }
0x21d: {  	v30 =	vadd.s32 $0x2000, v30;
	v63 =	vld.idx.msk [tilespmem:v36+s17+$0x0], $0xffff;
	v25 =	vadd.s32 $0x2000, v44;
	v37 =	vadd.s32 v57, v58  }
0x21e: {  	v43 =	vadd.s32 v40, v42;
	v48 =	vld.idx.msk [tilespmem:v59+s17+$0x0], $0xffff;
	v57 =	vadd.s32 $0xB, v20;
	v37 =	vadd.s32 $0x488, v37  }
0x21f: {  	v38 =	vand.u32 $0x7, v58;
	v27 =	vld.idx.msk [tilespmem:v27+s17+$0x0], $0xffff;
	v59 =	vshrl.u32 v57, $0x1;
	v61 =	vand.u32 $0xFFFFFFF8, v37  }
0x220: {  	v28 =	vld.idx.msk [tilespmem:v45+s17+$0x0], $0xffff;
	v57 =	vadd.s32 $0x10, v19;
	v23 =	vadd.f32 v26, v23;
	v41 =	vor.u32 v38, v61  }
0x221: {  	v21 =	vadd.f32 v24, v21;
	v38 =	vadd.s32 $0x508, v43;
	v61 =	vand.u32 $0x70, v59;
	v29 =	vld.idx.msk [tilespmem:v46+s17+$0x0], $0xffff  }
0x222: {  	v43 =	vadd.s32 $0xC, v20;
	v59 =	vshra.s32 v57, $0x5;
	v25 =	vld.idx.msk [tilespmem:v25+s17+$0x0], $0xffff;
	v45 =	vadd.s32 $0x1000, v41  }
0x223: {  	v32 =	vld.idx.msk [tilespmem:v49+s17+$0x0], $0xffff;
	v36 =	vadd.s32 $0x2000, v41;
	v46 =	vand.u32 $0xFFFFFFF8, v38;
	v41 =	vand.u32 $0x7, v62  }
0x224: {  	v30 =	vld.idx.msk [tilespmem:v30+s17+$0x0], $0xffff;
	v26 =	vshrl.u32 v43, $0x1;
	v49 =	vor.u32 v47, v46;
	v22 =	vadd.f32 v27, v22  }
0x225: {  	v34 =	vld.idx.msk [tilespmem:v34+s17+$0x0], $0xffff;
	v26 =	vand.u32 $0x70, v26;
	v46 =	vadd.s32 $0x7, v19;
	v51 =	vadd.s32 $0x1000, v49  }
0x226: {  	v44 =	vld.idx.msk [tilespmem:v33+s17+$0x0], $0xffff;
	v22 =	vadd.f32 v28, v22;
	v28 =	vadd.s32 v61, v62;
	v61 =	vadd.s32 $0x11, v20  }
0x227: {  	v52 =	vld.idx.msk [tilespmem:v37+s17+$0x0], $0xffff;
	v23 =	vadd.f32 v29, v23;
	v21 =	vadd.f32 v25, v21;
	v29 =	vadd.s32 $0x2000, v49  }
0x228: {  	v53 =	vld.idx.msk [tilespmem:v45+s17+$0x0], $0xffff;
	v45 =	vadd.s32 $0xD, v20;
	v49 =	vadd.s32 $0xE, v20;
	v22 =	vadd.f32 v31, v22  }
0x229: {  	v23 =	vadd.f32 v32, v23;
	v21 =	vadd.f32 v30, v21;
	v30 =	vshra.s32 v46, $0x5  }
0x22a: {  	v56 =	vld.idx.msk [tilespmem:v51+s17+$0x0], $0xffff;
	v32 =	vshrl.u32 v49, $0x1;
	v51 =	vadd.s32 $0xA, v19;
	v22 =	vadd.f32 v34, v22  }
0x22b: {  	v50 =	vld.idx.msk [tilespmem:v35+s17+$0x0], $0xffff;
	v32 =	vand.u32 $0x70, v32;
	v34 =	vshra.s32 v51, $0x5;
	v23 =	vadd.f32 v63, v23  }
0x22c: {  	v21 =	vadd.f32 v44, v21;
	v63 =	vadd.s32 $0x588, v28;
	v44 =	vadd.s32 $0x4, v19  }
0x22d: {  	v55 =	vld.idx.msk [tilespmem:v38+s17+$0x0], $0xffff;
	v32 =	vadd.s32 v32, v34;
	v34 =	vand.u32 $0x7, v34;
	v22 =	vadd.f32 v52, v22  }
0x22e: {  	v58 =	vld.idx.msk [tilespmem:v29+s17+$0x0], $0xffff;
	v40 =	vand.u32 $0xFFFFFFF8, v63;
	v28 =	vshra.s32 v44, $0x5;
	v29 =	vshrl.u32 v45, $0x1  }
0x22f: {  	v52 =	vadd.s32 $0xF, v20;
	v32 =	vadd.s32 $0x708, v32;
	v23 =	vadd.f32 v48, v23  }
0x230: {  	v21 =	vadd.f32 v50, v21;
	v42 =	vor.u32 v41, v40;
	v26 =	vadd.s32 v26, v28  }
0x231: {  	v54 =	vld.idx.msk [tilespmem:v36+s17+$0x0], $0xffff;
	v29 =	vand.u32 $0x70, v29;
	v28 =	vand.u32 $0x7, v28;
	v35 =	vshrl.u32 v52, $0x1  }
0x232: {  	v41 =	vshrl.u32 v61, $0x1;
	v61 =	vadd.s32 $0x16, v19;
	v40 =	vadd.s32 $0x19, v19  }
0x233: {  	v22 =	vadd.f32 v55, v22;
	v27 =	vadd.s32 $0x1000, v42;
	v26 =	vadd.s32 $0x608, v26  }
0x234: {  	v29 =	vadd.s32 v29, v30;
	v25 =	vadd.s32 $0x2000, v42;
	v30 =	vand.u32 $0x7, v30  }
0x235: {  	v35 =	vand.u32 $0x70, v35;
	v41 =	vand.u32 $0x70, v41;
	v42 =	vadd.s32 $0x1C, v19  }
0x236: {  	v23 =	vadd.f32 v53, v23;
	v21 =	vadd.f32 v54, v21;
	v47 =	vand.u32 $0xFFFFFFF8, v26  }
0x237: {  	v29 =	vadd.s32 $0x688, v29;
	v53 =	vadd.s32 $0xD, v19;
	v54 =	vand.u32 $0xFFFFFFF8, v32  }
0x238: {  	v28 =	vor.u32 v28, v47;
	v48 =	vand.u32 $0xFFFFFFF8, v29;
	v36 =	vshra.s32 v53, $0x5  }
0x239: {  	v24 =	vld.idx.msk [tilespmem:v63+s17+$0x0], $0xffff;
	v34 =	vor.u32 v34, v54;
	v63 =	vadd.s32 $0x13, v19;
	v23 =	vadd.f32 v56, v23  }
0x23a: {  	v21 =	vadd.f32 v58, v21;
	v31 =	vadd.s32 $0x1000, v28;
	v28 =	vadd.s32 $0x2000, v28  }
0x23b: {  	v30 =	vor.u32 v30, v48;
	v35 =	vadd.s32 v35, v36;
	v37 =	vadd.s32 $0x1000, v34  }
0x23c: {  	v56 =	vadd.s32 $0x10, v20;
	v36 =	vand.u32 $0x7, v36;
	v34 =	vadd.s32 $0x2000, v34  }
0x23d: {  	v32 =	vld.idx.msk [tilespmem:v32+s17+$0x0], $0xffff;
	v43 =	vshra.s32 v63, $0x5;
	v50 =	vadd.s32 $0x1000, v30;
	v30 =	vadd.s32 $0x2000, v30  }
0x23e: {  	v35 =	vadd.s32 $0x788, v35;
	v39 =	vshrl.u32 v56, $0x1;
	v47 =	vadd.s32 v41, v43;
	v27 =	vld.idx.msk [tilespmem:v27+s17+$0x0], $0xffff  }
0x23f: {  	v51 =	vand.u32 $0x7, v43;
	v41 =	vadd.s32 $0x14, v20;
	v25 =	vld.idx.msk [tilespmem:v25+s17+$0x0], $0xffff;
	v58 =	vand.u32 $0x70, v39  }
0x240: {  	v26 =	vld.idx.msk [tilespmem:v26+s17+$0x0], $0xffff;
	v55 =	vand.u32 $0xFFFFFFF8, v35;
	v39 =	vand.u32 $0x7, v59;
	v38 =	vadd.s32 v58, v59  }
0x241: {  	v36 =	vor.u32 v36, v55;
	v29 =	vld.idx.msk [tilespmem:v29+s17+$0x0], $0xffff;
	v59 =	vadd.s32 $0x12, v20;
	v38 =	vadd.s32 $0x808, v38  }
0x242: {  	v60 =	vadd.s32 $0x1000, v36;
	v36 =	vadd.s32 $0x2000, v36;
	v31 =	vld.idx.msk [tilespmem:v31+s17+$0x0], $0xffff;
	v62 =	vand.u32 $0xFFFFFFF8, v38  }
0x243: {  	v22 =	vadd.f32 v24, v22;
	v28 =	vld.idx.msk [tilespmem:v28+s17+$0x0], $0xffff;
	v46 =	vor.u32 v39, v62;
	v39 =	vadd.s32 $0x888, v47  }
0x244: {  	v45 =	vld.idx.msk [tilespmem:v37+s17+$0x0], $0xffff;
	v23 =	vadd.f32 v27, v23;
	v49 =	vadd.s32 $0x1000, v46;
	v37 =	vadd.s32 $0x2000, v46  }
0x245: {  	v33 =	vld.idx.msk [tilespmem:v50+s17+$0x0], $0xffff;
	v50 =	vand.u32 $0xFFFFFFF8, v39;
	v21 =	vadd.f32 v25, v21;
	v22 =	vadd.f32 v26, v22  }
0x246: {  	v30 =	vld.idx.msk [tilespmem:v30+s17+$0x0], $0xffff;
	v53 =	vor.u32 v51, v50;
	v50 =	vadd.s32 $0x1F, v19;
	v51 =	vadd.s32 $0x16, v20  }
0x247: {  	v35 =	vld.idx.msk [tilespmem:v35+s17+$0x0], $0xffff;
	v55 =	vadd.s32 $0x1000, v53;
	v22 =	vadd.f32 v29, v22;
	v26 =	vadd.s32 $0x2000, v53  }
0x248: {  	v48 =	vld.idx.msk [tilespmem:v34+s17+$0x0], $0xffff;
	v29 =	vshrl.u32 v41, $0x1;
	v23 =	vadd.f32 v31, v23;
	v21 =	vadd.f32 v28, v21  }
0x249: {  	v52 =	vld.idx.msk [tilespmem:v60+s17+$0x0], $0xffff;
	v28 =	vshra.s32 v40, $0x5;
	v29 =	vand.u32 $0x70, v29;
	v22 =	vadd.f32 v32, v22  }
0x24a: {  	v60 =	vld.idx.msk [tilespmem:v39+s17+$0x0], $0xffff;
	v32 =	vshrl.u32 v59, $0x1;
	v39 =	vadd.s32 $0x13, v20;
	v23 =	vadd.f32 v33, v23  }
0x24b: {  	v21 =	vadd.f32 v30, v21;
	v32 =	vand.u32 $0x70, v32;
	v33 =	vshra.s32 v61, $0x5  }
0x24c: {  	v54 =	vld.idx.msk [tilespmem:v36+s17+$0x0], $0xffff;
	v27 =	vshrl.u32 v39, $0x1;
	v30 =	vshra.s32 v42, $0x5;
	v22 =	vadd.f32 v35, v22  }
0x24d: {  	v56 =	vld.idx.msk [tilespmem:v38+s17+$0x0], $0xffff;
	v34 =	vadd.s32 v32, v33;
	v36 =	vand.u32 $0x7, v33;
	v27 =	vand.u32 $0x70, v27  }
0x24e: {  	v29 =	vadd.s32 v29, v30;
	v30 =	vand.u32 $0x7, v30;
	v33 =	vshra.s32 v50, $0x5  }
0x24f: {  	v23 =	vadd.f32 v45, v23;
	v21 =	vadd.f32 v48, v21;
	v63 =	vld.idx.msk [tilespmem:v26+s17+$0x0], $0xffff;
	v26 =	vadd.s32 $0x908, v34  }
0x250: {  	v27 =	vadd.s32 v27, v28;
	v28 =	vand.u32 $0x7, v28;
	v45 =	vadd.s32 $0xA08, v29  }
0x251: {  	v62 =	vld.idx.msk [tilespmem:v55+s17+$0x0], $0xffff;
	v48 =	vadd.s32 $0x15, v20;
	v34 =	vshrl.u32 v51, $0x1;
	v55 =	vadd.s32 $0x17, v20  }
0x252: {  	v22 =	vadd.f32 v56, v22;
	v35 =	vand.u32 $0xFFFFFFF8, v26;
	v27 =	vadd.s32 $0x988, v27  }
0x253: {  	v47 =	vand.u32 $0xFFFFFFF8, v45;
	v31 =	vshrl.u32 v48, $0x1;
	v34 =	vand.u32 $0x70, v34  }
0x254: {  	v57 =	vld.idx.msk [tilespmem:v49+s17+$0x0], $0xffff;
	v56 =	vadd.s32 $0x5, v19;
	v23 =	vadd.f32 v52, v23;
	v21 =	vadd.f32 v54, v21  }
0x255: {  	v58 =	vld.idx.msk [tilespmem:v37+s17+$0x0], $0xffff;
	v37 =	vor.u32 v36, v35;
	v43 =	vand.u32 $0xFFFFFFF8, v27;
	v30 =	vor.u32 v30, v47  }
0x256: {  	v31 =	vand.u32 $0x70, v31;
	v52 =	vadd.s32 $0x2, v19;
	v22 =	vadd.f32 v60, v22  }
0x257: {  	v38 =	vadd.s32 $0x1000, v37;
	v24 =	vadd.s32 $0x2000, v37;
	v44 =	vor.u32 v28, v43  }
0x258: {  	v49 =	vadd.s32 $0x1000, v30;
	v31 =	vadd.s32 v31, v33;
	v35 =	vshra.s32 v52, $0x5  }
0x259: {  	v33 =	vand.u32 $0x7, v33;
	v30 =	vadd.s32 $0x2000, v30;
	v60 =	vadd.s32 $0x18, v20  }
0x25a: {  	v23 =	vadd.f32 v57, v23;
	v21 =	vadd.f32 v58, v21;
	v46 =	vadd.s32 $0x1000, v44  }
0x25b: {  	v31 =	vadd.s32 $0xA88, v31;
	v34 =	vadd.s32 v34, v35;
	v35 =	vand.u32 $0x7, v35  }
0x25c: {  	v58 =	vshra.s32 v56, $0x5;
	v40 =	vshrl.u32 v60, $0x1;
	v60 =	vadd.s32 $0xB, v19  }
0x25d: {  	v53 =	vand.u32 $0xFFFFFFF8, v31;
	v34 =	vadd.s32 $0xB08, v34;
	v40 =	vand.u32 $0x70, v40  }
0x25e: {  	v26 =	vld.idx.msk [tilespmem:v26+s17+$0x0], $0xffff;
	v23 =	vadd.f32 v62, v23;
	v21 =	vadd.f32 v63, v21;
	v33 =	vor.u32 v33, v53  }
0x25f: {  	v28 =	vld.idx.msk [tilespmem:v45+s17+$0x0], $0xffff;
	v54 =	vand.u32 $0xFFFFFFF8, v34;
	v62 =	vadd.s32 $0x8, v19;
	v36 =	vadd.s32 $0x1000, v33  }
0x260: {  	v27 =	vld.idx.msk [tilespmem:v27+s17+$0x0], $0xffff;
	v35 =	vor.u32 v35, v54;
	v33 =	vadd.s32 $0x2000, v33;
	v42 =	vshra.s32 v62, $0x5  }
0x261: {  	v62 =	vshra.s32 v60, $0x5;
	v25 =	vld.idx.msk [tilespmem:v38+s17+$0x0], $0xffff;
	v38 =	vshrl.u32 v55, $0x1;
	v59 =	vadd.s32 $0x1000, v35  }
0x262: {  	v24 =	vld.idx.msk [tilespmem:v24+s17+$0x0], $0xffff;
	v35 =	vadd.s32 $0x2000, v35;
	v43 =	vadd.s32 v40, v42;
	v57 =	vand.u32 $0x70, v38  }
0x263: {  	v32 =	vld.idx.msk [tilespmem:v49+s17+$0x0], $0xffff;
	v47 =	vand.u32 $0x7, v42;
	v42 =	vadd.s32 $0x1A, v20;
	v37 =	vadd.s32 v57, v58  }
0x264: {  	v29 =	vld.idx.msk [tilespmem:v46+s17+$0x0], $0xffff;
	v22 =	vadd.f32 v26, v22;
	v26 =	vadd.s32 $0x2000, v44;
	v37 =	vadd.s32 $0xB88, v37  }
0x265: {  	v31 =	vld.idx.msk [tilespmem:v31+s17+$0x0], $0xffff;
	v38 =	vand.u32 $0x7, v58;
	v57 =	vadd.s32 $0x19, v20;
	v61 =	vand.u32 $0xFFFFFFF8, v37  }
0x266: {  	v34 =	vld.idx.msk [tilespmem:v34+s17+$0x0], $0xffff;
	v22 =	vadd.f32 v27, v22;
	v23 =	vadd.f32 v25, v23;
	v41 =	vor.u32 v38, v61  }
0x267: {  	v21 =	vadd.f32 v24, v21;
	v38 =	vadd.s32 $0xC08, v43;
	v48 =	vld.idx.msk [tilespmem:v59+s17+$0x0], $0xffff;
	v59 =	vshrl.u32 v57, $0x1  }
0x268: {  	v63 =	vld.idx.msk [tilespmem:v36+s17+$0x0], $0xffff;
	v43 =	vadd.s32 $0xE, v19;
	v45 =	vadd.s32 $0x1000, v41;
	v22 =	vadd.f32 v28, v22  }
0x269: {  	v36 =	vadd.s32 $0x2000, v41;
	v46 =	vand.u32 $0xFFFFFFF8, v38;
	v26 =	vld.idx.msk [tilespmem:v26+s17+$0x0], $0xffff;
	v23 =	vadd.f32 v29, v23  }
0x26a: {  	v61 =	vand.u32 $0x70, v59;
	v41 =	vand.u32 $0x7, v62;
	v52 =	vld.idx.msk [tilespmem:v37+s17+$0x0], $0xffff;
	v22 =	vadd.f32 v31, v22  }
0x26b: {  	v49 =	vor.u32 v47, v46;
	v28 =	vadd.s32 v61, v62;
	v23 =	vadd.f32 v32, v23  }
0x26c: {  	v30 =	vld.idx.msk [tilespmem:v30+s17+$0x0], $0xffff;
	v51 =	vadd.s32 $0x1000, v49;
	v29 =	vadd.s32 $0x2000, v49;
	v22 =	vadd.f32 v34, v22  }
0x26d: {  	v23 =	vadd.f32 v63, v23;
	v63 =	vadd.s32 $0xC88, v28;
	v28 =	vshra.s32 v43, $0x5  }
0x26e: {  	v53 =	vld.idx.msk [tilespmem:v45+s17+$0x0], $0xffff;
	v45 =	vadd.s32 $0x11, v19;
	v21 =	vadd.f32 v26, v21;
	v40 =	vand.u32 $0xFFFFFFF8, v63  }
0x26f: {  	v55 =	vld.idx.msk [tilespmem:v38+s17+$0x0], $0xffff;
	v26 =	vshrl.u32 v42, $0x1;
	v23 =	vadd.f32 v48, v23;
	v22 =	vadd.f32 v52, v22  }
0x270: {  	v44 =	vld.idx.msk [tilespmem:v33+s17+$0x0], $0xffff;
	v25 =	vor.u32 v41, v40;
	v26 =	vand.u32 $0x70, v26;
	v48 =	vadd.s32 $0x1C, v20  }
0x271: {  	v56 =	vld.idx.msk [tilespmem:v51+s17+$0x0], $0xffff;
	v51 =	vadd.s32 $0x1D, v20;
	v52 =	vadd.s32 $0x17, v19;
	v21 =	vadd.f32 v30, v21  }
0x272: {  	v27 =	vadd.s32 $0x1000, v25;
	v26 =	vadd.s32 v26, v28;
	v30 =	vshra.s32 v45, $0x5  }
0x273: {  	v50 =	vld.idx.msk [tilespmem:v35+s17+$0x0], $0xffff;
	v28 =	vand.u32 $0x7, v28;
	v25 =	vadd.s32 $0x2000, v25;
	v32 =	vshrl.u32 v48, $0x1  }
0x274: {  	v54 =	vld.idx.msk [tilespmem:v36+s17+$0x0], $0xffff;
	v35 =	vshrl.u32 v51, $0x1;
	v36 =	vshra.s32 v52, $0x5;
	v22 =	vadd.f32 v55, v22  }
0x275: {  	v26 =	vadd.s32 $0xD08, v26;
	v32 =	vand.u32 $0x70, v32;
	v35 =	vand.u32 $0x70, v35  }
0x276: {  	v55 =	vadd.s32 $0x1E, v20;
	v21 =	vadd.f32 v44, v21;
	v23 =	vadd.f32 v53, v23  }
0x277: {  	v44 =	vadd.s32 $0x1B, v20;
	v46 =	vand.u32 $0xFFFFFFF8, v26;
	v35 =	vadd.s32 v35, v36  }
0x278: {  	v36 =	vand.u32 $0x7, v36;
	v39 =	vshrl.u32 v55, $0x1;
	v20 =	vadd.s32 $0x1F, v20  }
0x279: {  	v58 =	vld.idx.msk [tilespmem:v29+s17+$0x0], $0xffff;
	v29 =	vshrl.u32 v44, $0x1;
	v28 =	vor.u32 v28, v46;
	v35 =	vadd.s32 $0xE88, v35  }
0x27a: {  	v57 =	vand.u32 $0x70, v39;
	v20 =	vshrl.u32 v20, $0x1;
	v21 =	vadd.f32 v50, v21  }
0x27b: {  	v23 =	vadd.f32 v56, v23;
	v29 =	vand.u32 $0x70, v29;
	v31 =	vadd.s32 $0x1000, v28  }
0x27c: {  	v28 =	vadd.s32 $0x2000, v28;
	v50 =	vadd.s32 $0x14, v19;
	v56 =	vadd.s32 $0x1A, v19  }
0x27d: {  	v24 =	vld.idx.msk [tilespmem:v63+s17+$0x0], $0xffff;
	v19 =	vadd.s32 $0x1D, v19;
	v20 =	vand.u32 $0x70, v20;
	v29 =	vadd.s32 v29, v30  }
0x27e: {  	v30 =	vand.u32 $0x7, v30;
	v34 =	vshra.s32 v50, $0x5;
	v27 =	vld.idx.msk [tilespmem:v27+s17+$0x0], $0xffff;
	v19 =	vshra.s32 v19, $0x5  }
0x27f: {  	v25 =	vld.idx.msk [tilespmem:v25+s17+$0x0], $0xffff;
	v21 =	vadd.f32 v54, v21;
	v29 =	vadd.s32 $0xD88, v29;
	v32 =	vadd.s32 v32, v34  }
0x280: {  	v26 =	vld.idx.msk [tilespmem:v26+s17+$0x0], $0xffff;
	v54 =	vand.u32 $0xFFFFFFF8, v35;
	v20 =	vadd.s32 v20, v19;
	v32 =	vadd.s32 $0xE08, v32  }
0x281: {  	v47 =	vand.u32 $0xFFFFFFF8, v29;
	v36 =	vor.u32 v36, v54;
	v20 =	vadd.s32 $0xF88, v20;
	v35 =	vld.idx.msk [tilespmem:v35+s17+$0x0], $0xffff  }
0x282: {  	v34 =	vand.u32 $0x7, v34;
	v30 =	vor.u32 v30, v47;
	v59 =	vadd.s32 $0x1000, v36;
	v31 =	vld.idx.msk [tilespmem:v31+s17+$0x0], $0xffff  }
0x283: {  	v21 =	vadd.f32 v58, v21;
	v53 =	vand.u32 $0xFFFFFFF8, v32;
	v49 =	vadd.s32 $0x1000, v30;
	v28 =	vld.idx.msk [tilespmem:v28+s17+$0x0], $0xffff  }
0x284: {  	v58 =	vshra.s32 v56, $0x5;
	v30 =	vadd.s32 $0x2000, v30;
	v34 =	vor.u32 v34, v53;
	v29 =	vld.idx.msk [tilespmem:v29+s17+$0x0], $0xffff  }
0x285: {  	v38 =	vadd.s32 v57, v58;
	v37 =	vadd.s32 $0x1000, v34;
	v32 =	vld.idx.msk [tilespmem:v32+s17+$0x0], $0xffff  }
0x286: {  	v43 =	vand.u32 $0xFFFFFFF8, v20;
	v34 =	vadd.s32 $0x2000, v34;
	v38 =	vadd.s32 $0xF08, v38;
	v20 =	vld.idx.msk [tilespmem:v20+s17+$0x0], $0xffff  }
0x287: {  	v36 =	vadd.s32 $0x2000, v36;
	v39 =	vand.u32 $0x7, v58;
	v60 =	vand.u32 $0xFFFFFFF8, v38;
	v44 =	vld.idx.msk [tilespmem:v59+s17+$0x0], $0xffff  }
0x288: {  	v19 =	vand.u32 $0x7, v19;
	v22 =	vadd.f32 v24, v22;
	v62 =	vor.u32 v39, v60;
	v33 =	vld.idx.msk [tilespmem:v49+s17+$0x0], $0xffff  }
0x289: {  	v19 =	vor.u32 v19, v43;
	v23 =	vadd.f32 v27, v23;
	v42 =	vadd.s32 $0x1000, v62;
	v30 =	vld.idx.msk [tilespmem:v30+s17+$0x0], $0xffff  }
0x28a: {  	v21 =	vadd.f32 v25, v21;
	v22 =	vadd.f32 v26, v22;
	v61 =	vld.idx.msk [tilespmem:v37+s17+$0x0], $0xffff;
	v37 =	vadd.s32 $0x2000, v62  }
0x28b: {  	v46 =	vadd.s32 $0x1000, v19;
	v23 =	vadd.f32 v31, v23;
	v63 =	vld.idx.msk [tilespmem:v34+s17+$0x0], $0xffff  }
0x28c: {  	v19 =	vadd.s32 $0x2000, v19;
	v45 =	vld.idx.msk [tilespmem:v36+s17+$0x0], $0xffff;
	v21 =	vadd.f32 v28, v21;
	v22 =	vadd.f32 v29, v22  }
0x28d: {  	v47 =	vld.idx.msk [tilespmem:v38+s17+$0x0], $0xffff;
	v23 =	vadd.f32 v33, v23  }
0x28e: {  	v48 =	vld.idx.msk [tilespmem:v42+s17+$0x0], $0xffff;
	v22 =	vadd.f32 v32, v22;
	v21 =	vadd.f32 v30, v21  }
0x28f: {  	v49 =	vld.idx.msk [tilespmem:v37+s17+$0x0], $0xffff;
	v23 =	vadd.f32 v61, v23  }
0x290: {  	v50 =	vld.idx.msk [tilespmem:v46+s17+$0x0], $0xffff;
	v22 =	vadd.f32 v35, v22;
	v21 =	vadd.f32 v63, v21  }
0x291: {  	v19 =	vld.idx.msk [tilespmem:v19+s17+$0x0], $0xffff;
	v23 =	vadd.f32 v44, v23  }
0x292: {  	v22 =	vadd.f32 v47, v22;
	v21 =	vadd.f32 v45, v21  }
0x293: {  	v23 =	vadd.f32 v48, v23  }
0x294: {  	v20 =	vadd.f32 v20, v22;
	v21 =	vadd.f32 v49, v21  }
0x295: {  	v51 =	vadd.f32 v50, v23  }
0x296: {  	[tilespmem:$0x3680] =	vst v20;
	v19 =	vadd.f32 v19, v21  }
0x297: {  	[tilespmem:$0x3690] =	vst v51  }
0x298: {  	[tilespmem:$0x36A0] =	vst v19  }
0x299: {  	v19 =	vld.idx.msk [tilespmem:v1+s18+$0x0], $0xffff;
	_ =	sdelay $0x4  }
0x29a: {  	[tilespmem:$0x38B0] =	vst v19  }
0x29b: {  	v19 =	vld.idx.msk [tilespmem:v2+s18+$0x0], $0xffff;
	_ =	sdelay $0x4  }
0x29c: {  	[tilespmem:$0x38C0] =	vst v19  }
0x29d: {  	v19 =	vld.idx.msk [tilespmem:v3+s18+$0x0], $0xffff;
	_ =	sdelay $0x4  }
0x29e: {  	[tilespmem:$0x38D0] =	vst v19  }
0x29f: {  	v19 =	vld.idx.msk [tilespmem:v4+s18+$0x0], $0xffff;
	_ =	sdelay $0x4  }
0x2a0: {  	[tilespmem:$0x38E0] =	vst v19  }
0x2a1: {  	v19 =	vld.idx.msk [tilespmem:v5+s18+$0x0], $0xffff;
	_ =	sdelay $0x4  }
0x2a2: {  	[tilespmem:$0x38F0] =	vst v19  }
0x2a3: {  	v19 =	vld.idx.msk [tilespmem:v6+s18+$0x0], $0xffff;
	_ =	sdelay $0x4  }
0x2a4: {  	[tilespmem:$0x3900] =	vst v19  }
0x2a5: {  	v19 =	vld.idx.msk [tilespmem:v7+s18+$0x0], $0xffff;
	_ =	sdelay $0x4  }
0x2a6: {  	[tilespmem:$0x3910] =	vst v19  }
0x2a7: {  	v19 =	vld.idx.msk [tilespmem:v8+s18+$0x0], $0xffff;
	_ =	sdelay $0x4  }
0x2a8: {  	[tilespmem:$0x3920] =	vst v19  }
0x2a9: {  	v19 =	vld.idx.msk [tilespmem:v9+s18+$0x0], $0xffff;
	_ =	sdelay $0x4  }
0x2aa: {  	[tilespmem:$0x3930] =	vst v19  }
0x2ab: {  	v19 =	vld.idx.msk [tilespmem:v10+s18+$0x0], $0xffff;
	_ =	sdelay $0x4  }
0x2ac: {  	[tilespmem:$0x3940] =	vst v19  }
0x2ad: {  	v19 =	vld.idx.msk [tilespmem:v11+s18+$0x0], $0xffff;
	_ =	sdelay $0x4  }
0x2ae: {  	v20 =	vld [tilespmem:$0x30];
	[tilespmem:$0x3950] =	vst v19  }
0x2af: {  	v19 =	vld.idx.msk [tilespmem:v12+s18+$0x0], $0xffff;
	_ =	sdelay $0x1  }
0x2b0: {  	v52 =	vld [tilespmem:$0x70];
	_ =	sdelay $0x2  }
0x2b1: {  	v20 =	vadd.f32 $-3.141592740e+00, v20;
	[tilespmem:$0x3960] =	vst v19  }
0x2b2: {  	v19 =	vld.idx.msk [tilespmem:v14+s18+$0x0], $0xffff  }
0x2b3: {  	v21 =	vadd.f32 $-6.283185480e+00, v52;
	v20 =	vmul.f32 v20, v13;
	_ =	sdelay $0x1  }
0x2b4: {  	v21 =	vmul.f32 v21, v15;
	v20 =	vmul.f32 $8.000000000e+00, v20;
	_ =	sdelay $0x1  }
0x2b5: {  	v20 =	vmul.f32 $3.200000000e+01, v20;
	[tilespmem:$0x3970] =	vst v19;
	v19 =	vmul.f32 $8.000000000e+00, v21;
	_ =	sdelay $0x1  }
0x2b6: {  	v54 =	vtrunc.f32 v20;
	v19 =	vmul.f32 $3.200000000e+01, v19  }
0x2b7: {  	v55 =	vcvt.f32.s32 v54;
	vm14 =	vlt.f32 v20, v54;
	v53 =	vld.idx.msk [tilespmem:v16+s18+$0x0], $0xffff  }
0x2b8: {  	v22 =	vsel vm14, $0xFFFFFFFF, v0;
	v20 =	vtrunc.f32 v19  }
0x2b9: {  	v56 =	vcvt.f32.s32 v20;
	vm15 =	vlt.f32 v19, v20;
	v20 =	vadd.s32 v55, v22  }
0x2ba: {  	v19 =	vsel vm15, $0xFFFFFFFF, v0;
	v22 =	vshrl.u32 v20, $0x1  }
0x2bb: {  	v58 =	vadd.s32 $0x1, v20;
	v33 =	vadd.s32 $0x2, v20;
	v38 =	vadd.s32 $0x3, v20  }
0x2bc: {  	[tilespmem:$0x3980] =	vst v53;
	v44 =	vadd.s32 $0x4, v20;
	v53 =	vadd.s32 $0x5, v20;
	v55 =	vadd.s32 $0x6, v20  }
0x2bd: {  	v21 =	vld.idx.msk [tilespmem:v17+s18+$0x0], $0xffff;
	v19 =	vadd.s32 v56, v19;
	v22 =	vand.u32 $0x70, v22;
	v24 =	vshrl.u32 v58, $0x1  }
0x2be: {  	v28 =	vshrl.u32 v33, $0x1;
	v30 =	vshrl.u32 v38, $0x1;
	v33 =	vshrl.u32 v44, $0x1  }
0x2bf: {  	v57 =	vshra.s32 v19, $0x5;
	v59 =	vadd.s32 $0x3, v19;
	v24 =	vand.u32 $0x70, v24  }
0x2c0: {  	v34 =	vadd.s32 $0x6, v19;
	v35 =	vand.u32 $0x70, v28;
	v40 =	vadd.s32 $0x9, v19  }
0x2c1: {  	v30 =	vand.u32 $0x70, v30;
	v45 =	vadd.s32 $0xC, v19;
	v22 =	vadd.s32 v22, v57  }
0x2c2: {  	v33 =	vand.u32 $0x70, v33;
	v25 =	vshra.s32 v59, $0x5;
	v22 =	vadd.s32 $0x8, v22;
	[tilespmem:$0x3990] =	vst v21  }
0x2c3: {  	v23 =	vand.u32 $0x7, v57;
	v36 =	vshra.s32 v34, $0x5;
	v60 =	vand.u32 $0xFFFFFFF8, v22;
	v63 =	vld.idx.msk [tilespmem:v18+s18+$0x0], $0xffff  }
0x2c4: {  	v31 =	vshra.s32 v40, $0x5;
	v24 =	vadd.s32 v24, v25;
	v61 =	vor.u32 v23, v60  }
0x2c5: {  	v25 =	vand.u32 $0x7, v25;
	v62 =	vadd.s32 $0x88, v24;
	v26 =	vadd.s32 $0x1000, v61  }
0x2c6: {  	v27 =	vadd.s32 v35, v36;
	v32 =	vand.u32 $0xFFFFFFF8, v62;
	v21 =	vadd.s32 $0x2000, v61  }
0x2c7: {  	v28 =	vand.u32 $0x7, v36;
	v27 =	vadd.s32 $0x108, v27;
	v25 =	vor.u32 v25, v32  }
0x2c8: {  	v41 =	vadd.s32 v30, v31;
	v39 =	vand.u32 $0xFFFFFFF8, v27;
	v37 =	vadd.s32 $0x1000, v25;
	[tilespmem:$0x39A0] =	vst v63  }
0x2c9: {  	v24 =	vor.u32 v28, v39;
	v28 =	vadd.s32 $0x188, v41;
	v25 =	vadd.s32 $0x2000, v25;
	v22 =	vld.idx.msk [tilespmem:v22+s17+$0x0], $0xffff  }
0x2ca: {  	v54 =	vadd.s32 $0xF, v19;
	v31 =	vand.u32 $0x7, v31;
	v43 =	vand.u32 $0xFFFFFFF8, v28;
	v26 =	vld.idx.msk [tilespmem:v26+s17+$0x0], $0xffff  }
0x2cb: {  	v56 =	vadd.s32 $0x12, v19;
	v42 =	vadd.s32 $0x1000, v24;
	v31 =	vor.u32 v31, v43;
	v21 =	vld.idx.msk [tilespmem:v21+s17+$0x0], $0xffff  }
0x2cc: {  	v34 =	vshra.s32 v45, $0x5;
	v32 =	vadd.s32 $0x1000, v31;
	v31 =	vadd.s32 $0x2000, v31;
	v23 =	vld.idx.msk [tilespmem:v62+s17+$0x0], $0xffff  }
0x2cd: {  	v44 =	vadd.s32 $0x18, v19;
	v48 =	vadd.s32 v33, v34;
	v24 =	vadd.s32 $0x2000, v24;
	v29 =	vld.idx.msk [tilespmem:v37+s17+$0x0], $0xffff  }
0x2ce: {  	v51 =	vand.u32 $0x7, v34;
	v35 =	vshra.s32 v44, $0x5;
	v43 =	vadd.s32 $0x8, v20;
	v25 =	vld.idx.msk [tilespmem:v25+s17+$0x0], $0xffff  }
0x2cf: {  	v49 =	vadd.s32 $0x208, v48;
	v48 =	vadd.s32 $0x1B, v19;
	v34 =	vshrl.u32 v43, $0x1;
	v27 =	vld.idx.msk [tilespmem:v27+s17+$0x0], $0xffff  }
0x2d0: {  	v50 =	vand.u32 $0xFFFFFFF8, v49;
	v34 =	vand.u32 $0x70, v34;
	v30 =	vld.idx.msk [tilespmem:v42+s17+$0x0], $0xffff;
	v62 =	vadd.s32 $0x7, v20  }
0x2d1: {  	v34 =	vadd.s32 v34, v35;
	v42 =	vadd.s32 $0x15, v19;
	v47 =	vld.idx.msk [tilespmem:v31+s17+$0x0], $0xffff;
	v31 =	vshrl.u32 v62, $0x1  }
0x2d2: {  	v35 =	vand.u32 $0x7, v35;
	v24 =	vld.idx.msk [tilespmem:v24+s17+$0x0], $0xffff;
	v33 =	vshra.s32 v42, $0x5;
	v31 =	vand.u32 $0x70, v31  }
0x2d3: {  	v34 =	vadd.s32 $0x408, v34;
	v31 =	vadd.s32 v31, v33;
	v33 =	vand.u32 $0x7, v33  }
0x2d4: {  	v22 =	vadd.f32 v23, v22;
	v46 =	vadd.f32 v29, v26;
	v29 =	vshrl.u32 v55, $0x1  }
0x2d5: {  	v21 =	vadd.f32 v25, v21;
	v31 =	vadd.s32 $0x388, v31;
	v29 =	vand.u32 $0x70, v29  }
0x2d6: {  	v28 =	vld.idx.msk [tilespmem:v28+s17+$0x0], $0xffff;
	v45 =	vand.u32 $0xFFFFFFF8, v31;
	v22 =	vadd.f32 v27, v22;
	v23 =	vadd.f32 v30, v46  }
0x2d7: {  	v32 =	vld.idx.msk [tilespmem:v32+s17+$0x0], $0xffff;
	v21 =	vadd.f32 v24, v21;
	v24 =	vor.u32 v51, v50;
	v27 =	vshrl.u32 v53, $0x1  }
0x2d8: {  	v30 =	vshra.s32 v56, $0x5;
	v33 =	vor.u32 v33, v45;
	v46 =	vand.u32 $0xFFFFFFF8, v34  }
0x2d9: {  	v50 =	vshra.s32 v48, $0x5;
	v52 =	vadd.s32 $0x1000, v24;
	v24 =	vadd.s32 $0x2000, v24  }
0x2da: {  	v27 =	vand.u32 $0x70, v27;
	v29 =	vadd.s32 v29, v30;
	v30 =	vand.u32 $0x7, v30  }
0x2db: {  	v36 =	vadd.s32 $0x1000, v33;
	v35 =	vor.u32 v35, v46;
	v33 =	vadd.s32 $0x2000, v33  }
0x2dc: {  	v25 =	vld.idx.msk [tilespmem:v49+s17+$0x0], $0xffff;
	v46 =	vadd.s32 $0xB, v20;
	v22 =	vadd.f32 v28, v22;
	v23 =	vadd.f32 v32, v23  }
0x2dd: {  	v21 =	vadd.f32 v47, v21;
	v28 =	vshra.s32 v54, $0x5;
	v59 =	vadd.s32 $0x308, v29  }
0x2de: {  	v47 =	vadd.s32 $0x9, v20;
	v51 =	vadd.s32 $0x1000, v35;
	v35 =	vadd.s32 $0x2000, v35  }
0x2df: {  	v54 =	vadd.s32 $0x1E, v19;
	v48 =	vshrl.u32 v46, $0x1;
	v27 =	vadd.s32 v27, v28  }
0x2e0: {  	v28 =	vand.u32 $0x7, v28;
	v61 =	vand.u32 $0xFFFFFFF8, v59;
	v38 =	vshrl.u32 v47, $0x1  }
0x2e1: {  	v42 =	vshra.s32 v54, $0x5;
	v27 =	vadd.s32 $0x288, v27;
	v22 =	vadd.f32 v25, v22  }
0x2e2: {  	v30 =	vor.u32 v30, v61;
	v49 =	vand.u32 $0x70, v38;
	v38 =	vand.u32 $0x7, v50  }
0x2e3: {  	v31 =	vld.idx.msk [tilespmem:v31+s17+$0x0], $0xffff;
	v61 =	vand.u32 $0x7, v42;
	v57 =	vand.u32 $0xFFFFFFF8, v27;
	v63 =	vadd.s32 $0x1000, v30  }
0x2e4: {  	v30 =	vadd.s32 $0x2000, v30;
	v37 =	vadd.s32 v49, v50;
	v58 =	vor.u32 v28, v57;
	v26 =	vld.idx.msk [tilespmem:v52+s17+$0x0], $0xffff  }
0x2e5: {  	v49 =	vadd.s32 $0x1, v19;
	v50 =	vand.u32 $0x70, v48;
	v24 =	vld.idx.msk [tilespmem:v24+s17+$0x0], $0xffff;
	v60 =	vadd.s32 $0x1000, v58  }
0x2e6: {  	v37 =	vadd.s32 $0x488, v37;
	v52 =	vadd.s32 $0xA, v20;
	v55 =	vld.idx.msk [tilespmem:v36+s17+$0x0], $0xffff;
	v25 =	vadd.s32 $0x2000, v58  }
0x2e7: {  	v48 =	vadd.s32 $0x10, v20;
	v53 =	vand.u32 $0xFFFFFFF8, v37;
	v40 =	vshrl.u32 v52, $0x1;
	v27 =	vld.idx.msk [tilespmem:v27+s17+$0x0], $0xffff  }
0x2e8: {  	v62 =	vld.idx.msk [tilespmem:v51+s17+$0x0], $0xffff;
	v51 =	vshra.s32 v49, $0x5;
	v49 =	vadd.s32 $0x10, v19;
	v56 =	vor.u32 v38, v53  }
0x2e9: {  	v28 =	vld.idx.msk [tilespmem:v59+s17+$0x0], $0xffff;
	v40 =	vand.u32 $0x70, v40;
	v54 =	vand.u32 $0x7, v51;
	v59 =	vadd.s32 $0x1000, v56  }
0x2ea: {  	v57 =	vadd.s32 v40, v42;
	v36 =	vadd.s32 $0x2000, v56;
	v56 =	vadd.s32 $0xC, v20;
	v29 =	vld.idx.msk [tilespmem:v60+s17+$0x0], $0xffff  }
0x2eb: {  	v38 =	vadd.s32 $0x508, v57;
	v57 =	vadd.s32 $0x4, v19;
	v23 =	vadd.f32 v26, v23;
	v25 =	vld.idx.msk [tilespmem:v25+s17+$0x0], $0xffff  }
0x2ec: {  	v32 =	vld.idx.msk [tilespmem:v63+s17+$0x0], $0xffff;
	v26 =	vshrl.u32 v56, $0x1;
	v60 =	vand.u32 $0xFFFFFFF8, v38;
	v22 =	vadd.f32 v27, v22  }
0x2ed: {  	v30 =	vld.idx.msk [tilespmem:v30+s17+$0x0], $0xffff;
	v21 =	vadd.f32 v24, v21;
	v26 =	vand.u32 $0x70, v26;
	v63 =	vor.u32 v61, v60  }
0x2ee: {  	v40 =	vadd.s32 $0x1000, v63;
	v42 =	vld.idx.msk [tilespmem:v59+s17+$0x0], $0xffff;
	v59 =	vadd.s32 $0x7, v19;
	v22 =	vadd.f32 v28, v22  }
0x2ef: {  	v34 =	vld.idx.msk [tilespmem:v34+s17+$0x0], $0xffff;
	v28 =	vadd.s32 v50, v51;
	v51 =	vshra.s32 v49, $0x5;
	v23 =	vadd.f32 v29, v23  }
0x2f0: {  	v58 =	vld.idx.msk [tilespmem:v33+s17+$0x0], $0xffff;
	v21 =	vadd.f32 v25, v21;
	v29 =	vadd.s32 $0x2000, v63;
	v52 =	vadd.s32 $0x588, v28  }
0x2f1: {  	v41 =	vld.idx.msk [tilespmem:v37+s17+$0x0], $0xffff;
	v28 =	vshra.s32 v57, $0x5;
	v22 =	vadd.f32 v31, v22;
	v53 =	vand.u32 $0xFFFFFFF8, v52  }
0x2f2: {  	v26 =	vadd.s32 v26, v28;
	v28 =	vand.u32 $0x7, v28;
	v23 =	vadd.f32 v32, v23  }
0x2f3: {  	v21 =	vadd.f32 v30, v21;
	v26 =	vadd.s32 $0x608, v26;
	v30 =	vshra.s32 v59, $0x5  }
0x2f4: {  	v39 =	vld.idx.msk [tilespmem:v35+s17+$0x0], $0xffff;
	v22 =	vadd.f32 v34, v22;
	v60 =	vand.u32 $0xFFFFFFF8, v26;
	v23 =	vadd.f32 v55, v23  }
0x2f5: {  	v21 =	vadd.f32 v58, v21;
	v55 =	vor.u32 v54, v53;
	v58 =	vadd.s32 $0xD, v20  }
0x2f6: {  	v44 =	vld.idx.msk [tilespmem:v38+s17+$0x0], $0xffff;
	v28 =	vor.u32 v28, v60;
	v53 =	vadd.s32 $0x11, v20;
	v22 =	vadd.f32 v41, v22  }
0x2f7: {  	v47 =	vld.idx.msk [tilespmem:v29+s17+$0x0], $0xffff;
	v27 =	vadd.s32 $0x1000, v55;
	v29 =	vshrl.u32 v58, $0x1;
	v25 =	vadd.s32 $0x2000, v55  }
0x2f8: {  	v31 =	vadd.s32 $0x1000, v28;
	v28 =	vadd.s32 $0x2000, v28;
	v41 =	vshrl.u32 v53, $0x1  }
0x2f9: {  	v43 =	vld.idx.msk [tilespmem:v36+s17+$0x0], $0xffff;
	v55 =	vadd.s32 $0x13, v19;
	v23 =	vadd.f32 v62, v23;
	v21 =	vadd.f32 v39, v21  }
0x2fa: {  	v29 =	vand.u32 $0x70, v29;
	v62 =	vadd.s32 $0xE, v20;
	v39 =	vshrl.u32 v48, $0x1  }
0x2fb: {  	v41 =	vand.u32 $0x70, v41;
	v48 =	vadd.s32 $0x16, v19;
	v22 =	vadd.f32 v44, v22  }
0x2fc: {  	v29 =	vadd.s32 v29, v30;
	v30 =	vand.u32 $0x7, v30;
	v32 =	vshrl.u32 v62, $0x1  }
0x2fd: {  	v45 =	vld.idx.msk [tilespmem:v40+s17+$0x0], $0xffff;
	v44 =	vadd.s32 $0xF, v20;
	v50 =	vand.u32 $0x70, v39;
	v39 =	vand.u32 $0x7, v51  }
0x2fe: {  	v23 =	vadd.f32 v42, v23;
	v21 =	vadd.f32 v43, v21;
	v29 =	vadd.s32 $0x688, v29  }
0x2ff: {  	v24 =	vld.idx.msk [tilespmem:v52+s17+$0x0], $0xffff;
	v43 =	vadd.s32 $0xA, v19;
	v32 =	vand.u32 $0x70, v32;
	v35 =	vshrl.u32 v44, $0x1  }
0x300: {  	v38 =	vadd.s32 v50, v51;
	v61 =	vand.u32 $0xFFFFFFF8, v29;
	v34 =	vshra.s32 v43, $0x5  }
0x301: {  	v35 =	vand.u32 $0x70, v35;
	v38 =	vadd.s32 $0x808, v38;
	v43 =	vshra.s32 v55, $0x5  }
0x302: {  	v23 =	vadd.f32 v45, v23;
	v21 =	vadd.f32 v47, v21;
	v30 =	vor.u32 v30, v61  }
0x303: {  	v32 =	vadd.s32 v32, v34;
	v45 =	vadd.s32 $0xD, v19;
	v34 =	vand.u32 $0x7, v34  }
0x304: {  	v26 =	vld.idx.msk [tilespmem:v26+s17+$0x0], $0xffff;
	v54 =	vand.u32 $0xFFFFFFF8, v38;
	v22 =	vadd.f32 v24, v22;
	v58 =	vadd.s32 v41, v43  }
0x305: {  	v27 =	vld.idx.msk [tilespmem:v27+s17+$0x0], $0xffff;
	v62 =	vand.u32 $0x7, v43;
	v63 =	vadd.s32 $0x1000, v30;
	v32 =	vadd.s32 $0x708, v32  }
0x306: {  	v25 =	vld.idx.msk [tilespmem:v25+s17+$0x0], $0xffff;
	v36 =	vshra.s32 v45, $0x5;
	v30 =	vadd.s32 $0x2000, v30;
	v57 =	vor.u32 v39, v54  }
0x307: {  	v31 =	vld.idx.msk [tilespmem:v31+s17+$0x0], $0xffff;
	v39 =	vadd.s32 $0x888, v58;
	v58 =	vadd.s32 $0x14, v20;
	v46 =	vand.u32 $0xFFFFFFF8, v32  }
0x308: {  	v28 =	vld.idx.msk [tilespmem:v28+s17+$0x0], $0xffff;
	v35 =	vadd.s32 v35, v36;
	v36 =	vand.u32 $0x7, v36;
	v60 =	vadd.s32 $0x1000, v57  }
0x309: {  	v61 =	vand.u32 $0xFFFFFFF8, v39;
	v34 =	vor.u32 v34, v46;
	v35 =	vadd.s32 $0x788, v35;
	v29 =	vld.idx.msk [tilespmem:v29+s17+$0x0], $0xffff  }
0x30a: {  	v22 =	vadd.f32 v26, v22;
	v40 =	vor.u32 v62, v61;
	v37 =	vadd.s32 $0x1000, v34;
	v33 =	vld.idx.msk [tilespmem:v63+s17+$0x0], $0xffff  }
0x30b: {  	v46 =	vadd.s32 $0x12, v20;
	v47 =	vand.u32 $0xFFFFFFF8, v35;
	v34 =	vadd.s32 $0x2000, v34;
	v30 =	vld.idx.msk [tilespmem:v30+s17+$0x0], $0xffff  }
0x30c: {  	v36 =	vor.u32 v36, v47;
	v23 =	vadd.f32 v27, v23;
	v21 =	vadd.f32 v25, v21;
	v32 =	vld.idx.msk [tilespmem:v32+s17+$0x0], $0xffff  }
0x30d: {  	v42 =	vadd.s32 $0x1000, v40;
	v26 =	vadd.s32 $0x2000, v40;
	v52 =	vadd.s32 $0x1000, v36  }
0x30e: {  	v36 =	vadd.s32 $0x2000, v36;
	v23 =	vadd.f32 v31, v23;
	v21 =	vadd.f32 v28, v21;
	v35 =	vld.idx.msk [tilespmem:v35+s17+$0x0], $0xffff  }
0x30f: {  	v22 =	vadd.f32 v29, v22;
	v29 =	vshrl.u32 v58, $0x1;
	v56 =	vld.idx.msk [tilespmem:v37+s17+$0x0], $0xffff;
	v37 =	vadd.s32 $0x2000, v57  }
0x310: {  	v59 =	vld.idx.msk [tilespmem:v34+s17+$0x0], $0xffff;
	v57 =	vadd.s32 $0x19, v19;
	v29 =	vand.u32 $0x70, v29;
	v23 =	vadd.f32 v33, v23  }
0x311: {  	v43 =	vld.idx.msk [tilespmem:v38+s17+$0x0], $0xffff;
	v28 =	vshra.s32 v57, $0x5;
	v21 =	vadd.f32 v30, v21;
	v22 =	vadd.f32 v32, v22  }
0x312: {  	v63 =	vld.idx.msk [tilespmem:v52+s17+$0x0], $0xffff;
	v32 =	vshrl.u32 v46, $0x1;
	v33 =	vshra.s32 v48, $0x5;
	v48 =	vadd.s32 $0x17, v20  }
0x313: {  	v41 =	vld.idx.msk [tilespmem:v36+s17+$0x0], $0xffff;
	v32 =	vand.u32 $0x70, v32;
	v53 =	vand.u32 $0x7, v33;
	v38 =	vshrl.u32 v48, $0x1  }
0x314: {  	v22 =	vadd.f32 v35, v22;
	v51 =	vadd.s32 v32, v33;
	v23 =	vadd.f32 v56, v23  }
0x315: {  	v50 =	vld.idx.msk [tilespmem:v26+s17+$0x0], $0xffff;
	v21 =	vadd.f32 v59, v21;
	v26 =	vadd.s32 $0x908, v51;
	v56 =	vadd.s32 $0x13, v20  }
0x316: {  	v47 =	vld.idx.msk [tilespmem:v39+s17+$0x0], $0xffff;
	v59 =	vadd.s32 $0x1C, v19;
	v22 =	vadd.f32 v43, v22;
	v52 =	vand.u32 $0xFFFFFFF8, v26  }
0x317: {  	v27 =	vshrl.u32 v56, $0x1;
	v30 =	vshra.s32 v59, $0x5;
	v43 =	vadd.s32 $0x1F, v19  }
0x318: {  	v44 =	vld.idx.msk [tilespmem:v60+s17+$0x0], $0xffff;
	v23 =	vadd.f32 v63, v23;
	v21 =	vadd.f32 v41, v21;
	v54 =	vor.u32 v53, v52  }
0x319: {  	v27 =	vand.u32 $0x70, v27;
	v29 =	vadd.s32 v29, v30;
	v30 =	vand.u32 $0x7, v30  }
0x31a: {  	v45 =	vld.idx.msk [tilespmem:v37+s17+$0x0], $0xffff;
	v41 =	vadd.s32 $0x15, v20;
	v33 =	vshra.s32 v43, $0x5;
	v53 =	vadd.s32 $0x18, v20  }
0x31b: {  	v22 =	vadd.f32 v47, v22;
	v55 =	vadd.s32 $0x1000, v54;
	v24 =	vadd.s32 $0x2000, v54  }
0x31c: {  	v49 =	vld.idx.msk [tilespmem:v42+s17+$0x0], $0xffff;
	v27 =	vadd.s32 v27, v28;
	v28 =	vand.u32 $0x7, v28;
	v62 =	vadd.s32 $0xA08, v29  }
0x31d: {  	v31 =	vshrl.u32 v41, $0x1;
	v23 =	vadd.f32 v44, v23;
	v27 =	vadd.s32 $0x988, v27  }
0x31e: {  	v40 =	vand.u32 $0xFFFFFFF8, v62;
	v31 =	vand.u32 $0x70, v31;
	v44 =	vadd.s32 $0x16, v20  }
0x31f: {  	v21 =	vadd.f32 v45, v21;
	v60 =	vand.u32 $0xFFFFFFF8, v27;
	v30 =	vor.u32 v30, v40  }
0x320: {  	v31 =	vadd.s32 v31, v33;
	v34 =	vshrl.u32 v44, $0x1;
	v45 =	vadd.s32 $0x2, v19  }
0x321: {  	v33 =	vand.u32 $0x7, v33;
	v40 =	vshrl.u32 v53, $0x1;
	v23 =	vadd.f32 v49, v23  }
0x322: {  	v61 =	vor.u32 v28, v60;
	v42 =	vadd.s32 $0x1000, v30;
	v31 =	vadd.s32 $0xA88, v31  }
0x323: {  	v34 =	vand.u32 $0x70, v34;
	v35 =	vshra.s32 v45, $0x5;
	v30 =	vadd.s32 $0x2000, v30  }
0x324: {  	v49 =	vadd.s32 $0x5, v19;
	v40 =	vand.u32 $0x70, v40;
	v21 =	vadd.f32 v50, v21  }
0x325: {  	v26 =	vld.idx.msk [tilespmem:v26+s17+$0x0], $0xffff;
	v63 =	vadd.s32 $0x1000, v61;
	v46 =	vand.u32 $0xFFFFFFF8, v31;
	v34 =	vadd.s32 v34, v35  }
0x326: {  	v35 =	vand.u32 $0x7, v35;
	v50 =	vand.u32 $0x70, v38;
	v51 =	vshra.s32 v49, $0x5  }
0x327: {  	v33 =	vor.u32 v33, v46;
	v34 =	vadd.s32 $0xB08, v34;
	v37 =	vadd.s32 v50, v51  }
0x328: {  	v25 =	vld.idx.msk [tilespmem:v55+s17+$0x0], $0xffff;
	v55 =	vadd.s32 $0x8, v19;
	v38 =	vand.u32 $0x7, v51;
	v50 =	vadd.s32 $0xB, v19  }
0x329: {  	v36 =	vadd.s32 $0x1000, v33;
	v47 =	vand.u32 $0xFFFFFFF8, v34;
	v33 =	vadd.s32 $0x2000, v33  }
0x32a: {  	v24 =	vld.idx.msk [tilespmem:v24+s17+$0x0], $0xffff;
	v37 =	vadd.s32 $0xB88, v37;
	v22 =	vadd.f32 v26, v22;
	v26 =	vadd.s32 $0x2000, v61  }
0x32b: {  	v27 =	vld.idx.msk [tilespmem:v27+s17+$0x0], $0xffff;
	v35 =	vor.u32 v35, v47;
	v54 =	vand.u32 $0xFFFFFFF8, v37;
	v47 =	vadd.s32 $0x19, v20  }
0x32c: {  	v52 =	vadd.s32 $0x1000, v35;
	v32 =	vld.idx.msk [tilespmem:v42+s17+$0x0], $0xffff;
	v35 =	vadd.s32 $0x2000, v35;
	v42 =	vshra.s32 v55, $0x5  }
0x32d: {  	v28 =	vld.idx.msk [tilespmem:v62+s17+$0x0], $0xffff;
	v57 =	vor.u32 v38, v54;
	v49 =	vshrl.u32 v47, $0x1;
	v58 =	vadd.s32 v40, v42  }
0x32e: {  	v29 =	vld.idx.msk [tilespmem:v63+s17+$0x0], $0xffff;
	v60 =	vadd.s32 $0x1000, v57;
	v62 =	vand.u32 $0x7, v42;
	v51 =	vand.u32 $0x70, v49  }
0x32f: {  	v31 =	vld.idx.msk [tilespmem:v31+s17+$0x0], $0xffff;
	v23 =	vadd.f32 v25, v23;
	v21 =	vadd.f32 v24, v21;
	v38 =	vadd.s32 $0xC08, v58  }
0x330: {  	v58 =	vadd.s32 $0x1B, v20;
	v56 =	vld.idx.msk [tilespmem:v36+s17+$0x0], $0xffff;
	v61 =	vand.u32 $0xFFFFFFF8, v38;
	v22 =	vadd.f32 v27, v22  }
0x331: {  	v36 =	vadd.s32 $0x2000, v57;
	v57 =	vadd.s32 $0xE, v19;
	v26 =	vld.idx.msk [tilespmem:v26+s17+$0x0], $0xffff;
	v39 =	vor.u32 v62, v61  }
0x332: {  	v34 =	vld.idx.msk [tilespmem:v34+s17+$0x0], $0xffff;
	v62 =	vadd.s32 $0x1C, v20;
	v41 =	vadd.s32 $0x1000, v39;
	v22 =	vadd.f32 v28, v22  }
0x333: {  	v63 =	vld.idx.msk [tilespmem:v52+s17+$0x0], $0xffff;
	v52 =	vshra.s32 v50, $0x5;
	v23 =	vadd.f32 v29, v23;
	v29 =	vadd.s32 $0x2000, v39  }
0x334: {  	v30 =	vld.idx.msk [tilespmem:v30+s17+$0x0], $0xffff;
	v28 =	vadd.s32 v51, v52;
	v55 =	vand.u32 $0x7, v52;
	v22 =	vadd.f32 v31, v22  }
0x335: {  	v42 =	vld.idx.msk [tilespmem:v37+s17+$0x0], $0xffff;
	v53 =	vadd.s32 $0xC88, v28;
	v28 =	vshra.s32 v57, $0x5;
	v23 =	vadd.f32 v32, v23  }
0x336: {  	v59 =	vld.idx.msk [tilespmem:v33+s17+$0x0], $0xffff;
	v54 =	vand.u32 $0xFFFFFFF8, v53;
	v32 =	vshrl.u32 v62, $0x1;
	v21 =	vadd.f32 v26, v21  }
0x337: {  	v40 =	vld.idx.msk [tilespmem:v35+s17+$0x0], $0xffff;
	v22 =	vadd.f32 v34, v22;
	v25 =	vor.u32 v55, v54;
	v32 =	vand.u32 $0x70, v32  }
0x338: {  	v45 =	vld.idx.msk [tilespmem:v38+s17+$0x0], $0xffff;
	v23 =	vadd.f32 v56, v23;
	v56 =	vadd.s32 $0x1A, v20;
	v27 =	vadd.s32 $0x1000, v25  }
0x339: {  	v46 =	vld.idx.msk [tilespmem:v41+s17+$0x0], $0xffff;
	v25 =	vadd.s32 $0x2000, v25;
	v41 =	vadd.s32 $0x1D, v20;
	v21 =	vadd.f32 v30, v21  }
0x33a: {  	v48 =	vld.idx.msk [tilespmem:v29+s17+$0x0], $0xffff;
	v22 =	vadd.f32 v42, v22;
	v26 =	vshrl.u32 v56, $0x1;
	v29 =	vshrl.u32 v58, $0x1  }
0x33b: {  	v43 =	vld.idx.msk [tilespmem:v60+s17+$0x0], $0xffff;
	v35 =	vshrl.u32 v41, $0x1;
	v42 =	vadd.s32 $0x17, v19;
	v23 =	vadd.f32 v63, v23  }
0x33c: {  	v26 =	vand.u32 $0x70, v26;
	v29 =	vand.u32 $0x70, v29;
	v35 =	vand.u32 $0x70, v35  }
0x33d: {  	v44 =	vld.idx.msk [tilespmem:v36+s17+$0x0], $0xffff;
	v36 =	vshra.s32 v42, $0x5;
	v21 =	vadd.f32 v59, v21;
	v22 =	vadd.f32 v45, v22  }
0x33e: {  	v26 =	vadd.s32 v26, v28;
	v59 =	vadd.s32 $0x11, v19;
	v28 =	vand.u32 $0x7, v28  }
0x33f: {  	v35 =	vadd.s32 v35, v36;
	v45 =	vadd.s32 $0x1E, v20;
	v36 =	vand.u32 $0x7, v36  }
0x340: {  	v20 =	vadd.s32 $0x1F, v20;
	v23 =	vadd.f32 v43, v23;
	v26 =	vadd.s32 $0xD08, v26  }
0x341: {  	v30 =	vshra.s32 v59, $0x5;
	v35 =	vadd.s32 $0xE88, v35;
	v39 =	vshrl.u32 v45, $0x1  }
0x342: {  	v20 =	vshrl.u32 v20, $0x1;
	v21 =	vadd.f32 v40, v21;
	v60 =	vand.u32 $0xFFFFFFF8, v26  }
0x343: {  	v29 =	vadd.s32 v29, v30;
	v30 =	vand.u32 $0x7, v30;
	v40 =	vadd.s32 $0x14, v19  }
0x344: {  	v47 =	vand.u32 $0x70, v39;
	v20 =	vand.u32 $0x70, v20;
	v23 =	vadd.f32 v46, v23  }
0x345: {  	v24 =	vld.idx.msk [tilespmem:v53+s17+$0x0], $0xffff;
	v28 =	vor.u32 v28, v60;
	v29 =	vadd.s32 $0xD88, v29;
	v34 =	vshra.s32 v40, $0x5  }
0x346: {  	v27 =	vld.idx.msk [tilespmem:v27+s17+$0x0], $0xffff;
	v46 =	vadd.s32 $0x1A, v19;
	v19 =	vadd.s32 $0x1D, v19;
	v31 =	vadd.s32 $0x1000, v28  }
0x347: {  	v25 =	vld.idx.msk [tilespmem:v25+s17+$0x0], $0xffff;
	v61 =	vand.u32 $0xFFFFFFF8, v29;
	v28 =	vadd.s32 $0x2000, v28;
	v32 =	vadd.s32 v32, v34  }
0x348: {  	v21 =	vadd.f32 v44, v21;
	v30 =	vor.u32 v30, v61;
	v32 =	vadd.s32 $0xE08, v32;
	v26 =	vld.idx.msk [tilespmem:v26+s17+$0x0], $0xffff  }
0x349: {  	v34 =	vand.u32 $0x7, v34;
	v44 =	vand.u32 $0xFFFFFFF8, v35;
	v63 =	vadd.s32 $0x1000, v30;
	v35 =	vld.idx.msk [tilespmem:v35+s17+$0x0], $0xffff  }
0x34a: {  	v19 =	vshra.s32 v19, $0x5;
	v36 =	vor.u32 v36, v44;
	v30 =	vadd.s32 $0x2000, v30;
	v29 =	vld.idx.msk [tilespmem:v29+s17+$0x0], $0xffff  }
0x34b: {  	v21 =	vadd.f32 v48, v21;
	v43 =	vand.u32 $0xFFFFFFF8, v32;
	v49 =	vadd.s32 $0x1000, v36;
	v31 =	vld.idx.msk [tilespmem:v31+s17+$0x0], $0xffff  }
0x34c: {  	v48 =	vshra.s32 v46, $0x5;
	v36 =	vadd.s32 $0x2000, v36;
	v34 =	vor.u32 v34, v43;
	v28 =	vld.idx.msk [tilespmem:v28+s17+$0x0], $0xffff  }
0x34d: {  	v22 =	vadd.f32 v24, v22;
	v38 =	vadd.s32 v47, v48;
	v37 =	vadd.s32 $0x1000, v34;
	v32 =	vld.idx.msk [tilespmem:v32+s17+$0x0], $0xffff  }
0x34e: {  	v20 =	vadd.s32 v20, v19;
	v34 =	vadd.s32 $0x2000, v34;
	v38 =	vadd.s32 $0xF08, v38;
	v33 =	vld.idx.msk [tilespmem:v63+s17+$0x0], $0xffff  }
0x34f: {  	v20 =	vadd.s32 $0xF88, v20;
	v39 =	vand.u32 $0x7, v48;
	v50 =	vand.u32 $0xFFFFFFF8, v38;
	v30 =	vld.idx.msk [tilespmem:v30+s17+$0x0], $0xffff  }
0x350: {  	v19 =	vand.u32 $0x7, v19;
	v23 =	vadd.f32 v27, v23;
	v52 =	vor.u32 v39, v50;
	v56 =	vld.idx.msk [tilespmem:v49+s17+$0x0], $0xffff  }
0x351: {  	v55 =	vand.u32 $0xFFFFFFF8, v20;
	v21 =	vadd.f32 v25, v21;
	v54 =	vadd.s32 $0x1000, v52;
	v57 =	vld.idx.msk [tilespmem:v36+s17+$0x0], $0xffff  }
0x352: {  	v19 =	vor.u32 v19, v55;
	v22 =	vadd.f32 v26, v22;
	v51 =	vld.idx.msk [tilespmem:v37+s17+$0x0], $0xffff;
	v37 =	vadd.s32 $0x2000, v52  }
0x353: {  	v58 =	vadd.s32 $0x1000, v19;
	v53 =	vld.idx.msk [tilespmem:v34+s17+$0x0], $0xffff;
	v23 =	vadd.f32 v31, v23  }
0x354: {  	v19 =	vadd.s32 $0x2000, v19;
	v20 =	vld.idx.msk [tilespmem:v20+s17+$0x0], $0xffff;
	v22 =	vadd.f32 v29, v22;
	v21 =	vadd.f32 v28, v21  }
0x355: {  	v59 =	vld.idx.msk [tilespmem:v38+s17+$0x0], $0xffff;
	v23 =	vadd.f32 v33, v23  }
0x356: {  	v22 =	vadd.f32 v32, v22;
	v60 =	vld.idx.msk [tilespmem:v54+s17+$0x0], $0xffff;
	v21 =	vadd.f32 v30, v21  }
0x357: {  	v61 =	vld.idx.msk [tilespmem:v37+s17+$0x0], $0xffff;
	v23 =	vadd.f32 v51, v23  }
0x358: {  	v62 =	vld.idx.msk [tilespmem:v58+s17+$0x0], $0xffff;
	v22 =	vadd.f32 v35, v22;
	v21 =	vadd.f32 v53, v21  }
0x359: {  	v19 =	vld.idx.msk [tilespmem:v19+s17+$0x0], $0xffff;
	v23 =	vadd.f32 v56, v23  }
0x35a: {  	v22 =	vadd.f32 v59, v22;
	v21 =	vadd.f32 v57, v21  }
0x35b: {  	v23 =	vadd.f32 v60, v23  }
0x35c: {  	v20 =	vadd.f32 v20, v22;
	v21 =	vadd.f32 v61, v21  }
0x35d: {  	v63 =	vadd.f32 v62, v23  }
0x35e: {  	[tilespmem:$0x3680] =	vst v20;
	v19 =	vadd.f32 v19, v21  }
0x35f: {  	[tilespmem:$0x3690] =	vst v63  }
0x360: {  	[tilespmem:$0x36A0] =	vst v19  }
0x361: {  	v19 =	vld.idx.msk [tilespmem:v1+s18+$0x0], $0xffff;
	_ =	sdelay $0x4  }
0x362: {  	[tilespmem:$0x39B0] =	vst v19  }
0x363: {  	v19 =	vld.idx.msk [tilespmem:v2+s18+$0x0], $0xffff;
	_ =	sdelay $0x4  }
0x364: {  	[tilespmem:$0x39C0] =	vst v19  }
0x365: {  	v19 =	vld.idx.msk [tilespmem:v3+s18+$0x0], $0xffff;
	_ =	sdelay $0x4  }
0x366: {  	[tilespmem:$0x39D0] =	vst v19  }
0x367: {  	v19 =	vld.idx.msk [tilespmem:v4+s18+$0x0], $0xffff;
	_ =	sdelay $0x4  }
0x368: {  	[tilespmem:$0x39E0] =	vst v19  }
0x369: {  	v19 =	vld.idx.msk [tilespmem:v5+s18+$0x0], $0xffff;
	_ =	sdelay $0x4  }
0x36a: {  	[tilespmem:$0x39F0] =	vst v19  }
0x36b: {  	v19 =	vld.idx.msk [tilespmem:v6+s18+$0x0], $0xffff;
	_ =	sdelay $0x4  }
0x36c: {  	[tilespmem:$0x3A00] =	vst v19  }
0x36d: {  	v19 =	vld.idx.msk [tilespmem:v7+s18+$0x0], $0xffff;
	_ =	sdelay $0x4  }
0x36e: {  	[tilespmem:$0x3A10] =	vst v19  }
0x36f: {  	v19 =	vld.idx.msk [tilespmem:v8+s18+$0x0], $0xffff;
	_ =	sdelay $0x4  }
0x370: {  	[tilespmem:$0x3A20] =	vst v19  }
0x371: {  	v19 =	vld.idx.msk [tilespmem:v9+s18+$0x0], $0xffff;
	_ =	sdelay $0x4  }
0x372: {  	[tilespmem:$0x3A30] =	vst v19  }
0x373: {  	v19 =	vld.idx.msk [tilespmem:v10+s18+$0x0], $0xffff;
	_ =	sdelay $0x4  }
0x374: {  	[tilespmem:$0x3A40] =	vst v19  }
0x375: {  	v19 =	vld.idx.msk [tilespmem:v11+s18+$0x0], $0xffff;
	_ =	sdelay $0x4  }
0x376: {  	[tilespmem:$0x3A50] =	vst v19  }
0x377: {  	v19 =	vld.idx.msk [tilespmem:v12+s18+$0x0], $0xffff;
	_ =	sdelay $0x4  }
0x378: {  	[tilespmem:$0x3A60] =	vst v19  }
0x379: {  	v19 =	vld.idx.msk [tilespmem:v14+s18+$0x0], $0xffff;
	_ =	sdelay $0x4  }
0x37a: {  	[tilespmem:$0x3A70] =	vst v19  }
0x37b: {  	v19 =	vld.idx.msk [tilespmem:v16+s18+$0x0], $0xffff;
	_ =	sdelay $0x4  }
0x37c: {  	[tilespmem:$0x3A80] =	vst v19  }
0x37d: {  	v19 =	vld.idx.msk [tilespmem:v17+s18+$0x0], $0xffff;
	_ =	sdelay $0x4  }
0x37e: {  	[tilespmem:$0x3A90] =	vst v19  }
0x37f: {  	v19 =	vld.idx.msk [tilespmem:v18+s18+$0x0], $0xffff;
	_ =	sdelay $0x3  }
0x380: {  	p0 =	sne.s32 s10, $0x1  }
.Ltmp0:
0x381: {  	[tilespmem:$0x3AA0] =	vst v19;
	(pc) =	sbr.rel @p0 .LBB2_1-.Ltmp0, $4  }
0x382: {  	[hbm4b:s9+s2] =	stream.linear.scatter [tilespmem:s19], [sflag:$0x2], $0x400, $0x38;
	[tilespmem:$0x3DB0] =	vst v63  }
0x383: {  	_ =	swait.ge [sflag:s12], $0x400  }
0x384: {  	[sflag:s12] =	ssyncset.done $0x0  }
0x385: {  	s10 =	sadd.s32 $0xFFFFFFFF, s10;
	[sflag:s12] =	ssyncadd.s32 $0xFFFFFC00  }
0x386: {  	_ =	sfence.sel $0x180000  }
0x387: {  	[bflag:$0x0] =	sbarrier.arrive $0xFFFF  }
0x388: {  	p0 =	sne.s32 s3, $0x0;
	_ =	strace $0x90000047  }
0x389: {  	s0 =	sadd.s32 @!p0 $0x100000, s0;
	[bflag:$0x2] =	sbarrier.arrive $0xFFFF  }
0x38a: {  	[sflag:s0] =	ssyncadd.tile.s32 @!p0 $0x1;
	_ =	shalt  }
.Lfunc_end2:
_tile_overlayer_lowered:
.L_overlay_start_2:
0x38b: {  	(tag) =	ssettag $0x2  }
0x38c: {  	s0 =	rddreg [dreg:$0x0];
	s2 =	stileid.u32  }
0x38d: {  	s1 =	rddreg [dreg:$0x1];
	p0 =	sne.s32 s2, $0x0  }
0x38e: {  	s3 =	rddreg [dreg:$0x2];
	[bflag:$0x3] =	sbarrier.arrive $0xFFFF;
	s2 =	simm.s32 @!p0 $0x1C02  }
0x38f: {  	[timem:s3], [sflag:s2] =	dma.local @!p0 [hbm:s0], s1  }
0x390: {  	s0 =	simm.s32 @!p0 $0x2  }
0x391: {  	_ =	swait.ge @!p0 [sflag:s0], s1  }
0x392: {  	s1 =	ssub.s32 @!p0 $0x0, s1;
	[sflag:s0] =	ssyncset.done @!p0 $0x0  }
0x393: {  	[sflag:s0] =	ssyncadd.s32 @!p0 s1  }
0x394: {  	[bflag:$0x3] =	sbarrier.arrive $0xFFFF  }
0x395: {  	_ =	shalt  }

</sc_bundles>
